<compile_context>
chip_gen: v7x
topology: tpu7x:2x2x1
jax: 0.10.2.dev20260603
libtpu: 0.0.44.dev20260713+nightly
codegen_flags: <defaults>
</compile_context>

<pallas_src>
import functools

import jax
import jax.numpy as jnp
from jax import lax
from jax.experimental import pallas as pl
from jax.experimental.pallas import tpu as pltpu
from jax.experimental.pallas import tpu_sc as plsc

B, L, D = 4096, 200, 64
NW = 32
BW = B // NW

_MESH = plsc.VectorSubcoreMesh(core_axis_name="c", subcore_axis_name="s")


@functools.partial(
    pl.kernel,
    mesh=_MESH,
    out_type=jax.ShapeDtypeStruct((L, 8, NW, 8, 128), jnp.float32),
    scratch_types=[
        pltpu.VMEM((L, BW), jnp.int32),
        pltpu.VMEM((BW, D), jnp.float32),
        pltpu.VMEM((BW, D), jnp.float32),
        pltpu.VMEM((8, 8, 129), jnp.float32),
        pltpu.VMEM((8, 8, 129), jnp.float32),
        pltpu.SemaphoreType.DMA,
        pltpu.SemaphoreType.DMA,
        pltpu.SemaphoreType.DMA,
        pltpu.SemaphoreType.DMA,
    ],
    compiler_params=pltpu.CompilerParams(use_tc_tiling_on_sc=False,
                                         needs_layout_passes=False),
)
def _emb_gather(xt_hbm, table_hbm, out_hbm,
                idx_t, rows0, rows1, t0, t1, g0, g1, o0, o1):
    wid = lax.axis_index("s") * 2 + lax.axis_index("c")
    pltpu.sync_copy(xt_hbm.at[:, pl.ds(wid * BW, BW)], idx_t)

    def gather(l, rows, g):
        pltpu.async_copy(table_hbm.at[idx_t.at[l]], rows, g)

    def wait_gather(rows, g):
        pltpu.make_async_copy(table_hbm.at[idx_t.at[0]], rows, g).wait()

    def store(l, t, o):
        pltpu.async_copy(t.at[:, :, pl.ds(0, 128)], out_hbm.at[l, :, wid], o)

    def wait_store(t, o):
        pltpu.make_async_copy(t.at[:, :, pl.ds(0, 128)],
                              out_hbm.at[0, :, wid], o).wait()

    lanes = lax.iota(jnp.int32, 16)
    dh_m = [(lanes + 16 * m) // 8 for m in range(4)]
    dl_m = [(lanes + 16 * m) % 8 for m in range(4)]

    def turn(rows, t):
        def tbody(q, _):
            for r in range(16):
                bl = q * 16 + r
                blv = jnp.full((16,), bl, jnp.int32)
                for m in range(4):
                    v = rows[bl, pl.ds(16 * m, 16)]
                    plsc.store_scatter(t, [dh_m[m], dl_m[m], blv], v)
            return 0

        lax.fori_loop(0, 8, tbody, 0)

    gather(0, rows0, g0)
    wait_gather(rows0, g0)
    gather(1, rows1, g1)
    turn(rows0, t0)
    store(0, t0, o0)
    wait_gather(rows1, g1)
    gather(2, rows0, g0)
    turn(rows1, t1)
    store(1, t1, o1)

    def body(k, _):
        l0 = 2 * k
        wait_gather(rows0, g0)
        gather(l0 + 1, rows1, g1)
        wait_store(t0, o0)
        turn(rows0, t0)
        store(l0, t0, o0)
        wait_gather(rows1, g1)

        @pl.when(l0 + 2 < L)
        def _():
            gather(l0 + 2, rows0, g0)

        wait_store(t1, o1)
        turn(rows1, t1)
        store(l0 + 1, t1, o1)
        return 0

    lax.fori_loop(1, L // 2, body, 0)
    wait_store(t0, o0)
    wait_store(t1, o1)


def kernel(x, table):
    xt = x.T.astype(jnp.int32)
    out5 = _emb_gather(xt, table)
    return out5.transpose(2, 4, 0, 1, 3).reshape(B, L, D)

# --- scband reference (transcript-rebuilt; emitter-appended) ---
"""Pipeline reference for scband-encoder-3332894621766 (READ-ONLY COPY).

The authoritative reference and input builder live on the scoring server;
editing this copy changes nothing except your own understanding.
"""

import jax, jax.numpy as jnp
import numpy as np

VOCAB_SIZE = 50257  # GPT-2 tokenizer vocab size
D_EMBEDDING = 64

def setup_inputs(seed: int = 0) -> dict:
    key = jax.random.key(seed)
    k_idx, k_tab = jax.random.split(key)
    x = jax.random.randint(k_idx, (4096, 200), 0, VOCAB_SIZE, dtype=jnp.int64 if jax.config.jax_enable_x64 else jnp.int32)
    table = jax.random.normal(k_tab, (VOCAB_SIZE, D_EMBEDDING), dtype=jnp.float32)
    return {"x": x, "table": table}

def reference(x, table):
    # nn.Embedding lookup: gather rows of the embedding table
    emb = jnp.take(table, x, axis=0)  # [B, L, d_Embedding]
    # dropout p=0.0 (and eval mode) -> identity
    return emb

if __name__ == "__main__":
    import jax
    _d = setup_inputs()
    print(jax.jit(kernel)(*tuple(_d.values())))

</pallas_src>

<mosaic_0001>
#map = affine_map<(d0, d1) -> (0, 0)>
#map1 = affine_map<(d0, d1) -> (0, 0, 0, 0, 0)>
module attributes {stable_mosaic.version = 14 : i64} {
  func.func @_emb_gather(%arg0: i32, %arg1: i32, %arg2: memref<200x4096xi32, #tpu.memory_space<hbm>>, %arg3: memref<50257x64xf32, #tpu.memory_space<hbm>>, %arg4: memref<200x8x32x8x128xf32, #tpu.memory_space<hbm>>, %arg5: memref<200x128xi32, #tpu.memory_space<vmem>>, %arg6: memref<128x64xf32, #tpu.memory_space<vmem>>, %arg7: memref<128x64xf32, #tpu.memory_space<vmem>>, %arg8: memref<8x8x129xf32, #tpu.memory_space<vmem>>, %arg9: memref<8x8x129xf32, #tpu.memory_space<vmem>>, %arg10: memref<!tpu.dma_semaphore, #tpu.memory_space<semaphore_mem>>, %arg11: memref<!tpu.dma_semaphore, #tpu.memory_space<semaphore_mem>>, %arg12: memref<!tpu.dma_semaphore, #tpu.memory_space<semaphore_mem>>, %arg13: memref<!tpu.dma_semaphore, #tpu.memory_space<semaphore_mem>>) attributes {dimension_semantics = [#tpu.dimension_semantics<core_parallel>, #tpu.dimension_semantics<subcore_parallel>], iteration_bounds = array<i64: 2, 16>, scalar_prefetch = 0 : i64, scratch_operands = 9 : i64, tpu.core_type = #tpu.core_type<sc_vector_subcore>, window_params = [{transform_indices = #map}, {transform_indices = #map}, {transform_indices = #map1}]} {
    %mul3A = arith.constant 2 : i32
    %mul3A_0 = arith.muli %arg1, %mul3A : i32
    %add3A = arith.addi %mul3A_0, %arg0 : i32
    %mul3A_1 = arith.constant 128 : i32
    %mul3A_2 = arith.muli %add3A, %mul3A_1 : i32
    "tpu.region"() ({
      %run_scoped3A = tpu.sem_alloc : memref<!tpu.dma_semaphore, #tpu.memory_space<semaphore_mem>>
      %dma_start3A_358 = arith.constant 0 : i32
      %dma_start3A_359 = tpu.memref_slice %arg2[%dma_start3A_358, %mul3A_2] : memref<200x4096xi32, #tpu.memory_space<hbm>> -> memref<200x128xi32, #tpu.memory_space<hbm>>
      %dma_start3A_360 = arith.constant 0 : i32
      %dma_start3A_361 = tpu.memref_slice %arg2[%dma_start3A_360, %mul3A_2] : memref<200x4096xi32, #tpu.memory_space<hbm>> -> memref<200x128xi32, #tpu.memory_space<hbm>>
      tpu.enqueue_dma source(%dma_start3A_361 : memref<200x128xi32, #tpu.memory_space<hbm>>) target(%arg5 : memref<200x128xi32, #tpu.memory_space<vmem>>) target_semaphore(%run_scoped3A : memref<!tpu.dma_semaphore, #tpu.memory_space<semaphore_mem>>)
      %dma_wait3A_362 = arith.constant 0 : i32
      %dma_wait3A_363 = tpu.memref_slice %arg2[%dma_wait3A_362, %mul3A_2] : memref<200x4096xi32, #tpu.memory_space<hbm>> -> memref<200x128xi32, #tpu.memory_space<hbm>>
      %dma_wait3A_364 = arith.constant 0 : i32
      %dma_wait3A_365 = tpu.memref_slice %arg2[%dma_wait3A_364, %mul3A_2] : memref<200x4096xi32, #tpu.memory_space<hbm>> -> memref<200x128xi32, #tpu.memory_space<hbm>>
      tpu.wait_dma2 semaphore(%run_scoped3A : memref<!tpu.dma_semaphore, #tpu.memory_space<semaphore_mem>>) src(%dma_wait3A_365 : memref<200x128xi32, #tpu.memory_space<hbm>>) dst(%arg5 : memref<200x128xi32, #tpu.memory_space<vmem>>)
      tpu.yield
    }) : () -> ()
    %iota3A = tpu.iota {dimensions = array<i32: 0>} : vector<16xi32>
    %add3A_3 = arith.constant 0 : i32
    %add3A_4 = vector.broadcast %add3A_3 : i32 to vector<16xi32>
    %add3A_5 = arith.addi %iota3A, %add3A_4 : vector<16xi32>
    %jit3A = arith.constant 8 : i32
    %div3A = vector.broadcast %jit3A : i32 to vector<16xi32>
    %div3A_6 = arith.divsi %add3A_5, %div3A : vector<16xi32>
    %sign3A = arith.constant 0 : i32
    %sign3A_7 = vector.broadcast %sign3A : i32 to vector<16xi32>
    %sign3A_8 = arith.cmpi sgt, %add3A_5, %sign3A_7 : vector<16xi32>
    %sign3A_9 = arith.extui %sign3A_8 : vector<16xi1> to vector<16xi32>
    %sign3A_10 = arith.constant 0 : i32
    %sign3A_11 = vector.broadcast %sign3A_10 : i32 to vector<16xi32>
    %sign3A_12 = arith.cmpi slt, %add3A_5, %sign3A_11 : vector<16xi32>
    %sign3A_13 = arith.extui %sign3A_12 : vector<16xi1> to vector<16xi32>
    %sign3A_14 = arith.subi %sign3A_9, %sign3A_13 : vector<16xi32>
    %sign3A_15 = arith.constant 0 : i32
    %sign3A_16 = arith.cmpi sgt, %jit3A, %sign3A_15 : i32
    %sign3A_17 = arith.extui %sign3A_16 : i1 to i32
    %sign3A_18 = arith.constant 0 : i32
    %sign3A_19 = arith.cmpi slt, %jit3A, %sign3A_18 : i32
    %sign3A_20 = arith.extui %sign3A_19 : i1 to i32
    %sign3A_21 = arith.subi %sign3A_17, %sign3A_20 : i32
    %ne3A = vector.broadcast %sign3A_21 : i32 to vector<16xi32>
    %ne3A_22 = arith.cmpi ne, %sign3A_14, %ne3A : vector<16xi32>
    %rem3A = vector.broadcast %jit3A : i32 to vector<16xi32>
    %rem3A_23 = arith.remsi %add3A_5, %rem3A : vector<16xi32>
    %ne3A_24 = arith.constant 0 : i32
    %ne3A_25 = vector.broadcast %ne3A_24 : i32 to vector<16xi32>
    %ne3A_26 = arith.cmpi ne, %rem3A_23, %ne3A_25 : vector<16xi32>
    %and3A = arith.andi %ne3A_22, %ne3A_26 : vector<16xi1>
    %sub3A = arith.constant 1 : i32
    %sub3A_27 = vector.broadcast %sub3A : i32 to vector<16xi32>
    %sub3A_28 = arith.subi %div3A_6, %sub3A_27 : vector<16xi32>
    %select_n3A = arith.select %and3A, %sub3A_28, %div3A_6 : vector<16xi1>, vector<16xi32>
    %add3A_29 = arith.constant 16 : i32
    %add3A_30 = vector.broadcast %add3A_29 : i32 to vector<16xi32>
    %add3A_31 = arith.addi %iota3A, %add3A_30 : vector<16xi32>
    %jit3A_32 = arith.constant 8 : i32
    %div3A_33 = vector.broadcast %jit3A_32 : i32 to vector<16xi32>
    %div3A_34 = arith.divsi %add3A_31, %div3A_33 : vector<16xi32>
    %sign3A_35 = arith.constant 0 : i32
    %sign3A_36 = vector.broadcast %sign3A_35 : i32 to vector<16xi32>
    %sign3A_37 = arith.cmpi sgt, %add3A_31, %sign3A_36 : vector<16xi32>
    %sign3A_38 = arith.extui %sign3A_37 : vector<16xi1> to vector<16xi32>
    %sign3A_39 = arith.constant 0 : i32
    %sign3A_40 = vector.broadcast %sign3A_39 : i32 to vector<16xi32>
    %sign3A_41 = arith.cmpi slt, %add3A_31, %sign3A_40 : vector<16xi32>
    %sign3A_42 = arith.extui %sign3A_41 : vector<16xi1> to vector<16xi32>
    %sign3A_43 = arith.subi %sign3A_38, %sign3A_42 : vector<16xi32>
    %sign3A_44 = arith.constant 0 : i32
    %sign3A_45 = arith.cmpi sgt, %jit3A_32, %sign3A_44 : i32
    %sign3A_46 = arith.extui %sign3A_45 : i1 to i32
    %sign3A_47 = arith.constant 0 : i32
    %sign3A_48 = arith.cmpi slt, %jit3A_32, %sign3A_47 : i32
    %sign3A_49 = arith.extui %sign3A_48 : i1 to i32
    %sign3A_50 = arith.subi %sign3A_46, %sign3A_49 : i32
    %ne3A_51 = vector.broadcast %sign3A_50 : i32 to vector<16xi32>
    %ne3A_52 = arith.cmpi ne, %sign3A_43, %ne3A_51 : vector<16xi32>
    %rem3A_53 = vector.broadcast %jit3A_32 : i32 to vector<16xi32>
    %rem3A_54 = arith.remsi %add3A_31, %rem3A_53 : vector<16xi32>
    %ne3A_55 = arith.constant 0 : i32
    %ne3A_56 = vector.broadcast %ne3A_55 : i32 to vector<16xi32>
    %ne3A_57 = arith.cmpi ne, %rem3A_54, %ne3A_56 : vector<16xi32>
    %and3A_58 = arith.andi %ne3A_52, %ne3A_57 : vector<16xi1>
    %sub3A_59 = arith.constant 1 : i32
    %sub3A_60 = vector.broadcast %sub3A_59 : i32 to vector<16xi32>
    %sub3A_61 = arith.subi %div3A_34, %sub3A_60 : vector<16xi32>
    %select_n3A_62 = arith.select %and3A_58, %sub3A_61, %div3A_34 : vector<16xi1>, vector<16xi32>
    %add3A_63 = arith.constant 32 : i32
    %add3A_64 = vector.broadcast %add3A_63 : i32 to vector<16xi32>
    %add3A_65 = arith.addi %iota3A, %add3A_64 : vector<16xi32>
    %jit3A_66 = arith.constant 8 : i32
    %div3A_67 = vector.broadcast %jit3A_66 : i32 to vector<16xi32>
    %div3A_68 = arith.divsi %add3A_65, %div3A_67 : vector<16xi32>
    %sign3A_69 = arith.constant 0 : i32
    %sign3A_70 = vector.broadcast %sign3A_69 : i32 to vector<16xi32>
    %sign3A_71 = arith.cmpi sgt, %add3A_65, %sign3A_70 : vector<16xi32>
    %sign3A_72 = arith.extui %sign3A_71 : vector<16xi1> to vector<16xi32>
    %sign3A_73 = arith.constant 0 : i32
    %sign3A_74 = vector.broadcast %sign3A_73 : i32 to vector<16xi32>
    %sign3A_75 = arith.cmpi slt, %add3A_65, %sign3A_74 : vector<16xi32>
    %sign3A_76 = arith.extui %sign3A_75 : vector<16xi1> to vector<16xi32>
    %sign3A_77 = arith.subi %sign3A_72, %sign3A_76 : vector<16xi32>
    %sign3A_78 = arith.constant 0 : i32
    %sign3A_79 = arith.cmpi sgt, %jit3A_66, %sign3A_78 : i32
    %sign3A_80 = arith.extui %sign3A_79 : i1 to i32
    %sign3A_81 = arith.constant 0 : i32
    %sign3A_82 = arith.cmpi slt, %jit3A_66, %sign3A_81 : i32
    %sign3A_83 = arith.extui %sign3A_82 : i1 to i32
    %sign3A_84 = arith.subi %sign3A_80, %sign3A_83 : i32
    %ne3A_85 = vector.broadcast %sign3A_84 : i32 to vector<16xi32>
    %ne3A_86 = arith.cmpi ne, %sign3A_77, %ne3A_85 : vector<16xi32>
    %rem3A_87 = vector.broadcast %jit3A_66 : i32 to vector<16xi32>
    %rem3A_88 = arith.remsi %add3A_65, %rem3A_87 : vector<16xi32>
    %ne3A_89 = arith.constant 0 : i32
    %ne3A_90 = vector.broadcast %ne3A_89 : i32 to vector<16xi32>
    %ne3A_91 = arith.cmpi ne, %rem3A_88, %ne3A_90 : vector<16xi32>
    %and3A_92 = arith.andi %ne3A_86, %ne3A_91 : vector<16xi1>
    %sub3A_93 = arith.constant 1 : i32
    %sub3A_94 = vector.broadcast %sub3A_93 : i32 to vector<16xi32>
    %sub3A_95 = arith.subi %div3A_68, %sub3A_94 : vector<16xi32>
    %select_n3A_96 = arith.select %and3A_92, %sub3A_95, %div3A_68 : vector<16xi1>, vector<16xi32>
    %add3A_97 = arith.constant 48 : i32
    %add3A_98 = vector.broadcast %add3A_97 : i32 to vector<16xi32>
    %add3A_99 = arith.addi %iota3A, %add3A_98 : vector<16xi32>
    %jit3A_100 = arith.constant 8 : i32
    %div3A_101 = vector.broadcast %jit3A_100 : i32 to vector<16xi32>
    %div3A_102 = arith.divsi %add3A_99, %div3A_101 : vector<16xi32>
    %sign3A_103 = arith.constant 0 : i32
    %sign3A_104 = vector.broadcast %sign3A_103 : i32 to vector<16xi32>
    %sign3A_105 = arith.cmpi sgt, %add3A_99, %sign3A_104 : vector<16xi32>
    %sign3A_106 = arith.extui %sign3A_105 : vector<16xi1> to vector<16xi32>
    %sign3A_107 = arith.constant 0 : i32
    %sign3A_108 = vector.broadcast %sign3A_107 : i32 to vector<16xi32>
    %sign3A_109 = arith.cmpi slt, %add3A_99, %sign3A_108 : vector<16xi32>
    %sign3A_110 = arith.extui %sign3A_109 : vector<16xi1> to vector<16xi32>
    %sign3A_111 = arith.subi %sign3A_106, %sign3A_110 : vector<16xi32>
    %sign3A_112 = arith.constant 0 : i32
    %sign3A_113 = arith.cmpi sgt, %jit3A_100, %sign3A_112 : i32
    %sign3A_114 = arith.extui %sign3A_113 : i1 to i32
    %sign3A_115 = arith.constant 0 : i32
    %sign3A_116 = arith.cmpi slt, %jit3A_100, %sign3A_115 : i32
    %sign3A_117 = arith.extui %sign3A_116 : i1 to i32
    %sign3A_118 = arith.subi %sign3A_114, %sign3A_117 : i32
    %ne3A_119 = vector.broadcast %sign3A_118 : i32 to vector<16xi32>
    %ne3A_120 = arith.cmpi ne, %sign3A_111, %ne3A_119 : vector<16xi32>
    %rem3A_121 = vector.broadcast %jit3A_100 : i32 to vector<16xi32>
    %rem3A_122 = arith.remsi %add3A_99, %rem3A_121 : vector<16xi32>
    %ne3A_123 = arith.constant 0 : i32
    %ne3A_124 = vector.broadcast %ne3A_123 : i32 to vector<16xi32>
    %ne3A_125 = arith.cmpi ne, %rem3A_122, %ne3A_124 : vector<16xi32>
    %and3A_126 = arith.andi %ne3A_120, %ne3A_125 : vector<16xi1>
    %sub3A_127 = arith.constant 1 : i32
    %sub3A_128 = vector.broadcast %sub3A_127 : i32 to vector<16xi32>
    %sub3A_129 = arith.subi %div3A_102, %sub3A_128 : vector<16xi32>
    %select_n3A_130 = arith.select %and3A_126, %sub3A_129, %div3A_102 : vector<16xi1>, vector<16xi32>
    %add3A_131 = arith.constant 0 : i32
    %add3A_132 = vector.broadcast %add3A_131 : i32 to vector<16xi32>
    %add3A_133 = arith.addi %iota3A, %add3A_132 : vector<16xi32>
    %jit3A_134 = arith.constant 8 : i32
    %eq3A = arith.constant 0 : i32
    %eq3A_135 = arith.cmpi eq, %jit3A_134, %eq3A : i32
    %jit3A_136 = arith.constant 1 : i32
    %select_n3A_137 = arith.select %eq3A_135, %jit3A_136, %jit3A_134 : i32
    %rem3A_138 = vector.broadcast %select_n3A_137 : i32 to vector<16xi32>
    %rem3A_139 = arith.remsi %add3A_133, %rem3A_138 : vector<16xi32>
    %ne3A_140 = arith.constant 0 : i32
    %ne3A_141 = vector.broadcast %ne3A_140 : i32 to vector<16xi32>
    %ne3A_142 = arith.cmpi ne, %rem3A_139, %ne3A_141 : vector<16xi32>
    %lt3A = arith.constant 0 : i32
    %lt3A_143 = vector.broadcast %lt3A : i32 to vector<16xi32>
    %lt3A_144 = arith.cmpi slt, %rem3A_139, %lt3A_143 : vector<16xi32>
    %lt3A_145 = arith.constant 0 : i32
    %lt3A_146 = arith.cmpi slt, %select_n3A_137, %lt3A_145 : i32
    %ne3A_147 = vector.broadcast %lt3A_146 : i1 to vector<16xi1>
    %ne3A_148 = vector.broadcast %ne3A_147 : vector<16xi1> to vector<16xi1>
    %ne3A_149 = arith.xori %lt3A_144, %ne3A_148 : vector<16xi1>
    %and3A_150 = arith.andi %ne3A_149, %ne3A_142 : vector<16xi1>
    %add3A_151 = vector.broadcast %select_n3A_137 : i32 to vector<16xi32>
    %add3A_152 = arith.addi %rem3A_139, %add3A_151 : vector<16xi32>
    %select_n3A_153 = arith.select %and3A_150, %add3A_152, %rem3A_139 : vector<16xi1>, vector<16xi32>
    %add3A_154 = arith.constant 16 : i32
    %add3A_155 = vector.broadcast %add3A_154 : i32 to vector<16xi32>
    %add3A_156 = arith.addi %iota3A, %add3A_155 : vector<16xi32>
    %jit3A_157 = arith.constant 8 : i32
    %eq3A_158 = arith.constant 0 : i32
    %eq3A_159 = arith.cmpi eq, %jit3A_157, %eq3A_158 : i32
    %jit3A_160 = arith.constant 1 : i32
    %select_n3A_161 = arith.select %eq3A_159, %jit3A_160, %jit3A_157 : i32
    %rem3A_162 = vector.broadcast %select_n3A_161 : i32 to vector<16xi32>
    %rem3A_163 = arith.remsi %add3A_156, %rem3A_162 : vector<16xi32>
    %ne3A_164 = arith.constant 0 : i32
    %ne3A_165 = vector.broadcast %ne3A_164 : i32 to vector<16xi32>
    %ne3A_166 = arith.cmpi ne, %rem3A_163, %ne3A_165 : vector<16xi32>
    %lt3A_167 = arith.constant 0 : i32
    %lt3A_168 = vector.broadcast %lt3A_167 : i32 to vector<16xi32>
    %lt3A_169 = arith.cmpi slt, %rem3A_163, %lt3A_168 : vector<16xi32>
    %lt3A_170 = arith.constant 0 : i32
    %lt3A_171 = arith.cmpi slt, %select_n3A_161, %lt3A_170 : i32
    %ne3A_172 = vector.broadcast %lt3A_171 : i1 to vector<16xi1>
    %ne3A_173 = vector.broadcast %ne3A_172 : vector<16xi1> to vector<16xi1>
    %ne3A_174 = arith.xori %lt3A_169, %ne3A_173 : vector<16xi1>
    %and3A_175 = arith.andi %ne3A_174, %ne3A_166 : vector<16xi1>
    %add3A_176 = vector.broadcast %select_n3A_161 : i32 to vector<16xi32>
    %add3A_177 = arith.addi %rem3A_163, %add3A_176 : vector<16xi32>
    %select_n3A_178 = arith.select %and3A_175, %add3A_177, %rem3A_163 : vector<16xi1>, vector<16xi32>
    %add3A_179 = arith.constant 32 : i32
    %add3A_180 = vector.broadcast %add3A_179 : i32 to vector<16xi32>
    %add3A_181 = arith.addi %iota3A, %add3A_180 : vector<16xi32>
    %jit3A_182 = arith.constant 8 : i32
    %eq3A_183 = arith.constant 0 : i32
    %eq3A_184 = arith.cmpi eq, %jit3A_182, %eq3A_183 : i32
    %jit3A_185 = arith.constant 1 : i32
    %select_n3A_186 = arith.select %eq3A_184, %jit3A_185, %jit3A_182 : i32
    %rem3A_187 = vector.broadcast %select_n3A_186 : i32 to vector<16xi32>
    %rem3A_188 = arith.remsi %add3A_181, %rem3A_187 : vector<16xi32>
    %ne3A_189 = arith.constant 0 : i32
    %ne3A_190 = vector.broadcast %ne3A_189 : i32 to vector<16xi32>
    %ne3A_191 = arith.cmpi ne, %rem3A_188, %ne3A_190 : vector<16xi32>
    %lt3A_192 = arith.constant 0 : i32
    %lt3A_193 = vector.broadcast %lt3A_192 : i32 to vector<16xi32>
    %lt3A_194 = arith.cmpi slt, %rem3A_188, %lt3A_193 : vector<16xi32>
    %lt3A_195 = arith.constant 0 : i32
    %lt3A_196 = arith.cmpi slt, %select_n3A_186, %lt3A_195 : i32
    %ne3A_197 = vector.broadcast %lt3A_196 : i1 to vector<16xi1>
    %ne3A_198 = vector.broadcast %ne3A_197 : vector<16xi1> to vector<16xi1>
    %ne3A_199 = arith.xori %lt3A_194, %ne3A_198 : vector<16xi1>
    %and3A_200 = arith.andi %ne3A_199, %ne3A_191 : vector<16xi1>
    %add3A_201 = vector.broadcast %select_n3A_186 : i32 to vector<16xi32>
    %add3A_202 = arith.addi %rem3A_188, %add3A_201 : vector<16xi32>
    %select_n3A_203 = arith.select %and3A_200, %add3A_202, %rem3A_188 : vector<16xi1>, vector<16xi32>
    %add3A_204 = arith.constant 48 : i32
    %add3A_205 = vector.broadcast %add3A_204 : i32 to vector<16xi32>
    %add3A_206 = arith.addi %iota3A, %add3A_205 : vector<16xi32>
    %jit3A_207 = arith.constant 8 : i32
    %eq3A_208 = arith.constant 0 : i32
    %eq3A_209 = arith.cmpi eq, %jit3A_207, %eq3A_208 : i32
    %jit3A_210 = arith.constant 1 : i32
    %select_n3A_211 = arith.select %eq3A_209, %jit3A_210, %jit3A_207 : i32
    %rem3A_212 = vector.broadcast %select_n3A_211 : i32 to vector<16xi32>
    %rem3A_213 = arith.remsi %add3A_206, %rem3A_212 : vector<16xi32>
    %ne3A_214 = arith.constant 0 : i32
    %ne3A_215 = vector.broadcast %ne3A_214 : i32 to vector<16xi32>
    %ne3A_216 = arith.cmpi ne, %rem3A_213, %ne3A_215 : vector<16xi32>
    %lt3A_217 = arith.constant 0 : i32
    %lt3A_218 = vector.broadcast %lt3A_217 : i32 to vector<16xi32>
    %lt3A_219 = arith.cmpi slt, %rem3A_213, %lt3A_218 : vector<16xi32>
    %lt3A_220 = arith.constant 0 : i32
    %lt3A_221 = arith.cmpi slt, %select_n3A_211, %lt3A_220 : i32
    %ne3A_222 = vector.broadcast %lt3A_221 : i1 to vector<16xi1>
    %ne3A_223 = vector.broadcast %ne3A_222 : vector<16xi1> to vector<16xi1>
    %ne3A_224 = arith.xori %lt3A_219, %ne3A_223 : vector<16xi1>
    %and3A_225 = arith.andi %ne3A_224, %ne3A_216 : vector<16xi1>
    %add3A_226 = vector.broadcast %select_n3A_211 : i32 to vector<16xi32>
    %add3A_227 = arith.addi %rem3A_213, %add3A_226 : vector<16xi32>
    %select_n3A_228 = arith.select %and3A_225, %add3A_227, %rem3A_213 : vector<16xi1>, vector<16xi32>
    %dma_start3A = arith.constant 0 : i32
    %dma_start3A_229 = arith.constant 0 : i32
    %dma_start3A_230 = tpu.memref_slice %arg5[%dma_start3A, %dma_start3A_229] : memref<200x128xi32, #tpu.memory_space<vmem>> -> memref<1x128xi32, #tpu.memory_space<vmem>>
    %dma_start3A_231 = tpu.memref_squeeze %dma_start3A_230 : memref<1x128xi32, #tpu.memory_space<vmem>> -> memref<128xi32, #tpu.memory_space<vmem>>
    %dma_start3A_232 = arith.constant 0 : i32
    %dma_start3A_233 = arith.constant 0 : i32
    %dma_start3A_234 = tpu.memref_slice %arg3[%dma_start3A_232, %dma_start3A_233] : memref<50257x64xf32, #tpu.memory_space<hbm>> -> memref<50257x64xf32, #tpu.memory_space<hbm>>
    tpu.enqueue_indirect_dma source(%dma_start3A_234 : memref<50257x64xf32, #tpu.memory_space<hbm>>) target(%arg6 : memref<128x64xf32, #tpu.memory_space<vmem>>) offsets(%dma_start3A_231 : memref<128xi32, #tpu.memory_space<vmem>>) semaphore(%arg10 : memref<!tpu.dma_semaphore, #tpu.memory_space<semaphore_mem>>)
    %dma_wait3A = arith.constant 0 : i32
    %dma_wait3A_235 = arith.constant 0 : i32
    %dma_wait3A_236 = tpu.memref_slice %arg5[%dma_wait3A, %dma_wait3A_235] : memref<200x128xi32, #tpu.memory_space<vmem>> -> memref<1x128xi32, #tpu.memory_space<vmem>>
    %dma_wait3A_237 = tpu.memref_squeeze %dma_wait3A_236 : memref<1x128xi32, #tpu.memory_space<vmem>> -> memref<128xi32, #tpu.memory_space<vmem>>
    %dma_wait3A_238 = arith.constant 0 : i32
    %dma_wait3A_239 = arith.constant 0 : i32
    %dma_wait3A_240 = tpu.memref_slice %arg3[%dma_wait3A_238, %dma_wait3A_239] : memref<50257x64xf32, #tpu.memory_space<hbm>> -> memref<50257x64xf32, #tpu.memory_space<hbm>>
    tpu.wait_indirect_dma semaphore(%arg10 : memref<!tpu.dma_semaphore, #tpu.memory_space<semaphore_mem>>) src(%dma_wait3A_240 : memref<50257x64xf32, #tpu.memory_space<hbm>>) dst(%arg6 : memref<128x64xf32, #tpu.memory_space<vmem>>)
    %dma_start3A_241 = arith.constant 1 : i32
    %dma_start3A_242 = arith.constant 0 : i32
    %dma_start3A_243 = tpu.memref_slice %arg5[%dma_start3A_241, %dma_start3A_242] : memref<200x128xi32, #tpu.memory_space<vmem>> -> memref<1x128xi32, #tpu.memory_space<vmem>>
    %dma_start3A_244 = tpu.memref_squeeze %dma_start3A_243 : memref<1x128xi32, #tpu.memory_space<vmem>> -> memref<128xi32, #tpu.memory_space<vmem>>
    %dma_start3A_245 = arith.constant 0 : i32
    %dma_start3A_246 = arith.constant 0 : i32
    %dma_start3A_247 = tpu.memref_slice %arg3[%dma_start3A_245, %dma_start3A_246] : memref<50257x64xf32, #tpu.memory_space<hbm>> -> memref<50257x64xf32, #tpu.memory_space<hbm>>
    tpu.enqueue_indirect_dma source(%dma_start3A_247 : memref<50257x64xf32, #tpu.memory_space<hbm>>) target(%arg7 : memref<128x64xf32, #tpu.memory_space<vmem>>) offsets(%dma_start3A_244 : memref<128xi32, #tpu.memory_space<vmem>>) semaphore(%arg11 : memref<!tpu.dma_semaphore, #tpu.memory_space<semaphore_mem>>)
    %scan3A = arith.constant 0 : i32
    %scan3A_248 = arith.constant 0 : i32
    %scan3A_249 = arith.constant 8 : i32
    %scan3A_250 = arith.addi %scan3A_248, %scan3A_249 : i32
    %scan3A_251 = arith.constant 1 : i32
    %scan3A_252 = scf.for %scan3A_358 = %scan3A_248 to %scan3A_250 step %scan3A_251 iter_args(%scan3A_359 = %scan3A) -> (i32)  : i32 {
      %mul3A_360 = arith.constant 16 : i32
      %mul3A_361 = arith.muli %scan3A_358, %mul3A_360 : i32
      %add3A_362 = arith.constant 0 : i32
      %add3A_363 = arith.addi %mul3A_361, %add3A_362 : i32
      %broadcast_in_dim3A = vector.broadcast %add3A_363 : i32 to vector<16xi32>
      %get3A = arith.index_cast %add3A_363 : i32 to index
      %get3A_364 = arith.constant 0 : index
      %get3A_365 = tpu.vector_load %arg6[%get3A, %get3A_364] {strides = array<i32>} : memref<128x64xf32, #tpu.memory_space<vmem>>, vector<16xf32>,
      tpu.vector_store_idx %arg8[%select_n3A, %select_n3A_153, %broadcast_in_dim3A], %get3A_365 : memref<8x8x129xf32, #tpu.memory_space<vmem>>[vector<16xi32>, vector<16xi32>, vector<16xi32>], vector<16xf32>,
      %get3A_366 = arith.index_cast %add3A_363 : i32 to index
      %get3A_367 = arith.constant 16 : index
      %get3A_368 = tpu.vector_load %arg6[%get3A_366, %get3A_367] {strides = array<i32>} : memref<128x64xf32, #tpu.memory_space<vmem>>, vector<16xf32>,
      tpu.vector_store_idx %arg8[%select_n3A_62, %select_n3A_178, %broadcast_in_dim3A], %get3A_368 : memref<8x8x129xf32, #tpu.memory_space<vmem>>[vector<16xi32>, vector<16xi32>, vector<16xi32>], vector<16xf32>,
      %get3A_369 = arith.index_cast %add3A_363 : i32 to index
      %get3A_370 = arith.constant 32 : index
      %get3A_371 = tpu.vector_load %arg6[%get3A_369, %get3A_370] {strides = array<i32>} : memref<128x64xf32, #tpu.memory_space<vmem>>, vector<16xf32>,
      tpu.vector_store_idx %arg8[%select_n3A_96, %select_n3A_203, %broadcast_in_dim3A], %get3A_371 : memref<8x8x129xf32, #tpu.memory_space<vmem>>[vector<16xi32>, vector<16xi32>, vector<16xi32>], vector<16xf32>,
      %get3A_372 = arith.index_cast %add3A_363 : i32 to index
      %get3A_373 = arith.constant 48 : index
      %get3A_374 = tpu.vector_load %arg6[%get3A_372, %get3A_373] {strides = array<i32>} : memref<128x64xf32, #tpu.memory_space<vmem>>, vector<16xf32>,
      tpu.vector_store_idx %arg8[%select_n3A_130, %select_n3A_228, %broadcast_in_dim3A], %get3A_374 : memref<8x8x129xf32, #tpu.memory_space<vmem>>[vector<16xi32>, vector<16xi32>, vector<16xi32>], vector<16xf32>,
      %mul3A_375 = arith.constant 16 : i32
      %mul3A_376 = arith.muli %scan3A_358, %mul3A_375 : i32
      %add3A_377 = arith.constant 1 : i32
      %add3A_378 = arith.addi %mul3A_376, %add3A_377 : i32
      %broadcast_in_dim3A_379 = vector.broadcast %add3A_378 : i32 to vector<16xi32>
      %get3A_380 = arith.index_cast %add3A_378 : i32 to index
      %get3A_381 = arith.constant 0 : index
      %get3A_382 = tpu.vector_load %arg6[%get3A_380, %get3A_381] {strides = array<i32>} : memref<128x64xf32, #tpu.memory_space<vmem>>, vector<16xf32>,
      tpu.vector_store_idx %arg8[%select_n3A, %select_n3A_153, %broadcast_in_dim3A_379], %get3A_382 : memref<8x8x129xf32, #tpu.memory_space<vmem>>[vector<16xi32>, vector<16xi32>, vector<16xi32>], vector<16xf32>,
      %get3A_383 = arith.index_cast %add3A_378 : i32 to index
      %get3A_384 = arith.constant 16 : index
      %get3A_385 = tpu.vector_load %arg6[%get3A_383, %get3A_384] {strides = array<i32>} : memref<128x64xf32, #tpu.memory_space<vmem>>, vector<16xf32>,
      tpu.vector_store_idx %arg8[%select_n3A_62, %select_n3A_178, %broadcast_in_dim3A_379], %get3A_385 : memref<8x8x129xf32, #tpu.memory_space<vmem>>[vector<16xi32>, vector<16xi32>, vector<16xi32>], vector<16xf32>,
      %get3A_386 = arith.index_cast %add3A_378 : i32 to index
      %get3A_387 = arith.constant 32 : index
      %get3A_388 = tpu.vector_load %arg6[%get3A_386, %get3A_387] {strides = array<i32>} : memref<128x64xf32, #tpu.memory_space<vmem>>, vector<16xf32>,
      tpu.vector_store_idx %arg8[%select_n3A_96, %select_n3A_203, %broadcast_in_dim3A_379], %get3A_388 : memref<8x8x129xf32, #tpu.memory_space<vmem>>[vector<16xi32>, vector<16xi32>, vector<16xi32>], vector<16xf32>,
      %get3A_389 = arith.index_cast %add3A_378 : i32 to index
      %get3A_390 = arith.constant 48 : index
      %get3A_391 = tpu.vector_load %arg6[%get3A_389, %get3A_390] {strides = array<i32>} : memref<128x64xf32, #tpu.memory_space<vmem>>, vector<16xf32>,
      tpu.vector_store_idx %arg8[%select_n3A_130, %select_n3A_228, %broadcast_in_dim3A_379], %get3A_391 : memref<8x8x129xf32, #tpu.memory_space<vmem>>[vector<16xi32>, vector<16xi32>, vector<16xi32>], vector<16xf32>,
      %mul3A_392 = arith.constant 16 : i32
      %mul3A_393 = arith.muli %scan3A_358, %mul3A_392 : i32
      %add3A_394 = arith.constant 2 : i32
      %add3A_395 = arith.addi %mul3A_393, %add3A_394 : i32
      %broadcast_in_dim3A_396 = vector.broadcast %add3A_395 : i32 to vector<16xi32>
      %get3A_397 = arith.index_cast %add3A_395 : i32 to index
      %get3A_398 = arith.constant 0 : index
      %get3A_399 = tpu.vector_load %arg6[%get3A_397, %get3A_398] {strides = array<i32>} : memref<128x64xf32, #tpu.memory_space<vmem>>, vector<16xf32>,
      tpu.vector_store_idx %arg8[%select_n3A, %select_n3A_153, %broadcast_in_dim3A_396], %get3A_399 : memref<8x8x129xf32, #tpu.memory_space<vmem>>[vector<16xi32>, vector<16xi32>, vector<16xi32>], vector<16xf32>,
      %get3A_400 = arith.index_cast %add3A_395 : i32 to index
      %get3A_401 = arith.constant 16 : index
      %get3A_402 = tpu.vector_load %arg6[%get3A_400, %get3A_401] {strides = array<i32>} : memref<128x64xf32, #tpu.memory_space<vmem>>, vector<16xf32>,
      tpu.vector_store_idx %arg8[%select_n3A_62, %select_n3A_178, %broadcast_in_dim3A_396], %get3A_402 : memref<8x8x129xf32, #tpu.memory_space<vmem>>[vector<16xi32>, vector<16xi32>, vector<16xi32>], vector<16xf32>,
      %get3A_403 = arith.index_cast %add3A_395 : i32 to index
      %get3A_404 = arith.constant 32 : index
      %get3A_405 = tpu.vector_load %arg6[%get3A_403, %get3A_404] {strides = array<i32>} : memref<128x64xf32, #tpu.memory_space<vmem>>, vector<16xf32>,
      tpu.vector_store_idx %arg8[%select_n3A_96, %select_n3A_203, %broadcast_in_dim3A_396], %get3A_405 : memref<8x8x129xf32, #tpu.memory_space<vmem>>[vector<16xi32>, vector<16xi32>, vector<16xi32>], vector<16xf32>,
      %get3A_406 = arith.index_cast %add3A_395 : i32 to index
      %get3A_407 = arith.constant 48 : index
      %get3A_408 = tpu.vector_load %arg6[%get3A_406, %get3A_407] {strides = array<i32>} : memref<128x64xf32, #tpu.memory_space<vmem>>, vector<16xf32>,
      tpu.vector_store_idx %arg8[%select_n3A_130, %select_n3A_228, %broadcast_in_dim3A_396], %get3A_408 : memref<8x8x129xf32, #tpu.memory_space<vmem>>[vector<16xi32>, vector<16xi32>, vector<16xi32>], vector<16xf32>,
      %mul3A_409 = arith.constant 16 : i32
      %mul3A_410 = arith.muli %scan3A_358, %mul3A_409 : i32
      %add3A_411 = arith.constant 3 : i32
      %add3A_412 = arith.addi %mul3A_410, %add3A_411 : i32
      %broadcast_in_dim3A_413 = vector.broadcast %add3A_412 : i32 to vector<16xi32>
      %get3A_414 = arith.index_cast %add3A_412 : i32 to index
      %get3A_415 = arith.constant 0 : index
      %get3A_416 = tpu.vector_load %arg6[%get3A_414, %get3A_415] {strides = array<i32>} : memref<128x64xf32, #tpu.memory_space<vmem>>, vector<16xf32>,
      tpu.vector_store_idx %arg8[%select_n3A, %select_n3A_153, %broadcast_in_dim3A_413], %get3A_416 : memref<8x8x129xf32, #tpu.memory_space<vmem>>[vector<16xi32>, vector<16xi32>, vector<16xi32>], vector<16xf32>,
      %get3A_417 = arith.index_cast %add3A_412 : i32 to index
      %get3A_418 = arith.constant 16 : index
      %get3A_419 = tpu.vector_load %arg6[%get3A_417, %get3A_418] {strides = array<i32>} : memref<128x64xf32, #tpu.memory_space<vmem>>, vector<16xf32>,
      tpu.vector_store_idx %arg8[%select_n3A_62, %select_n3A_178, %broadcast_in_dim3A_413], %get3A_419 : memref<8x8x129xf32, #tpu.memory_space<vmem>>[vector<16xi32>, vector<16xi32>, vector<16xi32>], vector<16xf32>,
      %get3A_420 = arith.index_cast %add3A_412 : i32 to index
      %get3A_421 = arith.constant 32 : index
      %get3A_422 = tpu.vector_load %arg6[%get3A_420, %get3A_421] {strides = array<i32>} : memref<128x64xf32, #tpu.memory_space<vmem>>, vector<16xf32>,
      tpu.vector_store_idx %arg8[%select_n3A_96, %select_n3A_203, %broadcast_in_dim3A_413], %get3A_422 : memref<8x8x129xf32, #tpu.memory_space<vmem>>[vector<16xi32>, vector<16xi32>, vector<16xi32>], vector<16xf32>,
      %get3A_423 = arith.index_cast %add3A_412 : i32 to index
      %get3A_424 = arith.constant 48 : index
      %get3A_425 = tpu.vector_load %arg6[%get3A_423, %get3A_424] {strides = array<i32>} : memref<128x64xf32, #tpu.memory_space<vmem>>, vector<16xf32>,
      tpu.vector_store_idx %arg8[%select_n3A_130, %select_n3A_228, %broadcast_in_dim3A_413], %get3A_425 : memref<8x8x129xf32, #tpu.memory_space<vmem>>[vector<16xi32>, vector<16xi32>, vector<16xi32>], vector<16xf32>,
      %mul3A_426 = arith.constant 16 : i32
      %mul3A_427 = arith.muli %scan3A_358, %mul3A_426 : i32
      %add3A_428 = arith.constant 4 : i32
      %add3A_429 = arith.addi %mul3A_427, %add3A_428 : i32
      %broadcast_in_dim3A_430 = vector.broadcast %add3A_429 : i32 to vector<16xi32>
      %get3A_431 = arith.index_cast %add3A_429 : i32 to index
      %get3A_432 = arith.constant 0 : index
      %get3A_433 = tpu.vector_load %arg6[%get3A_431, %get3A_432] {strides = array<i32>} : memref<128x64xf32, #tpu.memory_space<vmem>>, vector<16xf32>,
      tpu.vector_store_idx %arg8[%select_n3A, %select_n3A_153, %broadcast_in_dim3A_430], %get3A_433 : memref<8x8x129xf32, #tpu.memory_space<vmem>>[vector<16xi32>, vector<16xi32>, vector<16xi32>], vector<16xf32>,
      %get3A_434 = arith.index_cast %add3A_429 : i32 to index
      %get3A_435 = arith.constant 16 : index
      %get3A_436 = tpu.vector_load %arg6[%get3A_434, %get3A_435] {strides = array<i32>} : memref<128x64xf32, #tpu.memory_space<vmem>>, vector<16xf32>,
      tpu.vector_store_idx %arg8[%select_n3A_62, %select_n3A_178, %broadcast_in_dim3A_430], %get3A_436 : memref<8x8x129xf32, #tpu.memory_space<vmem>>[vector<16xi32>, vector<16xi32>, vector<16xi32>], vector<16xf32>,
      %get3A_437 = arith.index_cast %add3A_429 : i32 to index
      %get3A_438 = arith.constant 32 : index
      %get3A_439 = tpu.vector_load %arg6[%get3A_437, %get3A_438] {strides = array<i32>} : memref<128x64xf32, #tpu.memory_space<vmem>>, vector<16xf32>,
      tpu.vector_store_idx %arg8[%select_n3A_96, %select_n3A_203, %broadcast_in_dim3A_430], %get3A_439 : memref<8x8x129xf32, #tpu.memory_space<vmem>>[vector<16xi32>, vector<16xi32>, vector<16xi32>], vector<16xf32>,
      %get3A_440 = arith.index_cast %add3A_429 : i32 to index
      %get3A_441 = arith.constant 48 : index
      %get3A_442 = tpu.vector_load %arg6[%get3A_440, %get3A_441] {strides = array<i32>} : memref<128x64xf32, #tpu.memory_space<vmem>>, vector<16xf32>,
      tpu.vector_store_idx %arg8[%select_n3A_130, %select_n3A_228, %broadcast_in_dim3A_430], %get3A_442 : memref<8x8x129xf32, #tpu.memory_space<vmem>>[vector<16xi32>, vector<16xi32>, vector<16xi32>], vector<16xf32>,
      %mul3A_443 = arith.constant 16 : i32
      %mul3A_444 = arith.muli %scan3A_358, %mul3A_443 : i32
      %add3A_445 = arith.constant 5 : i32
      %add3A_446 = arith.addi %mul3A_444, %add3A_445 : i32
      %broadcast_in_dim3A_447 = vector.broadcast %add3A_446 : i32 to vector<16xi32>
      %get3A_448 = arith.index_cast %add3A_446 : i32 to index
      %get3A_449 = arith.constant 0 : index
      %get3A_450 = tpu.vector_load %arg6[%get3A_448, %get3A_449] {strides = array<i32>} : memref<128x64xf32, #tpu.memory_space<vmem>>, vector<16xf32>,
      tpu.vector_store_idx %arg8[%select_n3A, %select_n3A_153, %broadcast_in_dim3A_447], %get3A_450 : memref<8x8x129xf32, #tpu.memory_space<vmem>>[vector<16xi32>, vector<16xi32>, vector<16xi32>], vector<16xf32>,
      %get3A_451 = arith.index_cast %add3A_446 : i32 to index
      %get3A_452 = arith.constant 16 : index
      %get3A_453 = tpu.vector_load %arg6[%get3A_451, %get3A_452] {strides = array<i32>} : memref<128x64xf32, #tpu.memory_space<vmem>>, vector<16xf32>,
      tpu.vector_store_idx %arg8[%select_n3A_62, %select_n3A_178, %broadcast_in_dim3A_447], %get3A_453 : memref<8x8x129xf32, #tpu.memory_space<vmem>>[vector<16xi32>, vector<16xi32>, vector<16xi32>], vector<16xf32>,
      %get3A_454 = arith.index_cast %add3A_446 : i32 to index
      %get3A_455 = arith.constant 32 : index
      %get3A_456 = tpu.vector_load %arg6[%get3A_454, %get3A_455] {strides = array<i32>} : memref<128x64xf32, #tpu.memory_space<vmem>>, vector<16xf32>,
      tpu.vector_store_idx %arg8[%select_n3A_96, %select_n3A_203, %broadcast_in_dim3A_447], %get3A_456 : memref<8x8x129xf32, #tpu.memory_space<vmem>>[vector<16xi32>, vector<16xi32>, vector<16xi32>], vector<16xf32>,
      %get3A_457 = arith.index_cast %add3A_446 : i32 to index
      %get3A_458 = arith.constant 48 : index
      %get3A_459 = tpu.vector_load %arg6[%get3A_457, %get3A_458] {strides = array<i32>} : memref<128x64xf32, #tpu.memory_space<vmem>>, vector<16xf32>,
      tpu.vector_store_idx %arg8[%select_n3A_130, %select_n3A_228, %broadcast_in_dim3A_447], %get3A_459 : memref<8x8x129xf32, #tpu.memory_space<vmem>>[vector<16xi32>, vector<16xi32>, vector<16xi32>], vector<16xf32>,
      %mul3A_460 = arith.constant 16 : i32
      %mul3A_461 = arith.muli %scan3A_358, %mul3A_460 : i32
      %add3A_462 = arith.constant 6 : i32
      %add3A_463 = arith.addi %mul3A_461, %add3A_462 : i32
      %broadcast_in_dim3A_464 = vector.broadcast %add3A_463 : i32 to vector<16xi32>
      %get3A_465 = arith.index_cast %add3A_463 : i32 to index
      %get3A_466 = arith.constant 0 : index
      %get3A_467 = tpu.vector_load %arg6[%get3A_465, %get3A_466] {strides = array<i32>} : memref<128x64xf32, #tpu.memory_space<vmem>>, vector<16xf32>,
      tpu.vector_store_idx %arg8[%select_n3A, %select_n3A_153, %broadcast_in_dim3A_464], %get3A_467 : memref<8x8x129xf32, #tpu.memory_space<vmem>>[vector<16xi32>, vector<16xi32>, vector<16xi32>], vector<16xf32>,
      %get3A_468 = arith.index_cast %add3A_463 : i32 to index
      %get3A_469 = arith.constant 16 : index
      %get3A_470 = tpu.vector_load %arg6[%get3A_468, %get3A_469] {strides = array<i32>} : memref<128x64xf32, #tpu.memory_space<vmem>>, vector<16xf32>,
      tpu.vector_store_idx %arg8[%select_n3A_62, %select_n3A_178, %broadcast_in_dim3A_464], %get3A_470 : memref<8x8x129xf32, #tpu.memory_space<vmem>>[vector<16xi32>, vector<16xi32>, vector<16xi32>], vector<16xf32>,
      %get3A_471 = arith.index_cast %add3A_463 : i32 to index
      %get3A_472 = arith.constant 32 : index
      %get3A_473 = tpu.vector_load %arg6[%get3A_471, %get3A_472] {strides = array<i32>} : memref<128x64xf32, #tpu.memory_space<vmem>>, vector<16xf32>,
      tpu.vector_store_idx %arg8[%select_n3A_96, %select_n3A_203, %broadcast_in_dim3A_464], %get3A_473 : memref<8x8x129xf32, #tpu.memory_space<vmem>>[vector<16xi32>, vector<16xi32>, vector<16xi32>], vector<16xf32>,
      %get3A_474 = arith.index_cast %add3A_463 : i32 to index
      %get3A_475 = arith.constant 48 : index
      %get3A_476 = tpu.vector_load %arg6[%get3A_474, %get3A_475] {strides = array<i32>} : memref<128x64xf32, #tpu.memory_space<vmem>>, vector<16xf32>,
      tpu.vector_store_idx %arg8[%select_n3A_130, %select_n3A_228, %broadcast_in_dim3A_464], %get3A_476 : memref<8x8x129xf32, #tpu.memory_space<vmem>>[vector<16xi32>, vector<16xi32>, vector<16xi32>], vector<16xf32>,
      %mul3A_477 = arith.constant 16 : i32
      %mul3A_478 = arith.muli %scan3A_358, %mul3A_477 : i32
      %add3A_479 = arith.constant 7 : i32
      %add3A_480 = arith.addi %mul3A_478, %add3A_479 : i32
      %broadcast_in_dim3A_481 = vector.broadcast %add3A_480 : i32 to vector<16xi32>
      %get3A_482 = arith.index_cast %add3A_480 : i32 to index
      %get3A_483 = arith.constant 0 : index
      %get3A_484 = tpu.vector_load %arg6[%get3A_482, %get3A_483] {strides = array<i32>} : memref<128x64xf32, #tpu.memory_space<vmem>>, vector<16xf32>,
      tpu.vector_store_idx %arg8[%select_n3A, %select_n3A_153, %broadcast_in_dim3A_481], %get3A_484 : memref<8x8x129xf32, #tpu.memory_space<vmem>>[vector<16xi32>, vector<16xi32>, vector<16xi32>], vector<16xf32>,
      %get3A_485 = arith.index_cast %add3A_480 : i32 to index
      %get3A_486 = arith.constant 16 : index
      %get3A_487 = tpu.vector_load %arg6[%get3A_485, %get3A_486] {strides = array<i32>} : memref<128x64xf32, #tpu.memory_space<vmem>>, vector<16xf32>,
      tpu.vector_store_idx %arg8[%select_n3A_62, %select_n3A_178, %broadcast_in_dim3A_481], %get3A_487 : memref<8x8x129xf32, #tpu.memory_space<vmem>>[vector<16xi32>, vector<16xi32>, vector<16xi32>], vector<16xf32>,
      %get3A_488 = arith.index_cast %add3A_480 : i32 to index
      %get3A_489 = arith.constant 32 : index
      %get3A_490 = tpu.vector_load %arg6[%get3A_488, %get3A_489] {strides = array<i32>} : memref<128x64xf32, #tpu.memory_space<vmem>>, vector<16xf32>,
      tpu.vector_store_idx %arg8[%select_n3A_96, %select_n3A_203, %broadcast_in_dim3A_481], %get3A_490 : memref<8x8x129xf32, #tpu.memory_space<vmem>>[vector<16xi32>, vector<16xi32>, vector<16xi32>], vector<16xf32>,
      %get3A_491 = arith.index_cast %add3A_480 : i32 to index
      %get3A_492 = arith.constant 48 : index
      %get3A_493 = tpu.vector_load %arg6[%get3A_491, %get3A_492] {strides = array<i32>} : memref<128x64xf32, #tpu.memory_space<vmem>>, vector<16xf32>,
      tpu.vector_store_idx %arg8[%select_n3A_130, %select_n3A_228, %broadcast_in_dim3A_481], %get3A_493 : memref<8x8x129xf32, #tpu.memory_space<vmem>>[vector<16xi32>, vector<16xi32>, vector<16xi32>], vector<16xf32>,
      %mul3A_494 = arith.constant 16 : i32
      %mul3A_495 = arith.muli %scan3A_358, %mul3A_494 : i32
      %add3A_496 = arith.constant 8 : i32
      %add3A_497 = arith.addi %mul3A_495, %add3A_496 : i32
      %broadcast_in_dim3A_498 = vector.broadcast %add3A_497 : i32 to vector<16xi32>
      %get3A_499 = arith.index_cast %add3A_497 : i32 to index
      %get3A_500 = arith.constant 0 : index
      %get3A_501 = tpu.vector_load %arg6[%get3A_499, %get3A_500] {strides = array<i32>} : memref<128x64xf32, #tpu.memory_space<vmem>>, vector<16xf32>,
      tpu.vector_store_idx %arg8[%select_n3A, %select_n3A_153, %broadcast_in_dim3A_498], %get3A_501 : memref<8x8x129xf32, #tpu.memory_space<vmem>>[vector<16xi32>, vector<16xi32>, vector<16xi32>], vector<16xf32>,
      %get3A_502 = arith.index_cast %add3A_497 : i32 to index
      %get3A_503 = arith.constant 16 : index
      %get3A_504 = tpu.vector_load %arg6[%get3A_502, %get3A_503] {strides = array<i32>} : memref<128x64xf32, #tpu.memory_space<vmem>>, vector<16xf32>,
      tpu.vector_store_idx %arg8[%select_n3A_62, %select_n3A_178, %broadcast_in_dim3A_498], %get3A_504 : memref<8x8x129xf32, #tpu.memory_space<vmem>>[vector<16xi32>, vector<16xi32>, vector<16xi32>], vector<16xf32>,
      %get3A_505 = arith.index_cast %add3A_497 : i32 to index
      %get3A_506 = arith.constant 32 : index
      %get3A_507 = tpu.vector_load %arg6[%get3A_505, %get3A_506] {strides = array<i32>} : memref<128x64xf32, #tpu.memory_space<vmem>>, vector<16xf32>,
      tpu.vector_store_idx %arg8[%select_n3A_96, %select_n3A_203, %broadcast_in_dim3A_498], %get3A_507 : memref<8x8x129xf32, #tpu.memory_space<vmem>>[vector<16xi32>, vector<16xi32>, vector<16xi32>], vector<16xf32>,
      %get3A_508 = arith.index_cast %add3A_497 : i32 to index
      %get3A_509 = arith.constant 48 : index
      %get3A_510 = tpu.vector_load %arg6[%get3A_508, %get3A_509] {strides = array<i32>} : memref<128x64xf32, #tpu.memory_space<vmem>>, vector<16xf32>,
      tpu.vector_store_idx %arg8[%select_n3A_130, %select_n3A_228, %broadcast_in_dim3A_498], %get3A_510 : memref<8x8x129xf32, #tpu.memory_space<vmem>>[vector<16xi32>, vector<16xi32>, vector<16xi32>], vector<16xf32>,
      %mul3A_511 = arith.constant 16 : i32
      %mul3A_512 = arith.muli %scan3A_358, %mul3A_511 : i32
      %add3A_513 = arith.constant 9 : i32
      %add3A_514 = arith.addi %mul3A_512, %add3A_513 : i32
      %broadcast_in_dim3A_515 = vector.broadcast %add3A_514 : i32 to vector<16xi32>
      %get3A_516 = arith.index_cast %add3A_514 : i32 to index
      %get3A_517 = arith.constant 0 : index
      %get3A_518 = tpu.vector_load %arg6[%get3A_516, %get3A_517] {strides = array<i32>} : memref<128x64xf32, #tpu.memory_space<vmem>>, vector<16xf32>,
      tpu.vector_store_idx %arg8[%select_n3A, %select_n3A_153, %broadcast_in_dim3A_515], %get3A_518 : memref<8x8x129xf32, #tpu.memory_space<vmem>>[vector<16xi32>, vector<16xi32>, vector<16xi32>], vector<16xf32>,
      %get3A_519 = arith.index_cast %add3A_514 : i32 to index
      %get3A_520 = arith.constant 16 : index
      %get3A_521 = tpu.vector_load %arg6[%get3A_519, %get3A_520] {strides = array<i32>} : memref<128x64xf32, #tpu.memory_space<vmem>>, vector<16xf32>,
      tpu.vector_store_idx %arg8[%select_n3A_62, %select_n3A_178, %broadcast_in_dim3A_515], %get3A_521 : memref<8x8x129xf32, #tpu.memory_space<vmem>>[vector<16xi32>, vector<16xi32>, vector<16xi32>], vector<16xf32>,
      %get3A_522 = arith.index_cast %add3A_514 : i32 to index
      %get3A_523 = arith.constant 32 : index
      %get3A_524 = tpu.vector_load %arg6[%get3A_522, %get3A_523] {strides = array<i32>} : memref<128x64xf32, #tpu.memory_space<vmem>>, vector<16xf32>,
      tpu.vector_store_idx %arg8[%select_n3A_96, %select_n3A_203, %broadcast_in_dim3A_515], %get3A_524 : memref<8x8x129xf32, #tpu.memory_space<vmem>>[vector<16xi32>, vector<16xi32>, vector<16xi32>], vector<16xf32>,
      %get3A_525 = arith.index_cast %add3A_514 : i32 to index
      %get3A_526 = arith.constant 48 : index
      %get3A_527 = tpu.vector_load %arg6[%get3A_525, %get3A_526] {strides = array<i32>} : memref<128x64xf32, #tpu.memory_space<vmem>>, vector<16xf32>,
      tpu.vector_store_idx %arg8[%select_n3A_130, %select_n3A_228, %broadcast_in_dim3A_515], %get3A_527 : memref<8x8x129xf32, #tpu.memory_space<vmem>>[vector<16xi32>, vector<16xi32>, vector<16xi32>], vector<16xf32>,
      %mul3A_528 = arith.constant 16 : i32
      %mul3A_529 = arith.muli %scan3A_358, %mul3A_528 : i32
      %add3A_530 = arith.constant 10 : i32
      %add3A_531 = arith.addi %mul3A_529, %add3A_530 : i32
      %broadcast_in_dim3A_532 = vector.broadcast %add3A_531 : i32 to vector<16xi32>
      %get3A_533 = arith.index_cast %add3A_531 : i32 to index
      %get3A_534 = arith.constant 0 : index
      %get3A_535 = tpu.vector_load %arg6[%get3A_533, %get3A_534] {strides = array<i32>} : memref<128x64xf32, #tpu.memory_space<vmem>>, vector<16xf32>,
      tpu.vector_store_idx %arg8[%select_n3A, %select_n3A_153, %broadcast_in_dim3A_532], %get3A_535 : memref<8x8x129xf32, #tpu.memory_space<vmem>>[vector<16xi32>, vector<16xi32>, vector<16xi32>], vector<16xf32>,
      %get3A_536 = arith.index_cast %add3A_531 : i32 to index
      %get3A_537 = arith.constant 16 : index
      %get3A_538 = tpu.vector_load %arg6[%get3A_536, %get3A_537] {strides = array<i32>} : memref<128x64xf32, #tpu.memory_space<vmem>>, vector<16xf32>,
      tpu.vector_store_idx %arg8[%select_n3A_62, %select_n3A_178, %broadcast_in_dim3A_532], %get3A_538 : memref<8x8x129xf32, #tpu.memory_space<vmem>>[vector<16xi32>, vector<16xi32>, vector<16xi32>], vector<16xf32>,
      %get3A_539 = arith.index_cast %add3A_531 : i32 to index
      %get3A_540 = arith.constant 32 : index
      %get3A_541 = tpu.vector_load %arg6[%get3A_539, %get3A_540] {strides = array<i32>} : memref<128x64xf32, #tpu.memory_space<vmem>>, vector<16xf32>,
      tpu.vector_store_idx %arg8[%select_n3A_96, %select_n3A_203, %broadcast_in_dim3A_532], %get3A_541 : memref<8x8x129xf32, #tpu.memory_space<vmem>>[vector<16xi32>, vector<16xi32>, vector<16xi32>], vector<16xf32>,
      %get3A_542 = arith.index_cast %add3A_531 : i32 to index
      %get3A_543 = arith.constant 48 : index
      %get3A_544 = tpu.vector_load %arg6[%get3A_542, %get3A_543] {strides = array<i32>} : memref<128x64xf32, #tpu.memory_space<vmem>>, vector<16xf32>,
      tpu.vector_store_idx %arg8[%select_n3A_130, %select_n3A_228, %broadcast_in_dim3A_532], %get3A_544 : memref<8x8x129xf32, #tpu.memory_space<vmem>>[vector<16xi32>, vector<16xi32>, vector<16xi32>], vector<16xf32>,
      %mul3A_545 = arith.constant 16 : i32
      %mul3A_546 = arith.muli %scan3A_358, %mul3A_545 : i32
      %add3A_547 = arith.constant 11 : i32
      %add3A_548 = arith.addi %mul3A_546, %add3A_547 : i32
      %broadcast_in_dim3A_549 = vector.broadcast %add3A_548 : i32 to vector<16xi32>
      %get3A_550 = arith.index_cast %add3A_548 : i32 to index
      %get3A_551 = arith.constant 0 : index
      %get3A_552 = tpu.vector_load %arg6[%get3A_550, %get3A_551] {strides = array<i32>} : memref<128x64xf32, #tpu.memory_space<vmem>>, vector<16xf32>,
      tpu.vector_store_idx %arg8[%select_n3A, %select_n3A_153, %broadcast_in_dim3A_549], %get3A_552 : memref<8x8x129xf32, #tpu.memory_space<vmem>>[vector<16xi32>, vector<16xi32>, vector<16xi32>], vector<16xf32>,
      %get3A_553 = arith.index_cast %add3A_548 : i32 to index
      %get3A_554 = arith.constant 16 : index
      %get3A_555 = tpu.vector_load %arg6[%get3A_553, %get3A_554] {strides = array<i32>} : memref<128x64xf32, #tpu.memory_space<vmem>>, vector<16xf32>,
      tpu.vector_store_idx %arg8[%select_n3A_62, %select_n3A_178, %broadcast_in_dim3A_549], %get3A_555 : memref<8x8x129xf32, #tpu.memory_space<vmem>>[vector<16xi32>, vector<16xi32>, vector<16xi32>], vector<16xf32>,
      %get3A_556 = arith.index_cast %add3A_548 : i32 to index
      %get3A_557 = arith.constant 32 : index
      %get3A_558 = tpu.vector_load %arg6[%get3A_556, %get3A_557] {strides = array<i32>} : memref<128x64xf32, #tpu.memory_space<vmem>>, vector<16xf32>,
      tpu.vector_store_idx %arg8[%select_n3A_96, %select_n3A_203, %broadcast_in_dim3A_549], %get3A_558 : memref<8x8x129xf32, #tpu.memory_space<vmem>>[vector<16xi32>, vector<16xi32>, vector<16xi32>], vector<16xf32>,
      %get3A_559 = arith.index_cast %add3A_548 : i32 to index
      %get3A_560 = arith.constant 48 : index
      %get3A_561 = tpu.vector_load %arg6[%get3A_559, %get3A_560] {strides = array<i32>} : memref<128x64xf32, #tpu.memory_space<vmem>>, vector<16xf32>,
      tpu.vector_store_idx %arg8[%select_n3A_130, %select_n3A_228, %broadcast_in_dim3A_549], %get3A_561 : memref<8x8x129xf32, #tpu.memory_space<vmem>>[vector<16xi32>, vector<16xi32>, vector<16xi32>], vector<16xf32>,
      %mul3A_562 = arith.constant 16 : i32
      %mul3A_563 = arith.muli %scan3A_358, %mul3A_562 : i32
      %add3A_564 = arith.constant 12 : i32
      %add3A_565 = arith.addi %mul3A_563, %add3A_564 : i32
      %broadcast_in_dim3A_566 = vector.broadcast %add3A_565 : i32 to vector<16xi32>
      %get3A_567 = arith.index_cast %add3A_565 : i32 to index
      %get3A_568 = arith.constant 0 : index
      %get3A_569 = tpu.vector_load %arg6[%get3A_567, %get3A_568] {strides = array<i32>} : memref<128x64xf32, #tpu.memory_space<vmem>>, vector<16xf32>,
      tpu.vector_store_idx %arg8[%select_n3A, %select_n3A_153, %broadcast_in_dim3A_566], %get3A_569 : memref<8x8x129xf32, #tpu.memory_space<vmem>>[vector<16xi32>, vector<16xi32>, vector<16xi32>], vector<16xf32>,
      %get3A_570 = arith.index_cast %add3A_565 : i32 to index
      %get3A_571 = arith.constant 16 : index
      %get3A_572 = tpu.vector_load %arg6[%get3A_570, %get3A_571] {strides = array<i32>} : memref<128x64xf32, #tpu.memory_space<vmem>>, vector<16xf32>,
      tpu.vector_store_idx %arg8[%select_n3A_62, %select_n3A_178, %broadcast_in_dim3A_566], %get3A_572 : memref<8x8x129xf32, #tpu.memory_space<vmem>>[vector<16xi32>, vector<16xi32>, vector<16xi32>], vector<16xf32>,
      %get3A_573 = arith.index_cast %add3A_565 : i32 to index
      %get3A_574 = arith.constant 32 : index
      %get3A_575 = tpu.vector_load %arg6[%get3A_573, %get3A_574] {strides = array<i32>} : memref<128x64xf32, #tpu.memory_space<vmem>>, vector<16xf32>,
      tpu.vector_store_idx %arg8[%select_n3A_96, %select_n3A_203, %broadcast_in_dim3A_566], %get3A_575 : memref<8x8x129xf32, #tpu.memory_space<vmem>>[vector<16xi32>, vector<16xi32>, vector<16xi32>], vector<16xf32>,
      %get3A_576 = arith.index_cast %add3A_565 : i32 to index
      %get3A_577 = arith.constant 48 : index
      %get3A_578 = tpu.vector_load %arg6[%get3A_576, %get3A_577] {strides = array<i32>} : memref<128x64xf32, #tpu.memory_space<vmem>>, vector<16xf32>,
      tpu.vector_store_idx %arg8[%select_n3A_130, %select_n3A_228, %broadcast_in_dim3A_566], %get3A_578 : memref<8x8x129xf32, #tpu.memory_space<vmem>>[vector<16xi32>, vector<16xi32>, vector<16xi32>], vector<16xf32>,
      %mul3A_579 = arith.constant 16 : i32
      %mul3A_580 = arith.muli %scan3A_358, %mul3A_579 : i32
      %add3A_581 = arith.constant 13 : i32
      %add3A_582 = arith.addi %mul3A_580, %add3A_581 : i32
      %broadcast_in_dim3A_583 = vector.broadcast %add3A_582 : i32 to vector<16xi32>
      %get3A_584 = arith.index_cast %add3A_582 : i32 to index
      %get3A_585 = arith.constant 0 : index
      %get3A_586 = tpu.vector_load %arg6[%get3A_584, %get3A_585] {strides = array<i32>} : memref<128x64xf32, #tpu.memory_space<vmem>>, vector<16xf32>,
      tpu.vector_store_idx %arg8[%select_n3A, %select_n3A_153, %broadcast_in_dim3A_583], %get3A_586 : memref<8x8x129xf32, #tpu.memory_space<vmem>>[vector<16xi32>, vector<16xi32>, vector<16xi32>], vector<16xf32>,
      %get3A_587 = arith.index_cast %add3A_582 : i32 to index
      %get3A_588 = arith.constant 16 : index
      %get3A_589 = tpu.vector_load %arg6[%get3A_587, %get3A_588] {strides = array<i32>} : memref<128x64xf32, #tpu.memory_space<vmem>>, vector<16xf32>,
      tpu.vector_store_idx %arg8[%select_n3A_62, %select_n3A_178, %broadcast_in_dim3A_583], %get3A_589 : memref<8x8x129xf32, #tpu.memory_space<vmem>>[vector<16xi32>, vector<16xi32>, vector<16xi32>], vector<16xf32>,
      %get3A_590 = arith.index_cast %add3A_582 : i32 to index
      %get3A_591 = arith.constant 32 : index
      %get3A_592 = tpu.vector_load %arg6[%get3A_590, %get3A_591] {strides = array<i32>} : memref<128x64xf32, #tpu.memory_space<vmem>>, vector<16xf32>,
      tpu.vector_store_idx %arg8[%select_n3A_96, %select_n3A_203, %broadcast_in_dim3A_583], %get3A_592 : memref<8x8x129xf32, #tpu.memory_space<vmem>>[vector<16xi32>, vector<16xi32>, vector<16xi32>], vector<16xf32>,
      %get3A_593 = arith.index_cast %add3A_582 : i32 to index
      %get3A_594 = arith.constant 48 : index
      %get3A_595 = tpu.vector_load %arg6[%get3A_593, %get3A_594] {strides = array<i32>} : memref<128x64xf32, #tpu.memory_space<vmem>>, vector<16xf32>,
      tpu.vector_store_idx %arg8[%select_n3A_130, %select_n3A_228, %broadcast_in_dim3A_583], %get3A_595 : memref<8x8x129xf32, #tpu.memory_space<vmem>>[vector<16xi32>, vector<16xi32>, vector<16xi32>], vector<16xf32>,
      %mul3A_596 = arith.constant 16 : i32
      %mul3A_597 = arith.muli %scan3A_358, %mul3A_596 : i32
      %add3A_598 = arith.constant 14 : i32
      %add3A_599 = arith.addi %mul3A_597, %add3A_598 : i32
      %broadcast_in_dim3A_600 = vector.broadcast %add3A_599 : i32 to vector<16xi32>
      %get3A_601 = arith.index_cast %add3A_599 : i32 to index
      %get3A_602 = arith.constant 0 : index
      %get3A_603 = tpu.vector_load %arg6[%get3A_601, %get3A_602] {strides = array<i32>} : memref<128x64xf32, #tpu.memory_space<vmem>>, vector<16xf32>,
      tpu.vector_store_idx %arg8[%select_n3A, %select_n3A_153, %broadcast_in_dim3A_600], %get3A_603 : memref<8x8x129xf32, #tpu.memory_space<vmem>>[vector<16xi32>, vector<16xi32>, vector<16xi32>], vector<16xf32>,
      %get3A_604 = arith.index_cast %add3A_599 : i32 to index
      %get3A_605 = arith.constant 16 : index
      %get3A_606 = tpu.vector_load %arg6[%get3A_604, %get3A_605] {strides = array<i32>} : memref<128x64xf32, #tpu.memory_space<vmem>>, vector<16xf32>,
      tpu.vector_store_idx %arg8[%select_n3A_62, %select_n3A_178, %broadcast_in_dim3A_600], %get3A_606 : memref<8x8x129xf32, #tpu.memory_space<vmem>>[vector<16xi32>, vector<16xi32>, vector<16xi32>], vector<16xf32>,
      %get3A_607 = arith.index_cast %add3A_599 : i32 to index
      %get3A_608 = arith.constant 32 : index
      %get3A_609 = tpu.vector_load %arg6[%get3A_607, %get3A_608] {strides = array<i32>} : memref<128x64xf32, #tpu.memory_space<vmem>>, vector<16xf32>,
      tpu.vector_store_idx %arg8[%select_n3A_96, %select_n3A_203, %broadcast_in_dim3A_600], %get3A_609 : memref<8x8x129xf32, #tpu.memory_space<vmem>>[vector<16xi32>, vector<16xi32>, vector<16xi32>], vector<16xf32>,
      %get3A_610 = arith.index_cast %add3A_599 : i32 to index
      %get3A_611 = arith.constant 48 : index
      %get3A_612 = tpu.vector_load %arg6[%get3A_610, %get3A_611] {strides = array<i32>} : memref<128x64xf32, #tpu.memory_space<vmem>>, vector<16xf32>,
      tpu.vector_store_idx %arg8[%select_n3A_130, %select_n3A_228, %broadcast_in_dim3A_600], %get3A_612 : memref<8x8x129xf32, #tpu.memory_space<vmem>>[vector<16xi32>, vector<16xi32>, vector<16xi32>], vector<16xf32>,
      %mul3A_613 = arith.constant 16 : i32
      %mul3A_614 = arith.muli %scan3A_358, %mul3A_613 : i32
      %add3A_615 = arith.constant 15 : i32
      %add3A_616 = arith.addi %mul3A_614, %add3A_615 : i32
      %broadcast_in_dim3A_617 = vector.broadcast %add3A_616 : i32 to vector<16xi32>
      %get3A_618 = arith.index_cast %add3A_616 : i32 to index
      %get3A_619 = arith.constant 0 : index
      %get3A_620 = tpu.vector_load %arg6[%get3A_618, %get3A_619] {strides = array<i32>} : memref<128x64xf32, #tpu.memory_space<vmem>>, vector<16xf32>,
      tpu.vector_store_idx %arg8[%select_n3A, %select_n3A_153, %broadcast_in_dim3A_617], %get3A_620 : memref<8x8x129xf32, #tpu.memory_space<vmem>>[vector<16xi32>, vector<16xi32>, vector<16xi32>], vector<16xf32>,
      %get3A_621 = arith.index_cast %add3A_616 : i32 to index
      %get3A_622 = arith.constant 16 : index
      %get3A_623 = tpu.vector_load %arg6[%get3A_621, %get3A_622] {strides = array<i32>} : memref<128x64xf32, #tpu.memory_space<vmem>>, vector<16xf32>,
      tpu.vector_store_idx %arg8[%select_n3A_62, %select_n3A_178, %broadcast_in_dim3A_617], %get3A_623 : memref<8x8x129xf32, #tpu.memory_space<vmem>>[vector<16xi32>, vector<16xi32>, vector<16xi32>], vector<16xf32>,
      %get3A_624 = arith.index_cast %add3A_616 : i32 to index
      %get3A_625 = arith.constant 32 : index
      %get3A_626 = tpu.vector_load %arg6[%get3A_624, %get3A_625] {strides = array<i32>} : memref<128x64xf32, #tpu.memory_space<vmem>>, vector<16xf32>,
      tpu.vector_store_idx %arg8[%select_n3A_96, %select_n3A_203, %broadcast_in_dim3A_617], %get3A_626 : memref<8x8x129xf32, #tpu.memory_space<vmem>>[vector<16xi32>, vector<16xi32>, vector<16xi32>], vector<16xf32>,
      %get3A_627 = arith.index_cast %add3A_616 : i32 to index
      %get3A_628 = arith.constant 48 : index
      %get3A_629 = tpu.vector_load %arg6[%get3A_627, %get3A_628] {strides = array<i32>} : memref<128x64xf32, #tpu.memory_space<vmem>>, vector<16xf32>,
      tpu.vector_store_idx %arg8[%select_n3A_130, %select_n3A_228, %broadcast_in_dim3A_617], %get3A_629 : memref<8x8x129xf32, #tpu.memory_space<vmem>>[vector<16xi32>, vector<16xi32>, vector<16xi32>], vector<16xf32>,
      %scan3A_630 = arith.constant 0 : i32
      scf.yield %scan3A_630 : i32
    }
    %scan3A_253 = arith.constant 8 : i32
    %dma_start3A_254 = arith.constant 0 : i32
    %dma_start3A_255 = arith.constant 0 : i32
    %dma_start3A_256 = arith.constant 0 : i32
    %dma_start3A_257 = arith.constant 0 : i32
    %dma_start3A_258 = tpu.memref_slice %arg8[%dma_start3A_255, %dma_start3A_256, %dma_start3A_257] : memref<8x8x129xf32, #tpu.memory_space<vmem>> -> memref<8x8x128xf32, #tpu.memory_space<vmem>>
    %dma_start3A_259 = arith.constant 0 : i32
    %dma_start3A_260 = arith.constant 0 : i32
    %dma_start3A_261 = arith.constant 0 : i32
    %dma_start3A_262 = tpu.memref_slice %arg4[%dma_start3A_254, %dma_start3A_259, %add3A, %dma_start3A_260, %dma_start3A_261] : memref<200x8x32x8x128xf32, #tpu.memory_space<hbm>> -> memref<1x8x1x8x128xf32, #tpu.memory_space<hbm>>
    %dma_start3A_263 = tpu.memref_squeeze %dma_start3A_262 : memref<1x8x1x8x128xf32, #tpu.memory_space<hbm>> -> memref<8x8x128xf32, #tpu.memory_space<hbm>>
    %dma_start3A_264 = arith.constant 0 : i32
    %dma_start3A_265 = arith.constant 0 : i32
    %dma_start3A_266 = arith.constant 0 : i32
    %dma_start3A_267 = tpu.memref_slice %arg4[%dma_start3A_254, %dma_start3A_264, %add3A, %dma_start3A_265, %dma_start3A_266] : memref<200x8x32x8x128xf32, #tpu.memory_space<hbm>> -> memref<1x8x1x8x128xf32, #tpu.memory_space<hbm>>
    %dma_start3A_268 = tpu.memref_squeeze %dma_start3A_267 : memref<1x8x1x8x128xf32, #tpu.memory_space<hbm>> -> memref<8x8x128xf32, #tpu.memory_space<hbm>>
    %dma_start3A_269 = arith.constant 0 : i32
    %dma_start3A_270 = arith.constant 0 : i32
    %dma_start3A_271 = arith.constant 0 : i32
    %dma_start3A_272 = tpu.memref_slice %arg8[%dma_start3A_269, %dma_start3A_270, %dma_start3A_271] : memref<8x8x129xf32, #tpu.memory_space<vmem>> -> memref<8x8x128xf32, #tpu.memory_space<vmem>>
    tpu.enqueue_dma source(%dma_start3A_272 : memref<8x8x128xf32, #tpu.memory_space<vmem>>) target(%dma_start3A_268 : memref<8x8x128xf32, #tpu.memory_space<hbm>>) target_semaphore(%arg12 : memref<!tpu.dma_semaphore, #tpu.memory_space<semaphore_mem>>)
    %dma_wait3A_273 = arith.constant 0 : i32
    %dma_wait3A_274 = arith.constant 0 : i32
    %dma_wait3A_275 = tpu.memref_slice %arg5[%dma_wait3A_273, %dma_wait3A_274] : memref<200x128xi32, #tpu.memory_space<vmem>> -> memref<1x128xi32, #tpu.memory_space<vmem>>
    %dma_wait3A_276 = tpu.memref_squeeze %dma_wait3A_275 : memref<1x128xi32, #tpu.memory_space<vmem>> -> memref<128xi32, #tpu.memory_space<vmem>>
    %dma_wait3A_277 = arith.constant 0 : i32
    %dma_wait3A_278 = arith.constant 0 : i32
    %dma_wait3A_279 = tpu.memref_slice %arg3[%dma_wait3A_277, %dma_wait3A_278] : memref<50257x64xf32, #tpu.memory_space<hbm>> -> memref<50257x64xf32, #tpu.memory_space<hbm>>
    tpu.wait_indirect_dma semaphore(%arg11 : memref<!tpu.dma_semaphore, #tpu.memory_space<semaphore_mem>>) src(%dma_wait3A_279 : memref<50257x64xf32, #tpu.memory_space<hbm>>) dst(%arg7 : memref<128x64xf32, #tpu.memory_space<vmem>>)
    %dma_start3A_280 = arith.constant 2 : i32
    %dma_start3A_281 = arith.constant 0 : i32
    %dma_start3A_282 = tpu.memref_slice %arg5[%dma_start3A_280, %dma_start3A_281] : memref<200x128xi32, #tpu.memory_space<vmem>> -> memref<1x128xi32, #tpu.memory_space<vmem>>
    %dma_start3A_283 = tpu.memref_squeeze %dma_start3A_282 : memref<1x128xi32, #tpu.memory_space<vmem>> -> memref<128xi32, #tpu.memory_space<vmem>>
    %dma_start3A_284 = arith.constant 0 : i32
    %dma_start3A_285 = arith.constant 0 : i32
    %dma_start3A_286 = tpu.memref_slice %arg3[%dma_start3A_284, %dma_start3A_285] : memref<50257x64xf32, #tpu.memory_space<hbm>> -> memref<50257x64xf32, #tpu.memory_space<hbm>>
    tpu.enqueue_indirect_dma source(%dma_start3A_286 : memref<50257x64xf32, #tpu.memory_space<hbm>>) target(%arg6 : memref<128x64xf32, #tpu.memory_space<vmem>>) offsets(%dma_start3A_283 : memref<128xi32, #tpu.memory_space<vmem>>) semaphore(%arg10 : memref<!tpu.dma_semaphore, #tpu.memory_space<semaphore_mem>>)
    %scan3A_287 = arith.constant 0 : i32
    %scan3A_288 = arith.constant 0 : i32
    %scan3A_289 = arith.constant 8 : i32
    %scan3A_290 = arith.addi %scan3A_288, %scan3A_289 : i32
    %scan3A_291 = arith.constant 1 : i32
    %scan3A_292 = scf.for %scan3A_358 = %scan3A_288 to %scan3A_290 step %scan3A_291 iter_args(%scan3A_359 = %scan3A_287) -> (i32)  : i32 {
      %mul3A_360 = arith.constant 16 : i32
      %mul3A_361 = arith.muli %scan3A_358, %mul3A_360 : i32
      %add3A_362 = arith.constant 0 : i32
      %add3A_363 = arith.addi %mul3A_361, %add3A_362 : i32
      %broadcast_in_dim3A = vector.broadcast %add3A_363 : i32 to vector<16xi32>
      %get3A = arith.index_cast %add3A_363 : i32 to index
      %get3A_364 = arith.constant 0 : index
      %get3A_365 = tpu.vector_load %arg7[%get3A, %get3A_364] {strides = array<i32>} : memref<128x64xf32, #tpu.memory_space<vmem>>, vector<16xf32>,
      tpu.vector_store_idx %arg9[%select_n3A, %select_n3A_153, %broadcast_in_dim3A], %get3A_365 : memref<8x8x129xf32, #tpu.memory_space<vmem>>[vector<16xi32>, vector<16xi32>, vector<16xi32>], vector<16xf32>,
      %get3A_366 = arith.index_cast %add3A_363 : i32 to index
      %get3A_367 = arith.constant 16 : index
      %get3A_368 = tpu.vector_load %arg7[%get3A_366, %get3A_367] {strides = array<i32>} : memref<128x64xf32, #tpu.memory_space<vmem>>, vector<16xf32>,
      tpu.vector_store_idx %arg9[%select_n3A_62, %select_n3A_178, %broadcast_in_dim3A], %get3A_368 : memref<8x8x129xf32, #tpu.memory_space<vmem>>[vector<16xi32>, vector<16xi32>, vector<16xi32>], vector<16xf32>,
      %get3A_369 = arith.index_cast %add3A_363 : i32 to index
      %get3A_370 = arith.constant 32 : index
      %get3A_371 = tpu.vector_load %arg7[%get3A_369, %get3A_370] {strides = array<i32>} : memref<128x64xf32, #tpu.memory_space<vmem>>, vector<16xf32>,
      tpu.vector_store_idx %arg9[%select_n3A_96, %select_n3A_203, %broadcast_in_dim3A], %get3A_371 : memref<8x8x129xf32, #tpu.memory_space<vmem>>[vector<16xi32>, vector<16xi32>, vector<16xi32>], vector<16xf32>,
      %get3A_372 = arith.index_cast %add3A_363 : i32 to index
      %get3A_373 = arith.constant 48 : index
      %get3A_374 = tpu.vector_load %arg7[%get3A_372, %get3A_373] {strides = array<i32>} : memref<128x64xf32, #tpu.memory_space<vmem>>, vector<16xf32>,
      tpu.vector_store_idx %arg9[%select_n3A_130, %select_n3A_228, %broadcast_in_dim3A], %get3A_374 : memref<8x8x129xf32, #tpu.memory_space<vmem>>[vector<16xi32>, vector<16xi32>, vector<16xi32>], vector<16xf32>,
      %mul3A_375 = arith.constant 16 : i32
      %mul3A_376 = arith.muli %scan3A_358, %mul3A_375 : i32
      %add3A_377 = arith.constant 1 : i32
      %add3A_378 = arith.addi %mul3A_376, %add3A_377 : i32
      %broadcast_in_dim3A_379 = vector.broadcast %add3A_378 : i32 to vector<16xi32>
      %get3A_380 = arith.index_cast %add3A_378 : i32 to index
      %get3A_381 = arith.constant 0 : index
      %get3A_382 = tpu.vector_load %arg7[%get3A_380, %get3A_381] {strides = array<i32>} : memref<128x64xf32, #tpu.memory_space<vmem>>, vector<16xf32>,
      tpu.vector_store_idx %arg9[%select_n3A, %select_n3A_153, %broadcast_in_dim3A_379], %get3A_382 : memref<8x8x129xf32, #tpu.memory_space<vmem>>[vector<16xi32>, vector<16xi32>, vector<16xi32>], vector<16xf32>,
      %get3A_383 = arith.index_cast %add3A_378 : i32 to index
      %get3A_384 = arith.constant 16 : index
      %get3A_385 = tpu.vector_load %arg7[%get3A_383, %get3A_384] {strides = array<i32>} : memref<128x64xf32, #tpu.memory_space<vmem>>, vector<16xf32>,
      tpu.vector_store_idx %arg9[%select_n3A_62, %select_n3A_178, %broadcast_in_dim3A_379], %get3A_385 : memref<8x8x129xf32, #tpu.memory_space<vmem>>[vector<16xi32>, vector<16xi32>, vector<16xi32>], vector<16xf32>,
      %get3A_386 = arith.index_cast %add3A_378 : i32 to index
      %get3A_387 = arith.constant 32 : index
      %get3A_388 = tpu.vector_load %arg7[%get3A_386, %get3A_387] {strides = array<i32>} : memref<128x64xf32, #tpu.memory_space<vmem>>, vector<16xf32>,
      tpu.vector_store_idx %arg9[%select_n3A_96, %select_n3A_203, %broadcast_in_dim3A_379], %get3A_388 : memref<8x8x129xf32, #tpu.memory_space<vmem>>[vector<16xi32>, vector<16xi32>, vector<16xi32>], vector<16xf32>,
      %get3A_389 = arith.index_cast %add3A_378 : i32 to index
      %get3A_390 = arith.constant 48 : index
      %get3A_391 = tpu.vector_load %arg7[%get3A_389, %get3A_390] {strides = array<i32>} : memref<128x64xf32, #tpu.memory_space<vmem>>, vector<16xf32>,
      tpu.vector_store_idx %arg9[%select_n3A_130, %select_n3A_228, %broadcast_in_dim3A_379], %get3A_391 : memref<8x8x129xf32, #tpu.memory_space<vmem>>[vector<16xi32>, vector<16xi32>, vector<16xi32>], vector<16xf32>,
      %mul3A_392 = arith.constant 16 : i32
      %mul3A_393 = arith.muli %scan3A_358, %mul3A_392 : i32
      %add3A_394 = arith.constant 2 : i32
      %add3A_395 = arith.addi %mul3A_393, %add3A_394 : i32
      %broadcast_in_dim3A_396 = vector.broadcast %add3A_395 : i32 to vector<16xi32>
      %get3A_397 = arith.index_cast %add3A_395 : i32 to index
      %get3A_398 = arith.constant 0 : index
      %get3A_399 = tpu.vector_load %arg7[%get3A_397, %get3A_398] {strides = array<i32>} : memref<128x64xf32, #tpu.memory_space<vmem>>, vector<16xf32>,
      tpu.vector_store_idx %arg9[%select_n3A, %select_n3A_153, %broadcast_in_dim3A_396], %get3A_399 : memref<8x8x129xf32, #tpu.memory_space<vmem>>[vector<16xi32>, vector<16xi32>, vector<16xi32>], vector<16xf32>,
      %get3A_400 = arith.index_cast %add3A_395 : i32 to index
      %get3A_401 = arith.constant 16 : index
      %get3A_402 = tpu.vector_load %arg7[%get3A_400, %get3A_401] {strides = array<i32>} : memref<128x64xf32, #tpu.memory_space<vmem>>, vector<16xf32>,
      tpu.vector_store_idx %arg9[%select_n3A_62, %select_n3A_178, %broadcast_in_dim3A_396], %get3A_402 : memref<8x8x129xf32, #tpu.memory_space<vmem>>[vector<16xi32>, vector<16xi32>, vector<16xi32>], vector<16xf32>,
      %get3A_403 = arith.index_cast %add3A_395 : i32 to index
      %get3A_404 = arith.constant 32 : index
      %get3A_405 = tpu.vector_load %arg7[%get3A_403, %get3A_404] {strides = array<i32>} : memref<128x64xf32, #tpu.memory_space<vmem>>, vector<16xf32>,
      tpu.vector_store_idx %arg9[%select_n3A_96, %select_n3A_203, %broadcast_in_dim3A_396], %get3A_405 : memref<8x8x129xf32, #tpu.memory_space<vmem>>[vector<16xi32>, vector<16xi32>, vector<16xi32>], vector<16xf32>,
      %get3A_406 = arith.index_cast %add3A_395 : i32 to index
      %get3A_407 = arith.constant 48 : index
      %get3A_408 = tpu.vector_load %arg7[%get3A_406, %get3A_407] {strides = array<i32>} : memref<128x64xf32, #tpu.memory_space<vmem>>, vector<16xf32>,
      tpu.vector_store_idx %arg9[%select_n3A_130, %select_n3A_228, %broadcast_in_dim3A_396], %get3A_408 : memref<8x8x129xf32, #tpu.memory_space<vmem>>[vector<16xi32>, vector<16xi32>, vector<16xi32>], vector<16xf32>,
      %mul3A_409 = arith.constant 16 : i32
      %mul3A_410 = arith.muli %scan3A_358, %mul3A_409 : i32
      %add3A_411 = arith.constant 3 : i32
      %add3A_412 = arith.addi %mul3A_410, %add3A_411 : i32
      %broadcast_in_dim3A_413 = vector.broadcast %add3A_412 : i32 to vector<16xi32>
      %get3A_414 = arith.index_cast %add3A_412 : i32 to index
      %get3A_415 = arith.constant 0 : index
      %get3A_416 = tpu.vector_load %arg7[%get3A_414, %get3A_415] {strides = array<i32>} : memref<128x64xf32, #tpu.memory_space<vmem>>, vector<16xf32>,
      tpu.vector_store_idx %arg9[%select_n3A, %select_n3A_153, %broadcast_in_dim3A_413], %get3A_416 : memref<8x8x129xf32, #tpu.memory_space<vmem>>[vector<16xi32>, vector<16xi32>, vector<16xi32>], vector<16xf32>,
      %get3A_417 = arith.index_cast %add3A_412 : i32 to index
      %get3A_418 = arith.constant 16 : index
      %get3A_419 = tpu.vector_load %arg7[%get3A_417, %get3A_418] {strides = array<i32>} : memref<128x64xf32, #tpu.memory_space<vmem>>, vector<16xf32>,
      tpu.vector_store_idx %arg9[%select_n3A_62, %select_n3A_178, %broadcast_in_dim3A_413], %get3A_419 : memref<8x8x129xf32, #tpu.memory_space<vmem>>[vector<16xi32>, vector<16xi32>, vector<16xi32>], vector<16xf32>,
      %get3A_420 = arith.index_cast %add3A_412 : i32 to index
      %get3A_421 = arith.constant 32 : index
      %get3A_422 = tpu.vector_load %arg7[%get3A_420, %get3A_421] {strides = array<i32>} : memref<128x64xf32, #tpu.memory_space<vmem>>, vector<16xf32>,
      tpu.vector_store_idx %arg9[%select_n3A_96, %select_n3A_203, %broadcast_in_dim3A_413], %get3A_422 : memref<8x8x129xf32, #tpu.memory_space<vmem>>[vector<16xi32>, vector<16xi32>, vector<16xi32>], vector<16xf32>,
      %get3A_423 = arith.index_cast %add3A_412 : i32 to index
      %get3A_424 = arith.constant 48 : index
      %get3A_425 = tpu.vector_load %arg7[%get3A_423, %get3A_424] {strides = array<i32>} : memref<128x64xf32, #tpu.memory_space<vmem>>, vector<16xf32>,
      tpu.vector_store_idx %arg9[%select_n3A_130, %select_n3A_228, %broadcast_in_dim3A_413], %get3A_425 : memref<8x8x129xf32, #tpu.memory_space<vmem>>[vector<16xi32>, vector<16xi32>, vector<16xi32>], vector<16xf32>,
      %mul3A_426 = arith.constant 16 : i32
      %mul3A_427 = arith.muli %scan3A_358, %mul3A_426 : i32
      %add3A_428 = arith.constant 4 : i32
      %add3A_429 = arith.addi %mul3A_427, %add3A_428 : i32
      %broadcast_in_dim3A_430 = vector.broadcast %add3A_429 : i32 to vector<16xi32>
      %get3A_431 = arith.index_cast %add3A_429 : i32 to index
      %get3A_432 = arith.constant 0 : index
      %get3A_433 = tpu.vector_load %arg7[%get3A_431, %get3A_432] {strides = array<i32>} : memref<128x64xf32, #tpu.memory_space<vmem>>, vector<16xf32>,
      tpu.vector_store_idx %arg9[%select_n3A, %select_n3A_153, %broadcast_in_dim3A_430], %get3A_433 : memref<8x8x129xf32, #tpu.memory_space<vmem>>[vector<16xi32>, vector<16xi32>, vector<16xi32>], vector<16xf32>,
      %get3A_434 = arith.index_cast %add3A_429 : i32 to index
      %get3A_435 = arith.constant 16 : index
      %get3A_436 = tpu.vector_load %arg7[%get3A_434, %get3A_435] {strides = array<i32>} : memref<128x64xf32, #tpu.memory_space<vmem>>, vector<16xf32>,
      tpu.vector_store_idx %arg9[%select_n3A_62, %select_n3A_178, %broadcast_in_dim3A_430], %get3A_436 : memref<8x8x129xf32, #tpu.memory_space<vmem>>[vector<16xi32>, vector<16xi32>, vector<16xi32>], vector<16xf32>,
      %get3A_437 = arith.index_cast %add3A_429 : i32 to index
      %get3A_438 = arith.constant 32 : index
      %get3A_439 = tpu.vector_load %arg7[%get3A_437, %get3A_438] {strides = array<i32>} : memref<128x64xf32, #tpu.memory_space<vmem>>, vector<16xf32>,
      tpu.vector_store_idx %arg9[%select_n3A_96, %select_n3A_203, %broadcast_in_dim3A_430], %get3A_439 : memref<8x8x129xf32, #tpu.memory_space<vmem>>[vector<16xi32>, vector<16xi32>, vector<16xi32>], vector<16xf32>,
      %get3A_440 = arith.index_cast %add3A_429 : i32 to index
      %get3A_441 = arith.constant 48 : index
      %get3A_442 = tpu.vector_load %arg7[%get3A_440, %get3A_441] {strides = array<i32>} : memref<128x64xf32, #tpu.memory_space<vmem>>, vector<16xf32>,
      tpu.vector_store_idx %arg9[%select_n3A_130, %select_n3A_228, %broadcast_in_dim3A_430], %get3A_442 : memref<8x8x129xf32, #tpu.memory_space<vmem>>[vector<16xi32>, vector<16xi32>, vector<16xi32>], vector<16xf32>,
      %mul3A_443 = arith.constant 16 : i32
      %mul3A_444 = arith.muli %scan3A_358, %mul3A_443 : i32
      %add3A_445 = arith.constant 5 : i32
      %add3A_446 = arith.addi %mul3A_444, %add3A_445 : i32
      %broadcast_in_dim3A_447 = vector.broadcast %add3A_446 : i32 to vector<16xi32>
      %get3A_448 = arith.index_cast %add3A_446 : i32 to index
      %get3A_449 = arith.constant 0 : index
      %get3A_450 = tpu.vector_load %arg7[%get3A_448, %get3A_449] {strides = array<i32>} : memref<128x64xf32, #tpu.memory_space<vmem>>, vector<16xf32>,
      tpu.vector_store_idx %arg9[%select_n3A, %select_n3A_153, %broadcast_in_dim3A_447], %get3A_450 : memref<8x8x129xf32, #tpu.memory_space<vmem>>[vector<16xi32>, vector<16xi32>, vector<16xi32>], vector<16xf32>,
      %get3A_451 = arith.index_cast %add3A_446 : i32 to index
      %get3A_452 = arith.constant 16 : index
      %get3A_453 = tpu.vector_load %arg7[%get3A_451, %get3A_452] {strides = array<i32>} : memref<128x64xf32, #tpu.memory_space<vmem>>, vector<16xf32>,
      tpu.vector_store_idx %arg9[%select_n3A_62, %select_n3A_178, %broadcast_in_dim3A_447], %get3A_453 : memref<8x8x129xf32, #tpu.memory_space<vmem>>[vector<16xi32>, vector<16xi32>, vector<16xi32>], vector<16xf32>,
      %get3A_454 = arith.index_cast %add3A_446 : i32 to index
      %get3A_455 = arith.constant 32 : index
      %get3A_456 = tpu.vector_load %arg7[%get3A_454, %get3A_455] {strides = array<i32>} : memref<128x64xf32, #tpu.memory_space<vmem>>, vector<16xf32>,
      tpu.vector_store_idx %arg9[%select_n3A_96, %select_n3A_203, %broadcast_in_dim3A_447], %get3A_456 : memref<8x8x129xf32, #tpu.memory_space<vmem>>[vector<16xi32>, vector<16xi32>, vector<16xi32>], vector<16xf32>,
      %get3A_457 = arith.index_cast %add3A_446 : i32 to index
      %get3A_458 = arith.constant 48 : index
      %get3A_459 = tpu.vector_load %arg7[%get3A_457, %get3A_458] {strides = array<i32>} : memref<128x64xf32, #tpu.memory_space<vmem>>, vector<16xf32>,
      tpu.vector_store_idx %arg9[%select_n3A_130, %select_n3A_228, %broadcast_in_dim3A_447], %get3A_459 : memref<8x8x129xf32, #tpu.memory_space<vmem>>[vector<16xi32>, vector<16xi32>, vector<16xi32>], vector<16xf32>,
      %mul3A_460 = arith.constant 16 : i32
      %mul3A_461 = arith.muli %scan3A_358, %mul3A_460 : i32
      %add3A_462 = arith.constant 6 : i32
      %add3A_463 = arith.addi %mul3A_461, %add3A_462 : i32
      %broadcast_in_dim3A_464 = vector.broadcast %add3A_463 : i32 to vector<16xi32>
      %get3A_465 = arith.index_cast %add3A_463 : i32 to index
      %get3A_466 = arith.constant 0 : index
      %get3A_467 = tpu.vector_load %arg7[%get3A_465, %get3A_466] {strides = array<i32>} : memref<128x64xf32, #tpu.memory_space<vmem>>, vector<16xf32>,
      tpu.vector_store_idx %arg9[%select_n3A, %select_n3A_153, %broadcast_in_dim3A_464], %get3A_467 : memref<8x8x129xf32, #tpu.memory_space<vmem>>[vector<16xi32>, vector<16xi32>, vector<16xi32>], vector<16xf32>,
      %get3A_468 = arith.index_cast %add3A_463 : i32 to index
      %get3A_469 = arith.constant 16 : index
      %get3A_470 = tpu.vector_load %arg7[%get3A_468, %get3A_469] {strides = array<i32>} : memref<128x64xf32, #tpu.memory_space<vmem>>, vector<16xf32>,
      tpu.vector_store_idx %arg9[%select_n3A_62, %select_n3A_178, %broadcast_in_dim3A_464], %get3A_470 : memref<8x8x129xf32, #tpu.memory_space<vmem>>[vector<16xi32>, vector<16xi32>, vector<16xi32>], vector<16xf32>,
      %get3A_471 = arith.index_cast %add3A_463 : i32 to index
      %get3A_472 = arith.constant 32 : index
      %get3A_473 = tpu.vector_load %arg7[%get3A_471, %get3A_472] {strides = array<i32>} : memref<128x64xf32, #tpu.memory_space<vmem>>, vector<16xf32>,
      tpu.vector_store_idx %arg9[%select_n3A_96, %select_n3A_203, %broadcast_in_dim3A_464], %get3A_473 : memref<8x8x129xf32, #tpu.memory_space<vmem>>[vector<16xi32>, vector<16xi32>, vector<16xi32>], vector<16xf32>,
      %get3A_474 = arith.index_cast %add3A_463 : i32 to index
      %get3A_475 = arith.constant 48 : index
      %get3A_476 = tpu.vector_load %arg7[%get3A_474, %get3A_475] {strides = array<i32>} : memref<128x64xf32, #tpu.memory_space<vmem>>, vector<16xf32>,
      tpu.vector_store_idx %arg9[%select_n3A_130, %select_n3A_228, %broadcast_in_dim3A_464], %get3A_476 : memref<8x8x129xf32, #tpu.memory_space<vmem>>[vector<16xi32>, vector<16xi32>, vector<16xi32>], vector<16xf32>,
      %mul3A_477 = arith.constant 16 : i32
      %mul3A_478 = arith.muli %scan3A_358, %mul3A_477 : i32
      %add3A_479 = arith.constant 7 : i32
      %add3A_480 = arith.addi %mul3A_478, %add3A_479 : i32
      %broadcast_in_dim3A_481 = vector.broadcast %add3A_480 : i32 to vector<16xi32>
      %get3A_482 = arith.index_cast %add3A_480 : i32 to index
      %get3A_483 = arith.constant 0 : index
      %get3A_484 = tpu.vector_load %arg7[%get3A_482, %get3A_483] {strides = array<i32>} : memref<128x64xf32, #tpu.memory_space<vmem>>, vector<16xf32>,
      tpu.vector_store_idx %arg9[%select_n3A, %select_n3A_153, %broadcast_in_dim3A_481], %get3A_484 : memref<8x8x129xf32, #tpu.memory_space<vmem>>[vector<16xi32>, vector<16xi32>, vector<16xi32>], vector<16xf32>,
      %get3A_485 = arith.index_cast %add3A_480 : i32 to index
      %get3A_486 = arith.constant 16 : index
      %get3A_487 = tpu.vector_load %arg7[%get3A_485, %get3A_486] {strides = array<i32>} : memref<128x64xf32, #tpu.memory_space<vmem>>, vector<16xf32>,
      tpu.vector_store_idx %arg9[%select_n3A_62, %select_n3A_178, %broadcast_in_dim3A_481], %get3A_487 : memref<8x8x129xf32, #tpu.memory_space<vmem>>[vector<16xi32>, vector<16xi32>, vector<16xi32>], vector<16xf32>,
      %get3A_488 = arith.index_cast %add3A_480 : i32 to index
      %get3A_489 = arith.constant 32 : index
      %get3A_490 = tpu.vector_load %arg7[%get3A_488, %get3A_489] {strides = array<i32>} : memref<128x64xf32, #tpu.memory_space<vmem>>, vector<16xf32>,
      tpu.vector_store_idx %arg9[%select_n3A_96, %select_n3A_203, %broadcast_in_dim3A_481], %get3A_490 : memref<8x8x129xf32, #tpu.memory_space<vmem>>[vector<16xi32>, vector<16xi32>, vector<16xi32>], vector<16xf32>,
      %get3A_491 = arith.index_cast %add3A_480 : i32 to index
      %get3A_492 = arith.constant 48 : index
      %get3A_493 = tpu.vector_load %arg7[%get3A_491, %get3A_492] {strides = array<i32>} : memref<128x64xf32, #tpu.memory_space<vmem>>, vector<16xf32>,
      tpu.vector_store_idx %arg9[%select_n3A_130, %select_n3A_228, %broadcast_in_dim3A_481], %get3A_493 : memref<8x8x129xf32, #tpu.memory_space<vmem>>[vector<16xi32>, vector<16xi32>, vector<16xi32>], vector<16xf32>,
      %mul3A_494 = arith.constant 16 : i32
      %mul3A_495 = arith.muli %scan3A_358, %mul3A_494 : i32
      %add3A_496 = arith.constant 8 : i32
      %add3A_497 = arith.addi %mul3A_495, %add3A_496 : i32
      %broadcast_in_dim3A_498 = vector.broadcast %add3A_497 : i32 to vector<16xi32>
      %get3A_499 = arith.index_cast %add3A_497 : i32 to index
      %get3A_500 = arith.constant 0 : index
      %get3A_501 = tpu.vector_load %arg7[%get3A_499, %get3A_500] {strides = array<i32>} : memref<128x64xf32, #tpu.memory_space<vmem>>, vector<16xf32>,
      tpu.vector_store_idx %arg9[%select_n3A, %select_n3A_153, %broadcast_in_dim3A_498], %get3A_501 : memref<8x8x129xf32, #tpu.memory_space<vmem>>[vector<16xi32>, vector<16xi32>, vector<16xi32>], vector<16xf32>,
      %get3A_502 = arith.index_cast %add3A_497 : i32 to index
      %get3A_503 = arith.constant 16 : index
      %get3A_504 = tpu.vector_load %arg7[%get3A_502, %get3A_503] {strides = array<i32>} : memref<128x64xf32, #tpu.memory_space<vmem>>, vector<16xf32>,
      tpu.vector_store_idx %arg9[%select_n3A_62, %select_n3A_178, %broadcast_in_dim3A_498], %get3A_504 : memref<8x8x129xf32, #tpu.memory_space<vmem>>[vector<16xi32>, vector<16xi32>, vector<16xi32>], vector<16xf32>,
      %get3A_505 = arith.index_cast %add3A_497 : i32 to index
      %get3A_506 = arith.constant 32 : index
      %get3A_507 = tpu.vector_load %arg7[%get3A_505, %get3A_506] {strides = array<i32>} : memref<128x64xf32, #tpu.memory_space<vmem>>, vector<16xf32>,
      tpu.vector_store_idx %arg9[%select_n3A_96, %select_n3A_203, %broadcast_in_dim3A_498], %get3A_507 : memref<8x8x129xf32, #tpu.memory_space<vmem>>[vector<16xi32>, vector<16xi32>, vector<16xi32>], vector<16xf32>,
      %get3A_508 = arith.index_cast %add3A_497 : i32 to index
      %get3A_509 = arith.constant 48 : index
      %get3A_510 = tpu.vector_load %arg7[%get3A_508, %get3A_509] {strides = array<i32>} : memref<128x64xf32, #tpu.memory_space<vmem>>, vector<16xf32>,
      tpu.vector_store_idx %arg9[%select_n3A_130, %select_n3A_228, %broadcast_in_dim3A_498], %get3A_510 : memref<8x8x129xf32, #tpu.memory_space<vmem>>[vector<16xi32>, vector<16xi32>, vector<16xi32>], vector<16xf32>,
      %mul3A_511 = arith.constant 16 : i32
      %mul3A_512 = arith.muli %scan3A_358, %mul3A_511 : i32
      %add3A_513 = arith.constant 9 : i32
      %add3A_514 = arith.addi %mul3A_512, %add3A_513 : i32
      %broadcast_in_dim3A_515 = vector.broadcast %add3A_514 : i32 to vector<16xi32>
      %get3A_516 = arith.index_cast %add3A_514 : i32 to index
      %get3A_517 = arith.constant 0 : index
      %get3A_518 = tpu.vector_load %arg7[%get3A_516, %get3A_517] {strides = array<i32>} : memref<128x64xf32, #tpu.memory_space<vmem>>, vector<16xf32>,
      tpu.vector_store_idx %arg9[%select_n3A, %select_n3A_153, %broadcast_in_dim3A_515], %get3A_518 : memref<8x8x129xf32, #tpu.memory_space<vmem>>[vector<16xi32>, vector<16xi32>, vector<16xi32>], vector<16xf32>,
      %get3A_519 = arith.index_cast %add3A_514 : i32 to index
      %get3A_520 = arith.constant 16 : index
      %get3A_521 = tpu.vector_load %arg7[%get3A_519, %get3A_520] {strides = array<i32>} : memref<128x64xf32, #tpu.memory_space<vmem>>, vector<16xf32>,
      tpu.vector_store_idx %arg9[%select_n3A_62, %select_n3A_178, %broadcast_in_dim3A_515], %get3A_521 : memref<8x8x129xf32, #tpu.memory_space<vmem>>[vector<16xi32>, vector<16xi32>, vector<16xi32>], vector<16xf32>,
      %get3A_522 = arith.index_cast %add3A_514 : i32 to index
      %get3A_523 = arith.constant 32 : index
      %get3A_524 = tpu.vector_load %arg7[%get3A_522, %get3A_523] {strides = array<i32>} : memref<128x64xf32, #tpu.memory_space<vmem>>, vector<16xf32>,
      tpu.vector_store_idx %arg9[%select_n3A_96, %select_n3A_203, %broadcast_in_dim3A_515], %get3A_524 : memref<8x8x129xf32, #tpu.memory_space<vmem>>[vector<16xi32>, vector<16xi32>, vector<16xi32>], vector<16xf32>,
      %get3A_525 = arith.index_cast %add3A_514 : i32 to index
      %get3A_526 = arith.constant 48 : index
      %get3A_527 = tpu.vector_load %arg7[%get3A_525, %get3A_526] {strides = array<i32>} : memref<128x64xf32, #tpu.memory_space<vmem>>, vector<16xf32>,
      tpu.vector_store_idx %arg9[%select_n3A_130, %select_n3A_228, %broadcast_in_dim3A_515], %get3A_527 : memref<8x8x129xf32, #tpu.memory_space<vmem>>[vector<16xi32>, vector<16xi32>, vector<16xi32>], vector<16xf32>,
      %mul3A_528 = arith.constant 16 : i32
      %mul3A_529 = arith.muli %scan3A_358, %mul3A_528 : i32
      %add3A_530 = arith.constant 10 : i32
      %add3A_531 = arith.addi %mul3A_529, %add3A_530 : i32
      %broadcast_in_dim3A_532 = vector.broadcast %add3A_531 : i32 to vector<16xi32>
      %get3A_533 = arith.index_cast %add3A_531 : i32 to index
      %get3A_534 = arith.constant 0 : index
      %get3A_535 = tpu.vector_load %arg7[%get3A_533, %get3A_534] {strides = array<i32>} : memref<128x64xf32, #tpu.memory_space<vmem>>, vector<16xf32>,
      tpu.vector_store_idx %arg9[%select_n3A, %select_n3A_153, %broadcast_in_dim3A_532], %get3A_535 : memref<8x8x129xf32, #tpu.memory_space<vmem>>[vector<16xi32>, vector<16xi32>, vector<16xi32>], vector<16xf32>,
      %get3A_536 = arith.index_cast %add3A_531 : i32 to index
      %get3A_537 = arith.constant 16 : index
      %get3A_538 = tpu.vector_load %arg7[%get3A_536, %get3A_537] {strides = array<i32>} : memref<128x64xf32, #tpu.memory_space<vmem>>, vector<16xf32>,
      tpu.vector_store_idx %arg9[%select_n3A_62, %select_n3A_178, %broadcast_in_dim3A_532], %get3A_538 : memref<8x8x129xf32, #tpu.memory_space<vmem>>[vector<16xi32>, vector<16xi32>, vector<16xi32>], vector<16xf32>,
      %get3A_539 = arith.index_cast %add3A_531 : i32 to index
      %get3A_540 = arith.constant 32 : index
      %get3A_541 = tpu.vector_load %arg7[%get3A_539, %get3A_540] {strides = array<i32>} : memref<128x64xf32, #tpu.memory_space<vmem>>, vector<16xf32>,
      tpu.vector_store_idx %arg9[%select_n3A_96, %select_n3A_203, %broadcast_in_dim3A_532], %get3A_541 : memref<8x8x129xf32, #tpu.memory_space<vmem>>[vector<16xi32>, vector<16xi32>, vector<16xi32>], vector<16xf32>,
      %get3A_542 = arith.index_cast %add3A_531 : i32 to index
      %get3A_543 = arith.constant 48 : index
      %get3A_544 = tpu.vector_load %arg7[%get3A_542, %get3A_543] {strides = array<i32>} : memref<128x64xf32, #tpu.memory_space<vmem>>, vector<16xf32>,
      tpu.vector_store_idx %arg9[%select_n3A_130, %select_n3A_228, %broadcast_in_dim3A_532], %get3A_544 : memref<8x8x129xf32, #tpu.memory_space<vmem>>[vector<16xi32>, vector<16xi32>, vector<16xi32>], vector<16xf32>,
      %mul3A_545 = arith.constant 16 : i32
      %mul3A_546 = arith.muli %scan3A_358, %mul3A_545 : i32
      %add3A_547 = arith.constant 11 : i32
      %add3A_548 = arith.addi %mul3A_546, %add3A_547 : i32
      %broadcast_in_dim3A_549 = vector.broadcast %add3A_548 : i32 to vector<16xi32>
      %get3A_550 = arith.index_cast %add3A_548 : i32 to index
      %get3A_551 = arith.constant 0 : index
      %get3A_552 = tpu.vector_load %arg7[%get3A_550, %get3A_551] {strides = array<i32>} : memref<128x64xf32, #tpu.memory_space<vmem>>, vector<16xf32>,
      tpu.vector_store_idx %arg9[%select_n3A, %select_n3A_153, %broadcast_in_dim3A_549], %get3A_552 : memref<8x8x129xf32, #tpu.memory_space<vmem>>[vector<16xi32>, vector<16xi32>, vector<16xi32>], vector<16xf32>,
      %get3A_553 = arith.index_cast %add3A_548 : i32 to index
      %get3A_554 = arith.constant 16 : index
      %get3A_555 = tpu.vector_load %arg7[%get3A_553, %get3A_554] {strides = array<i32>} : memref<128x64xf32, #tpu.memory_space<vmem>>, vector<16xf32>,
      tpu.vector_store_idx %arg9[%select_n3A_62, %select_n3A_178, %broadcast_in_dim3A_549], %get3A_555 : memref<8x8x129xf32, #tpu.memory_space<vmem>>[vector<16xi32>, vector<16xi32>, vector<16xi32>], vector<16xf32>,
      %get3A_556 = arith.index_cast %add3A_548 : i32 to index
      %get3A_557 = arith.constant 32 : index
      %get3A_558 = tpu.vector_load %arg7[%get3A_556, %get3A_557] {strides = array<i32>} : memref<128x64xf32, #tpu.memory_space<vmem>>, vector<16xf32>,
      tpu.vector_store_idx %arg9[%select_n3A_96, %select_n3A_203, %broadcast_in_dim3A_549], %get3A_558 : memref<8x8x129xf32, #tpu.memory_space<vmem>>[vector<16xi32>, vector<16xi32>, vector<16xi32>], vector<16xf32>,
      %get3A_559 = arith.index_cast %add3A_548 : i32 to index
      %get3A_560 = arith.constant 48 : index
      %get3A_561 = tpu.vector_load %arg7[%get3A_559, %get3A_560] {strides = array<i32>} : memref<128x64xf32, #tpu.memory_space<vmem>>, vector<16xf32>,
      tpu.vector_store_idx %arg9[%select_n3A_130, %select_n3A_228, %broadcast_in_dim3A_549], %get3A_561 : memref<8x8x129xf32, #tpu.memory_space<vmem>>[vector<16xi32>, vector<16xi32>, vector<16xi32>], vector<16xf32>,
      %mul3A_562 = arith.constant 16 : i32
      %mul3A_563 = arith.muli %scan3A_358, %mul3A_562 : i32
      %add3A_564 = arith.constant 12 : i32
      %add3A_565 = arith.addi %mul3A_563, %add3A_564 : i32
      %broadcast_in_dim3A_566 = vector.broadcast %add3A_565 : i32 to vector<16xi32>
      %get3A_567 = arith.index_cast %add3A_565 : i32 to index
      %get3A_568 = arith.constant 0 : index
      %get3A_569 = tpu.vector_load %arg7[%get3A_567, %get3A_568] {strides = array<i32>} : memref<128x64xf32, #tpu.memory_space<vmem>>, vector<16xf32>,
      tpu.vector_store_idx %arg9[%select_n3A, %select_n3A_153, %broadcast_in_dim3A_566], %get3A_569 : memref<8x8x129xf32, #tpu.memory_space<vmem>>[vector<16xi32>, vector<16xi32>, vector<16xi32>], vector<16xf32>,
      %get3A_570 = arith.index_cast %add3A_565 : i32 to index
      %get3A_571 = arith.constant 16 : index
      %get3A_572 = tpu.vector_load %arg7[%get3A_570, %get3A_571] {strides = array<i32>} : memref<128x64xf32, #tpu.memory_space<vmem>>, vector<16xf32>,
      tpu.vector_store_idx %arg9[%select_n3A_62, %select_n3A_178, %broadcast_in_dim3A_566], %get3A_572 : memref<8x8x129xf32, #tpu.memory_space<vmem>>[vector<16xi32>, vector<16xi32>, vector<16xi32>], vector<16xf32>,
      %get3A_573 = arith.index_cast %add3A_565 : i32 to index
      %get3A_574 = arith.constant 32 : index
      %get3A_575 = tpu.vector_load %arg7[%get3A_573, %get3A_574] {strides = array<i32>} : memref<128x64xf32, #tpu.memory_space<vmem>>, vector<16xf32>,
      tpu.vector_store_idx %arg9[%select_n3A_96, %select_n3A_203, %broadcast_in_dim3A_566], %get3A_575 : memref<8x8x129xf32, #tpu.memory_space<vmem>>[vector<16xi32>, vector<16xi32>, vector<16xi32>], vector<16xf32>,
      %get3A_576 = arith.index_cast %add3A_565 : i32 to index
      %get3A_577 = arith.constant 48 : index
      %get3A_578 = tpu.vector_load %arg7[%get3A_576, %get3A_577] {strides = array<i32>} : memref<128x64xf32, #tpu.memory_space<vmem>>, vector<16xf32>,
      tpu.vector_store_idx %arg9[%select_n3A_130, %select_n3A_228, %broadcast_in_dim3A_566], %get3A_578 : memref<8x8x129xf32, #tpu.memory_space<vmem>>[vector<16xi32>, vector<16xi32>, vector<16xi32>], vector<16xf32>,
      %mul3A_579 = arith.constant 16 : i32
      %mul3A_580 = arith.muli %scan3A_358, %mul3A_579 : i32
      %add3A_581 = arith.constant 13 : i32
      %add3A_582 = arith.addi %mul3A_580, %add3A_581 : i32
      %broadcast_in_dim3A_583 = vector.broadcast %add3A_582 : i32 to vector<16xi32>
      %get3A_584 = arith.index_cast %add3A_582 : i32 to index
      %get3A_585 = arith.constant 0 : index
      %get3A_586 = tpu.vector_load %arg7[%get3A_584, %get3A_585] {strides = array<i32>} : memref<128x64xf32, #tpu.memory_space<vmem>>, vector<16xf32>,
      tpu.vector_store_idx %arg9[%select_n3A, %select_n3A_153, %broadcast_in_dim3A_583], %get3A_586 : memref<8x8x129xf32, #tpu.memory_space<vmem>>[vector<16xi32>, vector<16xi32>, vector<16xi32>], vector<16xf32>,
      %get3A_587 = arith.index_cast %add3A_582 : i32 to index
      %get3A_588 = arith.constant 16 : index
      %get3A_589 = tpu.vector_load %arg7[%get3A_587, %get3A_588] {strides = array<i32>} : memref<128x64xf32, #tpu.memory_space<vmem>>, vector<16xf32>,
      tpu.vector_store_idx %arg9[%select_n3A_62, %select_n3A_178, %broadcast_in_dim3A_583], %get3A_589 : memref<8x8x129xf32, #tpu.memory_space<vmem>>[vector<16xi32>, vector<16xi32>, vector<16xi32>], vector<16xf32>,
      %get3A_590 = arith.index_cast %add3A_582 : i32 to index
      %get3A_591 = arith.constant 32 : index
      %get3A_592 = tpu.vector_load %arg7[%get3A_590, %get3A_591] {strides = array<i32>} : memref<128x64xf32, #tpu.memory_space<vmem>>, vector<16xf32>,
      tpu.vector_store_idx %arg9[%select_n3A_96, %select_n3A_203, %broadcast_in_dim3A_583], %get3A_592 : memref<8x8x129xf32, #tpu.memory_space<vmem>>[vector<16xi32>, vector<16xi32>, vector<16xi32>], vector<16xf32>,
      %get3A_593 = arith.index_cast %add3A_582 : i32 to index
      %get3A_594 = arith.constant 48 : index
      %get3A_595 = tpu.vector_load %arg7[%get3A_593, %get3A_594] {strides = array<i32>} : memref<128x64xf32, #tpu.memory_space<vmem>>, vector<16xf32>,
      tpu.vector_store_idx %arg9[%select_n3A_130, %select_n3A_228, %broadcast_in_dim3A_583], %get3A_595 : memref<8x8x129xf32, #tpu.memory_space<vmem>>[vector<16xi32>, vector<16xi32>, vector<16xi32>], vector<16xf32>,
      %mul3A_596 = arith.constant 16 : i32
      %mul3A_597 = arith.muli %scan3A_358, %mul3A_596 : i32
      %add3A_598 = arith.constant 14 : i32
      %add3A_599 = arith.addi %mul3A_597, %add3A_598 : i32
      %broadcast_in_dim3A_600 = vector.broadcast %add3A_599 : i32 to vector<16xi32>
      %get3A_601 = arith.index_cast %add3A_599 : i32 to index
      %get3A_602 = arith.constant 0 : index
      %get3A_603 = tpu.vector_load %arg7[%get3A_601, %get3A_602] {strides = array<i32>} : memref<128x64xf32, #tpu.memory_space<vmem>>, vector<16xf32>,
      tpu.vector_store_idx %arg9[%select_n3A, %select_n3A_153, %broadcast_in_dim3A_600], %get3A_603 : memref<8x8x129xf32, #tpu.memory_space<vmem>>[vector<16xi32>, vector<16xi32>, vector<16xi32>], vector<16xf32>,
      %get3A_604 = arith.index_cast %add3A_599 : i32 to index
      %get3A_605 = arith.constant 16 : index
      %get3A_606 = tpu.vector_load %arg7[%get3A_604, %get3A_605] {strides = array<i32>} : memref<128x64xf32, #tpu.memory_space<vmem>>, vector<16xf32>,
      tpu.vector_store_idx %arg9[%select_n3A_62, %select_n3A_178, %broadcast_in_dim3A_600], %get3A_606 : memref<8x8x129xf32, #tpu.memory_space<vmem>>[vector<16xi32>, vector<16xi32>, vector<16xi32>], vector<16xf32>,
      %get3A_607 = arith.index_cast %add3A_599 : i32 to index
      %get3A_608 = arith.constant 32 : index
      %get3A_609 = tpu.vector_load %arg7[%get3A_607, %get3A_608] {strides = array<i32>} : memref<128x64xf32, #tpu.memory_space<vmem>>, vector<16xf32>,
      tpu.vector_store_idx %arg9[%select_n3A_96, %select_n3A_203, %broadcast_in_dim3A_600], %get3A_609 : memref<8x8x129xf32, #tpu.memory_space<vmem>>[vector<16xi32>, vector<16xi32>, vector<16xi32>], vector<16xf32>,
      %get3A_610 = arith.index_cast %add3A_599 : i32 to index
      %get3A_611 = arith.constant 48 : index
      %get3A_612 = tpu.vector_load %arg7[%get3A_610, %get3A_611] {strides = array<i32>} : memref<128x64xf32, #tpu.memory_space<vmem>>, vector<16xf32>,
      tpu.vector_store_idx %arg9[%select_n3A_130, %select_n3A_228, %broadcast_in_dim3A_600], %get3A_612 : memref<8x8x129xf32, #tpu.memory_space<vmem>>[vector<16xi32>, vector<16xi32>, vector<16xi32>], vector<16xf32>,
      %mul3A_613 = arith.constant 16 : i32
      %mul3A_614 = arith.muli %scan3A_358, %mul3A_613 : i32
      %add3A_615 = arith.constant 15 : i32
      %add3A_616 = arith.addi %mul3A_614, %add3A_615 : i32
      %broadcast_in_dim3A_617 = vector.broadcast %add3A_616 : i32 to vector<16xi32>
      %get3A_618 = arith.index_cast %add3A_616 : i32 to index
      %get3A_619 = arith.constant 0 : index
      %get3A_620 = tpu.vector_load %arg7[%get3A_618, %get3A_619] {strides = array<i32>} : memref<128x64xf32, #tpu.memory_space<vmem>>, vector<16xf32>,
      tpu.vector_store_idx %arg9[%select_n3A, %select_n3A_153, %broadcast_in_dim3A_617], %get3A_620 : memref<8x8x129xf32, #tpu.memory_space<vmem>>[vector<16xi32>, vector<16xi32>, vector<16xi32>], vector<16xf32>,
      %get3A_621 = arith.index_cast %add3A_616 : i32 to index
      %get3A_622 = arith.constant 16 : index
      %get3A_623 = tpu.vector_load %arg7[%get3A_621, %get3A_622] {strides = array<i32>} : memref<128x64xf32, #tpu.memory_space<vmem>>, vector<16xf32>,
      tpu.vector_store_idx %arg9[%select_n3A_62, %select_n3A_178, %broadcast_in_dim3A_617], %get3A_623 : memref<8x8x129xf32, #tpu.memory_space<vmem>>[vector<16xi32>, vector<16xi32>, vector<16xi32>], vector<16xf32>,
      %get3A_624 = arith.index_cast %add3A_616 : i32 to index
      %get3A_625 = arith.constant 32 : index
      %get3A_626 = tpu.vector_load %arg7[%get3A_624, %get3A_625] {strides = array<i32>} : memref<128x64xf32, #tpu.memory_space<vmem>>, vector<16xf32>,
      tpu.vector_store_idx %arg9[%select_n3A_96, %select_n3A_203, %broadcast_in_dim3A_617], %get3A_626 : memref<8x8x129xf32, #tpu.memory_space<vmem>>[vector<16xi32>, vector<16xi32>, vector<16xi32>], vector<16xf32>,
      %get3A_627 = arith.index_cast %add3A_616 : i32 to index
      %get3A_628 = arith.constant 48 : index
      %get3A_629 = tpu.vector_load %arg7[%get3A_627, %get3A_628] {strides = array<i32>} : memref<128x64xf32, #tpu.memory_space<vmem>>, vector<16xf32>,
      tpu.vector_store_idx %arg9[%select_n3A_130, %select_n3A_228, %broadcast_in_dim3A_617], %get3A_629 : memref<8x8x129xf32, #tpu.memory_space<vmem>>[vector<16xi32>, vector<16xi32>, vector<16xi32>], vector<16xf32>,
      %scan3A_630 = arith.constant 0 : i32
      scf.yield %scan3A_630 : i32
    }
    %scan3A_293 = arith.constant 8 : i32
    %dma_start3A_294 = arith.constant 1 : i32
    %dma_start3A_295 = arith.constant 0 : i32
    %dma_start3A_296 = arith.constant 0 : i32
    %dma_start3A_297 = arith.constant 0 : i32
    %dma_start3A_298 = tpu.memref_slice %arg9[%dma_start3A_295, %dma_start3A_296, %dma_start3A_297] : memref<8x8x129xf32, #tpu.memory_space<vmem>> -> memref<8x8x128xf32, #tpu.memory_space<vmem>>
    %dma_start3A_299 = arith.constant 0 : i32
    %dma_start3A_300 = arith.constant 0 : i32
    %dma_start3A_301 = arith.constant 0 : i32
    %dma_start3A_302 = tpu.memref_slice %arg4[%dma_start3A_294, %dma_start3A_299, %add3A, %dma_start3A_300, %dma_start3A_301] : memref<200x8x32x8x128xf32, #tpu.memory_space<hbm>> -> memref<1x8x1x8x128xf32, #tpu.memory_space<hbm>>
    %dma_start3A_303 = tpu.memref_squeeze %dma_start3A_302 : memref<1x8x1x8x128xf32, #tpu.memory_space<hbm>> -> memref<8x8x128xf32, #tpu.memory_space<hbm>>
    %dma_start3A_304 = arith.constant 0 : i32
    %dma_start3A_305 = arith.constant 0 : i32
    %dma_start3A_306 = arith.constant 0 : i32
    %dma_start3A_307 = tpu.memref_slice %arg4[%dma_start3A_294, %dma_start3A_304, %add3A, %dma_start3A_305, %dma_start3A_306] : memref<200x8x32x8x128xf32, #tpu.memory_space<hbm>> -> memref<1x8x1x8x128xf32, #tpu.memory_space<hbm>>
    %dma_start3A_308 = tpu.memref_squeeze %dma_start3A_307 : memref<1x8x1x8x128xf32, #tpu.memory_space<hbm>> -> memref<8x8x128xf32, #tpu.memory_space<hbm>>
    %dma_start3A_309 = arith.constant 0 : i32
    %dma_start3A_310 = arith.constant 0 : i32
    %dma_start3A_311 = arith.constant 0 : i32
    %dma_start3A_312 = tpu.memref_slice %arg9[%dma_start3A_309, %dma_start3A_310, %dma_start3A_311] : memref<8x8x129xf32, #tpu.memory_space<vmem>> -> memref<8x8x128xf32, #tpu.memory_space<vmem>>
    tpu.enqueue_dma source(%dma_start3A_312 : memref<8x8x128xf32, #tpu.memory_space<vmem>>) target(%dma_start3A_308 : memref<8x8x128xf32, #tpu.memory_space<hbm>>) target_semaphore(%arg13 : memref<!tpu.dma_semaphore, #tpu.memory_space<semaphore_mem>>)
    %scan3A_313 = arith.constant 0 : i32
    %scan3A_314 = arith.constant 1 : i32
    %scan3A_315 = arith.constant 99 : i32
    %scan3A_316 = arith.addi %scan3A_314, %scan3A_315 : i32
    %scan3A_317 = arith.constant 1 : i32
    %scan3A_318 = scf.for %scan3A_358 = %scan3A_314 to %scan3A_316 step %scan3A_317 iter_args(%scan3A_359 = %scan3A_313) -> (i32)  : i32 {
      %mul3A_360 = arith.constant 2 : i32
      %mul3A_361 = arith.muli %mul3A_360, %scan3A_358 : i32
      %dma_wait3A_362 = arith.constant 0 : i32
      %dma_wait3A_363 = arith.constant 0 : i32
      %dma_wait3A_364 = tpu.memref_slice %arg5[%dma_wait3A_362, %dma_wait3A_363] : memref<200x128xi32, #tpu.memory_space<vmem>> -> memref<1x128xi32, #tpu.memory_space<vmem>>
      %dma_wait3A_365 = tpu.memref_squeeze %dma_wait3A_364 : memref<1x128xi32, #tpu.memory_space<vmem>> -> memref<128xi32, #tpu.memory_space<vmem>>
      %dma_wait3A_366 = arith.constant 0 : i32
      %dma_wait3A_367 = arith.constant 0 : i32
      %dma_wait3A_368 = tpu.memref_slice %arg3[%dma_wait3A_366, %dma_wait3A_367] : memref<50257x64xf32, #tpu.memory_space<hbm>> -> memref<50257x64xf32, #tpu.memory_space<hbm>>
      tpu.wait_indirect_dma semaphore(%arg10 : memref<!tpu.dma_semaphore, #tpu.memory_space<semaphore_mem>>) src(%dma_wait3A_368 : memref<50257x64xf32, #tpu.memory_space<hbm>>) dst(%arg6 : memref<128x64xf32, #tpu.memory_space<vmem>>)
      %add3A_369 = arith.constant 1 : i32
      %add3A_370 = arith.addi %mul3A_361, %add3A_369 : i32
      %dma_start3A_371 = arith.constant 0 : i32
      %dma_start3A_372 = tpu.memref_slice %arg5[%add3A_370, %dma_start3A_371] : memref<200x128xi32, #tpu.memory_space<vmem>> -> memref<1x128xi32, #tpu.memory_space<vmem>>
      %dma_start3A_373 = tpu.memref_squeeze %dma_start3A_372 : memref<1x128xi32, #tpu.memory_space<vmem>> -> memref<128xi32, #tpu.memory_space<vmem>>
      %dma_start3A_374 = arith.constant 0 : i32
      %dma_start3A_375 = arith.constant 0 : i32
      %dma_start3A_376 = tpu.memref_slice %arg3[%dma_start3A_374, %dma_start3A_375] : memref<50257x64xf32, #tpu.memory_space<hbm>> -> memref<50257x64xf32, #tpu.memory_space<hbm>>
      tpu.enqueue_indirect_dma source(%dma_start3A_376 : memref<50257x64xf32, #tpu.memory_space<hbm>>) target(%arg7 : memref<128x64xf32, #tpu.memory_space<vmem>>) offsets(%dma_start3A_373 : memref<128xi32, #tpu.memory_space<vmem>>) semaphore(%arg11 : memref<!tpu.dma_semaphore, #tpu.memory_space<semaphore_mem>>)
      %dma_wait3A_377 = arith.constant 0 : i32
      %dma_wait3A_378 = arith.constant 0 : i32
      %dma_wait3A_379 = arith.constant 0 : i32
      %dma_wait3A_380 = arith.constant 0 : i32
      %dma_wait3A_381 = tpu.memref_slice %arg8[%dma_wait3A_378, %dma_wait3A_379, %dma_wait3A_380] : memref<8x8x129xf32, #tpu.memory_space<vmem>> -> memref<8x8x128xf32, #tpu.memory_space<vmem>>
      %dma_wait3A_382 = arith.constant 0 : i32
      %dma_wait3A_383 = arith.constant 0 : i32
      %dma_wait3A_384 = arith.constant 0 : i32
      %dma_wait3A_385 = tpu.memref_slice %arg4[%dma_wait3A_377, %dma_wait3A_382, %add3A, %dma_wait3A_383, %dma_wait3A_384] : memref<200x8x32x8x128xf32, #tpu.memory_space<hbm>> -> memref<1x8x1x8x128xf32, #tpu.memory_space<hbm>>
      %dma_wait3A_386 = tpu.memref_squeeze %dma_wait3A_385 : memref<1x8x1x8x128xf32, #tpu.memory_space<hbm>> -> memref<8x8x128xf32, #tpu.memory_space<hbm>>
      %dma_wait3A_387 = arith.constant 0 : i32
      %dma_wait3A_388 = arith.constant 0 : i32
      %dma_wait3A_389 = arith.constant 0 : i32
      %dma_wait3A_390 = tpu.memref_slice %arg4[%dma_wait3A_377, %dma_wait3A_387, %add3A, %dma_wait3A_388, %dma_wait3A_389] : memref<200x8x32x8x128xf32, #tpu.memory_space<hbm>> -> memref<1x8x1x8x128xf32, #tpu.memory_space<hbm>>
      %dma_wait3A_391 = tpu.memref_squeeze %dma_wait3A_390 : memref<1x8x1x8x128xf32, #tpu.memory_space<hbm>> -> memref<8x8x128xf32, #tpu.memory_space<hbm>>
      %dma_wait3A_392 = arith.constant 0 : i32
      %dma_wait3A_393 = arith.constant 0 : i32
      %dma_wait3A_394 = arith.constant 0 : i32
      %dma_wait3A_395 = tpu.memref_slice %arg8[%dma_wait3A_392, %dma_wait3A_393, %dma_wait3A_394] : memref<8x8x129xf32, #tpu.memory_space<vmem>> -> memref<8x8x128xf32, #tpu.memory_space<vmem>>
      tpu.wait_dma2 semaphore(%arg12 : memref<!tpu.dma_semaphore, #tpu.memory_space<semaphore_mem>>) src(%dma_wait3A_395 : memref<8x8x128xf32, #tpu.memory_space<vmem>>) dst(%dma_wait3A_391 : memref<8x8x128xf32, #tpu.memory_space<hbm>>)
      %scan3A_396 = arith.constant 0 : i32
      %scan3A_397 = arith.constant 0 : i32
      %scan3A_398 = arith.constant 8 : i32
      %scan3A_399 = arith.addi %scan3A_397, %scan3A_398 : i32
      %scan3A_400 = arith.constant 1 : i32
      %scan3A_401 = scf.for %scan3A_480 = %scan3A_397 to %scan3A_399 step %scan3A_400 iter_args(%scan3A_481 = %scan3A_396) -> (i32)  : i32 {
        %mul3A_482 = arith.constant 16 : i32
        %mul3A_483 = arith.muli %scan3A_480, %mul3A_482 : i32
        %add3A_484 = arith.constant 0 : i32
        %add3A_485 = arith.addi %mul3A_483, %add3A_484 : i32
        %broadcast_in_dim3A = vector.broadcast %add3A_485 : i32 to vector<16xi32>
        %get3A = arith.index_cast %add3A_485 : i32 to index
        %get3A_486 = arith.constant 0 : index
        %get3A_487 = tpu.vector_load %arg6[%get3A, %get3A_486] {strides = array<i32>} : memref<128x64xf32, #tpu.memory_space<vmem>>, vector<16xf32>,
        tpu.vector_store_idx %arg8[%select_n3A, %select_n3A_153, %broadcast_in_dim3A], %get3A_487 : memref<8x8x129xf32, #tpu.memory_space<vmem>>[vector<16xi32>, vector<16xi32>, vector<16xi32>], vector<16xf32>,
        %get3A_488 = arith.index_cast %add3A_485 : i32 to index
        %get3A_489 = arith.constant 16 : index
        %get3A_490 = tpu.vector_load %arg6[%get3A_488, %get3A_489] {strides = array<i32>} : memref<128x64xf32, #tpu.memory_space<vmem>>, vector<16xf32>,
        tpu.vector_store_idx %arg8[%select_n3A_62, %select_n3A_178, %broadcast_in_dim3A], %get3A_490 : memref<8x8x129xf32, #tpu.memory_space<vmem>>[vector<16xi32>, vector<16xi32>, vector<16xi32>], vector<16xf32>,
        %get3A_491 = arith.index_cast %add3A_485 : i32 to index
        %get3A_492 = arith.constant 32 : index
        %get3A_493 = tpu.vector_load %arg6[%get3A_491, %get3A_492] {strides = array<i32>} : memref<128x64xf32, #tpu.memory_space<vmem>>, vector<16xf32>,
        tpu.vector_store_idx %arg8[%select_n3A_96, %select_n3A_203, %broadcast_in_dim3A], %get3A_493 : memref<8x8x129xf32, #tpu.memory_space<vmem>>[vector<16xi32>, vector<16xi32>, vector<16xi32>], vector<16xf32>,
        %get3A_494 = arith.index_cast %add3A_485 : i32 to index
        %get3A_495 = arith.constant 48 : index
        %get3A_496 = tpu.vector_load %arg6[%get3A_494, %get3A_495] {strides = array<i32>} : memref<128x64xf32, #tpu.memory_space<vmem>>, vector<16xf32>,
        tpu.vector_store_idx %arg8[%select_n3A_130, %select_n3A_228, %broadcast_in_dim3A], %get3A_496 : memref<8x8x129xf32, #tpu.memory_space<vmem>>[vector<16xi32>, vector<16xi32>, vector<16xi32>], vector<16xf32>,
        %mul3A_497 = arith.constant 16 : i32
        %mul3A_498 = arith.muli %scan3A_480, %mul3A_497 : i32
        %add3A_499 = arith.constant 1 : i32
        %add3A_500 = arith.addi %mul3A_498, %add3A_499 : i32
        %broadcast_in_dim3A_501 = vector.broadcast %add3A_500 : i32 to vector<16xi32>
        %get3A_502 = arith.index_cast %add3A_500 : i32 to index
        %get3A_503 = arith.constant 0 : index
        %get3A_504 = tpu.vector_load %arg6[%get3A_502, %get3A_503] {strides = array<i32>} : memref<128x64xf32, #tpu.memory_space<vmem>>, vector<16xf32>,
        tpu.vector_store_idx %arg8[%select_n3A, %select_n3A_153, %broadcast_in_dim3A_501], %get3A_504 : memref<8x8x129xf32, #tpu.memory_space<vmem>>[vector<16xi32>, vector<16xi32>, vector<16xi32>], vector<16xf32>,
        %get3A_505 = arith.index_cast %add3A_500 : i32 to index
        %get3A_506 = arith.constant 16 : index
        %get3A_507 = tpu.vector_load %arg6[%get3A_505, %get3A_506] {strides = array<i32>} : memref<128x64xf32, #tpu.memory_space<vmem>>, vector<16xf32>,
        tpu.vector_store_idx %arg8[%select_n3A_62, %select_n3A_178, %broadcast_in_dim3A_501], %get3A_507 : memref<8x8x129xf32, #tpu.memory_space<vmem>>[vector<16xi32>, vector<16xi32>, vector<16xi32>], vector<16xf32>,
        %get3A_508 = arith.index_cast %add3A_500 : i32 to index
        %get3A_509 = arith.constant 32 : index
        %get3A_510 = tpu.vector_load %arg6[%get3A_508, %get3A_509] {strides = array<i32>} : memref<128x64xf32, #tpu.memory_space<vmem>>, vector<16xf32>,
        tpu.vector_store_idx %arg8[%select_n3A_96, %select_n3A_203, %broadcast_in_dim3A_501], %get3A_510 : memref<8x8x129xf32, #tpu.memory_space<vmem>>[vector<16xi32>, vector<16xi32>, vector<16xi32>], vector<16xf32>,
        %get3A_511 = arith.index_cast %add3A_500 : i32 to index
        %get3A_512 = arith.constant 48 : index
        %get3A_513 = tpu.vector_load %arg6[%get3A_511, %get3A_512] {strides = array<i32>} : memref<128x64xf32, #tpu.memory_space<vmem>>, vector<16xf32>,
        tpu.vector_store_idx %arg8[%select_n3A_130, %select_n3A_228, %broadcast_in_dim3A_501], %get3A_513 : memref<8x8x129xf32, #tpu.memory_space<vmem>>[vector<16xi32>, vector<16xi32>, vector<16xi32>], vector<16xf32>,
        %mul3A_514 = arith.constant 16 : i32
        %mul3A_515 = arith.muli %scan3A_480, %mul3A_514 : i32
        %add3A_516 = arith.constant 2 : i32
        %add3A_517 = arith.addi %mul3A_515, %add3A_516 : i32
        %broadcast_in_dim3A_518 = vector.broadcast %add3A_517 : i32 to vector<16xi32>
        %get3A_519 = arith.index_cast %add3A_517 : i32 to index
        %get3A_520 = arith.constant 0 : index
        %get3A_521 = tpu.vector_load %arg6[%get3A_519, %get3A_520] {strides = array<i32>} : memref<128x64xf32, #tpu.memory_space<vmem>>, vector<16xf32>,
        tpu.vector_store_idx %arg8[%select_n3A, %select_n3A_153, %broadcast_in_dim3A_518], %get3A_521 : memref<8x8x129xf32, #tpu.memory_space<vmem>>[vector<16xi32>, vector<16xi32>, vector<16xi32>], vector<16xf32>,
        %get3A_522 = arith.index_cast %add3A_517 : i32 to index
        %get3A_523 = arith.constant 16 : index
        %get3A_524 = tpu.vector_load %arg6[%get3A_522, %get3A_523] {strides = array<i32>} : memref<128x64xf32, #tpu.memory_space<vmem>>, vector<16xf32>,
        tpu.vector_store_idx %arg8[%select_n3A_62, %select_n3A_178, %broadcast_in_dim3A_518], %get3A_524 : memref<8x8x129xf32, #tpu.memory_space<vmem>>[vector<16xi32>, vector<16xi32>, vector<16xi32>], vector<16xf32>,
        %get3A_525 = arith.index_cast %add3A_517 : i32 to index
        %get3A_526 = arith.constant 32 : index
        %get3A_527 = tpu.vector_load %arg6[%get3A_525, %get3A_526] {strides = array<i32>} : memref<128x64xf32, #tpu.memory_space<vmem>>, vector<16xf32>,
        tpu.vector_store_idx %arg8[%select_n3A_96, %select_n3A_203, %broadcast_in_dim3A_518], %get3A_527 : memref<8x8x129xf32, #tpu.memory_space<vmem>>[vector<16xi32>, vector<16xi32>, vector<16xi32>], vector<16xf32>,
        %get3A_528 = arith.index_cast %add3A_517 : i32 to index
        %get3A_529 = arith.constant 48 : index
        %get3A_530 = tpu.vector_load %arg6[%get3A_528, %get3A_529] {strides = array<i32>} : memref<128x64xf32, #tpu.memory_space<vmem>>, vector<16xf32>,
        tpu.vector_store_idx %arg8[%select_n3A_130, %select_n3A_228, %broadcast_in_dim3A_518], %get3A_530 : memref<8x8x129xf32, #tpu.memory_space<vmem>>[vector<16xi32>, vector<16xi32>, vector<16xi32>], vector<16xf32>,
        %mul3A_531 = arith.constant 16 : i32
        %mul3A_532 = arith.muli %scan3A_480, %mul3A_531 : i32
        %add3A_533 = arith.constant 3 : i32
        %add3A_534 = arith.addi %mul3A_532, %add3A_533 : i32
        %broadcast_in_dim3A_535 = vector.broadcast %add3A_534 : i32 to vector<16xi32>
        %get3A_536 = arith.index_cast %add3A_534 : i32 to index
        %get3A_537 = arith.constant 0 : index
        %get3A_538 = tpu.vector_load %arg6[%get3A_536, %get3A_537] {strides = array<i32>} : memref<128x64xf32, #tpu.memory_space<vmem>>, vector<16xf32>,
        tpu.vector_store_idx %arg8[%select_n3A, %select_n3A_153, %broadcast_in_dim3A_535], %get3A_538 : memref<8x8x129xf32, #tpu.memory_space<vmem>>[vector<16xi32>, vector<16xi32>, vector<16xi32>], vector<16xf32>,
        %get3A_539 = arith.index_cast %add3A_534 : i32 to index
        %get3A_540 = arith.constant 16 : index
        %get3A_541 = tpu.vector_load %arg6[%get3A_539, %get3A_540] {strides = array<i32>} : memref<128x64xf32, #tpu.memory_space<vmem>>, vector<16xf32>,
        tpu.vector_store_idx %arg8[%select_n3A_62, %select_n3A_178, %broadcast_in_dim3A_535], %get3A_541 : memref<8x8x129xf32, #tpu.memory_space<vmem>>[vector<16xi32>, vector<16xi32>, vector<16xi32>], vector<16xf32>,
        %get3A_542 = arith.index_cast %add3A_534 : i32 to index
        %get3A_543 = arith.constant 32 : index
        %get3A_544 = tpu.vector_load %arg6[%get3A_542, %get3A_543] {strides = array<i32>} : memref<128x64xf32, #tpu.memory_space<vmem>>, vector<16xf32>,
        tpu.vector_store_idx %arg8[%select_n3A_96, %select_n3A_203, %broadcast_in_dim3A_535], %get3A_544 : memref<8x8x129xf32, #tpu.memory_space<vmem>>[vector<16xi32>, vector<16xi32>, vector<16xi32>], vector<16xf32>,
        %get3A_545 = arith.index_cast %add3A_534 : i32 to index
        %get3A_546 = arith.constant 48 : index
        %get3A_547 = tpu.vector_load %arg6[%get3A_545, %get3A_546] {strides = array<i32>} : memref<128x64xf32, #tpu.memory_space<vmem>>, vector<16xf32>,
        tpu.vector_store_idx %arg8[%select_n3A_130, %select_n3A_228, %broadcast_in_dim3A_535], %get3A_547 : memref<8x8x129xf32, #tpu.memory_space<vmem>>[vector<16xi32>, vector<16xi32>, vector<16xi32>], vector<16xf32>,
        %mul3A_548 = arith.constant 16 : i32
        %mul3A_549 = arith.muli %scan3A_480, %mul3A_548 : i32
        %add3A_550 = arith.constant 4 : i32
        %add3A_551 = arith.addi %mul3A_549, %add3A_550 : i32
        %broadcast_in_dim3A_552 = vector.broadcast %add3A_551 : i32 to vector<16xi32>
        %get3A_553 = arith.index_cast %add3A_551 : i32 to index
        %get3A_554 = arith.constant 0 : index
        %get3A_555 = tpu.vector_load %arg6[%get3A_553, %get3A_554] {strides = array<i32>} : memref<128x64xf32, #tpu.memory_space<vmem>>, vector<16xf32>,
        tpu.vector_store_idx %arg8[%select_n3A, %select_n3A_153, %broadcast_in_dim3A_552], %get3A_555 : memref<8x8x129xf32, #tpu.memory_space<vmem>>[vector<16xi32>, vector<16xi32>, vector<16xi32>], vector<16xf32>,
        %get3A_556 = arith.index_cast %add3A_551 : i32 to index
        %get3A_557 = arith.constant 16 : index
        %get3A_558 = tpu.vector_load %arg6[%get3A_556, %get3A_557] {strides = array<i32>} : memref<128x64xf32, #tpu.memory_space<vmem>>, vector<16xf32>,
        tpu.vector_store_idx %arg8[%select_n3A_62, %select_n3A_178, %broadcast_in_dim3A_552], %get3A_558 : memref<8x8x129xf32, #tpu.memory_space<vmem>>[vector<16xi32>, vector<16xi32>, vector<16xi32>], vector<16xf32>,
        %get3A_559 = arith.index_cast %add3A_551 : i32 to index
        %get3A_560 = arith.constant 32 : index
        %get3A_561 = tpu.vector_load %arg6[%get3A_559, %get3A_560] {strides = array<i32>} : memref<128x64xf32, #tpu.memory_space<vmem>>, vector<16xf32>,
        tpu.vector_store_idx %arg8[%select_n3A_96, %select_n3A_203, %broadcast_in_dim3A_552], %get3A_561 : memref<8x8x129xf32, #tpu.memory_space<vmem>>[vector<16xi32>, vector<16xi32>, vector<16xi32>], vector<16xf32>,
        %get3A_562 = arith.index_cast %add3A_551 : i32 to index
        %get3A_563 = arith.constant 48 : index
        %get3A_564 = tpu.vector_load %arg6[%get3A_562, %get3A_563] {strides = array<i32>} : memref<128x64xf32, #tpu.memory_space<vmem>>, vector<16xf32>,
        tpu.vector_store_idx %arg8[%select_n3A_130, %select_n3A_228, %broadcast_in_dim3A_552], %get3A_564 : memref<8x8x129xf32, #tpu.memory_space<vmem>>[vector<16xi32>, vector<16xi32>, vector<16xi32>], vector<16xf32>,
        %mul3A_565 = arith.constant 16 : i32
        %mul3A_566 = arith.muli %scan3A_480, %mul3A_565 : i32
        %add3A_567 = arith.constant 5 : i32
        %add3A_568 = arith.addi %mul3A_566, %add3A_567 : i32
        %broadcast_in_dim3A_569 = vector.broadcast %add3A_568 : i32 to vector<16xi32>
        %get3A_570 = arith.index_cast %add3A_568 : i32 to index
        %get3A_571 = arith.constant 0 : index
        %get3A_572 = tpu.vector_load %arg6[%get3A_570, %get3A_571] {strides = array<i32>} : memref<128x64xf32, #tpu.memory_space<vmem>>, vector<16xf32>,
        tpu.vector_store_idx %arg8[%select_n3A, %select_n3A_153, %broadcast_in_dim3A_569], %get3A_572 : memref<8x8x129xf32, #tpu.memory_space<vmem>>[vector<16xi32>, vector<16xi32>, vector<16xi32>], vector<16xf32>,
        %get3A_573 = arith.index_cast %add3A_568 : i32 to index
        %get3A_574 = arith.constant 16 : index
        %get3A_575 = tpu.vector_load %arg6[%get3A_573, %get3A_574] {strides = array<i32>} : memref<128x64xf32, #tpu.memory_space<vmem>>, vector<16xf32>,
        tpu.vector_store_idx %arg8[%select_n3A_62, %select_n3A_178, %broadcast_in_dim3A_569], %get3A_575 : memref<8x8x129xf32, #tpu.memory_space<vmem>>[vector<16xi32>, vector<16xi32>, vector<16xi32>], vector<16xf32>,
        %get3A_576 = arith.index_cast %add3A_568 : i32 to index
        %get3A_577 = arith.constant 32 : index
        %get3A_578 = tpu.vector_load %arg6[%get3A_576, %get3A_577] {strides = array<i32>} : memref<128x64xf32, #tpu.memory_space<vmem>>, vector<16xf32>,
        tpu.vector_store_idx %arg8[%select_n3A_96, %select_n3A_203, %broadcast_in_dim3A_569], %get3A_578 : memref<8x8x129xf32, #tpu.memory_space<vmem>>[vector<16xi32>, vector<16xi32>, vector<16xi32>], vector<16xf32>,
        %get3A_579 = arith.index_cast %add3A_568 : i32 to index
        %get3A_580 = arith.constant 48 : index
        %get3A_581 = tpu.vector_load %arg6[%get3A_579, %get3A_580] {strides = array<i32>} : memref<128x64xf32, #tpu.memory_space<vmem>>, vector<16xf32>,
        tpu.vector_store_idx %arg8[%select_n3A_130, %select_n3A_228, %broadcast_in_dim3A_569], %get3A_581 : memref<8x8x129xf32, #tpu.memory_space<vmem>>[vector<16xi32>, vector<16xi32>, vector<16xi32>], vector<16xf32>,
        %mul3A_582 = arith.constant 16 : i32
        %mul3A_583 = arith.muli %scan3A_480, %mul3A_582 : i32
        %add3A_584 = arith.constant 6 : i32
        %add3A_585 = arith.addi %mul3A_583, %add3A_584 : i32
        %broadcast_in_dim3A_586 = vector.broadcast %add3A_585 : i32 to vector<16xi32>
        %get3A_587 = arith.index_cast %add3A_585 : i32 to index
        %get3A_588 = arith.constant 0 : index
        %get3A_589 = tpu.vector_load %arg6[%get3A_587, %get3A_588] {strides = array<i32>} : memref<128x64xf32, #tpu.memory_space<vmem>>, vector<16xf32>,
        tpu.vector_store_idx %arg8[%select_n3A, %select_n3A_153, %broadcast_in_dim3A_586], %get3A_589 : memref<8x8x129xf32, #tpu.memory_space<vmem>>[vector<16xi32>, vector<16xi32>, vector<16xi32>], vector<16xf32>,
        %get3A_590 = arith.index_cast %add3A_585 : i32 to index
        %get3A_591 = arith.constant 16 : index
        %get3A_592 = tpu.vector_load %arg6[%get3A_590, %get3A_591] {strides = array<i32>} : memref<128x64xf32, #tpu.memory_space<vmem>>, vector<16xf32>,
        tpu.vector_store_idx %arg8[%select_n3A_62, %select_n3A_178, %broadcast_in_dim3A_586], %get3A_592 : memref<8x8x129xf32, #tpu.memory_space<vmem>>[vector<16xi32>, vector<16xi32>, vector<16xi32>], vector<16xf32>,
        %get3A_593 = arith.index_cast %add3A_585 : i32 to index
        %get3A_594 = arith.constant 32 : index
        %get3A_595 = tpu.vector_load %arg6[%get3A_593, %get3A_594] {strides = array<i32>} : memref<128x64xf32, #tpu.memory_space<vmem>>, vector<16xf32>,
        tpu.vector_store_idx %arg8[%select_n3A_96, %select_n3A_203, %broadcast_in_dim3A_586], %get3A_595 : memref<8x8x129xf32, #tpu.memory_space<vmem>>[vector<16xi32>, vector<16xi32>, vector<16xi32>], vector<16xf32>,
        %get3A_596 = arith.index_cast %add3A_585 : i32 to index
        %get3A_597 = arith.constant 48 : index
        %get3A_598 = tpu.vector_load %arg6[%get3A_596, %get3A_597] {strides = array<i32>} : memref<128x64xf32, #tpu.memory_space<vmem>>, vector<16xf32>,
        tpu.vector_store_idx %arg8[%select_n3A_130, %select_n3A_228, %broadcast_in_dim3A_586], %get3A_598 : memref<8x8x129xf32, #tpu.memory_space<vmem>>[vector<16xi32>, vector<16xi32>, vector<16xi32>], vector<16xf32>,
        %mul3A_599 = arith.constant 16 : i32
        %mul3A_600 = arith.muli %scan3A_480, %mul3A_599 : i32
        %add3A_601 = arith.constant 7 : i32
        %add3A_602 = arith.addi %mul3A_600, %add3A_601 : i32
        %broadcast_in_dim3A_603 = vector.broadcast %add3A_602 : i32 to vector<16xi32>
        %get3A_604 = arith.index_cast %add3A_602 : i32 to index
        %get3A_605 = arith.constant 0 : index
        %get3A_606 = tpu.vector_load %arg6[%get3A_604, %get3A_605] {strides = array<i32>} : memref<128x64xf32, #tpu.memory_space<vmem>>, vector<16xf32>,
        tpu.vector_store_idx %arg8[%select_n3A, %select_n3A_153, %broadcast_in_dim3A_603], %get3A_606 : memref<8x8x129xf32, #tpu.memory_space<vmem>>[vector<16xi32>, vector<16xi32>, vector<16xi32>], vector<16xf32>,
        %get3A_607 = arith.index_cast %add3A_602 : i32 to index
        %get3A_608 = arith.constant 16 : index
        %get3A_609 = tpu.vector_load %arg6[%get3A_607, %get3A_608] {strides = array<i32>} : memref<128x64xf32, #tpu.memory_space<vmem>>, vector<16xf32>,
        tpu.vector_store_idx %arg8[%select_n3A_62, %select_n3A_178, %broadcast_in_dim3A_603], %get3A_609 : memref<8x8x129xf32, #tpu.memory_space<vmem>>[vector<16xi32>, vector<16xi32>, vector<16xi32>], vector<16xf32>,
        %get3A_610 = arith.index_cast %add3A_602 : i32 to index
        %get3A_611 = arith.constant 32 : index
        %get3A_612 = tpu.vector_load %arg6[%get3A_610, %get3A_611] {strides = array<i32>} : memref<128x64xf32, #tpu.memory_space<vmem>>, vector<16xf32>,
        tpu.vector_store_idx %arg8[%select_n3A_96, %select_n3A_203, %broadcast_in_dim3A_603], %get3A_612 : memref<8x8x129xf32, #tpu.memory_space<vmem>>[vector<16xi32>, vector<16xi32>, vector<16xi32>], vector<16xf32>,
        %get3A_613 = arith.index_cast %add3A_602 : i32 to index
        %get3A_614 = arith.constant 48 : index
        %get3A_615 = tpu.vector_load %arg6[%get3A_613, %get3A_614] {strides = array<i32>} : memref<128x64xf32, #tpu.memory_space<vmem>>, vector<16xf32>,
        tpu.vector_store_idx %arg8[%select_n3A_130, %select_n3A_228, %broadcast_in_dim3A_603], %get3A_615 : memref<8x8x129xf32, #tpu.memory_space<vmem>>[vector<16xi32>, vector<16xi32>, vector<16xi32>], vector<16xf32>,
        %mul3A_616 = arith.constant 16 : i32
        %mul3A_617 = arith.muli %scan3A_480, %mul3A_616 : i32
        %add3A_618 = arith.constant 8 : i32
        %add3A_619 = arith.addi %mul3A_617, %add3A_618 : i32
        %broadcast_in_dim3A_620 = vector.broadcast %add3A_619 : i32 to vector<16xi32>
        %get3A_621 = arith.index_cast %add3A_619 : i32 to index
        %get3A_622 = arith.constant 0 : index
        %get3A_623 = tpu.vector_load %arg6[%get3A_621, %get3A_622] {strides = array<i32>} : memref<128x64xf32, #tpu.memory_space<vmem>>, vector<16xf32>,
        tpu.vector_store_idx %arg8[%select_n3A, %select_n3A_153, %broadcast_in_dim3A_620], %get3A_623 : memref<8x8x129xf32, #tpu.memory_space<vmem>>[vector<16xi32>, vector<16xi32>, vector<16xi32>], vector<16xf32>,
        %get3A_624 = arith.index_cast %add3A_619 : i32 to index
        %get3A_625 = arith.constant 16 : index
        %get3A_626 = tpu.vector_load %arg6[%get3A_624, %get3A_625] {strides = array<i32>} : memref<128x64xf32, #tpu.memory_space<vmem>>, vector<16xf32>,
        tpu.vector_store_idx %arg8[%select_n3A_62, %select_n3A_178, %broadcast_in_dim3A_620], %get3A_626 : memref<8x8x129xf32, #tpu.memory_space<vmem>>[vector<16xi32>, vector<16xi32>, vector<16xi32>], vector<16xf32>,
        %get3A_627 = arith.index_cast %add3A_619 : i32 to index
        %get3A_628 = arith.constant 32 : index
        %get3A_629 = tpu.vector_load %arg6[%get3A_627, %get3A_628] {strides = array<i32>} : memref<128x64xf32, #tpu.memory_space<vmem>>, vector<16xf32>,
        tpu.vector_store_idx %arg8[%select_n3A_96, %select_n3A_203, %broadcast_in_dim3A_620], %get3A_629 : memref<8x8x129xf32, #tpu.memory_space<vmem>>[vector<16xi32>, vector<16xi32>, vector<16xi32>], vector<16xf32>,
        %get3A_630 = arith.index_cast %add3A_619 : i32 to index
        %get3A_631 = arith.constant 48 : index
        %get3A_632 = tpu.vector_load %arg6[%get3A_630, %get3A_631] {strides = array<i32>} : memref<128x64xf32, #tpu.memory_space<vmem>>, vector<16xf32>,
        tpu.vector_store_idx %arg8[%select_n3A_130, %select_n3A_228, %broadcast_in_dim3A_620], %get3A_632 : memref<8x8x129xf32, #tpu.memory_space<vmem>>[vector<16xi32>, vector<16xi32>, vector<16xi32>], vector<16xf32>,
        %mul3A_633 = arith.constant 16 : i32
        %mul3A_634 = arith.muli %scan3A_480, %mul3A_633 : i32
        %add3A_635 = arith.constant 9 : i32
        %add3A_636 = arith.addi %mul3A_634, %add3A_635 : i32
        %broadcast_in_dim3A_637 = vector.broadcast %add3A_636 : i32 to vector<16xi32>
        %get3A_638 = arith.index_cast %add3A_636 : i32 to index
        %get3A_639 = arith.constant 0 : index
        %get3A_640 = tpu.vector_load %arg6[%get3A_638, %get3A_639] {strides = array<i32>} : memref<128x64xf32, #tpu.memory_space<vmem>>, vector<16xf32>,
        tpu.vector_store_idx %arg8[%select_n3A, %select_n3A_153, %broadcast_in_dim3A_637], %get3A_640 : memref<8x8x129xf32, #tpu.memory_space<vmem>>[vector<16xi32>, vector<16xi32>, vector<16xi32>], vector<16xf32>,
        %get3A_641 = arith.index_cast %add3A_636 : i32 to index
        %get3A_642 = arith.constant 16 : index
        %get3A_643 = tpu.vector_load %arg6[%get3A_641, %get3A_642] {strides = array<i32>} : memref<128x64xf32, #tpu.memory_space<vmem>>, vector<16xf32>,
        tpu.vector_store_idx %arg8[%select_n3A_62, %select_n3A_178, %broadcast_in_dim3A_637], %get3A_643 : memref<8x8x129xf32, #tpu.memory_space<vmem>>[vector<16xi32>, vector<16xi32>, vector<16xi32>], vector<16xf32>,
        %get3A_644 = arith.index_cast %add3A_636 : i32 to index
        %get3A_645 = arith.constant 32 : index
        %get3A_646 = tpu.vector_load %arg6[%get3A_644, %get3A_645] {strides = array<i32>} : memref<128x64xf32, #tpu.memory_space<vmem>>, vector<16xf32>,
        tpu.vector_store_idx %arg8[%select_n3A_96, %select_n3A_203, %broadcast_in_dim3A_637], %get3A_646 : memref<8x8x129xf32, #tpu.memory_space<vmem>>[vector<16xi32>, vector<16xi32>, vector<16xi32>], vector<16xf32>,
        %get3A_647 = arith.index_cast %add3A_636 : i32 to index
        %get3A_648 = arith.constant 48 : index
        %get3A_649 = tpu.vector_load %arg6[%get3A_647, %get3A_648] {strides = array<i32>} : memref<128x64xf32, #tpu.memory_space<vmem>>, vector<16xf32>,
        tpu.vector_store_idx %arg8[%select_n3A_130, %select_n3A_228, %broadcast_in_dim3A_637], %get3A_649 : memref<8x8x129xf32, #tpu.memory_space<vmem>>[vector<16xi32>, vector<16xi32>, vector<16xi32>], vector<16xf32>,
        %mul3A_650 = arith.constant 16 : i32
        %mul3A_651 = arith.muli %scan3A_480, %mul3A_650 : i32
        %add3A_652 = arith.constant 10 : i32
        %add3A_653 = arith.addi %mul3A_651, %add3A_652 : i32
        %broadcast_in_dim3A_654 = vector.broadcast %add3A_653 : i32 to vector<16xi32>
        %get3A_655 = arith.index_cast %add3A_653 : i32 to index
        %get3A_656 = arith.constant 0 : index
        %get3A_657 = tpu.vector_load %arg6[%get3A_655, %get3A_656] {strides = array<i32>} : memref<128x64xf32, #tpu.memory_space<vmem>>, vector<16xf32>,
        tpu.vector_store_idx %arg8[%select_n3A, %select_n3A_153, %broadcast_in_dim3A_654], %get3A_657 : memref<8x8x129xf32, #tpu.memory_space<vmem>>[vector<16xi32>, vector<16xi32>, vector<16xi32>], vector<16xf32>,
        %get3A_658 = arith.index_cast %add3A_653 : i32 to index
        %get3A_659 = arith.constant 16 : index
        %get3A_660 = tpu.vector_load %arg6[%get3A_658, %get3A_659] {strides = array<i32>} : memref<128x64xf32, #tpu.memory_space<vmem>>, vector<16xf32>,
        tpu.vector_store_idx %arg8[%select_n3A_62, %select_n3A_178, %broadcast_in_dim3A_654], %get3A_660 : memref<8x8x129xf32, #tpu.memory_space<vmem>>[vector<16xi32>, vector<16xi32>, vector<16xi32>], vector<16xf32>,
        %get3A_661 = arith.index_cast %add3A_653 : i32 to index
        %get3A_662 = arith.constant 32 : index
        %get3A_663 = tpu.vector_load %arg6[%get3A_661, %get3A_662] {strides = array<i32>} : memref<128x64xf32, #tpu.memory_space<vmem>>, vector<16xf32>,
        tpu.vector_store_idx %arg8[%select_n3A_96, %select_n3A_203, %broadcast_in_dim3A_654], %get3A_663 : memref<8x8x129xf32, #tpu.memory_space<vmem>>[vector<16xi32>, vector<16xi32>, vector<16xi32>], vector<16xf32>,
        %get3A_664 = arith.index_cast %add3A_653 : i32 to index
        %get3A_665 = arith.constant 48 : index
        %get3A_666 = tpu.vector_load %arg6[%get3A_664, %get3A_665] {strides = array<i32>} : memref<128x64xf32, #tpu.memory_space<vmem>>, vector<16xf32>,
        tpu.vector_store_idx %arg8[%select_n3A_130, %select_n3A_228, %broadcast_in_dim3A_654], %get3A_666 : memref<8x8x129xf32, #tpu.memory_space<vmem>>[vector<16xi32>, vector<16xi32>, vector<16xi32>], vector<16xf32>,
        %mul3A_667 = arith.constant 16 : i32
        %mul3A_668 = arith.muli %scan3A_480, %mul3A_667 : i32
        %add3A_669 = arith.constant 11 : i32
        %add3A_670 = arith.addi %mul3A_668, %add3A_669 : i32
        %broadcast_in_dim3A_671 = vector.broadcast %add3A_670 : i32 to vector<16xi32>
        %get3A_672 = arith.index_cast %add3A_670 : i32 to index
        %get3A_673 = arith.constant 0 : index
        %get3A_674 = tpu.vector_load %arg6[%get3A_672, %get3A_673] {strides = array<i32>} : memref<128x64xf32, #tpu.memory_space<vmem>>, vector<16xf32>,
        tpu.vector_store_idx %arg8[%select_n3A, %select_n3A_153, %broadcast_in_dim3A_671], %get3A_674 : memref<8x8x129xf32, #tpu.memory_space<vmem>>[vector<16xi32>, vector<16xi32>, vector<16xi32>], vector<16xf32>,
        %get3A_675 = arith.index_cast %add3A_670 : i32 to index
        %get3A_676 = arith.constant 16 : index
        %get3A_677 = tpu.vector_load %arg6[%get3A_675, %get3A_676] {strides = array<i32>} : memref<128x64xf32, #tpu.memory_space<vmem>>, vector<16xf32>,
        tpu.vector_store_idx %arg8[%select_n3A_62, %select_n3A_178, %broadcast_in_dim3A_671], %get3A_677 : memref<8x8x129xf32, #tpu.memory_space<vmem>>[vector<16xi32>, vector<16xi32>, vector<16xi32>], vector<16xf32>,
        %get3A_678 = arith.index_cast %add3A_670 : i32 to index
        %get3A_679 = arith.constant 32 : index
        %get3A_680 = tpu.vector_load %arg6[%get3A_678, %get3A_679] {strides = array<i32>} : memref<128x64xf32, #tpu.memory_space<vmem>>, vector<16xf32>,
        tpu.vector_store_idx %arg8[%select_n3A_96, %select_n3A_203, %broadcast_in_dim3A_671], %get3A_680 : memref<8x8x129xf32, #tpu.memory_space<vmem>>[vector<16xi32>, vector<16xi32>, vector<16xi32>], vector<16xf32>,
        %get3A_681 = arith.index_cast %add3A_670 : i32 to index
        %get3A_682 = arith.constant 48 : index
        %get3A_683 = tpu.vector_load %arg6[%get3A_681, %get3A_682] {strides = array<i32>} : memref<128x64xf32, #tpu.memory_space<vmem>>, vector<16xf32>,
        tpu.vector_store_idx %arg8[%select_n3A_130, %select_n3A_228, %broadcast_in_dim3A_671], %get3A_683 : memref<8x8x129xf32, #tpu.memory_space<vmem>>[vector<16xi32>, vector<16xi32>, vector<16xi32>], vector<16xf32>,
        %mul3A_684 = arith.constant 16 : i32
        %mul3A_685 = arith.muli %scan3A_480, %mul3A_684 : i32
        %add3A_686 = arith.constant 12 : i32
        %add3A_687 = arith.addi %mul3A_685, %add3A_686 : i32
        %broadcast_in_dim3A_688 = vector.broadcast %add3A_687 : i32 to vector<16xi32>
        %get3A_689 = arith.index_cast %add3A_687 : i32 to index
        %get3A_690 = arith.constant 0 : index
        %get3A_691 = tpu.vector_load %arg6[%get3A_689, %get3A_690] {strides = array<i32>} : memref<128x64xf32, #tpu.memory_space<vmem>>, vector<16xf32>,
        tpu.vector_store_idx %arg8[%select_n3A, %select_n3A_153, %broadcast_in_dim3A_688], %get3A_691 : memref<8x8x129xf32, #tpu.memory_space<vmem>>[vector<16xi32>, vector<16xi32>, vector<16xi32>], vector<16xf32>,
        %get3A_692 = arith.index_cast %add3A_687 : i32 to index
        %get3A_693 = arith.constant 16 : index
        %get3A_694 = tpu.vector_load %arg6[%get3A_692, %get3A_693] {strides = array<i32>} : memref<128x64xf32, #tpu.memory_space<vmem>>, vector<16xf32>,
        tpu.vector_store_idx %arg8[%select_n3A_62, %select_n3A_178, %broadcast_in_dim3A_688], %get3A_694 : memref<8x8x129xf32, #tpu.memory_space<vmem>>[vector<16xi32>, vector<16xi32>, vector<16xi32>], vector<16xf32>,
        %get3A_695 = arith.index_cast %add3A_687 : i32 to index
        %get3A_696 = arith.constant 32 : index
        %get3A_697 = tpu.vector_load %arg6[%get3A_695, %get3A_696] {strides = array<i32>} : memref<128x64xf32, #tpu.memory_space<vmem>>, vector<16xf32>,
        tpu.vector_store_idx %arg8[%select_n3A_96, %select_n3A_203, %broadcast_in_dim3A_688], %get3A_697 : memref<8x8x129xf32, #tpu.memory_space<vmem>>[vector<16xi32>, vector<16xi32>, vector<16xi32>], vector<16xf32>,
        %get3A_698 = arith.index_cast %add3A_687 : i32 to index
        %get3A_699 = arith.constant 48 : index
        %get3A_700 = tpu.vector_load %arg6[%get3A_698, %get3A_699] {strides = array<i32>} : memref<128x64xf32, #tpu.memory_space<vmem>>, vector<16xf32>,
        tpu.vector_store_idx %arg8[%select_n3A_130, %select_n3A_228, %broadcast_in_dim3A_688], %get3A_700 : memref<8x8x129xf32, #tpu.memory_space<vmem>>[vector<16xi32>, vector<16xi32>, vector<16xi32>], vector<16xf32>,
        %mul3A_701 = arith.constant 16 : i32
        %mul3A_702 = arith.muli %scan3A_480, %mul3A_701 : i32
        %add3A_703 = arith.constant 13 : i32
        %add3A_704 = arith.addi %mul3A_702, %add3A_703 : i32
        %broadcast_in_dim3A_705 = vector.broadcast %add3A_704 : i32 to vector<16xi32>
        %get3A_706 = arith.index_cast %add3A_704 : i32 to index
        %get3A_707 = arith.constant 0 : index
        %get3A_708 = tpu.vector_load %arg6[%get3A_706, %get3A_707] {strides = array<i32>} : memref<128x64xf32, #tpu.memory_space<vmem>>, vector<16xf32>,
        tpu.vector_store_idx %arg8[%select_n3A, %select_n3A_153, %broadcast_in_dim3A_705], %get3A_708 : memref<8x8x129xf32, #tpu.memory_space<vmem>>[vector<16xi32>, vector<16xi32>, vector<16xi32>], vector<16xf32>,
        %get3A_709 = arith.index_cast %add3A_704 : i32 to index
        %get3A_710 = arith.constant 16 : index
        %get3A_711 = tpu.vector_load %arg6[%get3A_709, %get3A_710] {strides = array<i32>} : memref<128x64xf32, #tpu.memory_space<vmem>>, vector<16xf32>,
        tpu.vector_store_idx %arg8[%select_n3A_62, %select_n3A_178, %broadcast_in_dim3A_705], %get3A_711 : memref<8x8x129xf32, #tpu.memory_space<vmem>>[vector<16xi32>, vector<16xi32>, vector<16xi32>], vector<16xf32>,
        %get3A_712 = arith.index_cast %add3A_704 : i32 to index
        %get3A_713 = arith.constant 32 : index
        %get3A_714 = tpu.vector_load %arg6[%get3A_712, %get3A_713] {strides = array<i32>} : memref<128x64xf32, #tpu.memory_space<vmem>>, vector<16xf32>,
        tpu.vector_store_idx %arg8[%select_n3A_96, %select_n3A_203, %broadcast_in_dim3A_705], %get3A_714 : memref<8x8x129xf32, #tpu.memory_space<vmem>>[vector<16xi32>, vector<16xi32>, vector<16xi32>], vector<16xf32>,
        %get3A_715 = arith.index_cast %add3A_704 : i32 to index
        %get3A_716 = arith.constant 48 : index
        %get3A_717 = tpu.vector_load %arg6[%get3A_715, %get3A_716] {strides = array<i32>} : memref<128x64xf32, #tpu.memory_space<vmem>>, vector<16xf32>,
        tpu.vector_store_idx %arg8[%select_n3A_130, %select_n3A_228, %broadcast_in_dim3A_705], %get3A_717 : memref<8x8x129xf32, #tpu.memory_space<vmem>>[vector<16xi32>, vector<16xi32>, vector<16xi32>], vector<16xf32>,
        %mul3A_718 = arith.constant 16 : i32
        %mul3A_719 = arith.muli %scan3A_480, %mul3A_718 : i32
        %add3A_720 = arith.constant 14 : i32
        %add3A_721 = arith.addi %mul3A_719, %add3A_720 : i32
        %broadcast_in_dim3A_722 = vector.broadcast %add3A_721 : i32 to vector<16xi32>
        %get3A_723 = arith.index_cast %add3A_721 : i32 to index
        %get3A_724 = arith.constant 0 : index
        %get3A_725 = tpu.vector_load %arg6[%get3A_723, %get3A_724] {strides = array<i32>} : memref<128x64xf32, #tpu.memory_space<vmem>>, vector<16xf32>,
        tpu.vector_store_idx %arg8[%select_n3A, %select_n3A_153, %broadcast_in_dim3A_722], %get3A_725 : memref<8x8x129xf32, #tpu.memory_space<vmem>>[vector<16xi32>, vector<16xi32>, vector<16xi32>], vector<16xf32>,
        %get3A_726 = arith.index_cast %add3A_721 : i32 to index
        %get3A_727 = arith.constant 16 : index
        %get3A_728 = tpu.vector_load %arg6[%get3A_726, %get3A_727] {strides = array<i32>} : memref<128x64xf32, #tpu.memory_space<vmem>>, vector<16xf32>,
        tpu.vector_store_idx %arg8[%select_n3A_62, %select_n3A_178, %broadcast_in_dim3A_722], %get3A_728 : memref<8x8x129xf32, #tpu.memory_space<vmem>>[vector<16xi32>, vector<16xi32>, vector<16xi32>], vector<16xf32>,
        %get3A_729 = arith.index_cast %add3A_721 : i32 to index
        %get3A_730 = arith.constant 32 : index
        %get3A_731 = tpu.vector_load %arg6[%get3A_729, %get3A_730] {strides = array<i32>} : memref<128x64xf32, #tpu.memory_space<vmem>>, vector<16xf32>,
        tpu.vector_store_idx %arg8[%select_n3A_96, %select_n3A_203, %broadcast_in_dim3A_722], %get3A_731 : memref<8x8x129xf32, #tpu.memory_space<vmem>>[vector<16xi32>, vector<16xi32>, vector<16xi32>], vector<16xf32>,
        %get3A_732 = arith.index_cast %add3A_721 : i32 to index
        %get3A_733 = arith.constant 48 : index
        %get3A_734 = tpu.vector_load %arg6[%get3A_732, %get3A_733] {strides = array<i32>} : memref<128x64xf32, #tpu.memory_space<vmem>>, vector<16xf32>,
        tpu.vector_store_idx %arg8[%select_n3A_130, %select_n3A_228, %broadcast_in_dim3A_722], %get3A_734 : memref<8x8x129xf32, #tpu.memory_space<vmem>>[vector<16xi32>, vector<16xi32>, vector<16xi32>], vector<16xf32>,
        %mul3A_735 = arith.constant 16 : i32
        %mul3A_736 = arith.muli %scan3A_480, %mul3A_735 : i32
        %add3A_737 = arith.constant 15 : i32
        %add3A_738 = arith.addi %mul3A_736, %add3A_737 : i32
        %broadcast_in_dim3A_739 = vector.broadcast %add3A_738 : i32 to vector<16xi32>
        %get3A_740 = arith.index_cast %add3A_738 : i32 to index
        %get3A_741 = arith.constant 0 : index
        %get3A_742 = tpu.vector_load %arg6[%get3A_740, %get3A_741] {strides = array<i32>} : memref<128x64xf32, #tpu.memory_space<vmem>>, vector<16xf32>,
        tpu.vector_store_idx %arg8[%select_n3A, %select_n3A_153, %broadcast_in_dim3A_739], %get3A_742 : memref<8x8x129xf32, #tpu.memory_space<vmem>>[vector<16xi32>, vector<16xi32>, vector<16xi32>], vector<16xf32>,
        %get3A_743 = arith.index_cast %add3A_738 : i32 to index
        %get3A_744 = arith.constant 16 : index
        %get3A_745 = tpu.vector_load %arg6[%get3A_743, %get3A_744] {strides = array<i32>} : memref<128x64xf32, #tpu.memory_space<vmem>>, vector<16xf32>,
        tpu.vector_store_idx %arg8[%select_n3A_62, %select_n3A_178, %broadcast_in_dim3A_739], %get3A_745 : memref<8x8x129xf32, #tpu.memory_space<vmem>>[vector<16xi32>, vector<16xi32>, vector<16xi32>], vector<16xf32>,
        %get3A_746 = arith.index_cast %add3A_738 : i32 to index
        %get3A_747 = arith.constant 32 : index
        %get3A_748 = tpu.vector_load %arg6[%get3A_746, %get3A_747] {strides = array<i32>} : memref<128x64xf32, #tpu.memory_space<vmem>>, vector<16xf32>,
        tpu.vector_store_idx %arg8[%select_n3A_96, %select_n3A_203, %broadcast_in_dim3A_739], %get3A_748 : memref<8x8x129xf32, #tpu.memory_space<vmem>>[vector<16xi32>, vector<16xi32>, vector<16xi32>], vector<16xf32>,
        %get3A_749 = arith.index_cast %add3A_738 : i32 to index
        %get3A_750 = arith.constant 48 : index
        %get3A_751 = tpu.vector_load %arg6[%get3A_749, %get3A_750] {strides = array<i32>} : memref<128x64xf32, #tpu.memory_space<vmem>>, vector<16xf32>,
        tpu.vector_store_idx %arg8[%select_n3A_130, %select_n3A_228, %broadcast_in_dim3A_739], %get3A_751 : memref<8x8x129xf32, #tpu.memory_space<vmem>>[vector<16xi32>, vector<16xi32>, vector<16xi32>], vector<16xf32>,
        %scan3A_752 = arith.constant 0 : i32
        scf.yield %scan3A_752 : i32
      }
      %scan3A_402 = arith.constant 8 : i32
      %dma_start3A_403 = arith.constant 0 : i32
      %dma_start3A_404 = arith.constant 0 : i32
      %dma_start3A_405 = arith.constant 0 : i32
      %dma_start3A_406 = tpu.memref_slice %arg8[%dma_start3A_403, %dma_start3A_404, %dma_start3A_405] : memref<8x8x129xf32, #tpu.memory_space<vmem>> -> memref<8x8x128xf32, #tpu.memory_space<vmem>>
      %dma_start3A_407 = arith.constant 0 : i32
      %dma_start3A_408 = arith.constant 0 : i32
      %dma_start3A_409 = arith.constant 0 : i32
      %dma_start3A_410 = tpu.memref_slice %arg4[%mul3A_361, %dma_start3A_407, %add3A, %dma_start3A_408, %dma_start3A_409] : memref<200x8x32x8x128xf32, #tpu.memory_space<hbm>> -> memref<1x8x1x8x128xf32, #tpu.memory_space<hbm>>
      %dma_start3A_411 = tpu.memref_squeeze %dma_start3A_410 : memref<1x8x1x8x128xf32, #tpu.memory_space<hbm>> -> memref<8x8x128xf32, #tpu.memory_space<hbm>>
      %dma_start3A_412 = arith.constant 0 : i32
      %dma_start3A_413 = arith.constant 0 : i32
      %dma_start3A_414 = arith.constant 0 : i32
      %dma_start3A_415 = tpu.memref_slice %arg4[%mul3A_361, %dma_start3A_412, %add3A, %dma_start3A_413, %dma_start3A_414] : memref<200x8x32x8x128xf32, #tpu.memory_space<hbm>> -> memref<1x8x1x8x128xf32, #tpu.memory_space<hbm>>
      %dma_start3A_416 = tpu.memref_squeeze %dma_start3A_415 : memref<1x8x1x8x128xf32, #tpu.memory_space<hbm>> -> memref<8x8x128xf32, #tpu.memory_space<hbm>>
      %dma_start3A_417 = arith.constant 0 : i32
      %dma_start3A_418 = arith.constant 0 : i32
      %dma_start3A_419 = arith.constant 0 : i32
      %dma_start3A_420 = tpu.memref_slice %arg8[%dma_start3A_417, %dma_start3A_418, %dma_start3A_419] : memref<8x8x129xf32, #tpu.memory_space<vmem>> -> memref<8x8x128xf32, #tpu.memory_space<vmem>>
      tpu.enqueue_dma source(%dma_start3A_420 : memref<8x8x128xf32, #tpu.memory_space<vmem>>) target(%dma_start3A_416 : memref<8x8x128xf32, #tpu.memory_space<hbm>>) target_semaphore(%arg12 : memref<!tpu.dma_semaphore, #tpu.memory_space<semaphore_mem>>)
      %dma_wait3A_421 = arith.constant 0 : i32
      %dma_wait3A_422 = arith.constant 0 : i32
      %dma_wait3A_423 = tpu.memref_slice %arg5[%dma_wait3A_421, %dma_wait3A_422] : memref<200x128xi32, #tpu.memory_space<vmem>> -> memref<1x128xi32, #tpu.memory_space<vmem>>
      %dma_wait3A_424 = tpu.memref_squeeze %dma_wait3A_423 : memref<1x128xi32, #tpu.memory_space<vmem>> -> memref<128xi32, #tpu.memory_space<vmem>>
      %dma_wait3A_425 = arith.constant 0 : i32
      %dma_wait3A_426 = arith.constant 0 : i32
      %dma_wait3A_427 = tpu.memref_slice %arg3[%dma_wait3A_425, %dma_wait3A_426] : memref<50257x64xf32, #tpu.memory_space<hbm>> -> memref<50257x64xf32, #tpu.memory_space<hbm>>
      tpu.wait_indirect_dma semaphore(%arg11 : memref<!tpu.dma_semaphore, #tpu.memory_space<semaphore_mem>>) src(%dma_wait3A_427 : memref<50257x64xf32, #tpu.memory_space<hbm>>) dst(%arg7 : memref<128x64xf32, #tpu.memory_space<vmem>>)
      %add3A_428 = arith.constant 2 : i32
      %add3A_429 = arith.addi %mul3A_361, %add3A_428 : i32
      %lt3A_430 = arith.constant 200 : i32
      %lt3A_431 = arith.cmpi slt, %add3A_429, %lt3A_430 : i32
      %convert_element_type3A = arith.extui %lt3A_431 : i1 to i32
      %cond3A = arith.constant 0 : i32
      %cond3A_432 = arith.cmpi ne, %convert_element_type3A, %cond3A : i32
      scf.if %cond3A_432 {
        %add3A_480 = arith.constant 2 : i32
        %add3A_481 = arith.addi %mul3A_361, %add3A_480 : i32
        %dma_start3A_482 = arith.constant 0 : i32
        %dma_start3A_483 = tpu.memref_slice %arg5[%add3A_481, %dma_start3A_482] : memref<200x128xi32, #tpu.memory_space<vmem>> -> memref<1x128xi32, #tpu.memory_space<vmem>>
        %dma_start3A_484 = tpu.memref_squeeze %dma_start3A_483 : memref<1x128xi32, #tpu.memory_space<vmem>> -> memref<128xi32, #tpu.memory_space<vmem>>
        %dma_start3A_485 = arith.constant 0 : i32
        %dma_start3A_486 = arith.constant 0 : i32
        %dma_start3A_487 = tpu.memref_slice %arg3[%dma_start3A_485, %dma_start3A_486] : memref<50257x64xf32, #tpu.memory_space<hbm>> -> memref<50257x64xf32, #tpu.memory_space<hbm>>
        tpu.enqueue_indirect_dma source(%dma_start3A_487 : memref<50257x64xf32, #tpu.memory_space<hbm>>) target(%arg6 : memref<128x64xf32, #tpu.memory_space<vmem>>) offsets(%dma_start3A_484 : memref<128xi32, #tpu.memory_space<vmem>>) semaphore(%arg10 : memref<!tpu.dma_semaphore, #tpu.memory_space<semaphore_mem>>)
      } else {
      }
      %dma_wait3A_433 = arith.constant 0 : i32
      %dma_wait3A_434 = arith.constant 0 : i32
      %dma_wait3A_435 = arith.constant 0 : i32
      %dma_wait3A_436 = arith.constant 0 : i32
      %dma_wait3A_437 = tpu.memref_slice %arg9[%dma_wait3A_434, %dma_wait3A_435, %dma_wait3A_436] : memref<8x8x129xf32, #tpu.memory_space<vmem>> -> memref<8x8x128xf32, #tpu.memory_space<vmem>>
      %dma_wait3A_438 = arith.constant 0 : i32
      %dma_wait3A_439 = arith.constant 0 : i32
      %dma_wait3A_440 = arith.constant 0 : i32
      %dma_wait3A_441 = tpu.memref_slice %arg4[%dma_wait3A_433, %dma_wait3A_438, %add3A, %dma_wait3A_439, %dma_wait3A_440] : memref<200x8x32x8x128xf32, #tpu.memory_space<hbm>> -> memref<1x8x1x8x128xf32, #tpu.memory_space<hbm>>
      %dma_wait3A_442 = tpu.memref_squeeze %dma_wait3A_441 : memref<1x8x1x8x128xf32, #tpu.memory_space<hbm>> -> memref<8x8x128xf32, #tpu.memory_space<hbm>>
      %dma_wait3A_443 = arith.constant 0 : i32
      %dma_wait3A_444 = arith.constant 0 : i32
      %dma_wait3A_445 = arith.constant 0 : i32
      %dma_wait3A_446 = tpu.memref_slice %arg4[%dma_wait3A_433, %dma_wait3A_443, %add3A, %dma_wait3A_444, %dma_wait3A_445] : memref<200x8x32x8x128xf32, #tpu.memory_space<hbm>> -> memref<1x8x1x8x128xf32, #tpu.memory_space<hbm>>
      %dma_wait3A_447 = tpu.memref_squeeze %dma_wait3A_446 : memref<1x8x1x8x128xf32, #tpu.memory_space<hbm>> -> memref<8x8x128xf32, #tpu.memory_space<hbm>>
      %dma_wait3A_448 = arith.constant 0 : i32
      %dma_wait3A_449 = arith.constant 0 : i32
      %dma_wait3A_450 = arith.constant 0 : i32
      %dma_wait3A_451 = tpu.memref_slice %arg9[%dma_wait3A_448, %dma_wait3A_449, %dma_wait3A_450] : memref<8x8x129xf32, #tpu.memory_space<vmem>> -> memref<8x8x128xf32, #tpu.memory_space<vmem>>
      tpu.wait_dma2 semaphore(%arg13 : memref<!tpu.dma_semaphore, #tpu.memory_space<semaphore_mem>>) src(%dma_wait3A_451 : memref<8x8x128xf32, #tpu.memory_space<vmem>>) dst(%dma_wait3A_447 : memref<8x8x128xf32, #tpu.memory_space<hbm>>)
      %scan3A_452 = arith.constant 0 : i32
      %scan3A_453 = arith.constant 0 : i32
      %scan3A_454 = arith.constant 8 : i32
      %scan3A_455 = arith.addi %scan3A_453, %scan3A_454 : i32
      %scan3A_456 = arith.constant 1 : i32
      %scan3A_457 = scf.for %scan3A_480 = %scan3A_453 to %scan3A_455 step %scan3A_456 iter_args(%scan3A_481 = %scan3A_452) -> (i32)  : i32 {
        %mul3A_482 = arith.constant 16 : i32
        %mul3A_483 = arith.muli %scan3A_480, %mul3A_482 : i32
        %add3A_484 = arith.constant 0 : i32
        %add3A_485 = arith.addi %mul3A_483, %add3A_484 : i32
        %broadcast_in_dim3A = vector.broadcast %add3A_485 : i32 to vector<16xi32>
        %get3A = arith.index_cast %add3A_485 : i32 to index
        %get3A_486 = arith.constant 0 : index
        %get3A_487 = tpu.vector_load %arg7[%get3A, %get3A_486] {strides = array<i32>} : memref<128x64xf32, #tpu.memory_space<vmem>>, vector<16xf32>,
        tpu.vector_store_idx %arg9[%select_n3A, %select_n3A_153, %broadcast_in_dim3A], %get3A_487 : memref<8x8x129xf32, #tpu.memory_space<vmem>>[vector<16xi32>, vector<16xi32>, vector<16xi32>], vector<16xf32>,
        %get3A_488 = arith.index_cast %add3A_485 : i32 to index
        %get3A_489 = arith.constant 16 : index
        %get3A_490 = tpu.vector_load %arg7[%get3A_488, %get3A_489] {strides = array<i32>} : memref<128x64xf32, #tpu.memory_space<vmem>>, vector<16xf32>,
        tpu.vector_store_idx %arg9[%select_n3A_62, %select_n3A_178, %broadcast_in_dim3A], %get3A_490 : memref<8x8x129xf32, #tpu.memory_space<vmem>>[vector<16xi32>, vector<16xi32>, vector<16xi32>], vector<16xf32>,
        %get3A_491 = arith.index_cast %add3A_485 : i32 to index
        %get3A_492 = arith.constant 32 : index
        %get3A_493 = tpu.vector_load %arg7[%get3A_491, %get3A_492] {strides = array<i32>} : memref<128x64xf32, #tpu.memory_space<vmem>>, vector<16xf32>,
        tpu.vector_store_idx %arg9[%select_n3A_96, %select_n3A_203, %broadcast_in_dim3A], %get3A_493 : memref<8x8x129xf32, #tpu.memory_space<vmem>>[vector<16xi32>, vector<16xi32>, vector<16xi32>], vector<16xf32>,
        %get3A_494 = arith.index_cast %add3A_485 : i32 to index
        %get3A_495 = arith.constant 48 : index
        %get3A_496 = tpu.vector_load %arg7[%get3A_494, %get3A_495] {strides = array<i32>} : memref<128x64xf32, #tpu.memory_space<vmem>>, vector<16xf32>,
        tpu.vector_store_idx %arg9[%select_n3A_130, %select_n3A_228, %broadcast_in_dim3A], %get3A_496 : memref<8x8x129xf32, #tpu.memory_space<vmem>>[vector<16xi32>, vector<16xi32>, vector<16xi32>], vector<16xf32>,
        %mul3A_497 = arith.constant 16 : i32
        %mul3A_498 = arith.muli %scan3A_480, %mul3A_497 : i32
        %add3A_499 = arith.constant 1 : i32
        %add3A_500 = arith.addi %mul3A_498, %add3A_499 : i32
        %broadcast_in_dim3A_501 = vector.broadcast %add3A_500 : i32 to vector<16xi32>
        %get3A_502 = arith.index_cast %add3A_500 : i32 to index
        %get3A_503 = arith.constant 0 : index
        %get3A_504 = tpu.vector_load %arg7[%get3A_502, %get3A_503] {strides = array<i32>} : memref<128x64xf32, #tpu.memory_space<vmem>>, vector<16xf32>,
        tpu.vector_store_idx %arg9[%select_n3A, %select_n3A_153, %broadcast_in_dim3A_501], %get3A_504 : memref<8x8x129xf32, #tpu.memory_space<vmem>>[vector<16xi32>, vector<16xi32>, vector<16xi32>], vector<16xf32>,
        %get3A_505 = arith.index_cast %add3A_500 : i32 to index
        %get3A_506 = arith.constant 16 : index
        %get3A_507 = tpu.vector_load %arg7[%get3A_505, %get3A_506] {strides = array<i32>} : memref<128x64xf32, #tpu.memory_space<vmem>>, vector<16xf32>,
        tpu.vector_store_idx %arg9[%select_n3A_62, %select_n3A_178, %broadcast_in_dim3A_501], %get3A_507 : memref<8x8x129xf32, #tpu.memory_space<vmem>>[vector<16xi32>, vector<16xi32>, vector<16xi32>], vector<16xf32>,
        %get3A_508 = arith.index_cast %add3A_500 : i32 to index
        %get3A_509 = arith.constant 32 : index
        %get3A_510 = tpu.vector_load %arg7[%get3A_508, %get3A_509] {strides = array<i32>} : memref<128x64xf32, #tpu.memory_space<vmem>>, vector<16xf32>,
        tpu.vector_store_idx %arg9[%select_n3A_96, %select_n3A_203, %broadcast_in_dim3A_501], %get3A_510 : memref<8x8x129xf32, #tpu.memory_space<vmem>>[vector<16xi32>, vector<16xi32>, vector<16xi32>], vector<16xf32>,
        %get3A_511 = arith.index_cast %add3A_500 : i32 to index
        %get3A_512 = arith.constant 48 : index
        %get3A_513 = tpu.vector_load %arg7[%get3A_511, %get3A_512] {strides = array<i32>} : memref<128x64xf32, #tpu.memory_space<vmem>>, vector<16xf32>,
        tpu.vector_store_idx %arg9[%select_n3A_130, %select_n3A_228, %broadcast_in_dim3A_501], %get3A_513 : memref<8x8x129xf32, #tpu.memory_space<vmem>>[vector<16xi32>, vector<16xi32>, vector<16xi32>], vector<16xf32>,
        %mul3A_514 = arith.constant 16 : i32
        %mul3A_515 = arith.muli %scan3A_480, %mul3A_514 : i32
        %add3A_516 = arith.constant 2 : i32
        %add3A_517 = arith.addi %mul3A_515, %add3A_516 : i32
        %broadcast_in_dim3A_518 = vector.broadcast %add3A_517 : i32 to vector<16xi32>
        %get3A_519 = arith.index_cast %add3A_517 : i32 to index
        %get3A_520 = arith.constant 0 : index
        %get3A_521 = tpu.vector_load %arg7[%get3A_519, %get3A_520] {strides = array<i32>} : memref<128x64xf32, #tpu.memory_space<vmem>>, vector<16xf32>,
        tpu.vector_store_idx %arg9[%select_n3A, %select_n3A_153, %broadcast_in_dim3A_518], %get3A_521 : memref<8x8x129xf32, #tpu.memory_space<vmem>>[vector<16xi32>, vector<16xi32>, vector<16xi32>], vector<16xf32>,
        %get3A_522 = arith.index_cast %add3A_517 : i32 to index
        %get3A_523 = arith.constant 16 : index
        %get3A_524 = tpu.vector_load %arg7[%get3A_522, %get3A_523] {strides = array<i32>} : memref<128x64xf32, #tpu.memory_space<vmem>>, vector<16xf32>,
        tpu.vector_store_idx %arg9[%select_n3A_62, %select_n3A_178, %broadcast_in_dim3A_518], %get3A_524 : memref<8x8x129xf32, #tpu.memory_space<vmem>>[vector<16xi32>, vector<16xi32>, vector<16xi32>], vector<16xf32>,
        %get3A_525 = arith.index_cast %add3A_517 : i32 to index
        %get3A_526 = arith.constant 32 : index
        %get3A_527 = tpu.vector_load %arg7[%get3A_525, %get3A_526] {strides = array<i32>} : memref<128x64xf32, #tpu.memory_space<vmem>>, vector<16xf32>,
        tpu.vector_store_idx %arg9[%select_n3A_96, %select_n3A_203, %broadcast_in_dim3A_518], %get3A_527 : memref<8x8x129xf32, #tpu.memory_space<vmem>>[vector<16xi32>, vector<16xi32>, vector<16xi32>], vector<16xf32>,
        %get3A_528 = arith.index_cast %add3A_517 : i32 to index
        %get3A_529 = arith.constant 48 : index
        %get3A_530 = tpu.vector_load %arg7[%get3A_528, %get3A_529] {strides = array<i32>} : memref<128x64xf32, #tpu.memory_space<vmem>>, vector<16xf32>,
        tpu.vector_store_idx %arg9[%select_n3A_130, %select_n3A_228, %broadcast_in_dim3A_518], %get3A_530 : memref<8x8x129xf32, #tpu.memory_space<vmem>>[vector<16xi32>, vector<16xi32>, vector<16xi32>], vector<16xf32>,
        %mul3A_531 = arith.constant 16 : i32
        %mul3A_532 = arith.muli %scan3A_480, %mul3A_531 : i32
        %add3A_533 = arith.constant 3 : i32
        %add3A_534 = arith.addi %mul3A_532, %add3A_533 : i32
        %broadcast_in_dim3A_535 = vector.broadcast %add3A_534 : i32 to vector<16xi32>
        %get3A_536 = arith.index_cast %add3A_534 : i32 to index
        %get3A_537 = arith.constant 0 : index
        %get3A_538 = tpu.vector_load %arg7[%get3A_536, %get3A_537] {strides = array<i32>} : memref<128x64xf32, #tpu.memory_space<vmem>>, vector<16xf32>,
        tpu.vector_store_idx %arg9[%select_n3A, %select_n3A_153, %broadcast_in_dim3A_535], %get3A_538 : memref<8x8x129xf32, #tpu.memory_space<vmem>>[vector<16xi32>, vector<16xi32>, vector<16xi32>], vector<16xf32>,
        %get3A_539 = arith.index_cast %add3A_534 : i32 to index
        %get3A_540 = arith.constant 16 : index
        %get3A_541 = tpu.vector_load %arg7[%get3A_539, %get3A_540] {strides = array<i32>} : memref<128x64xf32, #tpu.memory_space<vmem>>, vector<16xf32>,
        tpu.vector_store_idx %arg9[%select_n3A_62, %select_n3A_178, %broadcast_in_dim3A_535], %get3A_541 : memref<8x8x129xf32, #tpu.memory_space<vmem>>[vector<16xi32>, vector<16xi32>, vector<16xi32>], vector<16xf32>,
        %get3A_542 = arith.index_cast %add3A_534 : i32 to index
        %get3A_543 = arith.constant 32 : index
        %get3A_544 = tpu.vector_load %arg7[%get3A_542, %get3A_543] {strides = array<i32>} : memref<128x64xf32, #tpu.memory_space<vmem>>, vector<16xf32>,
        tpu.vector_store_idx %arg9[%select_n3A_96, %select_n3A_203, %broadcast_in_dim3A_535], %get3A_544 : memref<8x8x129xf32, #tpu.memory_space<vmem>>[vector<16xi32>, vector<16xi32>, vector<16xi32>], vector<16xf32>,
        %get3A_545 = arith.index_cast %add3A_534 : i32 to index
        %get3A_546 = arith.constant 48 : index
        %get3A_547 = tpu.vector_load %arg7[%get3A_545, %get3A_546] {strides = array<i32>} : memref<128x64xf32, #tpu.memory_space<vmem>>, vector<16xf32>,
        tpu.vector_store_idx %arg9[%select_n3A_130, %select_n3A_228, %broadcast_in_dim3A_535], %get3A_547 : memref<8x8x129xf32, #tpu.memory_space<vmem>>[vector<16xi32>, vector<16xi32>, vector<16xi32>], vector<16xf32>,
        %mul3A_548 = arith.constant 16 : i32
        %mul3A_549 = arith.muli %scan3A_480, %mul3A_548 : i32
        %add3A_550 = arith.constant 4 : i32
        %add3A_551 = arith.addi %mul3A_549, %add3A_550 : i32
        %broadcast_in_dim3A_552 = vector.broadcast %add3A_551 : i32 to vector<16xi32>
        %get3A_553 = arith.index_cast %add3A_551 : i32 to index
        %get3A_554 = arith.constant 0 : index
        %get3A_555 = tpu.vector_load %arg7[%get3A_553, %get3A_554] {strides = array<i32>} : memref<128x64xf32, #tpu.memory_space<vmem>>, vector<16xf32>,
        tpu.vector_store_idx %arg9[%select_n3A, %select_n3A_153, %broadcast_in_dim3A_552], %get3A_555 : memref<8x8x129xf32, #tpu.memory_space<vmem>>[vector<16xi32>, vector<16xi32>, vector<16xi32>], vector<16xf32>,
        %get3A_556 = arith.index_cast %add3A_551 : i32 to index
        %get3A_557 = arith.constant 16 : index
        %get3A_558 = tpu.vector_load %arg7[%get3A_556, %get3A_557] {strides = array<i32>} : memref<128x64xf32, #tpu.memory_space<vmem>>, vector<16xf32>,
        tpu.vector_store_idx %arg9[%select_n3A_62, %select_n3A_178, %broadcast_in_dim3A_552], %get3A_558 : memref<8x8x129xf32, #tpu.memory_space<vmem>>[vector<16xi32>, vector<16xi32>, vector<16xi32>], vector<16xf32>,
        %get3A_559 = arith.index_cast %add3A_551 : i32 to index
        %get3A_560 = arith.constant 32 : index
        %get3A_561 = tpu.vector_load %arg7[%get3A_559, %get3A_560] {strides = array<i32>} : memref<128x64xf32, #tpu.memory_space<vmem>>, vector<16xf32>,
        tpu.vector_store_idx %arg9[%select_n3A_96, %select_n3A_203, %broadcast_in_dim3A_552], %get3A_561 : memref<8x8x129xf32, #tpu.memory_space<vmem>>[vector<16xi32>, vector<16xi32>, vector<16xi32>], vector<16xf32>,
        %get3A_562 = arith.index_cast %add3A_551 : i32 to index
        %get3A_563 = arith.constant 48 : index
        %get3A_564 = tpu.vector_load %arg7[%get3A_562, %get3A_563] {strides = array<i32>} : memref<128x64xf32, #tpu.memory_space<vmem>>, vector<16xf32>,
        tpu.vector_store_idx %arg9[%select_n3A_130, %select_n3A_228, %broadcast_in_dim3A_552], %get3A_564 : memref<8x8x129xf32, #tpu.memory_space<vmem>>[vector<16xi32>, vector<16xi32>, vector<16xi32>], vector<16xf32>,
        %mul3A_565 = arith.constant 16 : i32
        %mul3A_566 = arith.muli %scan3A_480, %mul3A_565 : i32
        %add3A_567 = arith.constant 5 : i32
        %add3A_568 = arith.addi %mul3A_566, %add3A_567 : i32
        %broadcast_in_dim3A_569 = vector.broadcast %add3A_568 : i32 to vector<16xi32>
        %get3A_570 = arith.index_cast %add3A_568 : i32 to index
        %get3A_571 = arith.constant 0 : index
        %get3A_572 = tpu.vector_load %arg7[%get3A_570, %get3A_571] {strides = array<i32>} : memref<128x64xf32, #tpu.memory_space<vmem>>, vector<16xf32>,
        tpu.vector_store_idx %arg9[%select_n3A, %select_n3A_153, %broadcast_in_dim3A_569], %get3A_572 : memref<8x8x129xf32, #tpu.memory_space<vmem>>[vector<16xi32>, vector<16xi32>, vector<16xi32>], vector<16xf32>,
        %get3A_573 = arith.index_cast %add3A_568 : i32 to index
        %get3A_574 = arith.constant 16 : index
        %get3A_575 = tpu.vector_load %arg7[%get3A_573, %get3A_574] {strides = array<i32>} : memref<128x64xf32, #tpu.memory_space<vmem>>, vector<16xf32>,
        tpu.vector_store_idx %arg9[%select_n3A_62, %select_n3A_178, %broadcast_in_dim3A_569], %get3A_575 : memref<8x8x129xf32, #tpu.memory_space<vmem>>[vector<16xi32>, vector<16xi32>, vector<16xi32>], vector<16xf32>,
        %get3A_576 = arith.index_cast %add3A_568 : i32 to index
        %get3A_577 = arith.constant 32 : index
        %get3A_578 = tpu.vector_load %arg7[%get3A_576, %get3A_577] {strides = array<i32>} : memref<128x64xf32, #tpu.memory_space<vmem>>, vector<16xf32>,
        tpu.vector_store_idx %arg9[%select_n3A_96, %select_n3A_203, %broadcast_in_dim3A_569], %get3A_578 : memref<8x8x129xf32, #tpu.memory_space<vmem>>[vector<16xi32>, vector<16xi32>, vector<16xi32>], vector<16xf32>,
        %get3A_579 = arith.index_cast %add3A_568 : i32 to index
        %get3A_580 = arith.constant 48 : index
        %get3A_581 = tpu.vector_load %arg7[%get3A_579, %get3A_580] {strides = array<i32>} : memref<128x64xf32, #tpu.memory_space<vmem>>, vector<16xf32>,
        tpu.vector_store_idx %arg9[%select_n3A_130, %select_n3A_228, %broadcast_in_dim3A_569], %get3A_581 : memref<8x8x129xf32, #tpu.memory_space<vmem>>[vector<16xi32>, vector<16xi32>, vector<16xi32>], vector<16xf32>,
        %mul3A_582 = arith.constant 16 : i32
        %mul3A_583 = arith.muli %scan3A_480, %mul3A_582 : i32
        %add3A_584 = arith.constant 6 : i32
        %add3A_585 = arith.addi %mul3A_583, %add3A_584 : i32
        %broadcast_in_dim3A_586 = vector.broadcast %add3A_585 : i32 to vector<16xi32>
        %get3A_587 = arith.index_cast %add3A_585 : i32 to index
        %get3A_588 = arith.constant 0 : index
        %get3A_589 = tpu.vector_load %arg7[%get3A_587, %get3A_588] {strides = array<i32>} : memref<128x64xf32, #tpu.memory_space<vmem>>, vector<16xf32>,
        tpu.vector_store_idx %arg9[%select_n3A, %select_n3A_153, %broadcast_in_dim3A_586], %get3A_589 : memref<8x8x129xf32, #tpu.memory_space<vmem>>[vector<16xi32>, vector<16xi32>, vector<16xi32>], vector<16xf32>,
        %get3A_590 = arith.index_cast %add3A_585 : i32 to index
        %get3A_591 = arith.constant 16 : index
        %get3A_592 = tpu.vector_load %arg7[%get3A_590, %get3A_591] {strides = array<i32>} : memref<128x64xf32, #tpu.memory_space<vmem>>, vector<16xf32>,
        tpu.vector_store_idx %arg9[%select_n3A_62, %select_n3A_178, %broadcast_in_dim3A_586], %get3A_592 : memref<8x8x129xf32, #tpu.memory_space<vmem>>[vector<16xi32>, vector<16xi32>, vector<16xi32>], vector<16xf32>,
        %get3A_593 = arith.index_cast %add3A_585 : i32 to index
        %get3A_594 = arith.constant 32 : index
        %get3A_595 = tpu.vector_load %arg7[%get3A_593, %get3A_594] {strides = array<i32>} : memref<128x64xf32, #tpu.memory_space<vmem>>, vector<16xf32>,
        tpu.vector_store_idx %arg9[%select_n3A_96, %select_n3A_203, %broadcast_in_dim3A_586], %get3A_595 : memref<8x8x129xf32, #tpu.memory_space<vmem>>[vector<16xi32>, vector<16xi32>, vector<16xi32>], vector<16xf32>,
        %get3A_596 = arith.index_cast %add3A_585 : i32 to index
        %get3A_597 = arith.constant 48 : index
        %get3A_598 = tpu.vector_load %arg7[%get3A_596, %get3A_597] {strides = array<i32>} : memref<128x64xf32, #tpu.memory_space<vmem>>, vector<16xf32>,
        tpu.vector_store_idx %arg9[%select_n3A_130, %select_n3A_228, %broadcast_in_dim3A_586], %get3A_598 : memref<8x8x129xf32, #tpu.memory_space<vmem>>[vector<16xi32>, vector<16xi32>, vector<16xi32>], vector<16xf32>,
        %mul3A_599 = arith.constant 16 : i32
        %mul3A_600 = arith.muli %scan3A_480, %mul3A_599 : i32
        %add3A_601 = arith.constant 7 : i32
        %add3A_602 = arith.addi %mul3A_600, %add3A_601 : i32
        %broadcast_in_dim3A_603 = vector.broadcast %add3A_602 : i32 to vector<16xi32>
        %get3A_604 = arith.index_cast %add3A_602 : i32 to index
        %get3A_605 = arith.constant 0 : index
        %get3A_606 = tpu.vector_load %arg7[%get3A_604, %get3A_605] {strides = array<i32>} : memref<128x64xf32, #tpu.memory_space<vmem>>, vector<16xf32>,
        tpu.vector_store_idx %arg9[%select_n3A, %select_n3A_153, %broadcast_in_dim3A_603], %get3A_606 : memref<8x8x129xf32, #tpu.memory_space<vmem>>[vector<16xi32>, vector<16xi32>, vector<16xi32>], vector<16xf32>,
        %get3A_607 = arith.index_cast %add3A_602 : i32 to index
        %get3A_608 = arith.constant 16 : index
        %get3A_609 = tpu.vector_load %arg7[%get3A_607, %get3A_608] {strides = array<i32>} : memref<128x64xf32, #tpu.memory_space<vmem>>, vector<16xf32>,
        tpu.vector_store_idx %arg9[%select_n3A_62, %select_n3A_178, %broadcast_in_dim3A_603], %get3A_609 : memref<8x8x129xf32, #tpu.memory_space<vmem>>[vector<16xi32>, vector<16xi32>, vector<16xi32>], vector<16xf32>,
        %get3A_610 = arith.index_cast %add3A_602 : i32 to index
        %get3A_611 = arith.constant 32 : index
        %get3A_612 = tpu.vector_load %arg7[%get3A_610, %get3A_611] {strides = array<i32>} : memref<128x64xf32, #tpu.memory_space<vmem>>, vector<16xf32>,
        tpu.vector_store_idx %arg9[%select_n3A_96, %select_n3A_203, %broadcast_in_dim3A_603], %get3A_612 : memref<8x8x129xf32, #tpu.memory_space<vmem>>[vector<16xi32>, vector<16xi32>, vector<16xi32>], vector<16xf32>,
        %get3A_613 = arith.index_cast %add3A_602 : i32 to index
        %get3A_614 = arith.constant 48 : index
        %get3A_615 = tpu.vector_load %arg7[%get3A_613, %get3A_614] {strides = array<i32>} : memref<128x64xf32, #tpu.memory_space<vmem>>, vector<16xf32>,
        tpu.vector_store_idx %arg9[%select_n3A_130, %select_n3A_228, %broadcast_in_dim3A_603], %get3A_615 : memref<8x8x129xf32, #tpu.memory_space<vmem>>[vector<16xi32>, vector<16xi32>, vector<16xi32>], vector<16xf32>,
        %mul3A_616 = arith.constant 16 : i32
        %mul3A_617 = arith.muli %scan3A_480, %mul3A_616 : i32
        %add3A_618 = arith.constant 8 : i32
        %add3A_619 = arith.addi %mul3A_617, %add3A_618 : i32
        %broadcast_in_dim3A_620 = vector.broadcast %add3A_619 : i32 to vector<16xi32>
        %get3A_621 = arith.index_cast %add3A_619 : i32 to index
        %get3A_622 = arith.constant 0 : index
        %get3A_623 = tpu.vector_load %arg7[%get3A_621, %get3A_622] {strides = array<i32>} : memref<128x64xf32, #tpu.memory_space<vmem>>, vector<16xf32>,
        tpu.vector_store_idx %arg9[%select_n3A, %select_n3A_153, %broadcast_in_dim3A_620], %get3A_623 : memref<8x8x129xf32, #tpu.memory_space<vmem>>[vector<16xi32>, vector<16xi32>, vector<16xi32>], vector<16xf32>,
        %get3A_624 = arith.index_cast %add3A_619 : i32 to index
        %get3A_625 = arith.constant 16 : index
        %get3A_626 = tpu.vector_load %arg7[%get3A_624, %get3A_625] {strides = array<i32>} : memref<128x64xf32, #tpu.memory_space<vmem>>, vector<16xf32>,
        tpu.vector_store_idx %arg9[%select_n3A_62, %select_n3A_178, %broadcast_in_dim3A_620], %get3A_626 : memref<8x8x129xf32, #tpu.memory_space<vmem>>[vector<16xi32>, vector<16xi32>, vector<16xi32>], vector<16xf32>,
        %get3A_627 = arith.index_cast %add3A_619 : i32 to index
        %get3A_628 = arith.constant 32 : index
        %get3A_629 = tpu.vector_load %arg7[%get3A_627, %get3A_628] {strides = array<i32>} : memref<128x64xf32, #tpu.memory_space<vmem>>, vector<16xf32>,
        tpu.vector_store_idx %arg9[%select_n3A_96, %select_n3A_203, %broadcast_in_dim3A_620], %get3A_629 : memref<8x8x129xf32, #tpu.memory_space<vmem>>[vector<16xi32>, vector<16xi32>, vector<16xi32>], vector<16xf32>,
        %get3A_630 = arith.index_cast %add3A_619 : i32 to index
        %get3A_631 = arith.constant 48 : index
        %get3A_632 = tpu.vector_load %arg7[%get3A_630, %get3A_631] {strides = array<i32>} : memref<128x64xf32, #tpu.memory_space<vmem>>, vector<16xf32>,
        tpu.vector_store_idx %arg9[%select_n3A_130, %select_n3A_228, %broadcast_in_dim3A_620], %get3A_632 : memref<8x8x129xf32, #tpu.memory_space<vmem>>[vector<16xi32>, vector<16xi32>, vector<16xi32>], vector<16xf32>,
        %mul3A_633 = arith.constant 16 : i32
        %mul3A_634 = arith.muli %scan3A_480, %mul3A_633 : i32
        %add3A_635 = arith.constant 9 : i32
        %add3A_636 = arith.addi %mul3A_634, %add3A_635 : i32
        %broadcast_in_dim3A_637 = vector.broadcast %add3A_636 : i32 to vector<16xi32>
        %get3A_638 = arith.index_cast %add3A_636 : i32 to index
        %get3A_639 = arith.constant 0 : index
        %get3A_640 = tpu.vector_load %arg7[%get3A_638, %get3A_639] {strides = array<i32>} : memref<128x64xf32, #tpu.memory_space<vmem>>, vector<16xf32>,
        tpu.vector_store_idx %arg9[%select_n3A, %select_n3A_153, %broadcast_in_dim3A_637], %get3A_640 : memref<8x8x129xf32, #tpu.memory_space<vmem>>[vector<16xi32>, vector<16xi32>, vector<16xi32>], vector<16xf32>,
        %get3A_641 = arith.index_cast %add3A_636 : i32 to index
        %get3A_642 = arith.constant 16 : index
        %get3A_643 = tpu.vector_load %arg7[%get3A_641, %get3A_642] {strides = array<i32>} : memref<128x64xf32, #tpu.memory_space<vmem>>, vector<16xf32>,
        tpu.vector_store_idx %arg9[%select_n3A_62, %select_n3A_178, %broadcast_in_dim3A_637], %get3A_643 : memref<8x8x129xf32, #tpu.memory_space<vmem>>[vector<16xi32>, vector<16xi32>, vector<16xi32>], vector<16xf32>,
        %get3A_644 = arith.index_cast %add3A_636 : i32 to index
        %get3A_645 = arith.constant 32 : index
        %get3A_646 = tpu.vector_load %arg7[%get3A_644, %get3A_645] {strides = array<i32>} : memref<128x64xf32, #tpu.memory_space<vmem>>, vector<16xf32>,
        tpu.vector_store_idx %arg9[%select_n3A_96, %select_n3A_203, %broadcast_in_dim3A_637], %get3A_646 : memref<8x8x129xf32, #tpu.memory_space<vmem>>[vector<16xi32>, vector<16xi32>, vector<16xi32>], vector<16xf32>,
        %get3A_647 = arith.index_cast %add3A_636 : i32 to index
        %get3A_648 = arith.constant 48 : index
        %get3A_649 = tpu.vector_load %arg7[%get3A_647, %get3A_648] {strides = array<i32>} : memref<128x64xf32, #tpu.memory_space<vmem>>, vector<16xf32>,
        tpu.vector_store_idx %arg9[%select_n3A_130, %select_n3A_228, %broadcast_in_dim3A_637], %get3A_649 : memref<8x8x129xf32, #tpu.memory_space<vmem>>[vector<16xi32>, vector<16xi32>, vector<16xi32>], vector<16xf32>,
        %mul3A_650 = arith.constant 16 : i32
        %mul3A_651 = arith.muli %scan3A_480, %mul3A_650 : i32
        %add3A_652 = arith.constant 10 : i32
        %add3A_653 = arith.addi %mul3A_651, %add3A_652 : i32
        %broadcast_in_dim3A_654 = vector.broadcast %add3A_653 : i32 to vector<16xi32>
        %get3A_655 = arith.index_cast %add3A_653 : i32 to index
        %get3A_656 = arith.constant 0 : index
        %get3A_657 = tpu.vector_load %arg7[%get3A_655, %get3A_656] {strides = array<i32>} : memref<128x64xf32, #tpu.memory_space<vmem>>, vector<16xf32>,
        tpu.vector_store_idx %arg9[%select_n3A, %select_n3A_153, %broadcast_in_dim3A_654], %get3A_657 : memref<8x8x129xf32, #tpu.memory_space<vmem>>[vector<16xi32>, vector<16xi32>, vector<16xi32>], vector<16xf32>,
        %get3A_658 = arith.index_cast %add3A_653 : i32 to index
        %get3A_659 = arith.constant 16 : index
        %get3A_660 = tpu.vector_load %arg7[%get3A_658, %get3A_659] {strides = array<i32>} : memref<128x64xf32, #tpu.memory_space<vmem>>, vector<16xf32>,
        tpu.vector_store_idx %arg9[%select_n3A_62, %select_n3A_178, %broadcast_in_dim3A_654], %get3A_660 : memref<8x8x129xf32, #tpu.memory_space<vmem>>[vector<16xi32>, vector<16xi32>, vector<16xi32>], vector<16xf32>,
        %get3A_661 = arith.index_cast %add3A_653 : i32 to index
        %get3A_662 = arith.constant 32 : index
        %get3A_663 = tpu.vector_load %arg7[%get3A_661, %get3A_662] {strides = array<i32>} : memref<128x64xf32, #tpu.memory_space<vmem>>, vector<16xf32>,
        tpu.vector_store_idx %arg9[%select_n3A_96, %select_n3A_203, %broadcast_in_dim3A_654], %get3A_663 : memref<8x8x129xf32, #tpu.memory_space<vmem>>[vector<16xi32>, vector<16xi32>, vector<16xi32>], vector<16xf32>,
        %get3A_664 = arith.index_cast %add3A_653 : i32 to index
        %get3A_665 = arith.constant 48 : index
        %get3A_666 = tpu.vector_load %arg7[%get3A_664, %get3A_665] {strides = array<i32>} : memref<128x64xf32, #tpu.memory_space<vmem>>, vector<16xf32>,
        tpu.vector_store_idx %arg9[%select_n3A_130, %select_n3A_228, %broadcast_in_dim3A_654], %get3A_666 : memref<8x8x129xf32, #tpu.memory_space<vmem>>[vector<16xi32>, vector<16xi32>, vector<16xi32>], vector<16xf32>,
        %mul3A_667 = arith.constant 16 : i32
        %mul3A_668 = arith.muli %scan3A_480, %mul3A_667 : i32
        %add3A_669 = arith.constant 11 : i32
        %add3A_670 = arith.addi %mul3A_668, %add3A_669 : i32
        %broadcast_in_dim3A_671 = vector.broadcast %add3A_670 : i32 to vector<16xi32>
        %get3A_672 = arith.index_cast %add3A_670 : i32 to index
        %get3A_673 = arith.constant 0 : index
        %get3A_674 = tpu.vector_load %arg7[%get3A_672, %get3A_673] {strides = array<i32>} : memref<128x64xf32, #tpu.memory_space<vmem>>, vector<16xf32>,
        tpu.vector_store_idx %arg9[%select_n3A, %select_n3A_153, %broadcast_in_dim3A_671], %get3A_674 : memref<8x8x129xf32, #tpu.memory_space<vmem>>[vector<16xi32>, vector<16xi32>, vector<16xi32>], vector<16xf32>,
        %get3A_675 = arith.index_cast %add3A_670 : i32 to index
        %get3A_676 = arith.constant 16 : index
        %get3A_677 = tpu.vector_load %arg7[%get3A_675, %get3A_676] {strides = array<i32>} : memref<128x64xf32, #tpu.memory_space<vmem>>, vector<16xf32>,
        tpu.vector_store_idx %arg9[%select_n3A_62, %select_n3A_178, %broadcast_in_dim3A_671], %get3A_677 : memref<8x8x129xf32, #tpu.memory_space<vmem>>[vector<16xi32>, vector<16xi32>, vector<16xi32>], vector<16xf32>,
        %get3A_678 = arith.index_cast %add3A_670 : i32 to index
        %get3A_679 = arith.constant 32 : index
        %get3A_680 = tpu.vector_load %arg7[%get3A_678, %get3A_679] {strides = array<i32>} : memref<128x64xf32, #tpu.memory_space<vmem>>, vector<16xf32>,
        tpu.vector_store_idx %arg9[%select_n3A_96, %select_n3A_203, %broadcast_in_dim3A_671], %get3A_680 : memref<8x8x129xf32, #tpu.memory_space<vmem>>[vector<16xi32>, vector<16xi32>, vector<16xi32>], vector<16xf32>,
        %get3A_681 = arith.index_cast %add3A_670 : i32 to index
        %get3A_682 = arith.constant 48 : index
        %get3A_683 = tpu.vector_load %arg7[%get3A_681, %get3A_682] {strides = array<i32>} : memref<128x64xf32, #tpu.memory_space<vmem>>, vector<16xf32>,
        tpu.vector_store_idx %arg9[%select_n3A_130, %select_n3A_228, %broadcast_in_dim3A_671], %get3A_683 : memref<8x8x129xf32, #tpu.memory_space<vmem>>[vector<16xi32>, vector<16xi32>, vector<16xi32>], vector<16xf32>,
        %mul3A_684 = arith.constant 16 : i32
        %mul3A_685 = arith.muli %scan3A_480, %mul3A_684 : i32
        %add3A_686 = arith.constant 12 : i32
        %add3A_687 = arith.addi %mul3A_685, %add3A_686 : i32
        %broadcast_in_dim3A_688 = vector.broadcast %add3A_687 : i32 to vector<16xi32>
        %get3A_689 = arith.index_cast %add3A_687 : i32 to index
        %get3A_690 = arith.constant 0 : index
        %get3A_691 = tpu.vector_load %arg7[%get3A_689, %get3A_690] {strides = array<i32>} : memref<128x64xf32, #tpu.memory_space<vmem>>, vector<16xf32>,
        tpu.vector_store_idx %arg9[%select_n3A, %select_n3A_153, %broadcast_in_dim3A_688], %get3A_691 : memref<8x8x129xf32, #tpu.memory_space<vmem>>[vector<16xi32>, vector<16xi32>, vector<16xi32>], vector<16xf32>,
        %get3A_692 = arith.index_cast %add3A_687 : i32 to index
        %get3A_693 = arith.constant 16 : index
        %get3A_694 = tpu.vector_load %arg7[%get3A_692, %get3A_693] {strides = array<i32>} : memref<128x64xf32, #tpu.memory_space<vmem>>, vector<16xf32>,
        tpu.vector_store_idx %arg9[%select_n3A_62, %select_n3A_178, %broadcast_in_dim3A_688], %get3A_694 : memref<8x8x129xf32, #tpu.memory_space<vmem>>[vector<16xi32>, vector<16xi32>, vector<16xi32>], vector<16xf32>,
        %get3A_695 = arith.index_cast %add3A_687 : i32 to index
        %get3A_696 = arith.constant 32 : index
        %get3A_697 = tpu.vector_load %arg7[%get3A_695, %get3A_696] {strides = array<i32>} : memref<128x64xf32, #tpu.memory_space<vmem>>, vector<16xf32>,
        tpu.vector_store_idx %arg9[%select_n3A_96, %select_n3A_203, %broadcast_in_dim3A_688], %get3A_697 : memref<8x8x129xf32, #tpu.memory_space<vmem>>[vector<16xi32>, vector<16xi32>, vector<16xi32>], vector<16xf32>,
        %get3A_698 = arith.index_cast %add3A_687 : i32 to index
        %get3A_699 = arith.constant 48 : index
        %get3A_700 = tpu.vector_load %arg7[%get3A_698, %get3A_699] {strides = array<i32>} : memref<128x64xf32, #tpu.memory_space<vmem>>, vector<16xf32>,
        tpu.vector_store_idx %arg9[%select_n3A_130, %select_n3A_228, %broadcast_in_dim3A_688], %get3A_700 : memref<8x8x129xf32, #tpu.memory_space<vmem>>[vector<16xi32>, vector<16xi32>, vector<16xi32>], vector<16xf32>,
        %mul3A_701 = arith.constant 16 : i32
        %mul3A_702 = arith.muli %scan3A_480, %mul3A_701 : i32
        %add3A_703 = arith.constant 13 : i32
        %add3A_704 = arith.addi %mul3A_702, %add3A_703 : i32
        %broadcast_in_dim3A_705 = vector.broadcast %add3A_704 : i32 to vector<16xi32>
        %get3A_706 = arith.index_cast %add3A_704 : i32 to index
        %get3A_707 = arith.constant 0 : index
        %get3A_708 = tpu.vector_load %arg7[%get3A_706, %get3A_707] {strides = array<i32>} : memref<128x64xf32, #tpu.memory_space<vmem>>, vector<16xf32>,
        tpu.vector_store_idx %arg9[%select_n3A, %select_n3A_153, %broadcast_in_dim3A_705], %get3A_708 : memref<8x8x129xf32, #tpu.memory_space<vmem>>[vector<16xi32>, vector<16xi32>, vector<16xi32>], vector<16xf32>,
        %get3A_709 = arith.index_cast %add3A_704 : i32 to index
        %get3A_710 = arith.constant 16 : index
        %get3A_711 = tpu.vector_load %arg7[%get3A_709, %get3A_710] {strides = array<i32>} : memref<128x64xf32, #tpu.memory_space<vmem>>, vector<16xf32>,
        tpu.vector_store_idx %arg9[%select_n3A_62, %select_n3A_178, %broadcast_in_dim3A_705], %get3A_711 : memref<8x8x129xf32, #tpu.memory_space<vmem>>[vector<16xi32>, vector<16xi32>, vector<16xi32>], vector<16xf32>,
        %get3A_712 = arith.index_cast %add3A_704 : i32 to index
        %get3A_713 = arith.constant 32 : index
        %get3A_714 = tpu.vector_load %arg7[%get3A_712, %get3A_713] {strides = array<i32>} : memref<128x64xf32, #tpu.memory_space<vmem>>, vector<16xf32>,
        tpu.vector_store_idx %arg9[%select_n3A_96, %select_n3A_203, %broadcast_in_dim3A_705], %get3A_714 : memref<8x8x129xf32, #tpu.memory_space<vmem>>[vector<16xi32>, vector<16xi32>, vector<16xi32>], vector<16xf32>,
        %get3A_715 = arith.index_cast %add3A_704 : i32 to index
        %get3A_716 = arith.constant 48 : index
        %get3A_717 = tpu.vector_load %arg7[%get3A_715, %get3A_716] {strides = array<i32>} : memref<128x64xf32, #tpu.memory_space<vmem>>, vector<16xf32>,
        tpu.vector_store_idx %arg9[%select_n3A_130, %select_n3A_228, %broadcast_in_dim3A_705], %get3A_717 : memref<8x8x129xf32, #tpu.memory_space<vmem>>[vector<16xi32>, vector<16xi32>, vector<16xi32>], vector<16xf32>,
        %mul3A_718 = arith.constant 16 : i32
        %mul3A_719 = arith.muli %scan3A_480, %mul3A_718 : i32
        %add3A_720 = arith.constant 14 : i32
        %add3A_721 = arith.addi %mul3A_719, %add3A_720 : i32
        %broadcast_in_dim3A_722 = vector.broadcast %add3A_721 : i32 to vector<16xi32>
        %get3A_723 = arith.index_cast %add3A_721 : i32 to index
        %get3A_724 = arith.constant 0 : index
        %get3A_725 = tpu.vector_load %arg7[%get3A_723, %get3A_724] {strides = array<i32>} : memref<128x64xf32, #tpu.memory_space<vmem>>, vector<16xf32>,
        tpu.vector_store_idx %arg9[%select_n3A, %select_n3A_153, %broadcast_in_dim3A_722], %get3A_725 : memref<8x8x129xf32, #tpu.memory_space<vmem>>[vector<16xi32>, vector<16xi32>, vector<16xi32>], vector<16xf32>,
        %get3A_726 = arith.index_cast %add3A_721 : i32 to index
        %get3A_727 = arith.constant 16 : index
        %get3A_728 = tpu.vector_load %arg7[%get3A_726, %get3A_727] {strides = array<i32>} : memref<128x64xf32, #tpu.memory_space<vmem>>, vector<16xf32>,
        tpu.vector_store_idx %arg9[%select_n3A_62, %select_n3A_178, %broadcast_in_dim3A_722], %get3A_728 : memref<8x8x129xf32, #tpu.memory_space<vmem>>[vector<16xi32>, vector<16xi32>, vector<16xi32>], vector<16xf32>,
        %get3A_729 = arith.index_cast %add3A_721 : i32 to index
        %get3A_730 = arith.constant 32 : index
        %get3A_731 = tpu.vector_load %arg7[%get3A_729, %get3A_730] {strides = array<i32>} : memref<128x64xf32, #tpu.memory_space<vmem>>, vector<16xf32>,
        tpu.vector_store_idx %arg9[%select_n3A_96, %select_n3A_203, %broadcast_in_dim3A_722], %get3A_731 : memref<8x8x129xf32, #tpu.memory_space<vmem>>[vector<16xi32>, vector<16xi32>, vector<16xi32>], vector<16xf32>,
        %get3A_732 = arith.index_cast %add3A_721 : i32 to index
        %get3A_733 = arith.constant 48 : index
        %get3A_734 = tpu.vector_load %arg7[%get3A_732, %get3A_733] {strides = array<i32>} : memref<128x64xf32, #tpu.memory_space<vmem>>, vector<16xf32>,
        tpu.vector_store_idx %arg9[%select_n3A_130, %select_n3A_228, %broadcast_in_dim3A_722], %get3A_734 : memref<8x8x129xf32, #tpu.memory_space<vmem>>[vector<16xi32>, vector<16xi32>, vector<16xi32>], vector<16xf32>,
        %mul3A_735 = arith.constant 16 : i32
        %mul3A_736 = arith.muli %scan3A_480, %mul3A_735 : i32
        %add3A_737 = arith.constant 15 : i32
        %add3A_738 = arith.addi %mul3A_736, %add3A_737 : i32
        %broadcast_in_dim3A_739 = vector.broadcast %add3A_738 : i32 to vector<16xi32>
        %get3A_740 = arith.index_cast %add3A_738 : i32 to index
        %get3A_741 = arith.constant 0 : index
        %get3A_742 = tpu.vector_load %arg7[%get3A_740, %get3A_741] {strides = array<i32>} : memref<128x64xf32, #tpu.memory_space<vmem>>, vector<16xf32>,
        tpu.vector_store_idx %arg9[%select_n3A, %select_n3A_153, %broadcast_in_dim3A_739], %get3A_742 : memref<8x8x129xf32, #tpu.memory_space<vmem>>[vector<16xi32>, vector<16xi32>, vector<16xi32>], vector<16xf32>,
        %get3A_743 = arith.index_cast %add3A_738 : i32 to index
        %get3A_744 = arith.constant 16 : index
        %get3A_745 = tpu.vector_load %arg7[%get3A_743, %get3A_744] {strides = array<i32>} : memref<128x64xf32, #tpu.memory_space<vmem>>, vector<16xf32>,
        tpu.vector_store_idx %arg9[%select_n3A_62, %select_n3A_178, %broadcast_in_dim3A_739], %get3A_745 : memref<8x8x129xf32, #tpu.memory_space<vmem>>[vector<16xi32>, vector<16xi32>, vector<16xi32>], vector<16xf32>,
        %get3A_746 = arith.index_cast %add3A_738 : i32 to index
        %get3A_747 = arith.constant 32 : index
        %get3A_748 = tpu.vector_load %arg7[%get3A_746, %get3A_747] {strides = array<i32>} : memref<128x64xf32, #tpu.memory_space<vmem>>, vector<16xf32>,
        tpu.vector_store_idx %arg9[%select_n3A_96, %select_n3A_203, %broadcast_in_dim3A_739], %get3A_748 : memref<8x8x129xf32, #tpu.memory_space<vmem>>[vector<16xi32>, vector<16xi32>, vector<16xi32>], vector<16xf32>,
        %get3A_749 = arith.index_cast %add3A_738 : i32 to index
        %get3A_750 = arith.constant 48 : index
        %get3A_751 = tpu.vector_load %arg7[%get3A_749, %get3A_750] {strides = array<i32>} : memref<128x64xf32, #tpu.memory_space<vmem>>, vector<16xf32>,
        tpu.vector_store_idx %arg9[%select_n3A_130, %select_n3A_228, %broadcast_in_dim3A_739], %get3A_751 : memref<8x8x129xf32, #tpu.memory_space<vmem>>[vector<16xi32>, vector<16xi32>, vector<16xi32>], vector<16xf32>,
        %scan3A_752 = arith.constant 0 : i32
        scf.yield %scan3A_752 : i32
      }
      %scan3A_458 = arith.constant 8 : i32
      %add3A_459 = arith.constant 1 : i32
      %add3A_460 = arith.addi %mul3A_361, %add3A_459 : i32
      %dma_start3A_461 = arith.constant 0 : i32
      %dma_start3A_462 = arith.constant 0 : i32
      %dma_start3A_463 = arith.constant 0 : i32
      %dma_start3A_464 = tpu.memref_slice %arg9[%dma_start3A_461, %dma_start3A_462, %dma_start3A_463] : memref<8x8x129xf32, #tpu.memory_space<vmem>> -> memref<8x8x128xf32, #tpu.memory_space<vmem>>
      %dma_start3A_465 = arith.constant 0 : i32
      %dma_start3A_466 = arith.constant 0 : i32
      %dma_start3A_467 = arith.constant 0 : i32
      %dma_start3A_468 = tpu.memref_slice %arg4[%add3A_460, %dma_start3A_465, %add3A, %dma_start3A_466, %dma_start3A_467] : memref<200x8x32x8x128xf32, #tpu.memory_space<hbm>> -> memref<1x8x1x8x128xf32, #tpu.memory_space<hbm>>
      %dma_start3A_469 = tpu.memref_squeeze %dma_start3A_468 : memref<1x8x1x8x128xf32, #tpu.memory_space<hbm>> -> memref<8x8x128xf32, #tpu.memory_space<hbm>>
      %dma_start3A_470 = arith.constant 0 : i32
      %dma_start3A_471 = arith.constant 0 : i32
      %dma_start3A_472 = arith.constant 0 : i32
      %dma_start3A_473 = tpu.memref_slice %arg4[%add3A_460, %dma_start3A_470, %add3A, %dma_start3A_471, %dma_start3A_472] : memref<200x8x32x8x128xf32, #tpu.memory_space<hbm>> -> memref<1x8x1x8x128xf32, #tpu.memory_space<hbm>>
      %dma_start3A_474 = tpu.memref_squeeze %dma_start3A_473 : memref<1x8x1x8x128xf32, #tpu.memory_space<hbm>> -> memref<8x8x128xf32, #tpu.memory_space<hbm>>
      %dma_start3A_475 = arith.constant 0 : i32
      %dma_start3A_476 = arith.constant 0 : i32
      %dma_start3A_477 = arith.constant 0 : i32
      %dma_start3A_478 = tpu.memref_slice %arg9[%dma_start3A_475, %dma_start3A_476, %dma_start3A_477] : memref<8x8x129xf32, #tpu.memory_space<vmem>> -> memref<8x8x128xf32, #tpu.memory_space<vmem>>
      tpu.enqueue_dma source(%dma_start3A_478 : memref<8x8x128xf32, #tpu.memory_space<vmem>>) target(%dma_start3A_474 : memref<8x8x128xf32, #tpu.memory_space<hbm>>) target_semaphore(%arg13 : memref<!tpu.dma_semaphore, #tpu.memory_space<semaphore_mem>>)
      %scan3A_479 = arith.constant 0 : i32
      scf.yield %scan3A_479 : i32
    }
    %scan3A_319 = arith.constant 99 : i32
    %dma_wait3A_320 = arith.constant 0 : i32
    %dma_wait3A_321 = arith.constant 0 : i32
    %dma_wait3A_322 = arith.constant 0 : i32
    %dma_wait3A_323 = arith.constant 0 : i32
    %dma_wait3A_324 = tpu.memref_slice %arg8[%dma_wait3A_321, %dma_wait3A_322, %dma_wait3A_323] : memref<8x8x129xf32, #tpu.memory_space<vmem>> -> memref<8x8x128xf32, #tpu.memory_space<vmem>>
    %dma_wait3A_325 = arith.constant 0 : i32
    %dma_wait3A_326 = arith.constant 0 : i32
    %dma_wait3A_327 = arith.constant 0 : i32
    %dma_wait3A_328 = tpu.memref_slice %arg4[%dma_wait3A_320, %dma_wait3A_325, %add3A, %dma_wait3A_326, %dma_wait3A_327] : memref<200x8x32x8x128xf32, #tpu.memory_space<hbm>> -> memref<1x8x1x8x128xf32, #tpu.memory_space<hbm>>
    %dma_wait3A_329 = tpu.memref_squeeze %dma_wait3A_328 : memref<1x8x1x8x128xf32, #tpu.memory_space<hbm>> -> memref<8x8x128xf32, #tpu.memory_space<hbm>>
    %dma_wait3A_330 = arith.constant 0 : i32
    %dma_wait3A_331 = arith.constant 0 : i32
    %dma_wait3A_332 = arith.constant 0 : i32
    %dma_wait3A_333 = tpu.memref_slice %arg4[%dma_wait3A_320, %dma_wait3A_330, %add3A, %dma_wait3A_331, %dma_wait3A_332] : memref<200x8x32x8x128xf32, #tpu.memory_space<hbm>> -> memref<1x8x1x8x128xf32, #tpu.memory_space<hbm>>
    %dma_wait3A_334 = tpu.memref_squeeze %dma_wait3A_333 : memref<1x8x1x8x128xf32, #tpu.memory_space<hbm>> -> memref<8x8x128xf32, #tpu.memory_space<hbm>>
    %dma_wait3A_335 = arith.constant 0 : i32
    %dma_wait3A_336 = arith.constant 0 : i32
    %dma_wait3A_337 = arith.constant 0 : i32
    %dma_wait3A_338 = tpu.memref_slice %arg8[%dma_wait3A_335, %dma_wait3A_336, %dma_wait3A_337] : memref<8x8x129xf32, #tpu.memory_space<vmem>> -> memref<8x8x128xf32, #tpu.memory_space<vmem>>
    tpu.wait_dma2 semaphore(%arg12 : memref<!tpu.dma_semaphore, #tpu.memory_space<semaphore_mem>>) src(%dma_wait3A_338 : memref<8x8x128xf32, #tpu.memory_space<vmem>>) dst(%dma_wait3A_334 : memref<8x8x128xf32, #tpu.memory_space<hbm>>)
    %dma_wait3A_339 = arith.constant 0 : i32
    %dma_wait3A_340 = arith.constant 0 : i32
    %dma_wait3A_341 = arith.constant 0 : i32
    %dma_wait3A_342 = arith.constant 0 : i32
    %dma_wait3A_343 = tpu.memref_slice %arg9[%dma_wait3A_340, %dma_wait3A_341, %dma_wait3A_342] : memref<8x8x129xf32, #tpu.memory_space<vmem>> -> memref<8x8x128xf32, #tpu.memory_space<vmem>>
    %dma_wait3A_344 = arith.constant 0 : i32
    %dma_wait3A_345 = arith.constant 0 : i32
    %dma_wait3A_346 = arith.constant 0 : i32
    %dma_wait3A_347 = tpu.memref_slice %arg4[%dma_wait3A_339, %dma_wait3A_344, %add3A, %dma_wait3A_345, %dma_wait3A_346] : memref<200x8x32x8x128xf32, #tpu.memory_space<hbm>> -> memref<1x8x1x8x128xf32, #tpu.memory_space<hbm>>
    %dma_wait3A_348 = tpu.memref_squeeze %dma_wait3A_347 : memref<1x8x1x8x128xf32, #tpu.memory_space<hbm>> -> memref<8x8x128xf32, #tpu.memory_space<hbm>>
    %dma_wait3A_349 = arith.constant 0 : i32
    %dma_wait3A_350 = arith.constant 0 : i32
    %dma_wait3A_351 = arith.constant 0 : i32
    %dma_wait3A_352 = tpu.memref_slice %arg4[%dma_wait3A_339, %dma_wait3A_349, %add3A, %dma_wait3A_350, %dma_wait3A_351] : memref<200x8x32x8x128xf32, #tpu.memory_space<hbm>> -> memref<1x8x1x8x128xf32, #tpu.memory_space<hbm>>
    %dma_wait3A_353 = tpu.memref_squeeze %dma_wait3A_352 : memref<1x8x1x8x128xf32, #tpu.memory_space<hbm>> -> memref<8x8x128xf32, #tpu.memory_space<hbm>>
    %dma_wait3A_354 = arith.constant 0 : i32
    %dma_wait3A_355 = arith.constant 0 : i32
    %dma_wait3A_356 = arith.constant 0 : i32
    %dma_wait3A_357 = tpu.memref_slice %arg9[%dma_wait3A_354, %dma_wait3A_355, %dma_wait3A_356] : memref<8x8x129xf32, #tpu.memory_space<vmem>> -> memref<8x8x128xf32, #tpu.memory_space<vmem>>
    tpu.wait_dma2 semaphore(%arg13 : memref<!tpu.dma_semaphore, #tpu.memory_space<semaphore_mem>>) src(%dma_wait3A_357 : memref<8x8x128xf32, #tpu.memory_space<vmem>>) dst(%dma_wait3A_353 : memref<8x8x128xf32, #tpu.memory_space<hbm>>)
    return
  }
}

</mosaic_0001>

<sc_bundles>
// kernel: kernel.3.cloned.1.call-start
scs
__scs_entry_jumppad:
0x0: {  	(pc) =	sbr.rel $0x88, $3  }
0x1: {  	(tag) =	ssettag $0x0;
	lr =	simm.s32 $0x1  }
0x2: {  	[smem:$0x3F9F] =	sst lr;
	_ =	strace $0xD0000000  }
0x3: {  	_ = 	snop  }
0x4: {  	_ = 	snop  }
0x5: {  	_ = 	snop  }
0x6: {  	_ = 	snop  }
0x7: {  	_ = 	snop  }
__scs_overlays_trampoline_lowered:
0x8: {  	[smem:$0x3FAE] =	sst s0  }
0x9: {  	[smem:$0x3FAF] =	sst s1  }
0xa: {  	[smem:$0x3FB0] =	sst s2  }
0xb: {  	[smem:$0x3FB1] =	sst s3  }
0xc: {  	[smem:$0x3FB2] =	sst s4  }
0xd: {  	[smem:$0x3FB3] =	sst s5  }
0xe: {  	[smem:$0x3FB4] =	sst s6  }
0xf: {  	[smem:$0x3FB5] =	sst s7  }
0x10: {  	[smem:$0x3FB6] =	sst s8  }
0x11: {  	[smem:$0x3FB7] =	sst s9;
	s0 =	simm.s32 @!p0 $0x0  }
0x12: {  	s1 =	sld [smem:$0x3F9D];
	s0 =	simm.s32 @p0 $0x1  }
0x13: {  	[smem:$0x3FB8] =	sst s0;
	s0 =	simm.s32 @!p1 $0x0  }
0x14: {  	s2 =	sld [smem:$0x3F9C];
	s0 =	simm.s32 @p1 $0x1  }
0x15: {  	[smem:$0x3FB9] =	sst s0;
	s0 =	simm.s32 @!p2 $0x0  }
0x16: {  	s3 =	sld [smem:$0x3FDB];
	s0 =	simm.s32 @p2 $0x1  }
0x17: {  	s4 =	simm.s32 $0x1BF5;
	[smem:$0x3FBB] =	sst s0  }
0x18: {  	s0 =	sld [smem:$0x3F9E];
	_ =	swait.ge [sflag:s4], $0x0  }
0x19: {  	s7 =	sld [smem:$0x3F9F]  }
0x1a: {  	s8 =	sadd.s32 $0xFFFFE003, lr  }
0x1b: {  	s9 =	sadd.s32 $0xFFFFFEF7, lr;
	s5 =	simm.s32 $0xFFFFFFFF;
	p2 =	slt.u32 s8, $0xFFFFF086  }
0x1c: {  	p1 =	slt.u32 s9, $0xF7A;
	s5 =	simm.s32 @!p2 $0x0  }
0x1d: {  	s5 =	simm.s32 @p1 $0x1;
	p0 =	seq.s32 s7, s2  }
0x1e: {  	s7 =	smul.u32 @!p0 $0xF7A, s2;
	p2 =	seq.s32 @!p0 s5, $0x0  }
0x1f: {  	s9 =	smul.u32 $0xF7A, s1;
	s8 =	simm.s32 @!p0 $0x1BF5;
	p2 =	por !p2, p0  }
0x20: {  	[sflag:s8] =	ssyncset.s32 @!p0 $0xFFFFF086;
	s6 =	sadd.s32 @!p0 s3, s7;
	s7 =	simm.s32 @!p0 $0x108  }
0x21: {  	s3 =	sadd.s32 s3, s9;
	s6 =	sadd.s32 @!p0 $0x88, s6;
	s7 =	simm.s32 @p2 $0x1082  }
0x22: {  	[simem:s7], [sflag:s8] =	dma.local @!p0 [hbm:s6], $0xF7A  }
0x23: {  	s9 =	sor.u32 $0xD0000000, s2;
	s6 =	simm.s32 $0x108;
	_ =	swait.ge @!p0 [sflag:s8], $0x0  }
0x24: {  	s3 =	sadd.s32 $0x88, s3;
	s6 =	simm.s32 @!p1 $0x1082;
	[sflag:s4] =	ssyncset.s32 $0xFFFFF086  }
0x25: {  	[simem:s6], [sflag:s4] =	dma.local [hbm:s3], $0xF7A  }
0x26: {  	[smem:$0x3F9F] =	sst s1;
	(tag) =	ssettag s2;
	_ =	strace s9  }
0x27: {  	s1 =	sld [smem:$0x3FAF]  }
0x28: {  	s2 =	sld [smem:$0x3FB0]  }
0x29: {  	s4 =	sld [smem:$0x3FB2]  }
0x2a: {  	p0 =	seq.s32 s5, $0x0;
	s5 =	sld [smem:$0x3FB3]  }
0x2b: {  	s6 =	sld [smem:$0x3FB4]  }
0x2c: {  	s7 =	sld [smem:$0x3FB5]  }
0x2d: {  	s3 =	simm.s32 $0x108;
	s8 =	sld [smem:$0x3FB6]  }
0x2e: {  	s3 =	simm.s32 @!p0 $0x1082;
	s9 =	sld [smem:$0x3FB7]  }
0x2f: {  	lr =	sadd.s32 s0, s3;
	s0 =	sld [smem:$0x3FAE]  }
0x30: {  	s3 =	sld [smem:$0x3FB1]  }
0x31: {  	[smem:$0x3FBA] =	sst s10  }
0x32: {  	s10 =	sld [smem:$0x3FB8];
	_ =	sdelay $0x3  }
0x33: {  	p0 =	seq.s32 s10, $0x1;
	s10 =	sld [smem:$0x3FBA];
	_ =	sdelay $0x3  }
0x34: {  	[smem:$0x3FBA] =	sst s10  }
0x35: {  	s10 =	sld [smem:$0x3FB9];
	_ =	sdelay $0x3  }
0x36: {  	p1 =	seq.s32 s10, $0x1;
	s10 =	sld [smem:$0x3FBA];
	_ =	sdelay $0x3  }
0x37: {  	[smem:$0x3FBA] =	sst s10  }
0x38: {  	s10 =	sld [smem:$0x3FBB]  }
0x39: {  	_ = 	snop;
	(pc) =	sbr.ind lr, $3  }
0x3a: {  	_ = 	snop  }
0x3b: {  	_ = 	snop  }
0x3c: {  	p2 =	seq.s32 s10, $0x1;
	s10 =	sld [smem:$0x3FBA]  }
0x3d: {  	_ =	shalt  }
0x3e: {  	_ =	shalt  }
0x3f: {  	_ =	shalt  }
0x40: {  	_ =	shalt  }
0x41: {  	_ =	shalt  }
0x42: {  	_ =	shalt  }
0x43: {  	_ =	shalt  }
0x44: {  	_ =	shalt  }
0x45: {  	_ =	shalt  }
0x46: {  	_ =	shalt  }
0x47: {  	_ =	shalt  }
0x48: {  	_ =	shalt  }
0x49: {  	_ =	shalt  }
0x4a: {  	_ =	shalt  }
0x4b: {  	_ =	shalt  }
0x4c: {  	_ =	shalt  }
0x4d: {  	_ =	shalt  }
0x4e: {  	_ =	shalt  }
0x4f: {  	_ =	shalt  }
0x50: {  	_ =	shalt  }
0x51: {  	_ =	shalt  }
0x52: {  	_ =	shalt  }
0x53: {  	_ =	shalt  }
0x54: {  	_ =	shalt  }
0x55: {  	_ =	shalt  }
0x56: {  	_ =	shalt  }
0x57: {  	_ =	shalt  }
0x58: {  	_ =	shalt  }
0x59: {  	_ =	shalt  }
0x5a: {  	_ =	shalt  }
0x5b: {  	_ =	shalt  }
0x5c: {  	_ =	shalt  }
0x5d: {  	_ =	shalt  }
0x5e: {  	_ =	shalt  }
0x5f: {  	_ =	shalt  }
0x60: {  	_ =	shalt  }
0x61: {  	_ =	shalt  }
0x62: {  	_ =	shalt  }
0x63: {  	_ =	shalt  }
0x64: {  	_ =	shalt  }
0x65: {  	_ =	shalt  }
0x66: {  	_ =	shalt  }
0x67: {  	_ =	shalt  }
0x68: {  	_ =	shalt  }
0x69: {  	_ =	shalt  }
0x6a: {  	_ =	shalt  }
0x6b: {  	_ =	shalt  }
0x6c: {  	_ =	shalt  }
0x6d: {  	_ =	shalt  }
0x6e: {  	_ =	shalt  }
0x6f: {  	_ =	shalt  }
0x70: {  	_ =	shalt  }
0x71: {  	_ =	shalt  }
0x72: {  	_ =	shalt  }
0x73: {  	_ =	shalt  }
0x74: {  	_ =	shalt  }
0x75: {  	_ =	shalt  }
0x76: {  	_ =	shalt  }
0x77: {  	_ =	shalt  }
0x78: {  	_ =	shalt  }
0x79: {  	_ =	shalt  }
0x7a: {  	_ =	shalt  }
0x7b: {  	_ =	shalt  }
0x7c: {  	_ =	shalt  }
0x7d: {  	_ =	shalt  }
0x7e: {  	_ =	shalt  }
0x7f: {  	_ =	shalt  }
0x80: {  	_ =	shalt  }
0x81: {  	_ =	shalt  }
0x82: {  	_ =	shalt  }
0x83: {  	_ =	shalt  }
0x84: {  	_ =	shalt  }
0x85: {  	_ =	shalt  }
0x86: {  	_ =	shalt  }
0x87: {  	_ =	shalt  }
.Lfunc_end0:
.L_simem_size_0:
called_computation_lowered:
.L_overlay_start_0:
0x88: {  	s2 =	sld [smem:$0x3FD9]  }
0x89: {  	s3 =	sld [smem:$0x3FFE];
	_ =	sdelay $0x1  }
0x8a: {  	s1 =	srdreg.scid  }
0x8b: {  	s0 =	sand.u32 $0x1, s1  }
0x8c: {  	s17 =	sshll.u32 s0, $0xA;
	s2 =	sadd.s32 s3, s2  }
0x8d: {  	s2 =	sadd.s32 s2, s17  }
0x8e: {  	[smem:$0x3FC6] =	sst s2  }
0x8f: {  	_ = 	snop  }
0x90: {  	s2 =	sld [smem:$0x3FD0];
	(tm) =	ssettm $0x1  }
0x91: {  	s18 =	sld [smem:$0x3FFB];
	_ =	sdelay $0x3  }
0x92: {  	_ =	strace s18  }
0x93: {  	s3 =	sld [smem:$0x3FFC];
	_ =	sdelay $0x3  }
0x94: {  	_ =	strace s3  }
0x95: {  	s3 =	sld [smem:$0x3FFD];
	_ =	sdelay $0x3  }
0x96: {  	_ =	strace s3  }
0x97: {  	_ =	strace $0x8FFFFFFF  }
0x98: {  	s19 =	sld [smem:$0x3FDB];
	_ =	sdelay $0x1  }
0x99: {  	s4 =	simm.s32 $_scs_section_size  }
0x9a: {  	s5 =	simm.s32 $_size__tile_overlayer_lowered;
	s6 =	simm.s32 $_tile_overlayer_lowered  }
0x9b: {  	s22 =	simm.s32 $0x1BFF;
	s21 =	sshll.u32 s6, $0x1;
	s3 =	sadd.s32 s4, s19  }
0x9c: {  	s7 =	simm.s32 $0x0;
	s20 =	sshll.u32 s5, $0x1;
	s5 =	sadd.s32 s21, s3  }
0x9d: {  	[timem:s7], [sflag:s22] =	dma.local [hbm:s5], s20  }
0x9e: {  	_ =	swait.ge [sflag:s22], s20  }
0x9f: {  	s4 =	ssub.s32 $0x0, s20;
	[sflag:s22] =	ssyncset.done $0x0  }
0xa0: {  	[sflag:s22] =	ssyncadd.s32 s4;
	_ =	sdelay $0x1  }
0xa1: {  	s23 =	simm.s32 $0x1B8B  }
0xa2: {  	_ =	swait.ge [sflag:s23], $0x1  }
0xa3: {  	[sflag:s23] =	ssyncset.done $0x0  }
0xa4: {  	s25 =	simm.s32 $0x1B8E;
	s24 =	sld [smem:$0x3FFE];
	[sflag:s23] =	ssyncadd.s32 $0xFFFFFFFF  }
0xa5: {  	s26 =	simm.s32 $execute0_lowered;
	[smem:$0x3FD2] =	sst s25  }
0xa6: {  	s5 =	sshll.u32 s26, $0x1;
	_ =	strace $0x80000046;
	[dreg:$0x1] =	wrdreg $0xFFFFFFFF  }
0xa7: {  	s28 =	simm.s32 $_size_execute0_lowered;
	s3 =	sadd.s32 s3, s5;
	[dreg:$0x0] =	wrdreg $0x0  }
0xa8: {  	s5 =	sshll.u32 s28, $0x1;
	[dreg:$0x2] =	wrdreg s3  }
0xa9: {  	[dreg:$0x3] =	wrdreg s5  }
0xaa: {  	[dreg:$0x4] =	wrdreg $0xC0  }
0xab: {  	_ =	task [dreg:s7], $0x5FFFF  }
0xac: {  	[dreg:$0x1] =	wrdreg $0xFFFFFFFF  }
0xad: {  	[dreg:$0x0] =	wrdreg $0x60  }
0xae: {  	[dreg:$0x2] =	wrdreg s24  }
0xaf: {  	[dreg:$0x3] =	wrdreg s2  }
0xb0: {  	[dreg:$0x4] =	wrdreg $0x9  }
0xb1: {  	_ =	task.clear_ibuf [dreg:s7], $0x5FFFF;
	_ =	strace $0x90000046  }
0xb2: {  	s29 =	simm.s32 $0x9;
	_ =	strace $0x80000048  }
0xb3: {  	_ =	swait.ge [sflag:s29], $0x1  }
0xb4: {  	[sflag:s29] =	ssyncadd.s32 $0xFFFFFFFF  }
0xb5: {  	_ =	strace $0x90000048  }
0xb6: {  	_ =	sfence  }
0xb7: {  	s30 =	sld [smem:$0x0];
	_ =	sdelay $0x2  }
0xb8: {  	s31 =	sshll.u32 s1, $0xD;
	s1 =	sshrl.u32 s1, $0x2  }
0xb9: {  	s3 =	sand.u32 $0x4000, s31;
	s1 =	sadd.s32 s1, s30  }
0xba: {  	s0 =	sor.u32 s3, s0;
	s1 =	sshll.u32 s1, $0x11  }
0xbb: {  	s0 =	sor.u32 s1, s0  }
0xbc: {  	s0 =	sadd.s32 $0x8F2B, s0  }
0xbd: {  	[sflag:s0] =	ssyncadd.remote.s32 $0x1  }
0xbe: {  	_ =	sfence.sel $0xFFFF  }
0xbf: {  	[dreg:$0x0] =	wrdreg $0xFFFFFFFF;
	(pc) =	sbr.abs _section_cstart, $3  }
0xc0: {  	[dreg:$0x1] =	wrdreg $0xFFFFFFFF  }
0xc1: {  	_ =	task.clear_ibuf [dreg:s7], $0x2FFFF;
	_ =	strace $0x9FFFFFFF  }
0xc2: {  	(tm) =	ssettm $0x7FFFFFFF  }
0xc3: {  	_ =	shalt  }
tec
execute0_lowered:
.L_overlay_start_1:
0x0: {  	(tag) =	ssettag $0x1  }
0x1: {  	v0 =	vlaneseq.u32  }
0x2: {  	s4 =	rddreg [dreg:$0x0];
	v0 =	vmul.u32 $0x88, v0  }
0x3: {  	s1 =	srdreg.scid;
	s0 =	stileid.u32;
	v1 =	vimm.s32 $0x0;
	vm0 =	vcmask $0x300  }
0x4: {  	s2 =	rddreg [dreg:$0x1];
	s3 =	simm.s32 $0x0;
	s10 =	simm.s32 $0x80;
	v1 =	vsel vm0, $0x3, v1;
	v2 =	vadd.s32 $0x880, v0  }
0x5: {  	s11 =	simm.s32 $0x1000;
	s12 =	simm.s32 $0x5;
	s13 =	simm.s32 $0x6400;
	v3 =	vadd.s32 $0x1100, v0;
	v4 =	vadd.s32 $0x1980, v0;
	v5 =	vor.u32 $0x1, v0  }
0x6: {  	s14 =	simm.s32 $0x1;
	s15 =	simm.s32 $0x8400;
	s16 =	simm.s32 $0xA400;
	v6 =	vadd.s32 $0x881, v0;
	v7 =	vadd.s32 $0x1101, v0;
	v8 =	vadd.s32 $0x1981, v0  }
0x7: {  	s17 =	simm.s32 $0x2;
	s18 =	simm.s32 $0x100;
	s19 =	simm.s32 $0xC600;
	v9 =	vor.u32 $0x2, v0;
	v10 =	vadd.s32 $0x882, v0;
	v11 =	vadd.s32 $0x1102, v0  }
0x8: {  	s20 =	simm.s32 $0x3;
	s21 =	simm.s32 $0x4;
	s22 =	simm.s32 $0x0;
	v12 =	vadd.s32 $0x1982, v0;
	v13 =	vor.u32 $0x3, v0;
	v14 =	vadd.s32 $0x883, v0  }
0x9: {  	s5 =	sand.u32 $0x1, s1;
	s6 =	sshll.u32 s0, $0x1;
	s1 =	rddreg [dreg:$0x2];
	v15 =	vadd.s32 $0x1103, v0;
	v16 =	vadd.s32 $0x1983, v0;
	v17 =	vor.u32 $0x4, v0  }
0xa: {  	[smem:$0x7FF] =	sst s3;
	s6 =	sor.u32 s5, s6;
	s5 =	ssub.s32 $0x2, s5;
	v18 =	vadd.s32 $0x884, v0;
	v19 =	vadd.s32 $0x1104, v0;
	v20 =	vadd.s32 $0x1984, v0  }
0xb: {  	_ =	strace $0x80000047;
	s7 =	sshll.u32 s6, $0x4;
	s8 =	sshrl.u32 s5, $0x1;
	v21 =	vor.u32 $0x5, v0;
	v22 =	vadd.s32 $0x885, v0;
	v23 =	vadd.s32 $0x1105, v0  }
0xc: {  	s31 =	sshll.u32 s6, $0x7;
	s6 =	sshll.u32 s6, $0xA;
	v24 =	vadd.s32 $0x1985, v0;
	v25 =	vor.u32 $0x6, v0;
	v26 =	vadd.s32 $0x886, v0;
	s7 =	sadd.s32 s7, s4  }
0xd: {  	v27 =	vadd.s32 $0x1106, v0;
	v28 =	vadd.s32 $0x1986, v0;
	v29 =	vor.u32 $0x7, v0;
	s9 =	ssub.s32 s5, s8;
	s5 =	sadd.s32 $0x400, s7;
	s7 =	sadd.s32 s2, s31  }
0xe: {  	v30 =	vadd.s32 $0x887, v0;
	v31 =	vadd.s32 $0x1107, v0;
	v32 =	vadd.s32 $0x1987, v0;
	s4 =	sadd.s32 $0x19400, s4;
	s9 =	smax.u32 s9, $0x1;
	s8 =	sadd.s32 $0x8000, s7  }
.LBB2_1:
0xf: {  	[tilespmem:s3], [sflag:$0x5] =	stream.strided.gather [hbm4b:s5+s10], $0x6400, s11, s10, $0x38;
	[tilespmem:$0xE800] =	vst v63  }
0x10: {  	_ =	swait.ge [sflag:s12], $0x6400  }
0x11: {  	[sflag:s12] =	ssyncset.done $0x0  }
0x12: {  	s23 =	simm.s32 $0x0;
	[sflag:s12] =	ssyncadd.s32 $0xFFFF9C00  }
0x13: {  	v33 =	vmov s23;
	[tilespmem:s13], [sflag:$0x1] =	stream.indirect.gather [hbm4b:s4+s10], $0x40, s3, s10, $0xb8;
	[tilespmem:$0xE800] =	vst v63  }
0x14: {  	v33 =	vshrl.u32 v33, $0x3;
	_ =	swait.ge [sflag:s14], $0x2000  }
0x15: {  	v33 =	vshll.u32 v33, v1;
	[sflag:s14] =	ssyncset.done $0x0  }
0x16: {  	s23 =	simm.s32 $0x6600;
	v33 =	vbroadcast v33, $0x0;
	[sflag:s14] =	ssyncadd.s32 $0xFFFFE000  }
0x17: {  	[tilespmem:s15], [sflag:$0x2] =	stream.indirect.gather [hbm4b:s4+s10], $0x40, s10, s10, $0xb8;
	[tilespmem:$0xE800] =	vst v63  }
0x18: {  	v35 =	vadd.s32 v0, v33;
	v34 =	vld [tilespmem:s23+$0xFFFFFE00];
	_ =	sdelay $0x4  }
0x19: {  	[tilespmem:v35+s16+$0x0] =	vst.idx.msk $0xffff, v34  }
0x1a: {  	v44 =	vadd.s32 v2, v33;
	v34 =	vld [tilespmem:s23+$0xFFFFFE10];
	_ =	sdelay $0x4  }
0x1b: {  	[tilespmem:v44+s16+$0x0] =	vst.idx.msk $0xffff, v34  }
0x1c: {  	v45 =	vadd.s32 v3, v33;
	v34 =	vld [tilespmem:s23+$0xFFFFFE20];
	_ =	sdelay $0x4  }
0x1d: {  	[tilespmem:v45+s16+$0x0] =	vst.idx.msk $0xffff, v34  }
0x1e: {  	s24 =	simm.s32 $0x1;
	v33 =	vadd.s32 v4, v33;
	v34 =	vld [tilespmem:s23+$0xFFFFFE30]  }
0x1f: {  	v46 =	vmov s24  }
0x20: {  	v35 =	vshrl.u32 v46, $0x3  }
0x21: {  	v35 =	vshll.u32 v35, v1  }
0x22: {  	v35 =	vbroadcast v35, $0x0  }
0x23: {  	[tilespmem:v33+s16+$0x0] =	vst.idx.msk $0xffff, v34  }
0x24: {  	v47 =	vadd.s32 v5, v35;
	v33 =	vld [tilespmem:s23+$0xFFFFFE40];
	_ =	sdelay $0x4  }
0x25: {  	[tilespmem:v47+s16+$0x0] =	vst.idx.msk $0xffff, v33  }
0x26: {  	v48 =	vadd.s32 v6, v35;
	v33 =	vld [tilespmem:s23+$0xFFFFFE50];
	_ =	sdelay $0x4  }
0x27: {  	[tilespmem:v48+s16+$0x0] =	vst.idx.msk $0xffff, v33  }
0x28: {  	v49 =	vadd.s32 v7, v35;
	v33 =	vld [tilespmem:s23+$0xFFFFFE60];
	_ =	sdelay $0x4  }
0x29: {  	[tilespmem:v49+s16+$0x0] =	vst.idx.msk $0xffff, v33  }
0x2a: {  	s30 =	simm.s32 $0x2;
	v50 =	vadd.s32 v8, v35;
	v33 =	vld [tilespmem:s23+$0xFFFFFE70]  }
0x2b: {  	v51 =	vmov s30  }
0x2c: {  	v35 =	vshrl.u32 v51, $0x3  }
0x2d: {  	v35 =	vshll.u32 v35, v1  }
0x2e: {  	v35 =	vbroadcast v35, $0x0  }
0x2f: {  	[tilespmem:v50+s16+$0x0] =	vst.idx.msk $0xffff, v33  }
0x30: {  	v52 =	vadd.s32 v9, v35;
	v33 =	vld [tilespmem:s23+$0xFFFFFE80];
	_ =	sdelay $0x4  }
0x31: {  	[tilespmem:v52+s16+$0x0] =	vst.idx.msk $0xffff, v33  }
0x32: {  	v53 =	vadd.s32 v10, v35;
	v33 =	vld [tilespmem:s23+$0xFFFFFE90];
	_ =	sdelay $0x4  }
0x33: {  	[tilespmem:v53+s16+$0x0] =	vst.idx.msk $0xffff, v33  }
0x34: {  	v54 =	vadd.s32 v11, v35;
	v33 =	vld [tilespmem:s23+$0xFFFFFEA0];
	_ =	sdelay $0x4  }
0x35: {  	[tilespmem:v54+s16+$0x0] =	vst.idx.msk $0xffff, v33  }
0x36: {  	s31 =	simm.s32 $0x3;
	v55 =	vadd.s32 v12, v35;
	v33 =	vld [tilespmem:s23+$0xFFFFFEB0]  }
0x37: {  	v56 =	vmov s31  }
0x38: {  	v35 =	vshrl.u32 v56, $0x3  }
0x39: {  	v35 =	vshll.u32 v35, v1  }
0x3a: {  	v35 =	vbroadcast v35, $0x0  }
0x3b: {  	[tilespmem:v55+s16+$0x0] =	vst.idx.msk $0xffff, v33  }
0x3c: {  	v57 =	vadd.s32 v13, v35;
	v33 =	vld [tilespmem:s23+$0xFFFFFEC0];
	_ =	sdelay $0x4  }
0x3d: {  	[tilespmem:v57+s16+$0x0] =	vst.idx.msk $0xffff, v33  }
0x3e: {  	v58 =	vadd.s32 v14, v35;
	v33 =	vld [tilespmem:s23+$0xFFFFFED0];
	_ =	sdelay $0x4  }
0x3f: {  	[tilespmem:v58+s16+$0x0] =	vst.idx.msk $0xffff, v33  }
0x40: {  	v59 =	vadd.s32 v15, v35;
	v33 =	vld [tilespmem:s23+$0xFFFFFEE0];
	_ =	sdelay $0x4  }
0x41: {  	[tilespmem:v59+s16+$0x0] =	vst.idx.msk $0xffff, v33  }
0x42: {  	s25 =	simm.s32 $0x4;
	v60 =	vadd.s32 v16, v35;
	v33 =	vld [tilespmem:s23+$0xFFFFFEF0]  }
0x43: {  	v61 =	vmov s25  }
0x44: {  	v35 =	vshrl.u32 v61, $0x3  }
0x45: {  	v35 =	vshll.u32 v35, v1  }
0x46: {  	v35 =	vbroadcast v35, $0x0  }
0x47: {  	[tilespmem:v60+s16+$0x0] =	vst.idx.msk $0xffff, v33  }
0x48: {  	v62 =	vadd.s32 v17, v35;
	v33 =	vld [tilespmem:s23+$0xFFFFFF00];
	_ =	sdelay $0x4  }
0x49: {  	[tilespmem:v62+s16+$0x0] =	vst.idx.msk $0xffff, v33  }
0x4a: {  	v63 =	vadd.s32 v18, v35;
	v33 =	vld [tilespmem:s23+$0xFFFFFF10];
	_ =	sdelay $0x4  }
0x4b: {  	[tilespmem:v63+s16+$0x0] =	vst.idx.msk $0xffff, v33  }
0x4c: {  	v36 =	vadd.s32 v19, v35;
	v33 =	vld [tilespmem:s23+$0xFFFFFF20];
	_ =	sdelay $0x4  }
0x4d: {  	[tilespmem:v36+s16+$0x0] =	vst.idx.msk $0xffff, v33  }
0x4e: {  	s26 =	simm.s32 $0x5;
	v37 =	vadd.s32 v20, v35;
	v33 =	vld [tilespmem:s23+$0xFFFFFF30]  }
0x4f: {  	v38 =	vmov s26  }
0x50: {  	v35 =	vshrl.u32 v38, $0x3  }
0x51: {  	v35 =	vshll.u32 v35, v1  }
0x52: {  	v35 =	vbroadcast v35, $0x0  }
0x53: {  	[tilespmem:v37+s16+$0x0] =	vst.idx.msk $0xffff, v33  }
0x54: {  	v39 =	vadd.s32 v21, v35;
	v33 =	vld [tilespmem:s23+$0xFFFFFF40];
	_ =	sdelay $0x4  }
0x55: {  	[tilespmem:v39+s16+$0x0] =	vst.idx.msk $0xffff, v33  }
0x56: {  	v40 =	vadd.s32 v22, v35;
	v33 =	vld [tilespmem:s23+$0xFFFFFF50];
	_ =	sdelay $0x4  }
0x57: {  	[tilespmem:v40+s16+$0x0] =	vst.idx.msk $0xffff, v33  }
0x58: {  	v41 =	vadd.s32 v23, v35;
	v33 =	vld [tilespmem:s23+$0xFFFFFF60];
	_ =	sdelay $0x4  }
0x59: {  	[tilespmem:v41+s16+$0x0] =	vst.idx.msk $0xffff, v33  }
0x5a: {  	s28 =	simm.s32 $0x6;
	v42 =	vadd.s32 v24, v35;
	v33 =	vld [tilespmem:s23+$0xFFFFFF70]  }
0x5b: {  	v43 =	vmov s28  }
0x5c: {  	v35 =	vshrl.u32 v43, $0x3  }
0x5d: {  	v35 =	vshll.u32 v35, v1  }
0x5e: {  	v35 =	vbroadcast v35, $0x0  }
0x5f: {  	[tilespmem:v42+s16+$0x0] =	vst.idx.msk $0xffff, v33  }
0x60: {  	v44 =	vadd.s32 v25, v35;
	v33 =	vld [tilespmem:s23+$0xFFFFFF80];
	_ =	sdelay $0x4  }
0x61: {  	[tilespmem:v44+s16+$0x0] =	vst.idx.msk $0xffff, v33  }
0x62: {  	v45 =	vadd.s32 v26, v35;
	v33 =	vld [tilespmem:s23+$0xFFFFFF90];
	_ =	sdelay $0x4  }
0x63: {  	[tilespmem:v45+s16+$0x0] =	vst.idx.msk $0xffff, v33  }
0x64: {  	v46 =	vadd.s32 v27, v35;
	v33 =	vld [tilespmem:s23+$0xFFFFFFA0];
	_ =	sdelay $0x4  }
0x65: {  	[tilespmem:v46+s16+$0x0] =	vst.idx.msk $0xffff, v33  }
0x66: {  	s29 =	simm.s32 $0x7;
	v47 =	vadd.s32 v28, v35;
	v33 =	vld [tilespmem:s23+$0xFFFFFFB0]  }
0x67: {  	v48 =	vmov s29  }
0x68: {  	v35 =	vshrl.u32 v48, $0x3  }
0x69: {  	v35 =	vshll.u32 v35, v1  }
0x6a: {  	v35 =	vbroadcast v35, $0x0  }
0x6b: {  	[tilespmem:v47+s16+$0x0] =	vst.idx.msk $0xffff, v33  }
0x6c: {  	v49 =	vadd.s32 v29, v35;
	v33 =	vld [tilespmem:s23+$0xFFFFFFC0];
	_ =	sdelay $0x4  }
0x6d: {  	[tilespmem:v49+s16+$0x0] =	vst.idx.msk $0xffff, v33  }
0x6e: {  	v50 =	vadd.s32 v30, v35;
	v33 =	vld [tilespmem:s23+$0xFFFFFFD0];
	_ =	sdelay $0x4  }
0x6f: {  	[tilespmem:v50+s16+$0x0] =	vst.idx.msk $0xffff, v33  }
0x70: {  	v51 =	vadd.s32 v31, v35;
	v33 =	vld [tilespmem:s23+$0xFFFFFFE0];
	_ =	sdelay $0x4  }
0x71: {  	[tilespmem:v51+s16+$0x0] =	vst.idx.msk $0xffff, v33  }
0x72: {  	s30 =	simm.s32 $0x8;
	v52 =	vadd.s32 v32, v35;
	v33 =	vld [tilespmem:s23+$0xFFFFFFF0]  }
0x73: {  	v53 =	vmov s30  }
0x74: {  	v35 =	vshrl.u32 v53, $0x3  }
0x75: {  	v35 =	vshll.u32 v35, v1  }
0x76: {  	v35 =	vbroadcast v35, $0x0  }
0x77: {  	[tilespmem:v52+s16+$0x0] =	vst.idx.msk $0xffff, v33  }
0x78: {  	v54 =	vadd.s32 v0, v35;
	v33 =	vld [tilespmem:s23+$0x0];
	_ =	sdelay $0x4  }
0x79: {  	[tilespmem:v54+s16+$0x0] =	vst.idx.msk $0xffff, v33  }
0x7a: {  	v55 =	vadd.s32 v2, v35;
	v33 =	vld [tilespmem:s23+$0x10];
	_ =	sdelay $0x4  }
0x7b: {  	[tilespmem:v55+s16+$0x0] =	vst.idx.msk $0xffff, v33  }
0x7c: {  	v56 =	vadd.s32 v3, v35;
	v33 =	vld [tilespmem:s23+$0x20];
	_ =	sdelay $0x4  }
0x7d: {  	[tilespmem:v56+s16+$0x0] =	vst.idx.msk $0xffff, v33  }
0x7e: {  	s31 =	simm.s32 $0x9;
	v57 =	vadd.s32 v4, v35;
	v33 =	vld [tilespmem:s23+$0x30]  }
0x7f: {  	v58 =	vmov s31  }
0x80: {  	v35 =	vshrl.u32 v58, $0x3  }
0x81: {  	v35 =	vshll.u32 v35, v1  }
0x82: {  	v35 =	vbroadcast v35, $0x0  }
0x83: {  	[tilespmem:v57+s16+$0x0] =	vst.idx.msk $0xffff, v33  }
0x84: {  	v59 =	vadd.s32 v5, v35;
	v33 =	vld [tilespmem:s23+$0x40];
	_ =	sdelay $0x4  }
0x85: {  	[tilespmem:v59+s16+$0x0] =	vst.idx.msk $0xffff, v33  }
0x86: {  	v60 =	vadd.s32 v6, v35;
	v33 =	vld [tilespmem:s23+$0x50];
	_ =	sdelay $0x4  }
0x87: {  	[tilespmem:v60+s16+$0x0] =	vst.idx.msk $0xffff, v33  }
0x88: {  	v61 =	vadd.s32 v7, v35;
	v33 =	vld [tilespmem:s23+$0x60];
	_ =	sdelay $0x4  }
0x89: {  	[tilespmem:v61+s16+$0x0] =	vst.idx.msk $0xffff, v33  }
0x8a: {  	s25 =	simm.s32 $0xA;
	v62 =	vadd.s32 v8, v35;
	v33 =	vld [tilespmem:s23+$0x70]  }
0x8b: {  	v63 =	vmov s25  }
0x8c: {  	v35 =	vshrl.u32 v63, $0x3  }
0x8d: {  	v35 =	vshll.u32 v35, v1  }
0x8e: {  	v35 =	vbroadcast v35, $0x0  }
0x8f: {  	[tilespmem:v62+s16+$0x0] =	vst.idx.msk $0xffff, v33  }
0x90: {  	v36 =	vadd.s32 v9, v35;
	v33 =	vld [tilespmem:s23+$0x80];
	_ =	sdelay $0x4  }
0x91: {  	[tilespmem:v36+s16+$0x0] =	vst.idx.msk $0xffff, v33  }
0x92: {  	v37 =	vadd.s32 v10, v35;
	v33 =	vld [tilespmem:s23+$0x90];
	_ =	sdelay $0x4  }
0x93: {  	[tilespmem:v37+s16+$0x0] =	vst.idx.msk $0xffff, v33  }
0x94: {  	v38 =	vadd.s32 v11, v35;
	v33 =	vld [tilespmem:s23+$0xA0];
	_ =	sdelay $0x4  }
0x95: {  	[tilespmem:v38+s16+$0x0] =	vst.idx.msk $0xffff, v33  }
0x96: {  	s26 =	simm.s32 $0xB;
	v39 =	vadd.s32 v12, v35;
	v33 =	vld [tilespmem:s23+$0xB0]  }
0x97: {  	v40 =	vmov s26  }
0x98: {  	v35 =	vshrl.u32 v40, $0x3  }
0x99: {  	v35 =	vshll.u32 v35, v1  }
0x9a: {  	v35 =	vbroadcast v35, $0x0  }
0x9b: {  	[tilespmem:v39+s16+$0x0] =	vst.idx.msk $0xffff, v33  }
0x9c: {  	v41 =	vadd.s32 v13, v35;
	v33 =	vld [tilespmem:s23+$0xC0];
	_ =	sdelay $0x4  }
0x9d: {  	[tilespmem:v41+s16+$0x0] =	vst.idx.msk $0xffff, v33  }
0x9e: {  	v42 =	vadd.s32 v14, v35;
	v33 =	vld [tilespmem:s23+$0xD0];
	_ =	sdelay $0x4  }
0x9f: {  	[tilespmem:v42+s16+$0x0] =	vst.idx.msk $0xffff, v33  }
0xa0: {  	v43 =	vadd.s32 v15, v35;
	v33 =	vld [tilespmem:s23+$0xE0];
	_ =	sdelay $0x4  }
0xa1: {  	[tilespmem:v43+s16+$0x0] =	vst.idx.msk $0xffff, v33  }
0xa2: {  	s28 =	simm.s32 $0xC;
	v44 =	vadd.s32 v16, v35;
	v33 =	vld [tilespmem:s23+$0xF0]  }
0xa3: {  	v45 =	vmov s28  }
0xa4: {  	v35 =	vshrl.u32 v45, $0x3  }
0xa5: {  	v35 =	vshll.u32 v35, v1  }
0xa6: {  	v35 =	vbroadcast v35, $0x0  }
0xa7: {  	[tilespmem:v44+s16+$0x0] =	vst.idx.msk $0xffff, v33  }
0xa8: {  	v46 =	vadd.s32 v17, v35;
	v33 =	vld [tilespmem:s23+$0x100];
	_ =	sdelay $0x4  }
0xa9: {  	[tilespmem:v46+s16+$0x0] =	vst.idx.msk $0xffff, v33  }
0xaa: {  	v47 =	vadd.s32 v18, v35;
	v33 =	vld [tilespmem:s23+$0x110];
	_ =	sdelay $0x4  }
0xab: {  	[tilespmem:v47+s16+$0x0] =	vst.idx.msk $0xffff, v33  }
0xac: {  	v48 =	vadd.s32 v19, v35;
	v33 =	vld [tilespmem:s23+$0x120];
	_ =	sdelay $0x4  }
0xad: {  	[tilespmem:v48+s16+$0x0] =	vst.idx.msk $0xffff, v33  }
0xae: {  	s29 =	simm.s32 $0xD;
	v49 =	vadd.s32 v20, v35;
	v33 =	vld [tilespmem:s23+$0x130]  }
0xaf: {  	v50 =	vmov s29  }
0xb0: {  	v35 =	vshrl.u32 v50, $0x3  }
0xb1: {  	v35 =	vshll.u32 v35, v1  }
0xb2: {  	v35 =	vbroadcast v35, $0x0  }
0xb3: {  	[tilespmem:v49+s16+$0x0] =	vst.idx.msk $0xffff, v33  }
0xb4: {  	v51 =	vadd.s32 v21, v35;
	v33 =	vld [tilespmem:s23+$0x140];
	_ =	sdelay $0x4  }
0xb5: {  	[tilespmem:v51+s16+$0x0] =	vst.idx.msk $0xffff, v33  }
0xb6: {  	v52 =	vadd.s32 v22, v35;
	v33 =	vld [tilespmem:s23+$0x150];
	_ =	sdelay $0x4  }
0xb7: {  	[tilespmem:v52+s16+$0x0] =	vst.idx.msk $0xffff, v33  }
0xb8: {  	v53 =	vadd.s32 v23, v35;
	v33 =	vld [tilespmem:s23+$0x160];
	_ =	sdelay $0x4  }
0xb9: {  	[tilespmem:v53+s16+$0x0] =	vst.idx.msk $0xffff, v33  }
0xba: {  	s30 =	simm.s32 $0xE;
	v54 =	vadd.s32 v24, v35;
	v33 =	vld [tilespmem:s23+$0x170]  }
0xbb: {  	v55 =	vmov s30  }
0xbc: {  	v35 =	vshrl.u32 v55, $0x3  }
0xbd: {  	v35 =	vshll.u32 v35, v1  }
0xbe: {  	v35 =	vbroadcast v35, $0x0  }
0xbf: {  	[tilespmem:v54+s16+$0x0] =	vst.idx.msk $0xffff, v33  }
0xc0: {  	v56 =	vadd.s32 v25, v35;
	v33 =	vld [tilespmem:s23+$0x180];
	_ =	sdelay $0x4  }
0xc1: {  	[tilespmem:v56+s16+$0x0] =	vst.idx.msk $0xffff, v33  }
0xc2: {  	v57 =	vadd.s32 v26, v35;
	v33 =	vld [tilespmem:s23+$0x190];
	_ =	sdelay $0x4  }
0xc3: {  	[tilespmem:v57+s16+$0x0] =	vst.idx.msk $0xffff, v33  }
0xc4: {  	v58 =	vadd.s32 v27, v35;
	v33 =	vld [tilespmem:s23+$0x1A0];
	_ =	sdelay $0x4  }
0xc5: {  	[tilespmem:v58+s16+$0x0] =	vst.idx.msk $0xffff, v33  }
0xc6: {  	s31 =	simm.s32 $0xF;
	v59 =	vadd.s32 v28, v35;
	v33 =	vld [tilespmem:s23+$0x1B0]  }
0xc7: {  	v60 =	vmov s31  }
0xc8: {  	v35 =	vshrl.u32 v60, $0x3  }
0xc9: {  	v35 =	vshll.u32 v35, v1  }
0xca: {  	v35 =	vbroadcast v35, $0x0  }
0xcb: {  	[tilespmem:v59+s16+$0x0] =	vst.idx.msk $0xffff, v33  }
0xcc: {  	v61 =	vadd.s32 v29, v35;
	v33 =	vld [tilespmem:s23+$0x1C0];
	_ =	sdelay $0x4  }
0xcd: {  	[tilespmem:v61+s16+$0x0] =	vst.idx.msk $0xffff, v33  }
0xce: {  	v62 =	vadd.s32 v30, v35;
	v33 =	vld [tilespmem:s23+$0x1D0];
	_ =	sdelay $0x4  }
0xcf: {  	[tilespmem:v62+s16+$0x0] =	vst.idx.msk $0xffff, v33  }
0xd0: {  	v63 =	vadd.s32 v31, v35;
	v33 =	vld [tilespmem:s23+$0x1E0];
	_ =	sdelay $0x4  }
0xd1: {  	[tilespmem:v63+s16+$0x0] =	vst.idx.msk $0xffff, v33  }
0xd2: {  	s24 =	simm.s32 $0x1F;
	s25 =	simm.s32 $0x2F;
	s26 =	simm.s32 $0x10;
	v34 =	vadd.s32 v32, v35;
	v33 =	vld [tilespmem:s23+$0x1F0]  }
.LBB2_2:
0xd3: {  	p0 =	sne.s32 s25, $0x7F;
	v35 =	vmov s26  }
0xd4: {  	v35 =	vshrl.u32 v35, $0x3  }
0xd5: {  	v35 =	vshll.u32 v35, v1  }
0xd6: {  	v35 =	vbroadcast v35, $0x0  }
0xd7: {  	s23 =	sadd.s32 $0x400, s23;
	[tilespmem:v34+s16+$0x0] =	vst.idx.msk $0xffff, v33  }
0xd8: {  	v33 =	vld [tilespmem:s23+$0xFFFFFE00];
	v34 =	vadd.s32 v0, v35;
	_ =	sdelay $0x4  }
0xd9: {  	[tilespmem:v34+s16+$0x0] =	vst.idx.msk $0xffff, v33  }
0xda: {  	v34 =	vadd.s32 v2, v35;
	v33 =	vld [tilespmem:s23+$0xFFFFFE10];
	_ =	sdelay $0x4  }
0xdb: {  	[tilespmem:v34+s16+$0x0] =	vst.idx.msk $0xffff, v33  }
0xdc: {  	v34 =	vadd.s32 v3, v35;
	v33 =	vld [tilespmem:s23+$0xFFFFFE20];
	_ =	sdelay $0x4  }
0xdd: {  	[tilespmem:v34+s16+$0x0] =	vst.idx.msk $0xffff, v33  }
0xde: {  	s26 =	sadd.s32 $0xFFFFFFF2, s24;
	v34 =	vadd.s32 v4, v35;
	v33 =	vld [tilespmem:s23+$0xFFFFFE30]  }
0xdf: {  	v35 =	vmov s26  }
0xe0: {  	v35 =	vshrl.u32 v35, $0x3  }
0xe1: {  	v35 =	vshll.u32 v35, v1  }
0xe2: {  	v35 =	vbroadcast v35, $0x0  }
0xe3: {  	[tilespmem:v34+s16+$0x0] =	vst.idx.msk $0xffff, v33  }
0xe4: {  	v34 =	vadd.s32 v5, v35;
	v33 =	vld [tilespmem:s23+$0xFFFFFE40];
	_ =	sdelay $0x4  }
0xe5: {  	[tilespmem:v34+s16+$0x0] =	vst.idx.msk $0xffff, v33  }
0xe6: {  	v34 =	vadd.s32 v6, v35;
	v33 =	vld [tilespmem:s23+$0xFFFFFE50];
	_ =	sdelay $0x4  }
0xe7: {  	[tilespmem:v34+s16+$0x0] =	vst.idx.msk $0xffff, v33  }
0xe8: {  	v34 =	vadd.s32 v7, v35;
	v33 =	vld [tilespmem:s23+$0xFFFFFE60];
	_ =	sdelay $0x4  }
0xe9: {  	[tilespmem:v34+s16+$0x0] =	vst.idx.msk $0xffff, v33  }
0xea: {  	s26 =	sadd.s32 $0xFFFFFFF3, s24;
	v34 =	vadd.s32 v8, v35;
	v33 =	vld [tilespmem:s23+$0xFFFFFE70]  }
0xeb: {  	v35 =	vmov s26  }
0xec: {  	v35 =	vshrl.u32 v35, $0x3  }
0xed: {  	v35 =	vshll.u32 v35, v1  }
0xee: {  	v35 =	vbroadcast v35, $0x0  }
0xef: {  	[tilespmem:v34+s16+$0x0] =	vst.idx.msk $0xffff, v33  }
0xf0: {  	v34 =	vadd.s32 v9, v35;
	v33 =	vld [tilespmem:s23+$0xFFFFFE80];
	_ =	sdelay $0x4  }
0xf1: {  	[tilespmem:v34+s16+$0x0] =	vst.idx.msk $0xffff, v33  }
0xf2: {  	v34 =	vadd.s32 v10, v35;
	v33 =	vld [tilespmem:s23+$0xFFFFFE90];
	_ =	sdelay $0x4  }
0xf3: {  	[tilespmem:v34+s16+$0x0] =	vst.idx.msk $0xffff, v33  }
0xf4: {  	v34 =	vadd.s32 v11, v35;
	v33 =	vld [tilespmem:s23+$0xFFFFFEA0];
	_ =	sdelay $0x4  }
0xf5: {  	[tilespmem:v34+s16+$0x0] =	vst.idx.msk $0xffff, v33  }
0xf6: {  	s26 =	sadd.s32 $0xFFFFFFF4, s24;
	v34 =	vadd.s32 v12, v35;
	v33 =	vld [tilespmem:s23+$0xFFFFFEB0]  }
0xf7: {  	v35 =	vmov s26  }
0xf8: {  	v35 =	vshrl.u32 v35, $0x3  }
0xf9: {  	v35 =	vshll.u32 v35, v1  }
0xfa: {  	v35 =	vbroadcast v35, $0x0  }
0xfb: {  	[tilespmem:v34+s16+$0x0] =	vst.idx.msk $0xffff, v33  }
0xfc: {  	v34 =	vadd.s32 v13, v35;
	v33 =	vld [tilespmem:s23+$0xFFFFFEC0];
	_ =	sdelay $0x4  }
0xfd: {  	[tilespmem:v34+s16+$0x0] =	vst.idx.msk $0xffff, v33  }
0xfe: {  	v34 =	vadd.s32 v14, v35;
	v33 =	vld [tilespmem:s23+$0xFFFFFED0];
	_ =	sdelay $0x4  }
0xff: {  	[tilespmem:v34+s16+$0x0] =	vst.idx.msk $0xffff, v33  }
0x100: {  	v34 =	vadd.s32 v15, v35;
	v33 =	vld [tilespmem:s23+$0xFFFFFEE0];
	_ =	sdelay $0x4  }
0x101: {  	[tilespmem:v34+s16+$0x0] =	vst.idx.msk $0xffff, v33  }
0x102: {  	s26 =	sadd.s32 $0xFFFFFFF5, s24;
	v34 =	vadd.s32 v16, v35;
	v33 =	vld [tilespmem:s23+$0xFFFFFEF0]  }
0x103: {  	v35 =	vmov s26  }
0x104: {  	v35 =	vshrl.u32 v35, $0x3  }
0x105: {  	v35 =	vshll.u32 v35, v1  }
0x106: {  	v35 =	vbroadcast v35, $0x0  }
0x107: {  	[tilespmem:v34+s16+$0x0] =	vst.idx.msk $0xffff, v33  }
0x108: {  	v34 =	vadd.s32 v17, v35;
	v33 =	vld [tilespmem:s23+$0xFFFFFF00];
	_ =	sdelay $0x4  }
0x109: {  	[tilespmem:v34+s16+$0x0] =	vst.idx.msk $0xffff, v33  }
0x10a: {  	v34 =	vadd.s32 v18, v35;
	v33 =	vld [tilespmem:s23+$0xFFFFFF10];
	_ =	sdelay $0x4  }
0x10b: {  	[tilespmem:v34+s16+$0x0] =	vst.idx.msk $0xffff, v33  }
0x10c: {  	v34 =	vadd.s32 v19, v35;
	v33 =	vld [tilespmem:s23+$0xFFFFFF20];
	_ =	sdelay $0x4  }
0x10d: {  	[tilespmem:v34+s16+$0x0] =	vst.idx.msk $0xffff, v33  }
0x10e: {  	s26 =	sadd.s32 $0xFFFFFFF6, s24;
	v34 =	vadd.s32 v20, v35;
	v33 =	vld [tilespmem:s23+$0xFFFFFF30]  }
0x10f: {  	v35 =	vmov s26  }
0x110: {  	v35 =	vshrl.u32 v35, $0x3  }
0x111: {  	v35 =	vshll.u32 v35, v1  }
0x112: {  	v35 =	vbroadcast v35, $0x0  }
0x113: {  	[tilespmem:v34+s16+$0x0] =	vst.idx.msk $0xffff, v33  }
0x114: {  	v34 =	vadd.s32 v21, v35;
	v33 =	vld [tilespmem:s23+$0xFFFFFF40];
	_ =	sdelay $0x4  }
0x115: {  	[tilespmem:v34+s16+$0x0] =	vst.idx.msk $0xffff, v33  }
0x116: {  	v34 =	vadd.s32 v22, v35;
	v33 =	vld [tilespmem:s23+$0xFFFFFF50];
	_ =	sdelay $0x4  }
0x117: {  	[tilespmem:v34+s16+$0x0] =	vst.idx.msk $0xffff, v33  }
0x118: {  	v34 =	vadd.s32 v23, v35;
	v33 =	vld [tilespmem:s23+$0xFFFFFF60];
	_ =	sdelay $0x4  }
0x119: {  	[tilespmem:v34+s16+$0x0] =	vst.idx.msk $0xffff, v33  }
0x11a: {  	s26 =	sadd.s32 $0xFFFFFFF7, s24;
	v34 =	vadd.s32 v24, v35;
	v33 =	vld [tilespmem:s23+$0xFFFFFF70]  }
0x11b: {  	v35 =	vmov s26  }
0x11c: {  	v35 =	vshrl.u32 v35, $0x3  }
0x11d: {  	v35 =	vshll.u32 v35, v1  }
0x11e: {  	v35 =	vbroadcast v35, $0x0  }
0x11f: {  	[tilespmem:v34+s16+$0x0] =	vst.idx.msk $0xffff, v33  }
0x120: {  	v34 =	vadd.s32 v25, v35;
	v33 =	vld [tilespmem:s23+$0xFFFFFF80];
	_ =	sdelay $0x4  }
0x121: {  	[tilespmem:v34+s16+$0x0] =	vst.idx.msk $0xffff, v33  }
0x122: {  	v34 =	vadd.s32 v26, v35;
	v33 =	vld [tilespmem:s23+$0xFFFFFF90];
	_ =	sdelay $0x4  }
0x123: {  	[tilespmem:v34+s16+$0x0] =	vst.idx.msk $0xffff, v33  }
0x124: {  	v34 =	vadd.s32 v27, v35;
	v33 =	vld [tilespmem:s23+$0xFFFFFFA0];
	_ =	sdelay $0x4  }
0x125: {  	[tilespmem:v34+s16+$0x0] =	vst.idx.msk $0xffff, v33  }
0x126: {  	s26 =	sadd.s32 $0xFFFFFFF8, s24;
	v34 =	vadd.s32 v28, v35;
	v33 =	vld [tilespmem:s23+$0xFFFFFFB0]  }
0x127: {  	v35 =	vmov s26  }
0x128: {  	v35 =	vshrl.u32 v35, $0x3  }
0x129: {  	v35 =	vshll.u32 v35, v1  }
0x12a: {  	v35 =	vbroadcast v35, $0x0  }
0x12b: {  	[tilespmem:v34+s16+$0x0] =	vst.idx.msk $0xffff, v33  }
0x12c: {  	v34 =	vadd.s32 v29, v35;
	v33 =	vld [tilespmem:s23+$0xFFFFFFC0];
	_ =	sdelay $0x4  }
0x12d: {  	[tilespmem:v34+s16+$0x0] =	vst.idx.msk $0xffff, v33  }
0x12e: {  	v34 =	vadd.s32 v30, v35;
	v33 =	vld [tilespmem:s23+$0xFFFFFFD0];
	_ =	sdelay $0x4  }
0x12f: {  	[tilespmem:v34+s16+$0x0] =	vst.idx.msk $0xffff, v33  }
0x130: {  	v34 =	vadd.s32 v31, v35;
	v33 =	vld [tilespmem:s23+$0xFFFFFFE0];
	_ =	sdelay $0x4  }
0x131: {  	[tilespmem:v34+s16+$0x0] =	vst.idx.msk $0xffff, v33  }
0x132: {  	s26 =	sadd.s32 $0xFFFFFFF9, s24;
	v34 =	vadd.s32 v32, v35;
	v33 =	vld [tilespmem:s23+$0xFFFFFFF0]  }
0x133: {  	v35 =	vmov s26  }
0x134: {  	v35 =	vshrl.u32 v35, $0x3  }
0x135: {  	v35 =	vshll.u32 v35, v1  }
0x136: {  	v35 =	vbroadcast v35, $0x0  }
0x137: {  	[tilespmem:v34+s16+$0x0] =	vst.idx.msk $0xffff, v33  }
0x138: {  	v34 =	vadd.s32 v0, v35;
	v33 =	vld [tilespmem:s23+$0x0];
	_ =	sdelay $0x4  }
0x139: {  	[tilespmem:v34+s16+$0x0] =	vst.idx.msk $0xffff, v33  }
0x13a: {  	v34 =	vadd.s32 v2, v35;
	v33 =	vld [tilespmem:s23+$0x10];
	_ =	sdelay $0x4  }
0x13b: {  	[tilespmem:v34+s16+$0x0] =	vst.idx.msk $0xffff, v33  }
0x13c: {  	v34 =	vadd.s32 v3, v35;
	v33 =	vld [tilespmem:s23+$0x20];
	_ =	sdelay $0x4  }
0x13d: {  	[tilespmem:v34+s16+$0x0] =	vst.idx.msk $0xffff, v33  }
0x13e: {  	s26 =	sadd.s32 $0xFFFFFFFA, s24;
	v34 =	vadd.s32 v4, v35;
	v33 =	vld [tilespmem:s23+$0x30]  }
0x13f: {  	v35 =	vmov s26  }
0x140: {  	v35 =	vshrl.u32 v35, $0x3  }
0x141: {  	v35 =	vshll.u32 v35, v1  }
0x142: {  	v35 =	vbroadcast v35, $0x0  }
0x143: {  	[tilespmem:v34+s16+$0x0] =	vst.idx.msk $0xffff, v33  }
0x144: {  	v34 =	vadd.s32 v5, v35;
	v33 =	vld [tilespmem:s23+$0x40];
	_ =	sdelay $0x4  }
0x145: {  	[tilespmem:v34+s16+$0x0] =	vst.idx.msk $0xffff, v33  }
0x146: {  	v34 =	vadd.s32 v6, v35;
	v33 =	vld [tilespmem:s23+$0x50];
	_ =	sdelay $0x4  }
0x147: {  	[tilespmem:v34+s16+$0x0] =	vst.idx.msk $0xffff, v33  }
0x148: {  	v34 =	vadd.s32 v7, v35;
	v33 =	vld [tilespmem:s23+$0x60];
	_ =	sdelay $0x4  }
0x149: {  	[tilespmem:v34+s16+$0x0] =	vst.idx.msk $0xffff, v33  }
0x14a: {  	s26 =	sadd.s32 $0xFFFFFFFB, s24;
	v34 =	vadd.s32 v8, v35;
	v33 =	vld [tilespmem:s23+$0x70]  }
0x14b: {  	v35 =	vmov s26  }
0x14c: {  	v35 =	vshrl.u32 v35, $0x3  }
0x14d: {  	v35 =	vshll.u32 v35, v1  }
0x14e: {  	v35 =	vbroadcast v35, $0x0  }
0x14f: {  	[tilespmem:v34+s16+$0x0] =	vst.idx.msk $0xffff, v33  }
0x150: {  	v34 =	vadd.s32 v9, v35;
	v33 =	vld [tilespmem:s23+$0x80];
	_ =	sdelay $0x4  }
0x151: {  	[tilespmem:v34+s16+$0x0] =	vst.idx.msk $0xffff, v33  }
0x152: {  	v34 =	vadd.s32 v10, v35;
	v33 =	vld [tilespmem:s23+$0x90];
	_ =	sdelay $0x4  }
0x153: {  	[tilespmem:v34+s16+$0x0] =	vst.idx.msk $0xffff, v33  }
0x154: {  	v34 =	vadd.s32 v11, v35;
	v33 =	vld [tilespmem:s23+$0xA0];
	_ =	sdelay $0x4  }
0x155: {  	[tilespmem:v34+s16+$0x0] =	vst.idx.msk $0xffff, v33  }
0x156: {  	s26 =	sadd.s32 $0xFFFFFFFC, s24;
	v34 =	vadd.s32 v12, v35;
	v33 =	vld [tilespmem:s23+$0xB0]  }
0x157: {  	v35 =	vmov s26  }
0x158: {  	v35 =	vshrl.u32 v35, $0x3  }
0x159: {  	v35 =	vshll.u32 v35, v1  }
0x15a: {  	v35 =	vbroadcast v35, $0x0  }
0x15b: {  	[tilespmem:v34+s16+$0x0] =	vst.idx.msk $0xffff, v33  }
0x15c: {  	v34 =	vadd.s32 v13, v35;
	v33 =	vld [tilespmem:s23+$0xC0];
	_ =	sdelay $0x4  }
0x15d: {  	[tilespmem:v34+s16+$0x0] =	vst.idx.msk $0xffff, v33  }
0x15e: {  	v34 =	vadd.s32 v14, v35;
	v33 =	vld [tilespmem:s23+$0xD0];
	_ =	sdelay $0x4  }
0x15f: {  	[tilespmem:v34+s16+$0x0] =	vst.idx.msk $0xffff, v33  }
0x160: {  	v34 =	vadd.s32 v15, v35;
	v33 =	vld [tilespmem:s23+$0xE0];
	_ =	sdelay $0x4  }
0x161: {  	[tilespmem:v34+s16+$0x0] =	vst.idx.msk $0xffff, v33  }
0x162: {  	s26 =	sadd.s32 $0xFFFFFFFD, s24;
	v34 =	vadd.s32 v16, v35;
	v33 =	vld [tilespmem:s23+$0xF0]  }
0x163: {  	v35 =	vmov s26  }
0x164: {  	v35 =	vshrl.u32 v35, $0x3  }
0x165: {  	v35 =	vshll.u32 v35, v1  }
0x166: {  	v35 =	vbroadcast v35, $0x0  }
0x167: {  	[tilespmem:v34+s16+$0x0] =	vst.idx.msk $0xffff, v33  }
0x168: {  	v34 =	vadd.s32 v17, v35;
	v33 =	vld [tilespmem:s23+$0x100];
	_ =	sdelay $0x4  }
0x169: {  	[tilespmem:v34+s16+$0x0] =	vst.idx.msk $0xffff, v33  }
0x16a: {  	v34 =	vadd.s32 v18, v35;
	v33 =	vld [tilespmem:s23+$0x110];
	_ =	sdelay $0x4  }
0x16b: {  	[tilespmem:v34+s16+$0x0] =	vst.idx.msk $0xffff, v33  }
0x16c: {  	v34 =	vadd.s32 v19, v35;
	v33 =	vld [tilespmem:s23+$0x120];
	_ =	sdelay $0x4  }
0x16d: {  	[tilespmem:v34+s16+$0x0] =	vst.idx.msk $0xffff, v33  }
0x16e: {  	s26 =	sadd.s32 $0xFFFFFFFE, s24;
	v34 =	vadd.s32 v20, v35;
	v33 =	vld [tilespmem:s23+$0x130]  }
0x16f: {  	v35 =	vmov s26  }
0x170: {  	v35 =	vshrl.u32 v35, $0x3  }
0x171: {  	v35 =	vshll.u32 v35, v1  }
0x172: {  	v35 =	vbroadcast v35, $0x0  }
0x173: {  	[tilespmem:v34+s16+$0x0] =	vst.idx.msk $0xffff, v33  }
0x174: {  	v34 =	vadd.s32 v21, v35;
	v33 =	vld [tilespmem:s23+$0x140];
	_ =	sdelay $0x4  }
0x175: {  	[tilespmem:v34+s16+$0x0] =	vst.idx.msk $0xffff, v33  }
0x176: {  	v34 =	vadd.s32 v22, v35;
	v33 =	vld [tilespmem:s23+$0x150];
	_ =	sdelay $0x4  }
0x177: {  	[tilespmem:v34+s16+$0x0] =	vst.idx.msk $0xffff, v33  }
0x178: {  	v34 =	vadd.s32 v23, v35;
	v33 =	vld [tilespmem:s23+$0x160];
	_ =	sdelay $0x4  }
0x179: {  	[tilespmem:v34+s16+$0x0] =	vst.idx.msk $0xffff, v33  }
0x17a: {  	s26 =	sadd.s32 $0xFFFFFFFF, s24;
	v34 =	vadd.s32 v24, v35;
	v33 =	vld [tilespmem:s23+$0x170]  }
0x17b: {  	v35 =	vmov s26  }
0x17c: {  	v35 =	vshrl.u32 v35, $0x3  }
0x17d: {  	v35 =	vshll.u32 v35, v1  }
0x17e: {  	v35 =	vbroadcast v35, $0x0  }
0x17f: {  	[tilespmem:v34+s16+$0x0] =	vst.idx.msk $0xffff, v33  }
0x180: {  	v34 =	vadd.s32 v25, v35;
	v33 =	vld [tilespmem:s23+$0x180];
	_ =	sdelay $0x4  }
0x181: {  	[tilespmem:v34+s16+$0x0] =	vst.idx.msk $0xffff, v33  }
0x182: {  	v34 =	vadd.s32 v26, v35;
	v33 =	vld [tilespmem:s23+$0x190];
	_ =	sdelay $0x4  }
0x183: {  	[tilespmem:v34+s16+$0x0] =	vst.idx.msk $0xffff, v33  }
0x184: {  	v34 =	vadd.s32 v27, v35;
	v33 =	vld [tilespmem:s23+$0x1A0];
	_ =	sdelay $0x4  }
0x185: {  	[tilespmem:v34+s16+$0x0] =	vst.idx.msk $0xffff, v33  }
0x186: {  	v34 =	vadd.s32 v28, v35;
	v33 =	vld [tilespmem:s23+$0x1B0]  }
0x187: {  	v35 =	vmov s24;
	s24 =	smov.u32 s25  }
0x188: {  	v35 =	vshrl.u32 v35, $0x3  }
0x189: {  	v35 =	vshll.u32 v35, v1  }
0x18a: {  	v35 =	vbroadcast v35, $0x0  }
0x18b: {  	[tilespmem:v34+s16+$0x0] =	vst.idx.msk $0xffff, v33  }
0x18c: {  	v34 =	vadd.s32 v29, v35;
	v33 =	vld [tilespmem:s23+$0x1C0];
	_ =	sdelay $0x4  }
0x18d: {  	[tilespmem:v34+s16+$0x0] =	vst.idx.msk $0xffff, v33  }
0x18e: {  	v34 =	vadd.s32 v30, v35;
	v33 =	vld [tilespmem:s23+$0x1D0];
	_ =	sdelay $0x4  }
0x18f: {  	[tilespmem:v34+s16+$0x0] =	vst.idx.msk $0xffff, v33  }
0x190: {  	v34 =	vadd.s32 v31, v35;
	v33 =	vld [tilespmem:s23+$0x1E0];
	_ =	sdelay $0x1  }
.Ltmp0:
0x191: {  	(pc) =	sbr.rel @p0 .LBB2_2-.Ltmp0, $3  }
0x192: {  	_ =	sdelay $0x1  }
0x193: {  	[tilespmem:v34+s16+$0x0] =	vst.idx.msk $0xffff, v33  }
0x194: {  	s25 =	sadd.s32 $0x10, s25;
	s26 =	sadd.s32 $0xFFFFFFF1, s24;
	v34 =	vadd.s32 v32, v35;
	v33 =	vld [tilespmem:s23+$0x1F0]  }
0x195: {  	v35 =	vmov s26  }
0x196: {  	v35 =	vshrl.u32 v35, $0x3  }
0x197: {  	v35 =	vshll.u32 v35, v1  }
0x198: {  	v35 =	vbroadcast v35, $0x0  }
0x199: {  	s23 =	sadd.s32 $0x400, s23;
	[tilespmem:v34+s16+$0x0] =	vst.idx.msk $0xffff, v33  }
0x19a: {  	v33 =	vld [tilespmem:s23+$0xFFFFFE00];
	v41 =	vadd.s32 v0, v35;
	_ =	sdelay $0x4  }
0x19b: {  	[tilespmem:v41+s16+$0x0] =	vst.idx.msk $0xffff, v33  }
0x19c: {  	v42 =	vadd.s32 v2, v35;
	v33 =	vld [tilespmem:s23+$0xFFFFFE10];
	_ =	sdelay $0x4  }
0x19d: {  	[tilespmem:v42+s16+$0x0] =	vst.idx.msk $0xffff, v33  }
0x19e: {  	v43 =	vadd.s32 v3, v35;
	v33 =	vld [tilespmem:s23+$0xFFFFFE20];
	_ =	sdelay $0x4  }
0x19f: {  	[tilespmem:v43+s16+$0x0] =	vst.idx.msk $0xffff, v33  }
0x1a0: {  	s25 =	sadd.s32 $0xFFFFFFF2, s24;
	v44 =	vadd.s32 v4, v35;
	v33 =	vld [tilespmem:s23+$0xFFFFFE30]  }
0x1a1: {  	v45 =	vmov s25  }
0x1a2: {  	v35 =	vshrl.u32 v45, $0x3  }
0x1a3: {  	v35 =	vshll.u32 v35, v1  }
0x1a4: {  	v35 =	vbroadcast v35, $0x0  }
0x1a5: {  	[tilespmem:v44+s16+$0x0] =	vst.idx.msk $0xffff, v33  }
0x1a6: {  	v46 =	vadd.s32 v5, v35;
	v33 =	vld [tilespmem:s23+$0xFFFFFE40];
	_ =	sdelay $0x4  }
0x1a7: {  	[tilespmem:v46+s16+$0x0] =	vst.idx.msk $0xffff, v33  }
0x1a8: {  	v47 =	vadd.s32 v6, v35;
	v33 =	vld [tilespmem:s23+$0xFFFFFE50];
	_ =	sdelay $0x4  }
0x1a9: {  	[tilespmem:v47+s16+$0x0] =	vst.idx.msk $0xffff, v33  }
0x1aa: {  	v48 =	vadd.s32 v7, v35;
	v33 =	vld [tilespmem:s23+$0xFFFFFE60];
	_ =	sdelay $0x4  }
0x1ab: {  	[tilespmem:v48+s16+$0x0] =	vst.idx.msk $0xffff, v33  }
0x1ac: {  	s30 =	sadd.s32 $0xFFFFFFF3, s24;
	v49 =	vadd.s32 v8, v35;
	v33 =	vld [tilespmem:s23+$0xFFFFFE70]  }
0x1ad: {  	v50 =	vmov s30  }
0x1ae: {  	v35 =	vshrl.u32 v50, $0x3  }
0x1af: {  	v35 =	vshll.u32 v35, v1  }
0x1b0: {  	v35 =	vbroadcast v35, $0x0  }
0x1b1: {  	[tilespmem:v49+s16+$0x0] =	vst.idx.msk $0xffff, v33  }
0x1b2: {  	v51 =	vadd.s32 v9, v35;
	v33 =	vld [tilespmem:s23+$0xFFFFFE80];
	_ =	sdelay $0x4  }
0x1b3: {  	[tilespmem:v51+s16+$0x0] =	vst.idx.msk $0xffff, v33  }
0x1b4: {  	v52 =	vadd.s32 v10, v35;
	v33 =	vld [tilespmem:s23+$0xFFFFFE90];
	_ =	sdelay $0x4  }
0x1b5: {  	[tilespmem:v52+s16+$0x0] =	vst.idx.msk $0xffff, v33  }
0x1b6: {  	v53 =	vadd.s32 v11, v35;
	v33 =	vld [tilespmem:s23+$0xFFFFFEA0];
	_ =	sdelay $0x4  }
0x1b7: {  	[tilespmem:v53+s16+$0x0] =	vst.idx.msk $0xffff, v33  }
0x1b8: {  	s31 =	sadd.s32 $0xFFFFFFF4, s24;
	v54 =	vadd.s32 v12, v35;
	v33 =	vld [tilespmem:s23+$0xFFFFFEB0]  }
0x1b9: {  	v55 =	vmov s31  }
0x1ba: {  	v35 =	vshrl.u32 v55, $0x3  }
0x1bb: {  	v35 =	vshll.u32 v35, v1  }
0x1bc: {  	v35 =	vbroadcast v35, $0x0  }
0x1bd: {  	[tilespmem:v54+s16+$0x0] =	vst.idx.msk $0xffff, v33  }
0x1be: {  	v56 =	vadd.s32 v13, v35;
	v33 =	vld [tilespmem:s23+$0xFFFFFEC0];
	_ =	sdelay $0x4  }
0x1bf: {  	[tilespmem:v56+s16+$0x0] =	vst.idx.msk $0xffff, v33  }
0x1c0: {  	v57 =	vadd.s32 v14, v35;
	v33 =	vld [tilespmem:s23+$0xFFFFFED0];
	_ =	sdelay $0x4  }
0x1c1: {  	[tilespmem:v57+s16+$0x0] =	vst.idx.msk $0xffff, v33  }
0x1c2: {  	v58 =	vadd.s32 v15, v35;
	v33 =	vld [tilespmem:s23+$0xFFFFFEE0];
	_ =	sdelay $0x4  }
0x1c3: {  	[tilespmem:v58+s16+$0x0] =	vst.idx.msk $0xffff, v33  }
0x1c4: {  	s26 =	sadd.s32 $0xFFFFFFF5, s24;
	v59 =	vadd.s32 v16, v35;
	v33 =	vld [tilespmem:s23+$0xFFFFFEF0]  }
0x1c5: {  	v60 =	vmov s26  }
0x1c6: {  	v35 =	vshrl.u32 v60, $0x3  }
0x1c7: {  	v35 =	vshll.u32 v35, v1  }
0x1c8: {  	v35 =	vbroadcast v35, $0x0  }
0x1c9: {  	[tilespmem:v59+s16+$0x0] =	vst.idx.msk $0xffff, v33  }
0x1ca: {  	v61 =	vadd.s32 v17, v35;
	v33 =	vld [tilespmem:s23+$0xFFFFFF00];
	_ =	sdelay $0x4  }
0x1cb: {  	[tilespmem:v61+s16+$0x0] =	vst.idx.msk $0xffff, v33  }
0x1cc: {  	v62 =	vadd.s32 v18, v35;
	v33 =	vld [tilespmem:s23+$0xFFFFFF10];
	_ =	sdelay $0x4  }
0x1cd: {  	[tilespmem:v62+s16+$0x0] =	vst.idx.msk $0xffff, v33  }
0x1ce: {  	v63 =	vadd.s32 v19, v35;
	v33 =	vld [tilespmem:s23+$0xFFFFFF20];
	_ =	sdelay $0x4  }
0x1cf: {  	[tilespmem:v63+s16+$0x0] =	vst.idx.msk $0xffff, v33  }
0x1d0: {  	s29 =	sadd.s32 $0xFFFFFFF6, s24;
	v36 =	vadd.s32 v20, v35;
	v33 =	vld [tilespmem:s23+$0xFFFFFF30]  }
0x1d1: {  	v37 =	vmov s29  }
0x1d2: {  	v35 =	vshrl.u32 v37, $0x3  }
0x1d3: {  	v35 =	vshll.u32 v35, v1  }
0x1d4: {  	v35 =	vbroadcast v35, $0x0  }
0x1d5: {  	[tilespmem:v36+s16+$0x0] =	vst.idx.msk $0xffff, v33  }
0x1d6: {  	v38 =	vadd.s32 v21, v35;
	v33 =	vld [tilespmem:s23+$0xFFFFFF40];
	_ =	sdelay $0x4  }
0x1d7: {  	[tilespmem:v38+s16+$0x0] =	vst.idx.msk $0xffff, v33  }
0x1d8: {  	v39 =	vadd.s32 v22, v35;
	v33 =	vld [tilespmem:s23+$0xFFFFFF50];
	_ =	sdelay $0x4  }
0x1d9: {  	[tilespmem:v39+s16+$0x0] =	vst.idx.msk $0xffff, v33  }
0x1da: {  	v40 =	vadd.s32 v23, v35;
	v33 =	vld [tilespmem:s23+$0xFFFFFF60];
	_ =	sdelay $0x4  }
0x1db: {  	[tilespmem:v40+s16+$0x0] =	vst.idx.msk $0xffff, v33  }
0x1dc: {  	s30 =	sadd.s32 $0xFFFFFFF7, s24;
	v41 =	vadd.s32 v24, v35;
	v33 =	vld [tilespmem:s23+$0xFFFFFF70]  }
0x1dd: {  	v42 =	vmov s30  }
0x1de: {  	v35 =	vshrl.u32 v42, $0x3  }
0x1df: {  	v35 =	vshll.u32 v35, v1  }
0x1e0: {  	v35 =	vbroadcast v35, $0x0  }
0x1e1: {  	[tilespmem:v41+s16+$0x0] =	vst.idx.msk $0xffff, v33  }
0x1e2: {  	v43 =	vadd.s32 v25, v35;
	v33 =	vld [tilespmem:s23+$0xFFFFFF80];
	_ =	sdelay $0x4  }
0x1e3: {  	[tilespmem:v43+s16+$0x0] =	vst.idx.msk $0xffff, v33  }
0x1e4: {  	v44 =	vadd.s32 v26, v35;
	v33 =	vld [tilespmem:s23+$0xFFFFFF90];
	_ =	sdelay $0x4  }
0x1e5: {  	[tilespmem:v44+s16+$0x0] =	vst.idx.msk $0xffff, v33  }
0x1e6: {  	v45 =	vadd.s32 v27, v35;
	v33 =	vld [tilespmem:s23+$0xFFFFFFA0];
	_ =	sdelay $0x4  }
0x1e7: {  	[tilespmem:v45+s16+$0x0] =	vst.idx.msk $0xffff, v33  }
0x1e8: {  	s31 =	sadd.s32 $0xFFFFFFF8, s24;
	v46 =	vadd.s32 v28, v35;
	v33 =	vld [tilespmem:s23+$0xFFFFFFB0]  }
0x1e9: {  	v47 =	vmov s31  }
0x1ea: {  	v35 =	vshrl.u32 v47, $0x3  }
0x1eb: {  	v35 =	vshll.u32 v35, v1  }
0x1ec: {  	v35 =	vbroadcast v35, $0x0  }
0x1ed: {  	[tilespmem:v46+s16+$0x0] =	vst.idx.msk $0xffff, v33  }
0x1ee: {  	v48 =	vadd.s32 v29, v35;
	v33 =	vld [tilespmem:s23+$0xFFFFFFC0];
	_ =	sdelay $0x4  }
0x1ef: {  	[tilespmem:v48+s16+$0x0] =	vst.idx.msk $0xffff, v33  }
0x1f0: {  	v49 =	vadd.s32 v30, v35;
	v33 =	vld [tilespmem:s23+$0xFFFFFFD0];
	_ =	sdelay $0x4  }
0x1f1: {  	[tilespmem:v49+s16+$0x0] =	vst.idx.msk $0xffff, v33  }
0x1f2: {  	v50 =	vadd.s32 v31, v35;
	v33 =	vld [tilespmem:s23+$0xFFFFFFE0];
	_ =	sdelay $0x4  }
0x1f3: {  	[tilespmem:v50+s16+$0x0] =	vst.idx.msk $0xffff, v33  }
0x1f4: {  	s26 =	sadd.s32 $0xFFFFFFF9, s24;
	v51 =	vadd.s32 v32, v35;
	v33 =	vld [tilespmem:s23+$0xFFFFFFF0]  }
0x1f5: {  	v52 =	vmov s26  }
0x1f6: {  	v35 =	vshrl.u32 v52, $0x3  }
0x1f7: {  	v35 =	vshll.u32 v35, v1  }
0x1f8: {  	v35 =	vbroadcast v35, $0x0  }
0x1f9: {  	[tilespmem:v51+s16+$0x0] =	vst.idx.msk $0xffff, v33  }
0x1fa: {  	v53 =	vadd.s32 v0, v35;
	v33 =	vld [tilespmem:s23+$0x0];
	_ =	sdelay $0x4  }
0x1fb: {  	[tilespmem:v53+s16+$0x0] =	vst.idx.msk $0xffff, v33  }
0x1fc: {  	v54 =	vadd.s32 v2, v35;
	v33 =	vld [tilespmem:s23+$0x10];
	_ =	sdelay $0x4  }
0x1fd: {  	[tilespmem:v54+s16+$0x0] =	vst.idx.msk $0xffff, v33  }
0x1fe: {  	v55 =	vadd.s32 v3, v35;
	v33 =	vld [tilespmem:s23+$0x20];
	_ =	sdelay $0x4  }
0x1ff: {  	[tilespmem:v55+s16+$0x0] =	vst.idx.msk $0xffff, v33  }
0x200: {  	s29 =	sadd.s32 $0xFFFFFFFA, s24;
	v56 =	vadd.s32 v4, v35;
	v33 =	vld [tilespmem:s23+$0x30]  }
0x201: {  	v57 =	vmov s29  }
0x202: {  	v35 =	vshrl.u32 v57, $0x3  }
0x203: {  	v35 =	vshll.u32 v35, v1  }
0x204: {  	v35 =	vbroadcast v35, $0x0  }
0x205: {  	[tilespmem:v56+s16+$0x0] =	vst.idx.msk $0xffff, v33  }
0x206: {  	v58 =	vadd.s32 v5, v35;
	v33 =	vld [tilespmem:s23+$0x40];
	_ =	sdelay $0x4  }
0x207: {  	[tilespmem:v58+s16+$0x0] =	vst.idx.msk $0xffff, v33  }
0x208: {  	v59 =	vadd.s32 v6, v35;
	v33 =	vld [tilespmem:s23+$0x50];
	_ =	sdelay $0x4  }
0x209: {  	[tilespmem:v59+s16+$0x0] =	vst.idx.msk $0xffff, v33  }
0x20a: {  	v60 =	vadd.s32 v7, v35;
	v33 =	vld [tilespmem:s23+$0x60];
	_ =	sdelay $0x4  }
0x20b: {  	[tilespmem:v60+s16+$0x0] =	vst.idx.msk $0xffff, v33  }
0x20c: {  	s30 =	sadd.s32 $0xFFFFFFFB, s24;
	v61 =	vadd.s32 v8, v35;
	v33 =	vld [tilespmem:s23+$0x70]  }
0x20d: {  	v62 =	vmov s30  }
0x20e: {  	v35 =	vshrl.u32 v62, $0x3  }
0x20f: {  	v35 =	vshll.u32 v35, v1  }
0x210: {  	v35 =	vbroadcast v35, $0x0  }
0x211: {  	[tilespmem:v61+s16+$0x0] =	vst.idx.msk $0xffff, v33  }
0x212: {  	v63 =	vadd.s32 v9, v35;
	v33 =	vld [tilespmem:s23+$0x80];
	_ =	sdelay $0x4  }
0x213: {  	[tilespmem:v63+s16+$0x0] =	vst.idx.msk $0xffff, v33  }
0x214: {  	v36 =	vadd.s32 v10, v35;
	v33 =	vld [tilespmem:s23+$0x90];
	_ =	sdelay $0x4  }
0x215: {  	[tilespmem:v36+s16+$0x0] =	vst.idx.msk $0xffff, v33  }
0x216: {  	v37 =	vadd.s32 v11, v35;
	v33 =	vld [tilespmem:s23+$0xA0];
	_ =	sdelay $0x4  }
0x217: {  	[tilespmem:v37+s16+$0x0] =	vst.idx.msk $0xffff, v33  }
0x218: {  	s31 =	sadd.s32 $0xFFFFFFFC, s24;
	v38 =	vadd.s32 v12, v35;
	v33 =	vld [tilespmem:s23+$0xB0]  }
0x219: {  	v39 =	vmov s31  }
0x21a: {  	v35 =	vshrl.u32 v39, $0x3  }
0x21b: {  	v35 =	vshll.u32 v35, v1  }
0x21c: {  	v35 =	vbroadcast v35, $0x0  }
0x21d: {  	[tilespmem:v38+s16+$0x0] =	vst.idx.msk $0xffff, v33  }
0x21e: {  	v40 =	vadd.s32 v13, v35;
	v33 =	vld [tilespmem:s23+$0xC0];
	_ =	sdelay $0x4  }
0x21f: {  	[tilespmem:v40+s16+$0x0] =	vst.idx.msk $0xffff, v33  }
0x220: {  	v41 =	vadd.s32 v14, v35;
	v33 =	vld [tilespmem:s23+$0xD0];
	_ =	sdelay $0x4  }
0x221: {  	[tilespmem:v41+s16+$0x0] =	vst.idx.msk $0xffff, v33  }
0x222: {  	v42 =	vadd.s32 v15, v35;
	v33 =	vld [tilespmem:s23+$0xE0];
	_ =	sdelay $0x4  }
0x223: {  	[tilespmem:v42+s16+$0x0] =	vst.idx.msk $0xffff, v33  }
0x224: {  	s26 =	sadd.s32 $0xFFFFFFFD, s24;
	v43 =	vadd.s32 v16, v35;
	v33 =	vld [tilespmem:s23+$0xF0]  }
0x225: {  	v44 =	vmov s26  }
0x226: {  	v35 =	vshrl.u32 v44, $0x3  }
0x227: {  	v35 =	vshll.u32 v35, v1  }
0x228: {  	v35 =	vbroadcast v35, $0x0  }
0x229: {  	[tilespmem:v43+s16+$0x0] =	vst.idx.msk $0xffff, v33  }
0x22a: {  	v45 =	vadd.s32 v17, v35;
	v33 =	vld [tilespmem:s23+$0x100];
	_ =	sdelay $0x4  }
0x22b: {  	[tilespmem:v45+s16+$0x0] =	vst.idx.msk $0xffff, v33  }
0x22c: {  	v46 =	vadd.s32 v18, v35;
	v33 =	vld [tilespmem:s23+$0x110];
	_ =	sdelay $0x4  }
0x22d: {  	[tilespmem:v46+s16+$0x0] =	vst.idx.msk $0xffff, v33  }
0x22e: {  	v47 =	vadd.s32 v19, v35;
	v33 =	vld [tilespmem:s23+$0x120];
	_ =	sdelay $0x4  }
0x22f: {  	[tilespmem:v47+s16+$0x0] =	vst.idx.msk $0xffff, v33  }
0x230: {  	s29 =	sadd.s32 $0xFFFFFFFE, s24;
	v48 =	vadd.s32 v20, v35;
	v33 =	vld [tilespmem:s23+$0x130]  }
0x231: {  	v49 =	vmov s29  }
0x232: {  	v35 =	vshrl.u32 v49, $0x3  }
0x233: {  	v35 =	vshll.u32 v35, v1  }
0x234: {  	v35 =	vbroadcast v35, $0x0  }
0x235: {  	[tilespmem:v48+s16+$0x0] =	vst.idx.msk $0xffff, v33  }
0x236: {  	v50 =	vadd.s32 v21, v35;
	v33 =	vld [tilespmem:s23+$0x140];
	_ =	sdelay $0x4  }
0x237: {  	[tilespmem:v50+s16+$0x0] =	vst.idx.msk $0xffff, v33  }
0x238: {  	v51 =	vadd.s32 v22, v35;
	v33 =	vld [tilespmem:s23+$0x150];
	_ =	sdelay $0x4  }
0x239: {  	[tilespmem:v51+s16+$0x0] =	vst.idx.msk $0xffff, v33  }
0x23a: {  	v52 =	vadd.s32 v23, v35;
	v33 =	vld [tilespmem:s23+$0x160];
	_ =	sdelay $0x4  }
0x23b: {  	[tilespmem:v52+s16+$0x0] =	vst.idx.msk $0xffff, v33  }
0x23c: {  	s30 =	sadd.s32 $0xFFFFFFFF, s24;
	v53 =	vadd.s32 v24, v35;
	v33 =	vld [tilespmem:s23+$0x170]  }
0x23d: {  	v54 =	vmov s30  }
0x23e: {  	v35 =	vshrl.u32 v54, $0x3  }
0x23f: {  	v35 =	vshll.u32 v35, v1  }
0x240: {  	v35 =	vbroadcast v35, $0x0  }
0x241: {  	[tilespmem:v53+s16+$0x0] =	vst.idx.msk $0xffff, v33  }
0x242: {  	v55 =	vadd.s32 v25, v35;
	v33 =	vld [tilespmem:s23+$0x180];
	_ =	sdelay $0x4  }
0x243: {  	[tilespmem:v55+s16+$0x0] =	vst.idx.msk $0xffff, v33  }
0x244: {  	v56 =	vadd.s32 v26, v35;
	v33 =	vld [tilespmem:s23+$0x190];
	_ =	sdelay $0x4  }
0x245: {  	[tilespmem:v56+s16+$0x0] =	vst.idx.msk $0xffff, v33  }
0x246: {  	v57 =	vadd.s32 v27, v35;
	v33 =	vld [tilespmem:s23+$0x1A0];
	_ =	sdelay $0x4  }
0x247: {  	[tilespmem:v57+s16+$0x0] =	vst.idx.msk $0xffff, v33  }
0x248: {  	v58 =	vadd.s32 v28, v35;
	v33 =	vld [tilespmem:s23+$0x1B0]  }
0x249: {  	v59 =	vmov s24  }
0x24a: {  	v35 =	vshrl.u32 v59, $0x3  }
0x24b: {  	v35 =	vshll.u32 v35, v1  }
0x24c: {  	v35 =	vbroadcast v35, $0x0  }
0x24d: {  	[tilespmem:v58+s16+$0x0] =	vst.idx.msk $0xffff, v33  }
0x24e: {  	v60 =	vadd.s32 v29, v35;
	v33 =	vld [tilespmem:s23+$0x1C0];
	_ =	sdelay $0x4  }
0x24f: {  	[tilespmem:v60+s16+$0x0] =	vst.idx.msk $0xffff, v33  }
0x250: {  	v61 =	vadd.s32 v30, v35;
	v33 =	vld [tilespmem:s23+$0x1D0];
	_ =	sdelay $0x4  }
0x251: {  	[tilespmem:v61+s16+$0x0] =	vst.idx.msk $0xffff, v33  }
0x252: {  	v62 =	vadd.s32 v31, v35;
	v33 =	vld [tilespmem:s23+$0x1E0];
	_ =	sdelay $0x4  }
0x253: {  	[tilespmem:v62+s16+$0x0] =	vst.idx.msk $0xffff, v33  }
0x254: {  	v63 =	vadd.s32 v32, v35;
	v33 =	vld [tilespmem:s23+$0x1F0];
	_ =	sdelay $0x4  }
0x255: {  	s31 =	simm.s32 $0xA400;
	[tilespmem:v63+s16+$0x0] =	vst.idx.msk $0xffff, v33  }
0x256: {  	[hbm4b:s7+s3] =	stream.linear.scatter [tilespmem:s31], [sflag:$0x3], $0x80, $0x38;
	[tilespmem:$0xE800] =	vst v63  }
0x257: {  	s25 =	sadd.s32 $0x10, s7;
	s24 =	simm.s32 $0xA488  }
0x258: {  	[hbm4b:s25+s3] =	stream.linear.scatter [tilespmem:s24], [sflag:$0x3], $0x80, $0x38;
	[tilespmem:$0xE800] =	vst v63  }
0x259: {  	s28 =	sadd.s32 $0x70, s7;
	s26 =	simm.s32 $0xA510;
	s29 =	sadd.s32 $0x20, s7  }
0x25a: {  	[hbm4b:s29+s3] =	stream.linear.scatter [tilespmem:s26], [sflag:$0x3], $0x80, $0x38;
	[tilespmem:$0xE800] =	vst v63  }
0x25b: {  	s30 =	simm.s32 $0xA598;
	s23 =	simm.s32 $0x440;
	s31 =	sadd.s32 $0x30, s7  }
0x25c: {  	[hbm4b:s31+s3] =	stream.linear.scatter [tilespmem:s30], [sflag:$0x3], $0x80, $0x38;
	[tilespmem:$0xE800] =	vst v63  }
0x25d: {  	s24 =	simm.s32 $0xA620;
	s25 =	sadd.s32 $0x40, s7;
	s26 =	simm.s32 $0xA6A8  }
0x25e: {  	[hbm4b:s25+s3] =	stream.linear.scatter [tilespmem:s24], [sflag:$0x3], $0x80, $0x38;
	[tilespmem:$0xE800] =	vst v63  }
0x25f: {  	s29 =	sadd.s32 $0x50, s7;
	s30 =	simm.s32 $0xA730;
	s31 =	sadd.s32 $0x60, s7  }
0x260: {  	[hbm4b:s29+s3] =	stream.linear.scatter [tilespmem:s26], [sflag:$0x3], $0x80, $0x38;
	[tilespmem:$0xE800] =	vst v63  }
0x261: {  	s25 =	simm.s32 $0x2200;
	s24 =	sadd.s32 $0x1000, s7;
	s26 =	simm.s32 $0xA7B8  }
0x262: {  	[hbm4b:s31+s3] =	stream.linear.scatter [tilespmem:s30], [sflag:$0x3], $0x80, $0x38;
	[tilespmem:$0xE800] =	vst v63  }
.LBB2_4:
0x263: {  	[hbm4b:s28+s3] =	stream.linear.scatter [tilespmem:s26], [sflag:$0x3], $0x80, $0x38;
	[tilespmem:$0xE800] =	vst v63  }
0x264: {  	s26 =	smov.u32 s23;
	s23 =	smov.u32 s25  }
0x265: {  	s29 =	sadd.s32 $0x1100, s25;
	s23 =	sshra.s32 s23, $0x2;
	s28 =	sadd.s32 $0xA400, s26  }
0x266: {  	[hbm4b:s24+s3] =	stream.linear.scatter [tilespmem:s28], [sflag:$0x3], $0x80, $0x38;
	[tilespmem:$0xE800] =	vst v63  }
0x267: {  	p0 =	sne.s32 s25, $0x7700;
	s25 =	sadd.s32 $0xA488, s26;
	s28 =	sadd.s32 $0x10, s24  }
0x268: {  	[hbm4b:s28+s3] =	stream.linear.scatter [tilespmem:s25], [sflag:$0x3], $0x80, $0x38;
	[tilespmem:$0xE800] =	vst v63  }
0x269: {  	s25 =	sadd.s32 $0xA510, s26;
	s28 =	sadd.s32 $0x20, s24  }
0x26a: {  	[hbm4b:s28+s3] =	stream.linear.scatter [tilespmem:s25], [sflag:$0x3], $0x80, $0x38;
	[tilespmem:$0xE800] =	vst v63  }
0x26b: {  	s25 =	sadd.s32 $0xA598, s26;
	s28 =	sadd.s32 $0x30, s24  }
0x26c: {  	[hbm4b:s28+s3] =	stream.linear.scatter [tilespmem:s25], [sflag:$0x3], $0x80, $0x38;
	[tilespmem:$0xE800] =	vst v63  }
0x26d: {  	s25 =	sadd.s32 $0xA620, s26;
	s28 =	sadd.s32 $0x40, s24  }
0x26e: {  	[hbm4b:s28+s3] =	stream.linear.scatter [tilespmem:s25], [sflag:$0x3], $0x80, $0x38;
	[tilespmem:$0xE800] =	vst v63  }
.Ltmp1:
0x26f: {  	s25 =	sadd.s32 $0xA6A8, s26;
	s28 =	sadd.s32 $0x50, s24;
	(pc) =	sbr.rel @p0 .LBB2_4-.Ltmp1, $4  }
0x270: {  	[hbm4b:s28+s3] =	stream.linear.scatter [tilespmem:s25], [sflag:$0x3], $0x80, $0x38;
	[tilespmem:$0xE800] =	vst v63  }
0x271: {  	s25 =	sadd.s32 $0xA730, s26;
	s28 =	sadd.s32 $0x60, s24;
	s26 =	sadd.s32 $0xA7B8, s26  }
0x272: {  	[hbm4b:s28+s3] =	stream.linear.scatter [tilespmem:s25], [sflag:$0x3], $0x80, $0x38;
	[tilespmem:$0xE800] =	vst v63  }
0x273: {  	s28 =	sadd.s32 $0x70, s24;
	s24 =	sadd.s32 $0x1000, s24;
	s25 =	smov.u32 s29  }
0x274: {  	[hbm4b:s28+s3] =	stream.linear.scatter [tilespmem:s26], [sflag:$0x3], $0x80, $0x38;
	[tilespmem:$0xE800] =	vst v63  }
0x275: {  	s25 =	sadd.s32 $0xA400, s23  }
0x276: {  	[hbm4b:s24+s3] =	stream.linear.scatter [tilespmem:s25], [sflag:$0x3], $0x80, $0x38;
	[tilespmem:$0xE800] =	vst v63  }
0x277: {  	s28 =	sadd.s32 $0xA488, s23;
	s29 =	sadd.s32 $0x10, s24  }
0x278: {  	[hbm4b:s29+s3] =	stream.linear.scatter [tilespmem:s28], [sflag:$0x3], $0x80, $0x38;
	[tilespmem:$0xE800] =	vst v63  }
0x279: {  	s30 =	sadd.s32 $0xA510, s23;
	s31 =	sadd.s32 $0x20, s24  }
0x27a: {  	[hbm4b:s31+s3] =	stream.linear.scatter [tilespmem:s30], [sflag:$0x3], $0x80, $0x38;
	[tilespmem:$0xE800] =	vst v63  }
0x27b: {  	s28 =	sadd.s32 $0xA598, s23;
	s29 =	sadd.s32 $0x30, s24  }
0x27c: {  	[hbm4b:s29+s3] =	stream.linear.scatter [tilespmem:s28], [sflag:$0x3], $0x80, $0x38;
	[tilespmem:$0xE800] =	vst v63  }
0x27d: {  	s30 =	sadd.s32 $0xA620, s23;
	s31 =	sadd.s32 $0x40, s24  }
0x27e: {  	[hbm4b:s31+s3] =	stream.linear.scatter [tilespmem:s30], [sflag:$0x3], $0x80, $0x38;
	[tilespmem:$0xE800] =	vst v63  }
0x27f: {  	s28 =	sadd.s32 $0xA6A8, s23;
	s29 =	sadd.s32 $0x50, s24  }
0x280: {  	[hbm4b:s29+s3] =	stream.linear.scatter [tilespmem:s28], [sflag:$0x3], $0x80, $0x38;
	[tilespmem:$0xE800] =	vst v63  }
0x281: {  	s30 =	sadd.s32 $0xA730, s23;
	s31 =	sadd.s32 $0x60, s24  }
0x282: {  	[hbm4b:s31+s3] =	stream.linear.scatter [tilespmem:s30], [sflag:$0x3], $0x80, $0x38;
	[tilespmem:$0xE800] =	vst v63  }
0x283: {  	s26 =	sadd.s32 $0x70, s24;
	s25 =	sadd.s32 $0xA7B8, s23;
	s28 =	simm.s32 $0x0  }
0x284: {  	v33 =	vmov s28;
	[hbm4b:s26+s3] =	stream.linear.scatter [tilespmem:s25], [sflag:$0x3], $0x80, $0x38;
	[tilespmem:$0xE800] =	vst v63  }
0x285: {  	v33 =	vshrl.u32 v33, $0x3;
	_ =	swait.ge [sflag:s17], $0x2000  }
0x286: {  	v33 =	vshll.u32 v33, v1;
	[sflag:s17] =	ssyncset.done $0x0  }
0x287: {  	s23 =	simm.s32 $0x8600;
	v33 =	vbroadcast v33, $0x0;
	[sflag:s17] =	ssyncadd.s32 $0xFFFFE000  }
0x288: {  	[tilespmem:s13], [sflag:$0x1] =	stream.indirect.gather [hbm4b:s4+s10], $0x40, s18, s10, $0xb8;
	[tilespmem:$0xE800] =	vst v63  }
0x289: {  	v35 =	vadd.s32 v0, v33;
	v34 =	vld [tilespmem:s23+$0xFFFFFE00];
	_ =	sdelay $0x4  }
0x28a: {  	[tilespmem:v35+s19+$0x0] =	vst.idx.msk $0xffff, v34  }
0x28b: {  	v44 =	vadd.s32 v2, v33;
	v34 =	vld [tilespmem:s23+$0xFFFFFE10];
	_ =	sdelay $0x4  }
0x28c: {  	[tilespmem:v44+s19+$0x0] =	vst.idx.msk $0xffff, v34  }
0x28d: {  	v45 =	vadd.s32 v3, v33;
	v34 =	vld [tilespmem:s23+$0xFFFFFE20];
	_ =	sdelay $0x4  }
0x28e: {  	[tilespmem:v45+s19+$0x0] =	vst.idx.msk $0xffff, v34  }
0x28f: {  	s29 =	simm.s32 $0x1;
	v33 =	vadd.s32 v4, v33;
	v34 =	vld [tilespmem:s23+$0xFFFFFE30]  }
0x290: {  	v46 =	vmov s29  }
0x291: {  	v35 =	vshrl.u32 v46, $0x3  }
0x292: {  	v35 =	vshll.u32 v35, v1  }
0x293: {  	v35 =	vbroadcast v35, $0x0  }
0x294: {  	[tilespmem:v33+s19+$0x0] =	vst.idx.msk $0xffff, v34  }
0x295: {  	v47 =	vadd.s32 v5, v35;
	v33 =	vld [tilespmem:s23+$0xFFFFFE40];
	_ =	sdelay $0x4  }
0x296: {  	[tilespmem:v47+s19+$0x0] =	vst.idx.msk $0xffff, v33  }
0x297: {  	v48 =	vadd.s32 v6, v35;
	v33 =	vld [tilespmem:s23+$0xFFFFFE50];
	_ =	sdelay $0x4  }
0x298: {  	[tilespmem:v48+s19+$0x0] =	vst.idx.msk $0xffff, v33  }
0x299: {  	v49 =	vadd.s32 v7, v35;
	v33 =	vld [tilespmem:s23+$0xFFFFFE60];
	_ =	sdelay $0x4  }
0x29a: {  	[tilespmem:v49+s19+$0x0] =	vst.idx.msk $0xffff, v33  }
0x29b: {  	s30 =	simm.s32 $0x2;
	v50 =	vadd.s32 v8, v35;
	v33 =	vld [tilespmem:s23+$0xFFFFFE70]  }
0x29c: {  	v51 =	vmov s30  }
0x29d: {  	v35 =	vshrl.u32 v51, $0x3  }
0x29e: {  	v35 =	vshll.u32 v35, v1  }
0x29f: {  	v35 =	vbroadcast v35, $0x0  }
0x2a0: {  	[tilespmem:v50+s19+$0x0] =	vst.idx.msk $0xffff, v33  }
0x2a1: {  	v52 =	vadd.s32 v9, v35;
	v33 =	vld [tilespmem:s23+$0xFFFFFE80];
	_ =	sdelay $0x4  }
0x2a2: {  	[tilespmem:v52+s19+$0x0] =	vst.idx.msk $0xffff, v33  }
0x2a3: {  	v53 =	vadd.s32 v10, v35;
	v33 =	vld [tilespmem:s23+$0xFFFFFE90];
	_ =	sdelay $0x4  }
0x2a4: {  	[tilespmem:v53+s19+$0x0] =	vst.idx.msk $0xffff, v33  }
0x2a5: {  	v54 =	vadd.s32 v11, v35;
	v33 =	vld [tilespmem:s23+$0xFFFFFEA0];
	_ =	sdelay $0x4  }
0x2a6: {  	[tilespmem:v54+s19+$0x0] =	vst.idx.msk $0xffff, v33  }
0x2a7: {  	s31 =	simm.s32 $0x3;
	v55 =	vadd.s32 v12, v35;
	v33 =	vld [tilespmem:s23+$0xFFFFFEB0]  }
0x2a8: {  	v56 =	vmov s31  }
0x2a9: {  	v35 =	vshrl.u32 v56, $0x3  }
0x2aa: {  	v35 =	vshll.u32 v35, v1  }
0x2ab: {  	v35 =	vbroadcast v35, $0x0  }
0x2ac: {  	[tilespmem:v55+s19+$0x0] =	vst.idx.msk $0xffff, v33  }
0x2ad: {  	v57 =	vadd.s32 v13, v35;
	v33 =	vld [tilespmem:s23+$0xFFFFFEC0];
	_ =	sdelay $0x4  }
0x2ae: {  	[tilespmem:v57+s19+$0x0] =	vst.idx.msk $0xffff, v33  }
0x2af: {  	v58 =	vadd.s32 v14, v35;
	v33 =	vld [tilespmem:s23+$0xFFFFFED0];
	_ =	sdelay $0x4  }
0x2b0: {  	[tilespmem:v58+s19+$0x0] =	vst.idx.msk $0xffff, v33  }
0x2b1: {  	v59 =	vadd.s32 v15, v35;
	v33 =	vld [tilespmem:s23+$0xFFFFFEE0];
	_ =	sdelay $0x4  }
0x2b2: {  	[tilespmem:v59+s19+$0x0] =	vst.idx.msk $0xffff, v33  }
0x2b3: {  	s25 =	simm.s32 $0x4;
	v60 =	vadd.s32 v16, v35;
	v33 =	vld [tilespmem:s23+$0xFFFFFEF0]  }
0x2b4: {  	v61 =	vmov s25  }
0x2b5: {  	v35 =	vshrl.u32 v61, $0x3  }
0x2b6: {  	v35 =	vshll.u32 v35, v1  }
0x2b7: {  	v35 =	vbroadcast v35, $0x0  }
0x2b8: {  	[tilespmem:v60+s19+$0x0] =	vst.idx.msk $0xffff, v33  }
0x2b9: {  	v62 =	vadd.s32 v17, v35;
	v33 =	vld [tilespmem:s23+$0xFFFFFF00];
	_ =	sdelay $0x4  }
0x2ba: {  	[tilespmem:v62+s19+$0x0] =	vst.idx.msk $0xffff, v33  }
0x2bb: {  	v63 =	vadd.s32 v18, v35;
	v33 =	vld [tilespmem:s23+$0xFFFFFF10];
	_ =	sdelay $0x4  }
0x2bc: {  	[tilespmem:v63+s19+$0x0] =	vst.idx.msk $0xffff, v33  }
0x2bd: {  	v36 =	vadd.s32 v19, v35;
	v33 =	vld [tilespmem:s23+$0xFFFFFF20];
	_ =	sdelay $0x4  }
0x2be: {  	[tilespmem:v36+s19+$0x0] =	vst.idx.msk $0xffff, v33  }
0x2bf: {  	s26 =	simm.s32 $0x5;
	v37 =	vadd.s32 v20, v35;
	v33 =	vld [tilespmem:s23+$0xFFFFFF30]  }
0x2c0: {  	v38 =	vmov s26  }
0x2c1: {  	v35 =	vshrl.u32 v38, $0x3  }
0x2c2: {  	v35 =	vshll.u32 v35, v1  }
0x2c3: {  	v35 =	vbroadcast v35, $0x0  }
0x2c4: {  	[tilespmem:v37+s19+$0x0] =	vst.idx.msk $0xffff, v33  }
0x2c5: {  	v39 =	vadd.s32 v21, v35;
	v33 =	vld [tilespmem:s23+$0xFFFFFF40];
	_ =	sdelay $0x4  }
0x2c6: {  	[tilespmem:v39+s19+$0x0] =	vst.idx.msk $0xffff, v33  }
0x2c7: {  	v40 =	vadd.s32 v22, v35;
	v33 =	vld [tilespmem:s23+$0xFFFFFF50];
	_ =	sdelay $0x4  }
0x2c8: {  	[tilespmem:v40+s19+$0x0] =	vst.idx.msk $0xffff, v33  }
0x2c9: {  	v41 =	vadd.s32 v23, v35;
	v33 =	vld [tilespmem:s23+$0xFFFFFF60];
	_ =	sdelay $0x4  }
0x2ca: {  	[tilespmem:v41+s19+$0x0] =	vst.idx.msk $0xffff, v33  }
0x2cb: {  	s28 =	simm.s32 $0x6;
	v42 =	vadd.s32 v24, v35;
	v33 =	vld [tilespmem:s23+$0xFFFFFF70]  }
0x2cc: {  	v43 =	vmov s28  }
0x2cd: {  	v35 =	vshrl.u32 v43, $0x3  }
0x2ce: {  	v35 =	vshll.u32 v35, v1  }
0x2cf: {  	v35 =	vbroadcast v35, $0x0  }
0x2d0: {  	[tilespmem:v42+s19+$0x0] =	vst.idx.msk $0xffff, v33  }
0x2d1: {  	v44 =	vadd.s32 v25, v35;
	v33 =	vld [tilespmem:s23+$0xFFFFFF80];
	_ =	sdelay $0x4  }
0x2d2: {  	[tilespmem:v44+s19+$0x0] =	vst.idx.msk $0xffff, v33  }
0x2d3: {  	v45 =	vadd.s32 v26, v35;
	v33 =	vld [tilespmem:s23+$0xFFFFFF90];
	_ =	sdelay $0x4  }
0x2d4: {  	[tilespmem:v45+s19+$0x0] =	vst.idx.msk $0xffff, v33  }
0x2d5: {  	v46 =	vadd.s32 v27, v35;
	v33 =	vld [tilespmem:s23+$0xFFFFFFA0];
	_ =	sdelay $0x4  }
0x2d6: {  	[tilespmem:v46+s19+$0x0] =	vst.idx.msk $0xffff, v33  }
0x2d7: {  	s29 =	simm.s32 $0x7;
	v47 =	vadd.s32 v28, v35;
	v33 =	vld [tilespmem:s23+$0xFFFFFFB0]  }
0x2d8: {  	v48 =	vmov s29  }
0x2d9: {  	v35 =	vshrl.u32 v48, $0x3  }
0x2da: {  	v35 =	vshll.u32 v35, v1  }
0x2db: {  	v35 =	vbroadcast v35, $0x0  }
0x2dc: {  	[tilespmem:v47+s19+$0x0] =	vst.idx.msk $0xffff, v33  }
0x2dd: {  	v49 =	vadd.s32 v29, v35;
	v33 =	vld [tilespmem:s23+$0xFFFFFFC0];
	_ =	sdelay $0x4  }
0x2de: {  	[tilespmem:v49+s19+$0x0] =	vst.idx.msk $0xffff, v33  }
0x2df: {  	v50 =	vadd.s32 v30, v35;
	v33 =	vld [tilespmem:s23+$0xFFFFFFD0];
	_ =	sdelay $0x4  }
0x2e0: {  	[tilespmem:v50+s19+$0x0] =	vst.idx.msk $0xffff, v33  }
0x2e1: {  	v51 =	vadd.s32 v31, v35;
	v33 =	vld [tilespmem:s23+$0xFFFFFFE0];
	_ =	sdelay $0x4  }
0x2e2: {  	[tilespmem:v51+s19+$0x0] =	vst.idx.msk $0xffff, v33  }
0x2e3: {  	s30 =	simm.s32 $0x8;
	v52 =	vadd.s32 v32, v35;
	v33 =	vld [tilespmem:s23+$0xFFFFFFF0]  }
0x2e4: {  	v53 =	vmov s30  }
0x2e5: {  	v35 =	vshrl.u32 v53, $0x3  }
0x2e6: {  	v35 =	vshll.u32 v35, v1  }
0x2e7: {  	v35 =	vbroadcast v35, $0x0  }
0x2e8: {  	[tilespmem:v52+s19+$0x0] =	vst.idx.msk $0xffff, v33  }
0x2e9: {  	v54 =	vadd.s32 v0, v35;
	v33 =	vld [tilespmem:s23+$0x0];
	_ =	sdelay $0x4  }
0x2ea: {  	[tilespmem:v54+s19+$0x0] =	vst.idx.msk $0xffff, v33  }
0x2eb: {  	v55 =	vadd.s32 v2, v35;
	v33 =	vld [tilespmem:s23+$0x10];
	_ =	sdelay $0x4  }
0x2ec: {  	[tilespmem:v55+s19+$0x0] =	vst.idx.msk $0xffff, v33  }
0x2ed: {  	v56 =	vadd.s32 v3, v35;
	v33 =	vld [tilespmem:s23+$0x20];
	_ =	sdelay $0x4  }
0x2ee: {  	[tilespmem:v56+s19+$0x0] =	vst.idx.msk $0xffff, v33  }
0x2ef: {  	s31 =	simm.s32 $0x9;
	v57 =	vadd.s32 v4, v35;
	v33 =	vld [tilespmem:s23+$0x30]  }
0x2f0: {  	v58 =	vmov s31  }
0x2f1: {  	v35 =	vshrl.u32 v58, $0x3  }
0x2f2: {  	v35 =	vshll.u32 v35, v1  }
0x2f3: {  	v35 =	vbroadcast v35, $0x0  }
0x2f4: {  	[tilespmem:v57+s19+$0x0] =	vst.idx.msk $0xffff, v33  }
0x2f5: {  	v59 =	vadd.s32 v5, v35;
	v33 =	vld [tilespmem:s23+$0x40];
	_ =	sdelay $0x4  }
0x2f6: {  	[tilespmem:v59+s19+$0x0] =	vst.idx.msk $0xffff, v33  }
0x2f7: {  	v60 =	vadd.s32 v6, v35;
	v33 =	vld [tilespmem:s23+$0x50];
	_ =	sdelay $0x4  }
0x2f8: {  	[tilespmem:v60+s19+$0x0] =	vst.idx.msk $0xffff, v33  }
0x2f9: {  	v61 =	vadd.s32 v7, v35;
	v33 =	vld [tilespmem:s23+$0x60];
	_ =	sdelay $0x4  }
0x2fa: {  	[tilespmem:v61+s19+$0x0] =	vst.idx.msk $0xffff, v33  }
0x2fb: {  	s25 =	simm.s32 $0xA;
	v62 =	vadd.s32 v8, v35;
	v33 =	vld [tilespmem:s23+$0x70]  }
0x2fc: {  	v63 =	vmov s25  }
0x2fd: {  	v35 =	vshrl.u32 v63, $0x3  }
0x2fe: {  	v35 =	vshll.u32 v35, v1  }
0x2ff: {  	v35 =	vbroadcast v35, $0x0  }
0x300: {  	[tilespmem:v62+s19+$0x0] =	vst.idx.msk $0xffff, v33  }
0x301: {  	v36 =	vadd.s32 v9, v35;
	v33 =	vld [tilespmem:s23+$0x80];
	_ =	sdelay $0x4  }
0x302: {  	[tilespmem:v36+s19+$0x0] =	vst.idx.msk $0xffff, v33  }
0x303: {  	v37 =	vadd.s32 v10, v35;
	v33 =	vld [tilespmem:s23+$0x90];
	_ =	sdelay $0x4  }
0x304: {  	[tilespmem:v37+s19+$0x0] =	vst.idx.msk $0xffff, v33  }
0x305: {  	v38 =	vadd.s32 v11, v35;
	v33 =	vld [tilespmem:s23+$0xA0];
	_ =	sdelay $0x4  }
0x306: {  	[tilespmem:v38+s19+$0x0] =	vst.idx.msk $0xffff, v33  }
0x307: {  	s26 =	simm.s32 $0xB;
	v39 =	vadd.s32 v12, v35;
	v33 =	vld [tilespmem:s23+$0xB0]  }
0x308: {  	v40 =	vmov s26  }
0x309: {  	v35 =	vshrl.u32 v40, $0x3  }
0x30a: {  	v35 =	vshll.u32 v35, v1  }
0x30b: {  	v35 =	vbroadcast v35, $0x0  }
0x30c: {  	[tilespmem:v39+s19+$0x0] =	vst.idx.msk $0xffff, v33  }
0x30d: {  	v41 =	vadd.s32 v13, v35;
	v33 =	vld [tilespmem:s23+$0xC0];
	_ =	sdelay $0x4  }
0x30e: {  	[tilespmem:v41+s19+$0x0] =	vst.idx.msk $0xffff, v33  }
0x30f: {  	v42 =	vadd.s32 v14, v35;
	v33 =	vld [tilespmem:s23+$0xD0];
	_ =	sdelay $0x4  }
0x310: {  	[tilespmem:v42+s19+$0x0] =	vst.idx.msk $0xffff, v33  }
0x311: {  	v43 =	vadd.s32 v15, v35;
	v33 =	vld [tilespmem:s23+$0xE0];
	_ =	sdelay $0x4  }
0x312: {  	[tilespmem:v43+s19+$0x0] =	vst.idx.msk $0xffff, v33  }
0x313: {  	s28 =	simm.s32 $0xC;
	v44 =	vadd.s32 v16, v35;
	v33 =	vld [tilespmem:s23+$0xF0]  }
0x314: {  	v45 =	vmov s28  }
0x315: {  	v35 =	vshrl.u32 v45, $0x3  }
0x316: {  	v35 =	vshll.u32 v35, v1  }
0x317: {  	v35 =	vbroadcast v35, $0x0  }
0x318: {  	[tilespmem:v44+s19+$0x0] =	vst.idx.msk $0xffff, v33  }
0x319: {  	v46 =	vadd.s32 v17, v35;
	v33 =	vld [tilespmem:s23+$0x100];
	_ =	sdelay $0x4  }
0x31a: {  	[tilespmem:v46+s19+$0x0] =	vst.idx.msk $0xffff, v33  }
0x31b: {  	v47 =	vadd.s32 v18, v35;
	v33 =	vld [tilespmem:s23+$0x110];
	_ =	sdelay $0x4  }
0x31c: {  	[tilespmem:v47+s19+$0x0] =	vst.idx.msk $0xffff, v33  }
0x31d: {  	v48 =	vadd.s32 v19, v35;
	v33 =	vld [tilespmem:s23+$0x120];
	_ =	sdelay $0x4  }
0x31e: {  	[tilespmem:v48+s19+$0x0] =	vst.idx.msk $0xffff, v33  }
0x31f: {  	s29 =	simm.s32 $0xD;
	v49 =	vadd.s32 v20, v35;
	v33 =	vld [tilespmem:s23+$0x130]  }
0x320: {  	v50 =	vmov s29  }
0x321: {  	v35 =	vshrl.u32 v50, $0x3  }
0x322: {  	v35 =	vshll.u32 v35, v1  }
0x323: {  	v35 =	vbroadcast v35, $0x0  }
0x324: {  	[tilespmem:v49+s19+$0x0] =	vst.idx.msk $0xffff, v33  }
0x325: {  	v51 =	vadd.s32 v21, v35;
	v33 =	vld [tilespmem:s23+$0x140];
	_ =	sdelay $0x4  }
0x326: {  	[tilespmem:v51+s19+$0x0] =	vst.idx.msk $0xffff, v33  }
0x327: {  	v52 =	vadd.s32 v22, v35;
	v33 =	vld [tilespmem:s23+$0x150];
	_ =	sdelay $0x4  }
0x328: {  	[tilespmem:v52+s19+$0x0] =	vst.idx.msk $0xffff, v33  }
0x329: {  	v53 =	vadd.s32 v23, v35;
	v33 =	vld [tilespmem:s23+$0x160];
	_ =	sdelay $0x4  }
0x32a: {  	[tilespmem:v53+s19+$0x0] =	vst.idx.msk $0xffff, v33  }
0x32b: {  	s30 =	simm.s32 $0xE;
	v54 =	vadd.s32 v24, v35;
	v33 =	vld [tilespmem:s23+$0x170]  }
0x32c: {  	v55 =	vmov s30  }
0x32d: {  	v35 =	vshrl.u32 v55, $0x3  }
0x32e: {  	v35 =	vshll.u32 v35, v1  }
0x32f: {  	v35 =	vbroadcast v35, $0x0  }
0x330: {  	[tilespmem:v54+s19+$0x0] =	vst.idx.msk $0xffff, v33  }
0x331: {  	v56 =	vadd.s32 v25, v35;
	v33 =	vld [tilespmem:s23+$0x180];
	_ =	sdelay $0x4  }
0x332: {  	[tilespmem:v56+s19+$0x0] =	vst.idx.msk $0xffff, v33  }
0x333: {  	v57 =	vadd.s32 v26, v35;
	v33 =	vld [tilespmem:s23+$0x190];
	_ =	sdelay $0x4  }
0x334: {  	[tilespmem:v57+s19+$0x0] =	vst.idx.msk $0xffff, v33  }
0x335: {  	v58 =	vadd.s32 v27, v35;
	v33 =	vld [tilespmem:s23+$0x1A0];
	_ =	sdelay $0x4  }
0x336: {  	[tilespmem:v58+s19+$0x0] =	vst.idx.msk $0xffff, v33  }
0x337: {  	s31 =	simm.s32 $0xF;
	v59 =	vadd.s32 v28, v35;
	v33 =	vld [tilespmem:s23+$0x1B0]  }
0x338: {  	v60 =	vmov s31  }
0x339: {  	v35 =	vshrl.u32 v60, $0x3  }
0x33a: {  	v35 =	vshll.u32 v35, v1  }
0x33b: {  	v35 =	vbroadcast v35, $0x0  }
0x33c: {  	[tilespmem:v59+s19+$0x0] =	vst.idx.msk $0xffff, v33  }
0x33d: {  	v61 =	vadd.s32 v29, v35;
	v33 =	vld [tilespmem:s23+$0x1C0];
	_ =	sdelay $0x4  }
0x33e: {  	[tilespmem:v61+s19+$0x0] =	vst.idx.msk $0xffff, v33  }
0x33f: {  	v62 =	vadd.s32 v30, v35;
	v33 =	vld [tilespmem:s23+$0x1D0];
	_ =	sdelay $0x4  }
0x340: {  	[tilespmem:v62+s19+$0x0] =	vst.idx.msk $0xffff, v33  }
0x341: {  	v63 =	vadd.s32 v31, v35;
	v33 =	vld [tilespmem:s23+$0x1E0];
	_ =	sdelay $0x4  }
0x342: {  	[tilespmem:v63+s19+$0x0] =	vst.idx.msk $0xffff, v33  }
0x343: {  	s24 =	simm.s32 $0x1F;
	s25 =	simm.s32 $0x2F;
	s26 =	simm.s32 $0x10;
	v34 =	vadd.s32 v32, v35;
	v33 =	vld [tilespmem:s23+$0x1F0]  }
.LBB2_6:
0x344: {  	p0 =	sne.s32 s25, $0x7F;
	v35 =	vmov s26  }
0x345: {  	v35 =	vshrl.u32 v35, $0x3  }
0x346: {  	v35 =	vshll.u32 v35, v1  }
0x347: {  	v35 =	vbroadcast v35, $0x0  }
0x348: {  	s23 =	sadd.s32 $0x400, s23;
	[tilespmem:v34+s19+$0x0] =	vst.idx.msk $0xffff, v33  }
0x349: {  	v33 =	vld [tilespmem:s23+$0xFFFFFE00];
	v34 =	vadd.s32 v0, v35;
	_ =	sdelay $0x4  }
0x34a: {  	[tilespmem:v34+s19+$0x0] =	vst.idx.msk $0xffff, v33  }
0x34b: {  	v34 =	vadd.s32 v2, v35;
	v33 =	vld [tilespmem:s23+$0xFFFFFE10];
	_ =	sdelay $0x4  }
0x34c: {  	[tilespmem:v34+s19+$0x0] =	vst.idx.msk $0xffff, v33  }
0x34d: {  	v34 =	vadd.s32 v3, v35;
	v33 =	vld [tilespmem:s23+$0xFFFFFE20];
	_ =	sdelay $0x4  }
0x34e: {  	[tilespmem:v34+s19+$0x0] =	vst.idx.msk $0xffff, v33  }
0x34f: {  	s26 =	sadd.s32 $0xFFFFFFF2, s24;
	v34 =	vadd.s32 v4, v35;
	v33 =	vld [tilespmem:s23+$0xFFFFFE30]  }
0x350: {  	v35 =	vmov s26  }
0x351: {  	v35 =	vshrl.u32 v35, $0x3  }
0x352: {  	v35 =	vshll.u32 v35, v1  }
0x353: {  	v35 =	vbroadcast v35, $0x0  }
0x354: {  	[tilespmem:v34+s19+$0x0] =	vst.idx.msk $0xffff, v33  }
0x355: {  	v34 =	vadd.s32 v5, v35;
	v33 =	vld [tilespmem:s23+$0xFFFFFE40];
	_ =	sdelay $0x4  }
0x356: {  	[tilespmem:v34+s19+$0x0] =	vst.idx.msk $0xffff, v33  }
0x357: {  	v34 =	vadd.s32 v6, v35;
	v33 =	vld [tilespmem:s23+$0xFFFFFE50];
	_ =	sdelay $0x4  }
0x358: {  	[tilespmem:v34+s19+$0x0] =	vst.idx.msk $0xffff, v33  }
0x359: {  	v34 =	vadd.s32 v7, v35;
	v33 =	vld [tilespmem:s23+$0xFFFFFE60];
	_ =	sdelay $0x4  }
0x35a: {  	[tilespmem:v34+s19+$0x0] =	vst.idx.msk $0xffff, v33  }
0x35b: {  	s26 =	sadd.s32 $0xFFFFFFF3, s24;
	v34 =	vadd.s32 v8, v35;
	v33 =	vld [tilespmem:s23+$0xFFFFFE70]  }
0x35c: {  	v35 =	vmov s26  }
0x35d: {  	v35 =	vshrl.u32 v35, $0x3  }
0x35e: {  	v35 =	vshll.u32 v35, v1  }
0x35f: {  	v35 =	vbroadcast v35, $0x0  }
0x360: {  	[tilespmem:v34+s19+$0x0] =	vst.idx.msk $0xffff, v33  }
0x361: {  	v34 =	vadd.s32 v9, v35;
	v33 =	vld [tilespmem:s23+$0xFFFFFE80];
	_ =	sdelay $0x4  }
0x362: {  	[tilespmem:v34+s19+$0x0] =	vst.idx.msk $0xffff, v33  }
0x363: {  	v34 =	vadd.s32 v10, v35;
	v33 =	vld [tilespmem:s23+$0xFFFFFE90];
	_ =	sdelay $0x4  }
0x364: {  	[tilespmem:v34+s19+$0x0] =	vst.idx.msk $0xffff, v33  }
0x365: {  	v34 =	vadd.s32 v11, v35;
	v33 =	vld [tilespmem:s23+$0xFFFFFEA0];
	_ =	sdelay $0x4  }
0x366: {  	[tilespmem:v34+s19+$0x0] =	vst.idx.msk $0xffff, v33  }
0x367: {  	s26 =	sadd.s32 $0xFFFFFFF4, s24;
	v34 =	vadd.s32 v12, v35;
	v33 =	vld [tilespmem:s23+$0xFFFFFEB0]  }
0x368: {  	v35 =	vmov s26  }
0x369: {  	v35 =	vshrl.u32 v35, $0x3  }
0x36a: {  	v35 =	vshll.u32 v35, v1  }
0x36b: {  	v35 =	vbroadcast v35, $0x0  }
0x36c: {  	[tilespmem:v34+s19+$0x0] =	vst.idx.msk $0xffff, v33  }
0x36d: {  	v34 =	vadd.s32 v13, v35;
	v33 =	vld [tilespmem:s23+$0xFFFFFEC0];
	_ =	sdelay $0x4  }
0x36e: {  	[tilespmem:v34+s19+$0x0] =	vst.idx.msk $0xffff, v33  }
0x36f: {  	v34 =	vadd.s32 v14, v35;
	v33 =	vld [tilespmem:s23+$0xFFFFFED0];
	_ =	sdelay $0x4  }
0x370: {  	[tilespmem:v34+s19+$0x0] =	vst.idx.msk $0xffff, v33  }
0x371: {  	v34 =	vadd.s32 v15, v35;
	v33 =	vld [tilespmem:s23+$0xFFFFFEE0];
	_ =	sdelay $0x4  }
0x372: {  	[tilespmem:v34+s19+$0x0] =	vst.idx.msk $0xffff, v33  }
0x373: {  	s26 =	sadd.s32 $0xFFFFFFF5, s24;
	v34 =	vadd.s32 v16, v35;
	v33 =	vld [tilespmem:s23+$0xFFFFFEF0]  }
0x374: {  	v35 =	vmov s26  }
0x375: {  	v35 =	vshrl.u32 v35, $0x3  }
0x376: {  	v35 =	vshll.u32 v35, v1  }
0x377: {  	v35 =	vbroadcast v35, $0x0  }
0x378: {  	[tilespmem:v34+s19+$0x0] =	vst.idx.msk $0xffff, v33  }
0x379: {  	v34 =	vadd.s32 v17, v35;
	v33 =	vld [tilespmem:s23+$0xFFFFFF00];
	_ =	sdelay $0x4  }
0x37a: {  	[tilespmem:v34+s19+$0x0] =	vst.idx.msk $0xffff, v33  }
0x37b: {  	v34 =	vadd.s32 v18, v35;
	v33 =	vld [tilespmem:s23+$0xFFFFFF10];
	_ =	sdelay $0x4  }
0x37c: {  	[tilespmem:v34+s19+$0x0] =	vst.idx.msk $0xffff, v33  }
0x37d: {  	v34 =	vadd.s32 v19, v35;
	v33 =	vld [tilespmem:s23+$0xFFFFFF20];
	_ =	sdelay $0x4  }
0x37e: {  	[tilespmem:v34+s19+$0x0] =	vst.idx.msk $0xffff, v33  }
0x37f: {  	s26 =	sadd.s32 $0xFFFFFFF6, s24;
	v34 =	vadd.s32 v20, v35;
	v33 =	vld [tilespmem:s23+$0xFFFFFF30]  }
0x380: {  	v35 =	vmov s26  }
0x381: {  	v35 =	vshrl.u32 v35, $0x3  }
0x382: {  	v35 =	vshll.u32 v35, v1  }
0x383: {  	v35 =	vbroadcast v35, $0x0  }
0x384: {  	[tilespmem:v34+s19+$0x0] =	vst.idx.msk $0xffff, v33  }
0x385: {  	v34 =	vadd.s32 v21, v35;
	v33 =	vld [tilespmem:s23+$0xFFFFFF40];
	_ =	sdelay $0x4  }
0x386: {  	[tilespmem:v34+s19+$0x0] =	vst.idx.msk $0xffff, v33  }
0x387: {  	v34 =	vadd.s32 v22, v35;
	v33 =	vld [tilespmem:s23+$0xFFFFFF50];
	_ =	sdelay $0x4  }
0x388: {  	[tilespmem:v34+s19+$0x0] =	vst.idx.msk $0xffff, v33  }
0x389: {  	v34 =	vadd.s32 v23, v35;
	v33 =	vld [tilespmem:s23+$0xFFFFFF60];
	_ =	sdelay $0x4  }
0x38a: {  	[tilespmem:v34+s19+$0x0] =	vst.idx.msk $0xffff, v33  }
0x38b: {  	s26 =	sadd.s32 $0xFFFFFFF7, s24;
	v34 =	vadd.s32 v24, v35;
	v33 =	vld [tilespmem:s23+$0xFFFFFF70]  }
0x38c: {  	v35 =	vmov s26  }
0x38d: {  	v35 =	vshrl.u32 v35, $0x3  }
0x38e: {  	v35 =	vshll.u32 v35, v1  }
0x38f: {  	v35 =	vbroadcast v35, $0x0  }
0x390: {  	[tilespmem:v34+s19+$0x0] =	vst.idx.msk $0xffff, v33  }
0x391: {  	v34 =	vadd.s32 v25, v35;
	v33 =	vld [tilespmem:s23+$0xFFFFFF80];
	_ =	sdelay $0x4  }
0x392: {  	[tilespmem:v34+s19+$0x0] =	vst.idx.msk $0xffff, v33  }
0x393: {  	v34 =	vadd.s32 v26, v35;
	v33 =	vld [tilespmem:s23+$0xFFFFFF90];
	_ =	sdelay $0x4  }
0x394: {  	[tilespmem:v34+s19+$0x0] =	vst.idx.msk $0xffff, v33  }
0x395: {  	v34 =	vadd.s32 v27, v35;
	v33 =	vld [tilespmem:s23+$0xFFFFFFA0];
	_ =	sdelay $0x4  }
0x396: {  	[tilespmem:v34+s19+$0x0] =	vst.idx.msk $0xffff, v33  }
0x397: {  	s26 =	sadd.s32 $0xFFFFFFF8, s24;
	v34 =	vadd.s32 v28, v35;
	v33 =	vld [tilespmem:s23+$0xFFFFFFB0]  }
0x398: {  	v35 =	vmov s26  }
0x399: {  	v35 =	vshrl.u32 v35, $0x3  }
0x39a: {  	v35 =	vshll.u32 v35, v1  }
0x39b: {  	v35 =	vbroadcast v35, $0x0  }
0x39c: {  	[tilespmem:v34+s19+$0x0] =	vst.idx.msk $0xffff, v33  }
0x39d: {  	v34 =	vadd.s32 v29, v35;
	v33 =	vld [tilespmem:s23+$0xFFFFFFC0];
	_ =	sdelay $0x4  }
0x39e: {  	[tilespmem:v34+s19+$0x0] =	vst.idx.msk $0xffff, v33  }
0x39f: {  	v34 =	vadd.s32 v30, v35;
	v33 =	vld [tilespmem:s23+$0xFFFFFFD0];
	_ =	sdelay $0x4  }
0x3a0: {  	[tilespmem:v34+s19+$0x0] =	vst.idx.msk $0xffff, v33  }
0x3a1: {  	v34 =	vadd.s32 v31, v35;
	v33 =	vld [tilespmem:s23+$0xFFFFFFE0];
	_ =	sdelay $0x4  }
0x3a2: {  	[tilespmem:v34+s19+$0x0] =	vst.idx.msk $0xffff, v33  }
0x3a3: {  	s26 =	sadd.s32 $0xFFFFFFF9, s24;
	v34 =	vadd.s32 v32, v35;
	v33 =	vld [tilespmem:s23+$0xFFFFFFF0]  }
0x3a4: {  	v35 =	vmov s26  }
0x3a5: {  	v35 =	vshrl.u32 v35, $0x3  }
0x3a6: {  	v35 =	vshll.u32 v35, v1  }
0x3a7: {  	v35 =	vbroadcast v35, $0x0  }
0x3a8: {  	[tilespmem:v34+s19+$0x0] =	vst.idx.msk $0xffff, v33  }
0x3a9: {  	v34 =	vadd.s32 v0, v35;
	v33 =	vld [tilespmem:s23+$0x0];
	_ =	sdelay $0x4  }
0x3aa: {  	[tilespmem:v34+s19+$0x0] =	vst.idx.msk $0xffff, v33  }
0x3ab: {  	v34 =	vadd.s32 v2, v35;
	v33 =	vld [tilespmem:s23+$0x10];
	_ =	sdelay $0x4  }
0x3ac: {  	[tilespmem:v34+s19+$0x0] =	vst.idx.msk $0xffff, v33  }
0x3ad: {  	v34 =	vadd.s32 v3, v35;
	v33 =	vld [tilespmem:s23+$0x20];
	_ =	sdelay $0x4  }
0x3ae: {  	[tilespmem:v34+s19+$0x0] =	vst.idx.msk $0xffff, v33  }
0x3af: {  	s26 =	sadd.s32 $0xFFFFFFFA, s24;
	v34 =	vadd.s32 v4, v35;
	v33 =	vld [tilespmem:s23+$0x30]  }
0x3b0: {  	v35 =	vmov s26  }
0x3b1: {  	v35 =	vshrl.u32 v35, $0x3  }
0x3b2: {  	v35 =	vshll.u32 v35, v1  }
0x3b3: {  	v35 =	vbroadcast v35, $0x0  }
0x3b4: {  	[tilespmem:v34+s19+$0x0] =	vst.idx.msk $0xffff, v33  }
0x3b5: {  	v34 =	vadd.s32 v5, v35;
	v33 =	vld [tilespmem:s23+$0x40];
	_ =	sdelay $0x4  }
0x3b6: {  	[tilespmem:v34+s19+$0x0] =	vst.idx.msk $0xffff, v33  }
0x3b7: {  	v34 =	vadd.s32 v6, v35;
	v33 =	vld [tilespmem:s23+$0x50];
	_ =	sdelay $0x4  }
0x3b8: {  	[tilespmem:v34+s19+$0x0] =	vst.idx.msk $0xffff, v33  }
0x3b9: {  	v34 =	vadd.s32 v7, v35;
	v33 =	vld [tilespmem:s23+$0x60];
	_ =	sdelay $0x4  }
0x3ba: {  	[tilespmem:v34+s19+$0x0] =	vst.idx.msk $0xffff, v33  }
0x3bb: {  	s26 =	sadd.s32 $0xFFFFFFFB, s24;
	v34 =	vadd.s32 v8, v35;
	v33 =	vld [tilespmem:s23+$0x70]  }
0x3bc: {  	v35 =	vmov s26  }
0x3bd: {  	v35 =	vshrl.u32 v35, $0x3  }
0x3be: {  	v35 =	vshll.u32 v35, v1  }
0x3bf: {  	v35 =	vbroadcast v35, $0x0  }
0x3c0: {  	[tilespmem:v34+s19+$0x0] =	vst.idx.msk $0xffff, v33  }
0x3c1: {  	v34 =	vadd.s32 v9, v35;
	v33 =	vld [tilespmem:s23+$0x80];
	_ =	sdelay $0x4  }
0x3c2: {  	[tilespmem:v34+s19+$0x0] =	vst.idx.msk $0xffff, v33  }
0x3c3: {  	v34 =	vadd.s32 v10, v35;
	v33 =	vld [tilespmem:s23+$0x90];
	_ =	sdelay $0x4  }
0x3c4: {  	[tilespmem:v34+s19+$0x0] =	vst.idx.msk $0xffff, v33  }
0x3c5: {  	v34 =	vadd.s32 v11, v35;
	v33 =	vld [tilespmem:s23+$0xA0];
	_ =	sdelay $0x4  }
0x3c6: {  	[tilespmem:v34+s19+$0x0] =	vst.idx.msk $0xffff, v33  }
0x3c7: {  	s26 =	sadd.s32 $0xFFFFFFFC, s24;
	v34 =	vadd.s32 v12, v35;
	v33 =	vld [tilespmem:s23+$0xB0]  }
0x3c8: {  	v35 =	vmov s26  }
0x3c9: {  	v35 =	vshrl.u32 v35, $0x3  }
0x3ca: {  	v35 =	vshll.u32 v35, v1  }
0x3cb: {  	v35 =	vbroadcast v35, $0x0  }
0x3cc: {  	[tilespmem:v34+s19+$0x0] =	vst.idx.msk $0xffff, v33  }
0x3cd: {  	v34 =	vadd.s32 v13, v35;
	v33 =	vld [tilespmem:s23+$0xC0];
	_ =	sdelay $0x4  }
0x3ce: {  	[tilespmem:v34+s19+$0x0] =	vst.idx.msk $0xffff, v33  }
0x3cf: {  	v34 =	vadd.s32 v14, v35;
	v33 =	vld [tilespmem:s23+$0xD0];
	_ =	sdelay $0x4  }
0x3d0: {  	[tilespmem:v34+s19+$0x0] =	vst.idx.msk $0xffff, v33  }
0x3d1: {  	v34 =	vadd.s32 v15, v35;
	v33 =	vld [tilespmem:s23+$0xE0];
	_ =	sdelay $0x4  }
0x3d2: {  	[tilespmem:v34+s19+$0x0] =	vst.idx.msk $0xffff, v33  }
0x3d3: {  	s26 =	sadd.s32 $0xFFFFFFFD, s24;
	v34 =	vadd.s32 v16, v35;
	v33 =	vld [tilespmem:s23+$0xF0]  }
0x3d4: {  	v35 =	vmov s26  }
0x3d5: {  	v35 =	vshrl.u32 v35, $0x3  }
0x3d6: {  	v35 =	vshll.u32 v35, v1  }
0x3d7: {  	v35 =	vbroadcast v35, $0x0  }
0x3d8: {  	[tilespmem:v34+s19+$0x0] =	vst.idx.msk $0xffff, v33  }
0x3d9: {  	v34 =	vadd.s32 v17, v35;
	v33 =	vld [tilespmem:s23+$0x100];
	_ =	sdelay $0x4  }
0x3da: {  	[tilespmem:v34+s19+$0x0] =	vst.idx.msk $0xffff, v33  }
0x3db: {  	v34 =	vadd.s32 v18, v35;
	v33 =	vld [tilespmem:s23+$0x110];
	_ =	sdelay $0x4  }
0x3dc: {  	[tilespmem:v34+s19+$0x0] =	vst.idx.msk $0xffff, v33  }
0x3dd: {  	v34 =	vadd.s32 v19, v35;
	v33 =	vld [tilespmem:s23+$0x120];
	_ =	sdelay $0x4  }
0x3de: {  	[tilespmem:v34+s19+$0x0] =	vst.idx.msk $0xffff, v33  }
0x3df: {  	s26 =	sadd.s32 $0xFFFFFFFE, s24;
	v34 =	vadd.s32 v20, v35;
	v33 =	vld [tilespmem:s23+$0x130]  }
0x3e0: {  	v35 =	vmov s26  }
0x3e1: {  	v35 =	vshrl.u32 v35, $0x3  }
0x3e2: {  	v35 =	vshll.u32 v35, v1  }
0x3e3: {  	v35 =	vbroadcast v35, $0x0  }
0x3e4: {  	[tilespmem:v34+s19+$0x0] =	vst.idx.msk $0xffff, v33  }
0x3e5: {  	v34 =	vadd.s32 v21, v35;
	v33 =	vld [tilespmem:s23+$0x140];
	_ =	sdelay $0x4  }
0x3e6: {  	[tilespmem:v34+s19+$0x0] =	vst.idx.msk $0xffff, v33  }
0x3e7: {  	v34 =	vadd.s32 v22, v35;
	v33 =	vld [tilespmem:s23+$0x150];
	_ =	sdelay $0x4  }
0x3e8: {  	[tilespmem:v34+s19+$0x0] =	vst.idx.msk $0xffff, v33  }
0x3e9: {  	v34 =	vadd.s32 v23, v35;
	v33 =	vld [tilespmem:s23+$0x160];
	_ =	sdelay $0x4  }
0x3ea: {  	[tilespmem:v34+s19+$0x0] =	vst.idx.msk $0xffff, v33  }
0x3eb: {  	s26 =	sadd.s32 $0xFFFFFFFF, s24;
	v34 =	vadd.s32 v24, v35;
	v33 =	vld [tilespmem:s23+$0x170]  }
0x3ec: {  	v35 =	vmov s26  }
0x3ed: {  	v35 =	vshrl.u32 v35, $0x3  }
0x3ee: {  	v35 =	vshll.u32 v35, v1  }
0x3ef: {  	v35 =	vbroadcast v35, $0x0  }
0x3f0: {  	[tilespmem:v34+s19+$0x0] =	vst.idx.msk $0xffff, v33  }
0x3f1: {  	v34 =	vadd.s32 v25, v35;
	v33 =	vld [tilespmem:s23+$0x180];
	_ =	sdelay $0x4  }
0x3f2: {  	[tilespmem:v34+s19+$0x0] =	vst.idx.msk $0xffff, v33  }
0x3f3: {  	v34 =	vadd.s32 v26, v35;
	v33 =	vld [tilespmem:s23+$0x190];
	_ =	sdelay $0x4  }
0x3f4: {  	[tilespmem:v34+s19+$0x0] =	vst.idx.msk $0xffff, v33  }
0x3f5: {  	v34 =	vadd.s32 v27, v35;
	v33 =	vld [tilespmem:s23+$0x1A0];
	_ =	sdelay $0x4  }
0x3f6: {  	[tilespmem:v34+s19+$0x0] =	vst.idx.msk $0xffff, v33  }
0x3f7: {  	v34 =	vadd.s32 v28, v35;
	v33 =	vld [tilespmem:s23+$0x1B0]  }
0x3f8: {  	v35 =	vmov s24;
	s24 =	smov.u32 s25  }
0x3f9: {  	v35 =	vshrl.u32 v35, $0x3  }
0x3fa: {  	v35 =	vshll.u32 v35, v1  }
0x3fb: {  	v35 =	vbroadcast v35, $0x0  }
0x3fc: {  	[tilespmem:v34+s19+$0x0] =	vst.idx.msk $0xffff, v33  }
0x3fd: {  	v34 =	vadd.s32 v29, v35;
	v33 =	vld [tilespmem:s23+$0x1C0];
	_ =	sdelay $0x4  }
0x3fe: {  	[tilespmem:v34+s19+$0x0] =	vst.idx.msk $0xffff, v33  }
0x3ff: {  	v34 =	vadd.s32 v30, v35;
	v33 =	vld [tilespmem:s23+$0x1D0];
	_ =	sdelay $0x4  }
0x400: {  	[tilespmem:v34+s19+$0x0] =	vst.idx.msk $0xffff, v33  }
0x401: {  	v34 =	vadd.s32 v31, v35;
	v33 =	vld [tilespmem:s23+$0x1E0];
	_ =	sdelay $0x1  }
.Ltmp2:
0x402: {  	(pc) =	sbr.rel @p0 .LBB2_6-.Ltmp2, $3  }
0x403: {  	_ =	sdelay $0x1  }
0x404: {  	[tilespmem:v34+s19+$0x0] =	vst.idx.msk $0xffff, v33  }
0x405: {  	s25 =	sadd.s32 $0x10, s25;
	s26 =	sadd.s32 $0xFFFFFFF1, s24;
	v34 =	vadd.s32 v32, v35;
	v33 =	vld [tilespmem:s23+$0x1F0]  }
0x406: {  	v35 =	vmov s26  }
0x407: {  	v35 =	vshrl.u32 v35, $0x3  }
0x408: {  	v35 =	vshll.u32 v35, v1  }
0x409: {  	v35 =	vbroadcast v35, $0x0  }
0x40a: {  	s23 =	sadd.s32 $0x400, s23;
	[tilespmem:v34+s19+$0x0] =	vst.idx.msk $0xffff, v33  }
0x40b: {  	v33 =	vld [tilespmem:s23+$0xFFFFFE00];
	v41 =	vadd.s32 v0, v35;
	_ =	sdelay $0x4  }
0x40c: {  	[tilespmem:v41+s19+$0x0] =	vst.idx.msk $0xffff, v33  }
0x40d: {  	v42 =	vadd.s32 v2, v35;
	v33 =	vld [tilespmem:s23+$0xFFFFFE10];
	_ =	sdelay $0x4  }
0x40e: {  	[tilespmem:v42+s19+$0x0] =	vst.idx.msk $0xffff, v33  }
0x40f: {  	v43 =	vadd.s32 v3, v35;
	v33 =	vld [tilespmem:s23+$0xFFFFFE20];
	_ =	sdelay $0x4  }
0x410: {  	[tilespmem:v43+s19+$0x0] =	vst.idx.msk $0xffff, v33  }
0x411: {  	s25 =	sadd.s32 $0xFFFFFFF2, s24;
	v44 =	vadd.s32 v4, v35;
	v33 =	vld [tilespmem:s23+$0xFFFFFE30]  }
0x412: {  	v45 =	vmov s25  }
0x413: {  	v35 =	vshrl.u32 v45, $0x3  }
0x414: {  	v35 =	vshll.u32 v35, v1  }
0x415: {  	v35 =	vbroadcast v35, $0x0  }
0x416: {  	[tilespmem:v44+s19+$0x0] =	vst.idx.msk $0xffff, v33  }
0x417: {  	v46 =	vadd.s32 v5, v35;
	v33 =	vld [tilespmem:s23+$0xFFFFFE40];
	_ =	sdelay $0x4  }
0x418: {  	[tilespmem:v46+s19+$0x0] =	vst.idx.msk $0xffff, v33  }
0x419: {  	v47 =	vadd.s32 v6, v35;
	v33 =	vld [tilespmem:s23+$0xFFFFFE50];
	_ =	sdelay $0x4  }
0x41a: {  	[tilespmem:v47+s19+$0x0] =	vst.idx.msk $0xffff, v33  }
0x41b: {  	v48 =	vadd.s32 v7, v35;
	v33 =	vld [tilespmem:s23+$0xFFFFFE60];
	_ =	sdelay $0x4  }
0x41c: {  	[tilespmem:v48+s19+$0x0] =	vst.idx.msk $0xffff, v33  }
0x41d: {  	s30 =	sadd.s32 $0xFFFFFFF3, s24;
	v49 =	vadd.s32 v8, v35;
	v33 =	vld [tilespmem:s23+$0xFFFFFE70]  }
0x41e: {  	v50 =	vmov s30  }
0x41f: {  	v35 =	vshrl.u32 v50, $0x3  }
0x420: {  	v35 =	vshll.u32 v35, v1  }
0x421: {  	v35 =	vbroadcast v35, $0x0  }
0x422: {  	[tilespmem:v49+s19+$0x0] =	vst.idx.msk $0xffff, v33  }
0x423: {  	v51 =	vadd.s32 v9, v35;
	v33 =	vld [tilespmem:s23+$0xFFFFFE80];
	_ =	sdelay $0x4  }
0x424: {  	[tilespmem:v51+s19+$0x0] =	vst.idx.msk $0xffff, v33  }
0x425: {  	v52 =	vadd.s32 v10, v35;
	v33 =	vld [tilespmem:s23+$0xFFFFFE90];
	_ =	sdelay $0x4  }
0x426: {  	[tilespmem:v52+s19+$0x0] =	vst.idx.msk $0xffff, v33  }
0x427: {  	v53 =	vadd.s32 v11, v35;
	v33 =	vld [tilespmem:s23+$0xFFFFFEA0];
	_ =	sdelay $0x4  }
0x428: {  	[tilespmem:v53+s19+$0x0] =	vst.idx.msk $0xffff, v33  }
0x429: {  	s31 =	sadd.s32 $0xFFFFFFF4, s24;
	v54 =	vadd.s32 v12, v35;
	v33 =	vld [tilespmem:s23+$0xFFFFFEB0]  }
0x42a: {  	v55 =	vmov s31  }
0x42b: {  	v35 =	vshrl.u32 v55, $0x3  }
0x42c: {  	v35 =	vshll.u32 v35, v1  }
0x42d: {  	v35 =	vbroadcast v35, $0x0  }
0x42e: {  	[tilespmem:v54+s19+$0x0] =	vst.idx.msk $0xffff, v33  }
0x42f: {  	v56 =	vadd.s32 v13, v35;
	v33 =	vld [tilespmem:s23+$0xFFFFFEC0];
	_ =	sdelay $0x4  }
0x430: {  	[tilespmem:v56+s19+$0x0] =	vst.idx.msk $0xffff, v33  }
0x431: {  	v57 =	vadd.s32 v14, v35;
	v33 =	vld [tilespmem:s23+$0xFFFFFED0];
	_ =	sdelay $0x4  }
0x432: {  	[tilespmem:v57+s19+$0x0] =	vst.idx.msk $0xffff, v33  }
0x433: {  	v58 =	vadd.s32 v15, v35;
	v33 =	vld [tilespmem:s23+$0xFFFFFEE0];
	_ =	sdelay $0x4  }
0x434: {  	[tilespmem:v58+s19+$0x0] =	vst.idx.msk $0xffff, v33  }
0x435: {  	s26 =	sadd.s32 $0xFFFFFFF5, s24;
	v59 =	vadd.s32 v16, v35;
	v33 =	vld [tilespmem:s23+$0xFFFFFEF0]  }
0x436: {  	v60 =	vmov s26  }
0x437: {  	v35 =	vshrl.u32 v60, $0x3  }
0x438: {  	v35 =	vshll.u32 v35, v1  }
0x439: {  	v35 =	vbroadcast v35, $0x0  }
0x43a: {  	[tilespmem:v59+s19+$0x0] =	vst.idx.msk $0xffff, v33  }
0x43b: {  	v61 =	vadd.s32 v17, v35;
	v33 =	vld [tilespmem:s23+$0xFFFFFF00];
	_ =	sdelay $0x4  }
0x43c: {  	[tilespmem:v61+s19+$0x0] =	vst.idx.msk $0xffff, v33  }
0x43d: {  	v62 =	vadd.s32 v18, v35;
	v33 =	vld [tilespmem:s23+$0xFFFFFF10];
	_ =	sdelay $0x4  }
0x43e: {  	[tilespmem:v62+s19+$0x0] =	vst.idx.msk $0xffff, v33  }
0x43f: {  	v63 =	vadd.s32 v19, v35;
	v33 =	vld [tilespmem:s23+$0xFFFFFF20];
	_ =	sdelay $0x4  }
0x440: {  	[tilespmem:v63+s19+$0x0] =	vst.idx.msk $0xffff, v33  }
0x441: {  	s29 =	sadd.s32 $0xFFFFFFF6, s24;
	v36 =	vadd.s32 v20, v35;
	v33 =	vld [tilespmem:s23+$0xFFFFFF30]  }
0x442: {  	v37 =	vmov s29  }
0x443: {  	v35 =	vshrl.u32 v37, $0x3  }
0x444: {  	v35 =	vshll.u32 v35, v1  }
0x445: {  	v35 =	vbroadcast v35, $0x0  }
0x446: {  	[tilespmem:v36+s19+$0x0] =	vst.idx.msk $0xffff, v33  }
0x447: {  	v38 =	vadd.s32 v21, v35;
	v33 =	vld [tilespmem:s23+$0xFFFFFF40];
	_ =	sdelay $0x4  }
0x448: {  	[tilespmem:v38+s19+$0x0] =	vst.idx.msk $0xffff, v33  }
0x449: {  	v39 =	vadd.s32 v22, v35;
	v33 =	vld [tilespmem:s23+$0xFFFFFF50];
	_ =	sdelay $0x4  }
0x44a: {  	[tilespmem:v39+s19+$0x0] =	vst.idx.msk $0xffff, v33  }
0x44b: {  	v40 =	vadd.s32 v23, v35;
	v33 =	vld [tilespmem:s23+$0xFFFFFF60];
	_ =	sdelay $0x4  }
0x44c: {  	[tilespmem:v40+s19+$0x0] =	vst.idx.msk $0xffff, v33  }
0x44d: {  	s30 =	sadd.s32 $0xFFFFFFF7, s24;
	v41 =	vadd.s32 v24, v35;
	v33 =	vld [tilespmem:s23+$0xFFFFFF70]  }
0x44e: {  	v42 =	vmov s30  }
0x44f: {  	v35 =	vshrl.u32 v42, $0x3  }
0x450: {  	v35 =	vshll.u32 v35, v1  }
0x451: {  	v35 =	vbroadcast v35, $0x0  }
0x452: {  	[tilespmem:v41+s19+$0x0] =	vst.idx.msk $0xffff, v33  }
0x453: {  	v43 =	vadd.s32 v25, v35;
	v33 =	vld [tilespmem:s23+$0xFFFFFF80];
	_ =	sdelay $0x4  }
0x454: {  	[tilespmem:v43+s19+$0x0] =	vst.idx.msk $0xffff, v33  }
0x455: {  	v44 =	vadd.s32 v26, v35;
	v33 =	vld [tilespmem:s23+$0xFFFFFF90];
	_ =	sdelay $0x4  }
0x456: {  	[tilespmem:v44+s19+$0x0] =	vst.idx.msk $0xffff, v33  }
0x457: {  	v45 =	vadd.s32 v27, v35;
	v33 =	vld [tilespmem:s23+$0xFFFFFFA0];
	_ =	sdelay $0x4  }
0x458: {  	[tilespmem:v45+s19+$0x0] =	vst.idx.msk $0xffff, v33  }
0x459: {  	s31 =	sadd.s32 $0xFFFFFFF8, s24;
	v46 =	vadd.s32 v28, v35;
	v33 =	vld [tilespmem:s23+$0xFFFFFFB0]  }
0x45a: {  	v47 =	vmov s31  }
0x45b: {  	v35 =	vshrl.u32 v47, $0x3  }
0x45c: {  	v35 =	vshll.u32 v35, v1  }
0x45d: {  	v35 =	vbroadcast v35, $0x0  }
0x45e: {  	[tilespmem:v46+s19+$0x0] =	vst.idx.msk $0xffff, v33  }
0x45f: {  	v48 =	vadd.s32 v29, v35;
	v33 =	vld [tilespmem:s23+$0xFFFFFFC0];
	_ =	sdelay $0x4  }
0x460: {  	[tilespmem:v48+s19+$0x0] =	vst.idx.msk $0xffff, v33  }
0x461: {  	v49 =	vadd.s32 v30, v35;
	v33 =	vld [tilespmem:s23+$0xFFFFFFD0];
	_ =	sdelay $0x4  }
0x462: {  	[tilespmem:v49+s19+$0x0] =	vst.idx.msk $0xffff, v33  }
0x463: {  	v50 =	vadd.s32 v31, v35;
	v33 =	vld [tilespmem:s23+$0xFFFFFFE0];
	_ =	sdelay $0x4  }
0x464: {  	[tilespmem:v50+s19+$0x0] =	vst.idx.msk $0xffff, v33  }
0x465: {  	s26 =	sadd.s32 $0xFFFFFFF9, s24;
	v51 =	vadd.s32 v32, v35;
	v33 =	vld [tilespmem:s23+$0xFFFFFFF0]  }
0x466: {  	v52 =	vmov s26  }
0x467: {  	v35 =	vshrl.u32 v52, $0x3  }
0x468: {  	v35 =	vshll.u32 v35, v1  }
0x469: {  	v35 =	vbroadcast v35, $0x0  }
0x46a: {  	[tilespmem:v51+s19+$0x0] =	vst.idx.msk $0xffff, v33  }
0x46b: {  	v53 =	vadd.s32 v0, v35;
	v33 =	vld [tilespmem:s23+$0x0];
	_ =	sdelay $0x4  }
0x46c: {  	[tilespmem:v53+s19+$0x0] =	vst.idx.msk $0xffff, v33  }
0x46d: {  	v54 =	vadd.s32 v2, v35;
	v33 =	vld [tilespmem:s23+$0x10];
	_ =	sdelay $0x4  }
0x46e: {  	[tilespmem:v54+s19+$0x0] =	vst.idx.msk $0xffff, v33  }
0x46f: {  	v55 =	vadd.s32 v3, v35;
	v33 =	vld [tilespmem:s23+$0x20];
	_ =	sdelay $0x4  }
0x470: {  	[tilespmem:v55+s19+$0x0] =	vst.idx.msk $0xffff, v33  }
0x471: {  	s29 =	sadd.s32 $0xFFFFFFFA, s24;
	v56 =	vadd.s32 v4, v35;
	v33 =	vld [tilespmem:s23+$0x30]  }
0x472: {  	v57 =	vmov s29  }
0x473: {  	v35 =	vshrl.u32 v57, $0x3  }
0x474: {  	v35 =	vshll.u32 v35, v1  }
0x475: {  	v35 =	vbroadcast v35, $0x0  }
0x476: {  	[tilespmem:v56+s19+$0x0] =	vst.idx.msk $0xffff, v33  }
0x477: {  	v58 =	vadd.s32 v5, v35;
	v33 =	vld [tilespmem:s23+$0x40];
	_ =	sdelay $0x4  }
0x478: {  	[tilespmem:v58+s19+$0x0] =	vst.idx.msk $0xffff, v33  }
0x479: {  	v59 =	vadd.s32 v6, v35;
	v33 =	vld [tilespmem:s23+$0x50];
	_ =	sdelay $0x4  }
0x47a: {  	[tilespmem:v59+s19+$0x0] =	vst.idx.msk $0xffff, v33  }
0x47b: {  	v60 =	vadd.s32 v7, v35;
	v33 =	vld [tilespmem:s23+$0x60];
	_ =	sdelay $0x4  }
0x47c: {  	[tilespmem:v60+s19+$0x0] =	vst.idx.msk $0xffff, v33  }
0x47d: {  	s30 =	sadd.s32 $0xFFFFFFFB, s24;
	v61 =	vadd.s32 v8, v35;
	v33 =	vld [tilespmem:s23+$0x70]  }
0x47e: {  	v62 =	vmov s30  }
0x47f: {  	v35 =	vshrl.u32 v62, $0x3  }
0x480: {  	v35 =	vshll.u32 v35, v1  }
0x481: {  	v35 =	vbroadcast v35, $0x0  }
0x482: {  	[tilespmem:v61+s19+$0x0] =	vst.idx.msk $0xffff, v33  }
0x483: {  	v63 =	vadd.s32 v9, v35;
	v33 =	vld [tilespmem:s23+$0x80];
	_ =	sdelay $0x4  }
0x484: {  	[tilespmem:v63+s19+$0x0] =	vst.idx.msk $0xffff, v33  }
0x485: {  	v36 =	vadd.s32 v10, v35;
	v33 =	vld [tilespmem:s23+$0x90];
	_ =	sdelay $0x4  }
0x486: {  	[tilespmem:v36+s19+$0x0] =	vst.idx.msk $0xffff, v33  }
0x487: {  	v37 =	vadd.s32 v11, v35;
	v33 =	vld [tilespmem:s23+$0xA0];
	_ =	sdelay $0x4  }
0x488: {  	[tilespmem:v37+s19+$0x0] =	vst.idx.msk $0xffff, v33  }
0x489: {  	s31 =	sadd.s32 $0xFFFFFFFC, s24;
	v38 =	vadd.s32 v12, v35;
	v33 =	vld [tilespmem:s23+$0xB0]  }
0x48a: {  	v39 =	vmov s31  }
0x48b: {  	v35 =	vshrl.u32 v39, $0x3  }
0x48c: {  	v35 =	vshll.u32 v35, v1  }
0x48d: {  	v35 =	vbroadcast v35, $0x0  }
0x48e: {  	[tilespmem:v38+s19+$0x0] =	vst.idx.msk $0xffff, v33  }
0x48f: {  	v40 =	vadd.s32 v13, v35;
	v33 =	vld [tilespmem:s23+$0xC0];
	_ =	sdelay $0x4  }
0x490: {  	[tilespmem:v40+s19+$0x0] =	vst.idx.msk $0xffff, v33  }
0x491: {  	v41 =	vadd.s32 v14, v35;
	v33 =	vld [tilespmem:s23+$0xD0];
	_ =	sdelay $0x4  }
0x492: {  	[tilespmem:v41+s19+$0x0] =	vst.idx.msk $0xffff, v33  }
0x493: {  	v42 =	vadd.s32 v15, v35;
	v33 =	vld [tilespmem:s23+$0xE0];
	_ =	sdelay $0x4  }
0x494: {  	[tilespmem:v42+s19+$0x0] =	vst.idx.msk $0xffff, v33  }
0x495: {  	s26 =	sadd.s32 $0xFFFFFFFD, s24;
	v43 =	vadd.s32 v16, v35;
	v33 =	vld [tilespmem:s23+$0xF0]  }
0x496: {  	v44 =	vmov s26  }
0x497: {  	v35 =	vshrl.u32 v44, $0x3  }
0x498: {  	v35 =	vshll.u32 v35, v1  }
0x499: {  	v35 =	vbroadcast v35, $0x0  }
0x49a: {  	[tilespmem:v43+s19+$0x0] =	vst.idx.msk $0xffff, v33  }
0x49b: {  	v45 =	vadd.s32 v17, v35;
	v33 =	vld [tilespmem:s23+$0x100];
	_ =	sdelay $0x4  }
0x49c: {  	[tilespmem:v45+s19+$0x0] =	vst.idx.msk $0xffff, v33  }
0x49d: {  	v46 =	vadd.s32 v18, v35;
	v33 =	vld [tilespmem:s23+$0x110];
	_ =	sdelay $0x4  }
0x49e: {  	[tilespmem:v46+s19+$0x0] =	vst.idx.msk $0xffff, v33  }
0x49f: {  	v47 =	vadd.s32 v19, v35;
	v33 =	vld [tilespmem:s23+$0x120];
	_ =	sdelay $0x4  }
0x4a0: {  	[tilespmem:v47+s19+$0x0] =	vst.idx.msk $0xffff, v33  }
0x4a1: {  	s29 =	sadd.s32 $0xFFFFFFFE, s24;
	v48 =	vadd.s32 v20, v35;
	v33 =	vld [tilespmem:s23+$0x130]  }
0x4a2: {  	v49 =	vmov s29  }
0x4a3: {  	v35 =	vshrl.u32 v49, $0x3  }
0x4a4: {  	v35 =	vshll.u32 v35, v1  }
0x4a5: {  	v35 =	vbroadcast v35, $0x0  }
0x4a6: {  	[tilespmem:v48+s19+$0x0] =	vst.idx.msk $0xffff, v33  }
0x4a7: {  	v50 =	vadd.s32 v21, v35;
	v33 =	vld [tilespmem:s23+$0x140];
	_ =	sdelay $0x4  }
0x4a8: {  	[tilespmem:v50+s19+$0x0] =	vst.idx.msk $0xffff, v33  }
0x4a9: {  	v51 =	vadd.s32 v22, v35;
	v33 =	vld [tilespmem:s23+$0x150];
	_ =	sdelay $0x4  }
0x4aa: {  	[tilespmem:v51+s19+$0x0] =	vst.idx.msk $0xffff, v33  }
0x4ab: {  	v52 =	vadd.s32 v23, v35;
	v33 =	vld [tilespmem:s23+$0x160];
	_ =	sdelay $0x4  }
0x4ac: {  	[tilespmem:v52+s19+$0x0] =	vst.idx.msk $0xffff, v33  }
0x4ad: {  	s30 =	sadd.s32 $0xFFFFFFFF, s24;
	v53 =	vadd.s32 v24, v35;
	v33 =	vld [tilespmem:s23+$0x170]  }
0x4ae: {  	v54 =	vmov s30  }
0x4af: {  	v35 =	vshrl.u32 v54, $0x3  }
0x4b0: {  	v35 =	vshll.u32 v35, v1  }
0x4b1: {  	v35 =	vbroadcast v35, $0x0  }
0x4b2: {  	[tilespmem:v53+s19+$0x0] =	vst.idx.msk $0xffff, v33  }
0x4b3: {  	v55 =	vadd.s32 v25, v35;
	v33 =	vld [tilespmem:s23+$0x180];
	_ =	sdelay $0x4  }
0x4b4: {  	[tilespmem:v55+s19+$0x0] =	vst.idx.msk $0xffff, v33  }
0x4b5: {  	v56 =	vadd.s32 v26, v35;
	v33 =	vld [tilespmem:s23+$0x190];
	_ =	sdelay $0x4  }
0x4b6: {  	[tilespmem:v56+s19+$0x0] =	vst.idx.msk $0xffff, v33  }
0x4b7: {  	v57 =	vadd.s32 v27, v35;
	v33 =	vld [tilespmem:s23+$0x1A0];
	_ =	sdelay $0x4  }
0x4b8: {  	[tilespmem:v57+s19+$0x0] =	vst.idx.msk $0xffff, v33  }
0x4b9: {  	v58 =	vadd.s32 v28, v35;
	v33 =	vld [tilespmem:s23+$0x1B0]  }
0x4ba: {  	v59 =	vmov s24  }
0x4bb: {  	v35 =	vshrl.u32 v59, $0x3  }
0x4bc: {  	v35 =	vshll.u32 v35, v1  }
0x4bd: {  	v35 =	vbroadcast v35, $0x0  }
0x4be: {  	[tilespmem:v58+s19+$0x0] =	vst.idx.msk $0xffff, v33  }
0x4bf: {  	v60 =	vadd.s32 v29, v35;
	v33 =	vld [tilespmem:s23+$0x1C0];
	_ =	sdelay $0x4  }
0x4c0: {  	[tilespmem:v60+s19+$0x0] =	vst.idx.msk $0xffff, v33  }
0x4c1: {  	v61 =	vadd.s32 v30, v35;
	v33 =	vld [tilespmem:s23+$0x1D0];
	_ =	sdelay $0x4  }
0x4c2: {  	[tilespmem:v61+s19+$0x0] =	vst.idx.msk $0xffff, v33  }
0x4c3: {  	v62 =	vadd.s32 v31, v35;
	v33 =	vld [tilespmem:s23+$0x1E0];
	_ =	sdelay $0x4  }
0x4c4: {  	[tilespmem:v62+s19+$0x0] =	vst.idx.msk $0xffff, v33  }
0x4c5: {  	v63 =	vadd.s32 v32, v35;
	v33 =	vld [tilespmem:s23+$0x1F0];
	_ =	sdelay $0x4  }
0x4c6: {  	s31 =	simm.s32 $0xC600;
	[tilespmem:v63+s19+$0x0] =	vst.idx.msk $0xffff, v33  }
0x4c7: {  	[hbm4b:s8+s3] =	stream.linear.scatter [tilespmem:s31], [sflag:$0x4], $0x80, $0x38;
	[tilespmem:$0xE800] =	vst v63  }
0x4c8: {  	s25 =	sadd.s32 $0x10, s8;
	s24 =	simm.s32 $0xC688  }
0x4c9: {  	[hbm4b:s25+s3] =	stream.linear.scatter [tilespmem:s24], [sflag:$0x4], $0x80, $0x38;
	[tilespmem:$0xE800] =	vst v63  }
0x4ca: {  	s28 =	sadd.s32 $0x70, s8;
	s26 =	simm.s32 $0xC710;
	s29 =	sadd.s32 $0x20, s8  }
0x4cb: {  	[hbm4b:s29+s3] =	stream.linear.scatter [tilespmem:s26], [sflag:$0x4], $0x80, $0x38;
	[tilespmem:$0xE800] =	vst v63  }
0x4cc: {  	s30 =	simm.s32 $0xC798;
	s23 =	simm.s32 $0x440;
	s31 =	sadd.s32 $0x30, s8  }
0x4cd: {  	[hbm4b:s31+s3] =	stream.linear.scatter [tilespmem:s30], [sflag:$0x4], $0x80, $0x38;
	[tilespmem:$0xE800] =	vst v63  }
0x4ce: {  	s24 =	simm.s32 $0xC820;
	s25 =	sadd.s32 $0x40, s8;
	s26 =	simm.s32 $0xC8A8  }
0x4cf: {  	[hbm4b:s25+s3] =	stream.linear.scatter [tilespmem:s24], [sflag:$0x4], $0x80, $0x38;
	[tilespmem:$0xE800] =	vst v63  }
0x4d0: {  	s29 =	sadd.s32 $0x50, s8;
	s30 =	simm.s32 $0xC930;
	s31 =	sadd.s32 $0x60, s8  }
0x4d1: {  	[hbm4b:s29+s3] =	stream.linear.scatter [tilespmem:s26], [sflag:$0x4], $0x80, $0x38;
	[tilespmem:$0xE800] =	vst v63  }
0x4d2: {  	s25 =	simm.s32 $0x2200;
	s24 =	sadd.s32 $0x1000, s8;
	s26 =	simm.s32 $0xC9B8  }
0x4d3: {  	[hbm4b:s31+s3] =	stream.linear.scatter [tilespmem:s30], [sflag:$0x4], $0x80, $0x38;
	[tilespmem:$0xE800] =	vst v63  }
.LBB2_8:
0x4d4: {  	[hbm4b:s28+s3] =	stream.linear.scatter [tilespmem:s26], [sflag:$0x4], $0x80, $0x38;
	[tilespmem:$0xE800] =	vst v63  }
0x4d5: {  	s26 =	smov.u32 s23;
	s23 =	smov.u32 s25  }
0x4d6: {  	s29 =	sadd.s32 $0x1100, s25;
	s23 =	sshra.s32 s23, $0x2;
	s28 =	sadd.s32 $0xC600, s26  }
0x4d7: {  	[hbm4b:s24+s3] =	stream.linear.scatter [tilespmem:s28], [sflag:$0x4], $0x80, $0x38;
	[tilespmem:$0xE800] =	vst v63  }
0x4d8: {  	p0 =	sne.s32 s25, $0x7700;
	s25 =	sadd.s32 $0xC688, s26;
	s28 =	sadd.s32 $0x10, s24  }
0x4d9: {  	[hbm4b:s28+s3] =	stream.linear.scatter [tilespmem:s25], [sflag:$0x4], $0x80, $0x38;
	[tilespmem:$0xE800] =	vst v63  }
0x4da: {  	s25 =	sadd.s32 $0xC710, s26;
	s28 =	sadd.s32 $0x20, s24  }
0x4db: {  	[hbm4b:s28+s3] =	stream.linear.scatter [tilespmem:s25], [sflag:$0x4], $0x80, $0x38;
	[tilespmem:$0xE800] =	vst v63  }
0x4dc: {  	s25 =	sadd.s32 $0xC798, s26;
	s28 =	sadd.s32 $0x30, s24  }
0x4dd: {  	[hbm4b:s28+s3] =	stream.linear.scatter [tilespmem:s25], [sflag:$0x4], $0x80, $0x38;
	[tilespmem:$0xE800] =	vst v63  }
0x4de: {  	s25 =	sadd.s32 $0xC820, s26;
	s28 =	sadd.s32 $0x40, s24  }
0x4df: {  	[hbm4b:s28+s3] =	stream.linear.scatter [tilespmem:s25], [sflag:$0x4], $0x80, $0x38;
	[tilespmem:$0xE800] =	vst v63  }
.Ltmp3:
0x4e0: {  	s25 =	sadd.s32 $0xC8A8, s26;
	s28 =	sadd.s32 $0x50, s24;
	(pc) =	sbr.rel @p0 .LBB2_8-.Ltmp3, $4  }
0x4e1: {  	[hbm4b:s28+s3] =	stream.linear.scatter [tilespmem:s25], [sflag:$0x4], $0x80, $0x38;
	[tilespmem:$0xE800] =	vst v63  }
0x4e2: {  	s25 =	sadd.s32 $0xC930, s26;
	s28 =	sadd.s32 $0x60, s24;
	s26 =	sadd.s32 $0xC9B8, s26  }
0x4e3: {  	[hbm4b:s28+s3] =	stream.linear.scatter [tilespmem:s25], [sflag:$0x4], $0x80, $0x38;
	[tilespmem:$0xE800] =	vst v63  }
0x4e4: {  	s28 =	sadd.s32 $0x70, s24;
	s24 =	sadd.s32 $0x1000, s24;
	s25 =	smov.u32 s29  }
0x4e5: {  	[hbm4b:s28+s3] =	stream.linear.scatter [tilespmem:s26], [sflag:$0x4], $0x80, $0x38;
	[tilespmem:$0xE800] =	vst v63  }
0x4e6: {  	s25 =	sadd.s32 $0xC600, s23  }
0x4e7: {  	[hbm4b:s24+s3] =	stream.linear.scatter [tilespmem:s25], [sflag:$0x4], $0x80, $0x38;
	[tilespmem:$0xE800] =	vst v63  }
0x4e8: {  	s30 =	sadd.s32 $0xC688, s23;
	s31 =	sadd.s32 $0x10, s24  }
0x4e9: {  	[hbm4b:s31+s3] =	stream.linear.scatter [tilespmem:s30], [sflag:$0x4], $0x80, $0x38;
	[tilespmem:$0xE800] =	vst v63  }
0x4ea: {  	s28 =	sadd.s32 $0xC710, s23;
	s29 =	sadd.s32 $0x20, s24  }
0x4eb: {  	[hbm4b:s29+s3] =	stream.linear.scatter [tilespmem:s28], [sflag:$0x4], $0x80, $0x38;
	[tilespmem:$0xE800] =	vst v63  }
0x4ec: {  	s30 =	sadd.s32 $0xC798, s23;
	s31 =	sadd.s32 $0x30, s24  }
0x4ed: {  	[hbm4b:s31+s3] =	stream.linear.scatter [tilespmem:s30], [sflag:$0x4], $0x80, $0x38;
	[tilespmem:$0xE800] =	vst v63  }
0x4ee: {  	s28 =	sadd.s32 $0xC820, s23;
	s29 =	sadd.s32 $0x40, s24  }
0x4ef: {  	[hbm4b:s29+s3] =	stream.linear.scatter [tilespmem:s28], [sflag:$0x4], $0x80, $0x38;
	[tilespmem:$0xE800] =	vst v63  }
0x4f0: {  	s30 =	sadd.s32 $0xC8A8, s23;
	s31 =	sadd.s32 $0x50, s24  }
0x4f1: {  	[hbm4b:s31+s3] =	stream.linear.scatter [tilespmem:s30], [sflag:$0x4], $0x80, $0x38;
	[tilespmem:$0xE800] =	vst v63  }
0x4f2: {  	s28 =	sadd.s32 $0xC930, s23;
	s29 =	sadd.s32 $0x60, s24  }
0x4f3: {  	[hbm4b:s29+s3] =	stream.linear.scatter [tilespmem:s28], [sflag:$0x4], $0x80, $0x38;
	[tilespmem:$0xE800] =	vst v63  }
0x4f4: {  	s30 =	sadd.s32 $0xC9B8, s23;
	s31 =	sadd.s32 $0x70, s24;
	s23 =	simm.s32 $0x1  }
0x4f5: {  	[hbm4b:s31+s3] =	stream.linear.scatter [tilespmem:s30], [sflag:$0x4], $0x80, $0x38;
	[tilespmem:$0xE800] =	vst v63  }
.LBB2_10:
0x4f6: {  	_ =	swait.ge [sflag:s14], $0x2000;
	s24 =	sshllo.u32 s23, $0x1  }
0x4f7: {  	s26 =	simm.s32 $0x0;
	[sflag:s14] =	ssyncset.done $0x0;
	s25 =	sshll.u32 s24, $0x7  }
0x4f8: {  	v33 =	vmov s26;
	[sflag:s14] =	ssyncadd.s32 $0xFFFFE000;
	s25 =	sand.u32 $0x3FFFFF80, s25  }
0x4f9: {  	v33 =	vshrl.u32 v33, $0x3;
	[tilespmem:s15], [sflag:$0x2] =	stream.indirect.gather [hbm4b:s4+s10], $0x40, s25, s10, $0xb8;
	[tilespmem:$0xE800] =	vst v63  }
0x4fa: {  	v33 =	vshll.u32 v33, v1;
	_ =	swait.ge [sflag:s20], $0x2000  }
0x4fb: {  	v33 =	vbroadcast v33, $0x0;
	[sflag:s20] =	ssyncset.done $0x0  }
0x4fc: {  	s25 =	simm.s32 $0x6600;
	[sflag:s20] =	ssyncadd.s32 $0xFFFFE000  }
0x4fd: {  	v35 =	vadd.s32 v0, v33;
	v34 =	vld [tilespmem:s25+$0xFFFFFE00];
	_ =	sdelay $0x4  }
0x4fe: {  	[tilespmem:v35+s16+$0x0] =	vst.idx.msk $0xffff, v34  }
0x4ff: {  	v44 =	vadd.s32 v2, v33;
	v34 =	vld [tilespmem:s25+$0xFFFFFE10];
	_ =	sdelay $0x4  }
0x500: {  	[tilespmem:v44+s16+$0x0] =	vst.idx.msk $0xffff, v34  }
0x501: {  	v45 =	vadd.s32 v3, v33;
	v34 =	vld [tilespmem:s25+$0xFFFFFE20];
	_ =	sdelay $0x4  }
0x502: {  	[tilespmem:v45+s16+$0x0] =	vst.idx.msk $0xffff, v34  }
0x503: {  	s31 =	simm.s32 $0x1;
	v33 =	vadd.s32 v4, v33;
	v34 =	vld [tilespmem:s25+$0xFFFFFE30]  }
0x504: {  	v46 =	vmov s31  }
0x505: {  	v35 =	vshrl.u32 v46, $0x3  }
0x506: {  	v35 =	vshll.u32 v35, v1  }
0x507: {  	v35 =	vbroadcast v35, $0x0  }
0x508: {  	[tilespmem:v33+s16+$0x0] =	vst.idx.msk $0xffff, v34  }
0x509: {  	v47 =	vadd.s32 v5, v35;
	v33 =	vld [tilespmem:s25+$0xFFFFFE40];
	_ =	sdelay $0x4  }
0x50a: {  	[tilespmem:v47+s16+$0x0] =	vst.idx.msk $0xffff, v33  }
0x50b: {  	v48 =	vadd.s32 v6, v35;
	v33 =	vld [tilespmem:s25+$0xFFFFFE50];
	_ =	sdelay $0x4  }
0x50c: {  	[tilespmem:v48+s16+$0x0] =	vst.idx.msk $0xffff, v33  }
0x50d: {  	v49 =	vadd.s32 v7, v35;
	v33 =	vld [tilespmem:s25+$0xFFFFFE60];
	_ =	sdelay $0x4  }
0x50e: {  	[tilespmem:v49+s16+$0x0] =	vst.idx.msk $0xffff, v33  }
0x50f: {  	s30 =	simm.s32 $0x2;
	v50 =	vadd.s32 v8, v35;
	v33 =	vld [tilespmem:s25+$0xFFFFFE70]  }
0x510: {  	v51 =	vmov s30  }
0x511: {  	v35 =	vshrl.u32 v51, $0x3  }
0x512: {  	v35 =	vshll.u32 v35, v1  }
0x513: {  	v35 =	vbroadcast v35, $0x0  }
0x514: {  	[tilespmem:v50+s16+$0x0] =	vst.idx.msk $0xffff, v33  }
0x515: {  	v52 =	vadd.s32 v9, v35;
	v33 =	vld [tilespmem:s25+$0xFFFFFE80];
	_ =	sdelay $0x4  }
0x516: {  	[tilespmem:v52+s16+$0x0] =	vst.idx.msk $0xffff, v33  }
0x517: {  	v53 =	vadd.s32 v10, v35;
	v33 =	vld [tilespmem:s25+$0xFFFFFE90];
	_ =	sdelay $0x4  }
0x518: {  	[tilespmem:v53+s16+$0x0] =	vst.idx.msk $0xffff, v33  }
0x519: {  	v54 =	vadd.s32 v11, v35;
	v33 =	vld [tilespmem:s25+$0xFFFFFEA0];
	_ =	sdelay $0x4  }
0x51a: {  	[tilespmem:v54+s16+$0x0] =	vst.idx.msk $0xffff, v33  }
0x51b: {  	s31 =	simm.s32 $0x3;
	v55 =	vadd.s32 v12, v35;
	v33 =	vld [tilespmem:s25+$0xFFFFFEB0]  }
0x51c: {  	v56 =	vmov s31  }
0x51d: {  	v35 =	vshrl.u32 v56, $0x3  }
0x51e: {  	v35 =	vshll.u32 v35, v1  }
0x51f: {  	v35 =	vbroadcast v35, $0x0  }
0x520: {  	[tilespmem:v55+s16+$0x0] =	vst.idx.msk $0xffff, v33  }
0x521: {  	v57 =	vadd.s32 v13, v35;
	v33 =	vld [tilespmem:s25+$0xFFFFFEC0];
	_ =	sdelay $0x4  }
0x522: {  	[tilespmem:v57+s16+$0x0] =	vst.idx.msk $0xffff, v33  }
0x523: {  	v58 =	vadd.s32 v14, v35;
	v33 =	vld [tilespmem:s25+$0xFFFFFED0];
	_ =	sdelay $0x4  }
0x524: {  	[tilespmem:v58+s16+$0x0] =	vst.idx.msk $0xffff, v33  }
0x525: {  	v59 =	vadd.s32 v15, v35;
	v33 =	vld [tilespmem:s25+$0xFFFFFEE0];
	_ =	sdelay $0x4  }
0x526: {  	[tilespmem:v59+s16+$0x0] =	vst.idx.msk $0xffff, v33  }
0x527: {  	s30 =	simm.s32 $0x4;
	v60 =	vadd.s32 v16, v35;
	v33 =	vld [tilespmem:s25+$0xFFFFFEF0]  }
0x528: {  	v61 =	vmov s30  }
0x529: {  	v35 =	vshrl.u32 v61, $0x3  }
0x52a: {  	v35 =	vshll.u32 v35, v1  }
0x52b: {  	v35 =	vbroadcast v35, $0x0  }
0x52c: {  	[tilespmem:v60+s16+$0x0] =	vst.idx.msk $0xffff, v33  }
0x52d: {  	v62 =	vadd.s32 v17, v35;
	v33 =	vld [tilespmem:s25+$0xFFFFFF00];
	_ =	sdelay $0x4  }
0x52e: {  	[tilespmem:v62+s16+$0x0] =	vst.idx.msk $0xffff, v33  }
0x52f: {  	v63 =	vadd.s32 v18, v35;
	v33 =	vld [tilespmem:s25+$0xFFFFFF10];
	_ =	sdelay $0x4  }
0x530: {  	[tilespmem:v63+s16+$0x0] =	vst.idx.msk $0xffff, v33  }
0x531: {  	v36 =	vadd.s32 v19, v35;
	v33 =	vld [tilespmem:s25+$0xFFFFFF20];
	_ =	sdelay $0x4  }
0x532: {  	[tilespmem:v36+s16+$0x0] =	vst.idx.msk $0xffff, v33  }
0x533: {  	s31 =	simm.s32 $0x5;
	v37 =	vadd.s32 v20, v35;
	v33 =	vld [tilespmem:s25+$0xFFFFFF30]  }
0x534: {  	v38 =	vmov s31  }
0x535: {  	v35 =	vshrl.u32 v38, $0x3  }
0x536: {  	v35 =	vshll.u32 v35, v1  }
0x537: {  	v35 =	vbroadcast v35, $0x0  }
0x538: {  	[tilespmem:v37+s16+$0x0] =	vst.idx.msk $0xffff, v33  }
0x539: {  	v39 =	vadd.s32 v21, v35;
	v33 =	vld [tilespmem:s25+$0xFFFFFF40];
	_ =	sdelay $0x4  }
0x53a: {  	[tilespmem:v39+s16+$0x0] =	vst.idx.msk $0xffff, v33  }
0x53b: {  	v40 =	vadd.s32 v22, v35;
	v33 =	vld [tilespmem:s25+$0xFFFFFF50];
	_ =	sdelay $0x4  }
0x53c: {  	[tilespmem:v40+s16+$0x0] =	vst.idx.msk $0xffff, v33  }
0x53d: {  	v41 =	vadd.s32 v23, v35;
	v33 =	vld [tilespmem:s25+$0xFFFFFF60];
	_ =	sdelay $0x4  }
0x53e: {  	[tilespmem:v41+s16+$0x0] =	vst.idx.msk $0xffff, v33  }
0x53f: {  	s30 =	simm.s32 $0x6;
	v42 =	vadd.s32 v24, v35;
	v33 =	vld [tilespmem:s25+$0xFFFFFF70]  }
0x540: {  	v43 =	vmov s30  }
0x541: {  	v35 =	vshrl.u32 v43, $0x3  }
0x542: {  	v35 =	vshll.u32 v35, v1  }
0x543: {  	v35 =	vbroadcast v35, $0x0  }
0x544: {  	[tilespmem:v42+s16+$0x0] =	vst.idx.msk $0xffff, v33  }
0x545: {  	v44 =	vadd.s32 v25, v35;
	v33 =	vld [tilespmem:s25+$0xFFFFFF80];
	_ =	sdelay $0x4  }
0x546: {  	[tilespmem:v44+s16+$0x0] =	vst.idx.msk $0xffff, v33  }
0x547: {  	v45 =	vadd.s32 v26, v35;
	v33 =	vld [tilespmem:s25+$0xFFFFFF90];
	_ =	sdelay $0x4  }
0x548: {  	[tilespmem:v45+s16+$0x0] =	vst.idx.msk $0xffff, v33  }
0x549: {  	v46 =	vadd.s32 v27, v35;
	v33 =	vld [tilespmem:s25+$0xFFFFFFA0];
	_ =	sdelay $0x4  }
0x54a: {  	[tilespmem:v46+s16+$0x0] =	vst.idx.msk $0xffff, v33  }
0x54b: {  	s31 =	simm.s32 $0x7;
	v47 =	vadd.s32 v28, v35;
	v33 =	vld [tilespmem:s25+$0xFFFFFFB0]  }
0x54c: {  	v48 =	vmov s31  }
0x54d: {  	v35 =	vshrl.u32 v48, $0x3  }
0x54e: {  	v35 =	vshll.u32 v35, v1  }
0x54f: {  	v35 =	vbroadcast v35, $0x0  }
0x550: {  	[tilespmem:v47+s16+$0x0] =	vst.idx.msk $0xffff, v33  }
0x551: {  	v49 =	vadd.s32 v29, v35;
	v33 =	vld [tilespmem:s25+$0xFFFFFFC0];
	_ =	sdelay $0x4  }
0x552: {  	[tilespmem:v49+s16+$0x0] =	vst.idx.msk $0xffff, v33  }
0x553: {  	v50 =	vadd.s32 v30, v35;
	v33 =	vld [tilespmem:s25+$0xFFFFFFD0];
	_ =	sdelay $0x4  }
0x554: {  	[tilespmem:v50+s16+$0x0] =	vst.idx.msk $0xffff, v33  }
0x555: {  	v51 =	vadd.s32 v31, v35;
	v33 =	vld [tilespmem:s25+$0xFFFFFFE0];
	_ =	sdelay $0x4  }
0x556: {  	[tilespmem:v51+s16+$0x0] =	vst.idx.msk $0xffff, v33  }
0x557: {  	s30 =	simm.s32 $0x8;
	v52 =	vadd.s32 v32, v35;
	v33 =	vld [tilespmem:s25+$0xFFFFFFF0]  }
0x558: {  	v53 =	vmov s30  }
0x559: {  	v35 =	vshrl.u32 v53, $0x3  }
0x55a: {  	v35 =	vshll.u32 v35, v1  }
0x55b: {  	v35 =	vbroadcast v35, $0x0  }
0x55c: {  	[tilespmem:v52+s16+$0x0] =	vst.idx.msk $0xffff, v33  }
0x55d: {  	v54 =	vadd.s32 v0, v35;
	v33 =	vld [tilespmem:s25+$0x0];
	_ =	sdelay $0x4  }
0x55e: {  	[tilespmem:v54+s16+$0x0] =	vst.idx.msk $0xffff, v33  }
0x55f: {  	v55 =	vadd.s32 v2, v35;
	v33 =	vld [tilespmem:s25+$0x10];
	_ =	sdelay $0x4  }
0x560: {  	[tilespmem:v55+s16+$0x0] =	vst.idx.msk $0xffff, v33  }
0x561: {  	v56 =	vadd.s32 v3, v35;
	v33 =	vld [tilespmem:s25+$0x20];
	_ =	sdelay $0x4  }
0x562: {  	[tilespmem:v56+s16+$0x0] =	vst.idx.msk $0xffff, v33  }
0x563: {  	s31 =	simm.s32 $0x9;
	v57 =	vadd.s32 v4, v35;
	v33 =	vld [tilespmem:s25+$0x30]  }
0x564: {  	v58 =	vmov s31  }
0x565: {  	v35 =	vshrl.u32 v58, $0x3  }
0x566: {  	v35 =	vshll.u32 v35, v1  }
0x567: {  	v35 =	vbroadcast v35, $0x0  }
0x568: {  	[tilespmem:v57+s16+$0x0] =	vst.idx.msk $0xffff, v33  }
0x569: {  	v59 =	vadd.s32 v5, v35;
	v33 =	vld [tilespmem:s25+$0x40];
	_ =	sdelay $0x4  }
0x56a: {  	[tilespmem:v59+s16+$0x0] =	vst.idx.msk $0xffff, v33  }
0x56b: {  	v60 =	vadd.s32 v6, v35;
	v33 =	vld [tilespmem:s25+$0x50];
	_ =	sdelay $0x4  }
0x56c: {  	[tilespmem:v60+s16+$0x0] =	vst.idx.msk $0xffff, v33  }
0x56d: {  	v61 =	vadd.s32 v7, v35;
	v33 =	vld [tilespmem:s25+$0x60];
	_ =	sdelay $0x4  }
0x56e: {  	[tilespmem:v61+s16+$0x0] =	vst.idx.msk $0xffff, v33  }
0x56f: {  	s30 =	simm.s32 $0xA;
	v62 =	vadd.s32 v8, v35;
	v33 =	vld [tilespmem:s25+$0x70]  }
0x570: {  	v63 =	vmov s30  }
0x571: {  	v35 =	vshrl.u32 v63, $0x3  }
0x572: {  	v35 =	vshll.u32 v35, v1  }
0x573: {  	v35 =	vbroadcast v35, $0x0  }
0x574: {  	[tilespmem:v62+s16+$0x0] =	vst.idx.msk $0xffff, v33  }
0x575: {  	v36 =	vadd.s32 v9, v35;
	v33 =	vld [tilespmem:s25+$0x80];
	_ =	sdelay $0x4  }
0x576: {  	[tilespmem:v36+s16+$0x0] =	vst.idx.msk $0xffff, v33  }
0x577: {  	v37 =	vadd.s32 v10, v35;
	v33 =	vld [tilespmem:s25+$0x90];
	_ =	sdelay $0x4  }
0x578: {  	[tilespmem:v37+s16+$0x0] =	vst.idx.msk $0xffff, v33  }
0x579: {  	v38 =	vadd.s32 v11, v35;
	v33 =	vld [tilespmem:s25+$0xA0];
	_ =	sdelay $0x4  }
0x57a: {  	[tilespmem:v38+s16+$0x0] =	vst.idx.msk $0xffff, v33  }
0x57b: {  	s31 =	simm.s32 $0xB;
	v39 =	vadd.s32 v12, v35;
	v33 =	vld [tilespmem:s25+$0xB0]  }
0x57c: {  	v40 =	vmov s31  }
0x57d: {  	v35 =	vshrl.u32 v40, $0x3  }
0x57e: {  	v35 =	vshll.u32 v35, v1  }
0x57f: {  	v35 =	vbroadcast v35, $0x0  }
0x580: {  	[tilespmem:v39+s16+$0x0] =	vst.idx.msk $0xffff, v33  }
0x581: {  	v41 =	vadd.s32 v13, v35;
	v33 =	vld [tilespmem:s25+$0xC0];
	_ =	sdelay $0x4  }
0x582: {  	[tilespmem:v41+s16+$0x0] =	vst.idx.msk $0xffff, v33  }
0x583: {  	v42 =	vadd.s32 v14, v35;
	v33 =	vld [tilespmem:s25+$0xD0];
	_ =	sdelay $0x4  }
0x584: {  	[tilespmem:v42+s16+$0x0] =	vst.idx.msk $0xffff, v33  }
0x585: {  	v43 =	vadd.s32 v15, v35;
	v33 =	vld [tilespmem:s25+$0xE0];
	_ =	sdelay $0x4  }
0x586: {  	[tilespmem:v43+s16+$0x0] =	vst.idx.msk $0xffff, v33  }
0x587: {  	s30 =	simm.s32 $0xC;
	v44 =	vadd.s32 v16, v35;
	v33 =	vld [tilespmem:s25+$0xF0]  }
0x588: {  	v45 =	vmov s30  }
0x589: {  	v35 =	vshrl.u32 v45, $0x3  }
0x58a: {  	v35 =	vshll.u32 v35, v1  }
0x58b: {  	v35 =	vbroadcast v35, $0x0  }
0x58c: {  	[tilespmem:v44+s16+$0x0] =	vst.idx.msk $0xffff, v33  }
0x58d: {  	v46 =	vadd.s32 v17, v35;
	v33 =	vld [tilespmem:s25+$0x100];
	_ =	sdelay $0x4  }
0x58e: {  	[tilespmem:v46+s16+$0x0] =	vst.idx.msk $0xffff, v33  }
0x58f: {  	v47 =	vadd.s32 v18, v35;
	v33 =	vld [tilespmem:s25+$0x110];
	_ =	sdelay $0x4  }
0x590: {  	[tilespmem:v47+s16+$0x0] =	vst.idx.msk $0xffff, v33  }
0x591: {  	v48 =	vadd.s32 v19, v35;
	v33 =	vld [tilespmem:s25+$0x120];
	_ =	sdelay $0x4  }
0x592: {  	[tilespmem:v48+s16+$0x0] =	vst.idx.msk $0xffff, v33  }
0x593: {  	s31 =	simm.s32 $0xD;
	v49 =	vadd.s32 v20, v35;
	v33 =	vld [tilespmem:s25+$0x130]  }
0x594: {  	v50 =	vmov s31  }
0x595: {  	v35 =	vshrl.u32 v50, $0x3  }
0x596: {  	v35 =	vshll.u32 v35, v1  }
0x597: {  	v35 =	vbroadcast v35, $0x0  }
0x598: {  	[tilespmem:v49+s16+$0x0] =	vst.idx.msk $0xffff, v33  }
0x599: {  	v51 =	vadd.s32 v21, v35;
	v33 =	vld [tilespmem:s25+$0x140];
	_ =	sdelay $0x4  }
0x59a: {  	[tilespmem:v51+s16+$0x0] =	vst.idx.msk $0xffff, v33  }
0x59b: {  	v52 =	vadd.s32 v22, v35;
	v33 =	vld [tilespmem:s25+$0x150];
	_ =	sdelay $0x4  }
0x59c: {  	[tilespmem:v52+s16+$0x0] =	vst.idx.msk $0xffff, v33  }
0x59d: {  	v53 =	vadd.s32 v23, v35;
	v33 =	vld [tilespmem:s25+$0x160];
	_ =	sdelay $0x4  }
0x59e: {  	[tilespmem:v53+s16+$0x0] =	vst.idx.msk $0xffff, v33  }
0x59f: {  	s30 =	simm.s32 $0xE;
	v54 =	vadd.s32 v24, v35;
	v33 =	vld [tilespmem:s25+$0x170]  }
0x5a0: {  	v55 =	vmov s30  }
0x5a1: {  	v35 =	vshrl.u32 v55, $0x3  }
0x5a2: {  	v35 =	vshll.u32 v35, v1  }
0x5a3: {  	v35 =	vbroadcast v35, $0x0  }
0x5a4: {  	[tilespmem:v54+s16+$0x0] =	vst.idx.msk $0xffff, v33  }
0x5a5: {  	v56 =	vadd.s32 v25, v35;
	v33 =	vld [tilespmem:s25+$0x180];
	_ =	sdelay $0x4  }
0x5a6: {  	[tilespmem:v56+s16+$0x0] =	vst.idx.msk $0xffff, v33  }
0x5a7: {  	v57 =	vadd.s32 v26, v35;
	v33 =	vld [tilespmem:s25+$0x190];
	_ =	sdelay $0x4  }
0x5a8: {  	[tilespmem:v57+s16+$0x0] =	vst.idx.msk $0xffff, v33  }
0x5a9: {  	v58 =	vadd.s32 v27, v35;
	v33 =	vld [tilespmem:s25+$0x1A0];
	_ =	sdelay $0x4  }
0x5aa: {  	[tilespmem:v58+s16+$0x0] =	vst.idx.msk $0xffff, v33  }
0x5ab: {  	s31 =	simm.s32 $0xF;
	v59 =	vadd.s32 v28, v35;
	v33 =	vld [tilespmem:s25+$0x1B0]  }
0x5ac: {  	v60 =	vmov s31  }
0x5ad: {  	v35 =	vshrl.u32 v60, $0x3  }
0x5ae: {  	v35 =	vshll.u32 v35, v1  }
0x5af: {  	v35 =	vbroadcast v35, $0x0  }
0x5b0: {  	[tilespmem:v59+s16+$0x0] =	vst.idx.msk $0xffff, v33  }
0x5b1: {  	v61 =	vadd.s32 v29, v35;
	v33 =	vld [tilespmem:s25+$0x1C0];
	_ =	sdelay $0x4  }
0x5b2: {  	[tilespmem:v61+s16+$0x0] =	vst.idx.msk $0xffff, v33  }
0x5b3: {  	v62 =	vadd.s32 v30, v35;
	v33 =	vld [tilespmem:s25+$0x1D0];
	_ =	sdelay $0x4  }
0x5b4: {  	[tilespmem:v62+s16+$0x0] =	vst.idx.msk $0xffff, v33  }
0x5b5: {  	v63 =	vadd.s32 v31, v35;
	v33 =	vld [tilespmem:s25+$0x1E0];
	_ =	sdelay $0x4  }
0x5b6: {  	[tilespmem:v63+s16+$0x0] =	vst.idx.msk $0xffff, v33  }
0x5b7: {  	s29 =	simm.s32 $0x10;
	s28 =	simm.s32 $0x2F;
	s26 =	simm.s32 $0x1F;
	v34 =	vadd.s32 v32, v35;
	v33 =	vld [tilespmem:s25+$0x1F0]  }
.LBB2_11:
0x5b8: {  	p0 =	sne.s32 s28, $0x7F;
	v35 =	vmov s29  }
0x5b9: {  	v35 =	vshrl.u32 v35, $0x3  }
0x5ba: {  	v35 =	vshll.u32 v35, v1  }
0x5bb: {  	v35 =	vbroadcast v35, $0x0  }
0x5bc: {  	s25 =	sadd.s32 $0x400, s25;
	[tilespmem:v34+s16+$0x0] =	vst.idx.msk $0xffff, v33  }
0x5bd: {  	v33 =	vld [tilespmem:s25+$0xFFFFFE00];
	v34 =	vadd.s32 v0, v35;
	_ =	sdelay $0x4  }
0x5be: {  	[tilespmem:v34+s16+$0x0] =	vst.idx.msk $0xffff, v33  }
0x5bf: {  	v34 =	vadd.s32 v2, v35;
	v33 =	vld [tilespmem:s25+$0xFFFFFE10];
	_ =	sdelay $0x4  }
0x5c0: {  	[tilespmem:v34+s16+$0x0] =	vst.idx.msk $0xffff, v33  }
0x5c1: {  	v34 =	vadd.s32 v3, v35;
	v33 =	vld [tilespmem:s25+$0xFFFFFE20];
	_ =	sdelay $0x4  }
0x5c2: {  	[tilespmem:v34+s16+$0x0] =	vst.idx.msk $0xffff, v33  }
0x5c3: {  	s29 =	sadd.s32 $0xFFFFFFF2, s26;
	v34 =	vadd.s32 v4, v35;
	v33 =	vld [tilespmem:s25+$0xFFFFFE30]  }
0x5c4: {  	v35 =	vmov s29  }
0x5c5: {  	v35 =	vshrl.u32 v35, $0x3  }
0x5c6: {  	v35 =	vshll.u32 v35, v1  }
0x5c7: {  	v35 =	vbroadcast v35, $0x0  }
0x5c8: {  	[tilespmem:v34+s16+$0x0] =	vst.idx.msk $0xffff, v33  }
0x5c9: {  	v34 =	vadd.s32 v5, v35;
	v33 =	vld [tilespmem:s25+$0xFFFFFE40];
	_ =	sdelay $0x4  }
0x5ca: {  	[tilespmem:v34+s16+$0x0] =	vst.idx.msk $0xffff, v33  }
0x5cb: {  	v34 =	vadd.s32 v6, v35;
	v33 =	vld [tilespmem:s25+$0xFFFFFE50];
	_ =	sdelay $0x4  }
0x5cc: {  	[tilespmem:v34+s16+$0x0] =	vst.idx.msk $0xffff, v33  }
0x5cd: {  	v34 =	vadd.s32 v7, v35;
	v33 =	vld [tilespmem:s25+$0xFFFFFE60];
	_ =	sdelay $0x4  }
0x5ce: {  	[tilespmem:v34+s16+$0x0] =	vst.idx.msk $0xffff, v33  }
0x5cf: {  	s29 =	sadd.s32 $0xFFFFFFF3, s26;
	v34 =	vadd.s32 v8, v35;
	v33 =	vld [tilespmem:s25+$0xFFFFFE70]  }
0x5d0: {  	v35 =	vmov s29  }
0x5d1: {  	v35 =	vshrl.u32 v35, $0x3  }
0x5d2: {  	v35 =	vshll.u32 v35, v1  }
0x5d3: {  	v35 =	vbroadcast v35, $0x0  }
0x5d4: {  	[tilespmem:v34+s16+$0x0] =	vst.idx.msk $0xffff, v33  }
0x5d5: {  	v34 =	vadd.s32 v9, v35;
	v33 =	vld [tilespmem:s25+$0xFFFFFE80];
	_ =	sdelay $0x4  }
0x5d6: {  	[tilespmem:v34+s16+$0x0] =	vst.idx.msk $0xffff, v33  }
0x5d7: {  	v34 =	vadd.s32 v10, v35;
	v33 =	vld [tilespmem:s25+$0xFFFFFE90];
	_ =	sdelay $0x4  }
0x5d8: {  	[tilespmem:v34+s16+$0x0] =	vst.idx.msk $0xffff, v33  }
0x5d9: {  	v34 =	vadd.s32 v11, v35;
	v33 =	vld [tilespmem:s25+$0xFFFFFEA0];
	_ =	sdelay $0x4  }
0x5da: {  	[tilespmem:v34+s16+$0x0] =	vst.idx.msk $0xffff, v33  }
0x5db: {  	s29 =	sadd.s32 $0xFFFFFFF4, s26;
	v34 =	vadd.s32 v12, v35;
	v33 =	vld [tilespmem:s25+$0xFFFFFEB0]  }
0x5dc: {  	v35 =	vmov s29  }
0x5dd: {  	v35 =	vshrl.u32 v35, $0x3  }
0x5de: {  	v35 =	vshll.u32 v35, v1  }
0x5df: {  	v35 =	vbroadcast v35, $0x0  }
0x5e0: {  	[tilespmem:v34+s16+$0x0] =	vst.idx.msk $0xffff, v33  }
0x5e1: {  	v34 =	vadd.s32 v13, v35;
	v33 =	vld [tilespmem:s25+$0xFFFFFEC0];
	_ =	sdelay $0x4  }
0x5e2: {  	[tilespmem:v34+s16+$0x0] =	vst.idx.msk $0xffff, v33  }
0x5e3: {  	v34 =	vadd.s32 v14, v35;
	v33 =	vld [tilespmem:s25+$0xFFFFFED0];
	_ =	sdelay $0x4  }
0x5e4: {  	[tilespmem:v34+s16+$0x0] =	vst.idx.msk $0xffff, v33  }
0x5e5: {  	v34 =	vadd.s32 v15, v35;
	v33 =	vld [tilespmem:s25+$0xFFFFFEE0];
	_ =	sdelay $0x4  }
0x5e6: {  	[tilespmem:v34+s16+$0x0] =	vst.idx.msk $0xffff, v33  }
0x5e7: {  	s29 =	sadd.s32 $0xFFFFFFF5, s26;
	v34 =	vadd.s32 v16, v35;
	v33 =	vld [tilespmem:s25+$0xFFFFFEF0]  }
0x5e8: {  	v35 =	vmov s29  }
0x5e9: {  	v35 =	vshrl.u32 v35, $0x3  }
0x5ea: {  	v35 =	vshll.u32 v35, v1  }
0x5eb: {  	v35 =	vbroadcast v35, $0x0  }
0x5ec: {  	[tilespmem:v34+s16+$0x0] =	vst.idx.msk $0xffff, v33  }
0x5ed: {  	v34 =	vadd.s32 v17, v35;
	v33 =	vld [tilespmem:s25+$0xFFFFFF00];
	_ =	sdelay $0x4  }
0x5ee: {  	[tilespmem:v34+s16+$0x0] =	vst.idx.msk $0xffff, v33  }
0x5ef: {  	v34 =	vadd.s32 v18, v35;
	v33 =	vld [tilespmem:s25+$0xFFFFFF10];
	_ =	sdelay $0x4  }
0x5f0: {  	[tilespmem:v34+s16+$0x0] =	vst.idx.msk $0xffff, v33  }
0x5f1: {  	v34 =	vadd.s32 v19, v35;
	v33 =	vld [tilespmem:s25+$0xFFFFFF20];
	_ =	sdelay $0x4  }
0x5f2: {  	[tilespmem:v34+s16+$0x0] =	vst.idx.msk $0xffff, v33  }
0x5f3: {  	s29 =	sadd.s32 $0xFFFFFFF6, s26;
	v34 =	vadd.s32 v20, v35;
	v33 =	vld [tilespmem:s25+$0xFFFFFF30]  }
0x5f4: {  	v35 =	vmov s29  }
0x5f5: {  	v35 =	vshrl.u32 v35, $0x3  }
0x5f6: {  	v35 =	vshll.u32 v35, v1  }
0x5f7: {  	v35 =	vbroadcast v35, $0x0  }
0x5f8: {  	[tilespmem:v34+s16+$0x0] =	vst.idx.msk $0xffff, v33  }
0x5f9: {  	v34 =	vadd.s32 v21, v35;
	v33 =	vld [tilespmem:s25+$0xFFFFFF40];
	_ =	sdelay $0x4  }
0x5fa: {  	[tilespmem:v34+s16+$0x0] =	vst.idx.msk $0xffff, v33  }
0x5fb: {  	v34 =	vadd.s32 v22, v35;
	v33 =	vld [tilespmem:s25+$0xFFFFFF50];
	_ =	sdelay $0x4  }
0x5fc: {  	[tilespmem:v34+s16+$0x0] =	vst.idx.msk $0xffff, v33  }
0x5fd: {  	v34 =	vadd.s32 v23, v35;
	v33 =	vld [tilespmem:s25+$0xFFFFFF60];
	_ =	sdelay $0x4  }
0x5fe: {  	[tilespmem:v34+s16+$0x0] =	vst.idx.msk $0xffff, v33  }
0x5ff: {  	s29 =	sadd.s32 $0xFFFFFFF7, s26;
	v34 =	vadd.s32 v24, v35;
	v33 =	vld [tilespmem:s25+$0xFFFFFF70]  }
0x600: {  	v35 =	vmov s29  }
0x601: {  	v35 =	vshrl.u32 v35, $0x3  }
0x602: {  	v35 =	vshll.u32 v35, v1  }
0x603: {  	v35 =	vbroadcast v35, $0x0  }
0x604: {  	[tilespmem:v34+s16+$0x0] =	vst.idx.msk $0xffff, v33  }
0x605: {  	v34 =	vadd.s32 v25, v35;
	v33 =	vld [tilespmem:s25+$0xFFFFFF80];
	_ =	sdelay $0x4  }
0x606: {  	[tilespmem:v34+s16+$0x0] =	vst.idx.msk $0xffff, v33  }
0x607: {  	v34 =	vadd.s32 v26, v35;
	v33 =	vld [tilespmem:s25+$0xFFFFFF90];
	_ =	sdelay $0x4  }
0x608: {  	[tilespmem:v34+s16+$0x0] =	vst.idx.msk $0xffff, v33  }
0x609: {  	v34 =	vadd.s32 v27, v35;
	v33 =	vld [tilespmem:s25+$0xFFFFFFA0];
	_ =	sdelay $0x4  }
0x60a: {  	[tilespmem:v34+s16+$0x0] =	vst.idx.msk $0xffff, v33  }
0x60b: {  	s29 =	sadd.s32 $0xFFFFFFF8, s26;
	v34 =	vadd.s32 v28, v35;
	v33 =	vld [tilespmem:s25+$0xFFFFFFB0]  }
0x60c: {  	v35 =	vmov s29  }
0x60d: {  	v35 =	vshrl.u32 v35, $0x3  }
0x60e: {  	v35 =	vshll.u32 v35, v1  }
0x60f: {  	v35 =	vbroadcast v35, $0x0  }
0x610: {  	[tilespmem:v34+s16+$0x0] =	vst.idx.msk $0xffff, v33  }
0x611: {  	v34 =	vadd.s32 v29, v35;
	v33 =	vld [tilespmem:s25+$0xFFFFFFC0];
	_ =	sdelay $0x4  }
0x612: {  	[tilespmem:v34+s16+$0x0] =	vst.idx.msk $0xffff, v33  }
0x613: {  	v34 =	vadd.s32 v30, v35;
	v33 =	vld [tilespmem:s25+$0xFFFFFFD0];
	_ =	sdelay $0x4  }
0x614: {  	[tilespmem:v34+s16+$0x0] =	vst.idx.msk $0xffff, v33  }
0x615: {  	v34 =	vadd.s32 v31, v35;
	v33 =	vld [tilespmem:s25+$0xFFFFFFE0];
	_ =	sdelay $0x4  }
0x616: {  	[tilespmem:v34+s16+$0x0] =	vst.idx.msk $0xffff, v33  }
0x617: {  	s29 =	sadd.s32 $0xFFFFFFF9, s26;
	v34 =	vadd.s32 v32, v35;
	v33 =	vld [tilespmem:s25+$0xFFFFFFF0]  }
0x618: {  	v35 =	vmov s29  }
0x619: {  	v35 =	vshrl.u32 v35, $0x3  }
0x61a: {  	v35 =	vshll.u32 v35, v1  }
0x61b: {  	v35 =	vbroadcast v35, $0x0  }
0x61c: {  	[tilespmem:v34+s16+$0x0] =	vst.idx.msk $0xffff, v33  }
0x61d: {  	v34 =	vadd.s32 v0, v35;
	v33 =	vld [tilespmem:s25+$0x0];
	_ =	sdelay $0x4  }
0x61e: {  	[tilespmem:v34+s16+$0x0] =	vst.idx.msk $0xffff, v33  }
0x61f: {  	v34 =	vadd.s32 v2, v35;
	v33 =	vld [tilespmem:s25+$0x10];
	_ =	sdelay $0x4  }
0x620: {  	[tilespmem:v34+s16+$0x0] =	vst.idx.msk $0xffff, v33  }
0x621: {  	v34 =	vadd.s32 v3, v35;
	v33 =	vld [tilespmem:s25+$0x20];
	_ =	sdelay $0x4  }
0x622: {  	[tilespmem:v34+s16+$0x0] =	vst.idx.msk $0xffff, v33  }
0x623: {  	s29 =	sadd.s32 $0xFFFFFFFA, s26;
	v34 =	vadd.s32 v4, v35;
	v33 =	vld [tilespmem:s25+$0x30]  }
0x624: {  	v35 =	vmov s29  }
0x625: {  	v35 =	vshrl.u32 v35, $0x3  }
0x626: {  	v35 =	vshll.u32 v35, v1  }
0x627: {  	v35 =	vbroadcast v35, $0x0  }
0x628: {  	[tilespmem:v34+s16+$0x0] =	vst.idx.msk $0xffff, v33  }
0x629: {  	v34 =	vadd.s32 v5, v35;
	v33 =	vld [tilespmem:s25+$0x40];
	_ =	sdelay $0x4  }
0x62a: {  	[tilespmem:v34+s16+$0x0] =	vst.idx.msk $0xffff, v33  }
0x62b: {  	v34 =	vadd.s32 v6, v35;
	v33 =	vld [tilespmem:s25+$0x50];
	_ =	sdelay $0x4  }
0x62c: {  	[tilespmem:v34+s16+$0x0] =	vst.idx.msk $0xffff, v33  }
0x62d: {  	v34 =	vadd.s32 v7, v35;
	v33 =	vld [tilespmem:s25+$0x60];
	_ =	sdelay $0x4  }
0x62e: {  	[tilespmem:v34+s16+$0x0] =	vst.idx.msk $0xffff, v33  }
0x62f: {  	s29 =	sadd.s32 $0xFFFFFFFB, s26;
	v34 =	vadd.s32 v8, v35;
	v33 =	vld [tilespmem:s25+$0x70]  }
0x630: {  	v35 =	vmov s29  }
0x631: {  	v35 =	vshrl.u32 v35, $0x3  }
0x632: {  	v35 =	vshll.u32 v35, v1  }
0x633: {  	v35 =	vbroadcast v35, $0x0  }
0x634: {  	[tilespmem:v34+s16+$0x0] =	vst.idx.msk $0xffff, v33  }
0x635: {  	v34 =	vadd.s32 v9, v35;
	v33 =	vld [tilespmem:s25+$0x80];
	_ =	sdelay $0x4  }
0x636: {  	[tilespmem:v34+s16+$0x0] =	vst.idx.msk $0xffff, v33  }
0x637: {  	v34 =	vadd.s32 v10, v35;
	v33 =	vld [tilespmem:s25+$0x90];
	_ =	sdelay $0x4  }
0x638: {  	[tilespmem:v34+s16+$0x0] =	vst.idx.msk $0xffff, v33  }
0x639: {  	v34 =	vadd.s32 v11, v35;
	v33 =	vld [tilespmem:s25+$0xA0];
	_ =	sdelay $0x4  }
0x63a: {  	[tilespmem:v34+s16+$0x0] =	vst.idx.msk $0xffff, v33  }
0x63b: {  	s29 =	sadd.s32 $0xFFFFFFFC, s26;
	v34 =	vadd.s32 v12, v35;
	v33 =	vld [tilespmem:s25+$0xB0]  }
0x63c: {  	v35 =	vmov s29  }
0x63d: {  	v35 =	vshrl.u32 v35, $0x3  }
0x63e: {  	v35 =	vshll.u32 v35, v1  }
0x63f: {  	v35 =	vbroadcast v35, $0x0  }
0x640: {  	[tilespmem:v34+s16+$0x0] =	vst.idx.msk $0xffff, v33  }
0x641: {  	v34 =	vadd.s32 v13, v35;
	v33 =	vld [tilespmem:s25+$0xC0];
	_ =	sdelay $0x4  }
0x642: {  	[tilespmem:v34+s16+$0x0] =	vst.idx.msk $0xffff, v33  }
0x643: {  	v34 =	vadd.s32 v14, v35;
	v33 =	vld [tilespmem:s25+$0xD0];
	_ =	sdelay $0x4  }
0x644: {  	[tilespmem:v34+s16+$0x0] =	vst.idx.msk $0xffff, v33  }
0x645: {  	v34 =	vadd.s32 v15, v35;
	v33 =	vld [tilespmem:s25+$0xE0];
	_ =	sdelay $0x4  }
0x646: {  	[tilespmem:v34+s16+$0x0] =	vst.idx.msk $0xffff, v33  }
0x647: {  	s29 =	sadd.s32 $0xFFFFFFFD, s26;
	v34 =	vadd.s32 v16, v35;
	v33 =	vld [tilespmem:s25+$0xF0]  }
0x648: {  	v35 =	vmov s29  }
0x649: {  	v35 =	vshrl.u32 v35, $0x3  }
0x64a: {  	v35 =	vshll.u32 v35, v1  }
0x64b: {  	v35 =	vbroadcast v35, $0x0  }
0x64c: {  	[tilespmem:v34+s16+$0x0] =	vst.idx.msk $0xffff, v33  }
0x64d: {  	v34 =	vadd.s32 v17, v35;
	v33 =	vld [tilespmem:s25+$0x100];
	_ =	sdelay $0x4  }
0x64e: {  	[tilespmem:v34+s16+$0x0] =	vst.idx.msk $0xffff, v33  }
0x64f: {  	v34 =	vadd.s32 v18, v35;
	v33 =	vld [tilespmem:s25+$0x110];
	_ =	sdelay $0x4  }
0x650: {  	[tilespmem:v34+s16+$0x0] =	vst.idx.msk $0xffff, v33  }
0x651: {  	v34 =	vadd.s32 v19, v35;
	v33 =	vld [tilespmem:s25+$0x120];
	_ =	sdelay $0x4  }
0x652: {  	[tilespmem:v34+s16+$0x0] =	vst.idx.msk $0xffff, v33  }
0x653: {  	s29 =	sadd.s32 $0xFFFFFFFE, s26;
	v34 =	vadd.s32 v20, v35;
	v33 =	vld [tilespmem:s25+$0x130]  }
0x654: {  	v35 =	vmov s29  }
0x655: {  	v35 =	vshrl.u32 v35, $0x3  }
0x656: {  	v35 =	vshll.u32 v35, v1  }
0x657: {  	v35 =	vbroadcast v35, $0x0  }
0x658: {  	[tilespmem:v34+s16+$0x0] =	vst.idx.msk $0xffff, v33  }
0x659: {  	v34 =	vadd.s32 v21, v35;
	v33 =	vld [tilespmem:s25+$0x140];
	_ =	sdelay $0x4  }
0x65a: {  	[tilespmem:v34+s16+$0x0] =	vst.idx.msk $0xffff, v33  }
0x65b: {  	v34 =	vadd.s32 v22, v35;
	v33 =	vld [tilespmem:s25+$0x150];
	_ =	sdelay $0x4  }
0x65c: {  	[tilespmem:v34+s16+$0x0] =	vst.idx.msk $0xffff, v33  }
0x65d: {  	v34 =	vadd.s32 v23, v35;
	v33 =	vld [tilespmem:s25+$0x160];
	_ =	sdelay $0x4  }
0x65e: {  	[tilespmem:v34+s16+$0x0] =	vst.idx.msk $0xffff, v33  }
0x65f: {  	s29 =	sadd.s32 $0xFFFFFFFF, s26;
	v34 =	vadd.s32 v24, v35;
	v33 =	vld [tilespmem:s25+$0x170]  }
0x660: {  	v35 =	vmov s29  }
0x661: {  	v35 =	vshrl.u32 v35, $0x3  }
0x662: {  	v35 =	vshll.u32 v35, v1  }
0x663: {  	v35 =	vbroadcast v35, $0x0  }
0x664: {  	[tilespmem:v34+s16+$0x0] =	vst.idx.msk $0xffff, v33  }
0x665: {  	v34 =	vadd.s32 v25, v35;
	v33 =	vld [tilespmem:s25+$0x180];
	_ =	sdelay $0x4  }
0x666: {  	[tilespmem:v34+s16+$0x0] =	vst.idx.msk $0xffff, v33  }
0x667: {  	v34 =	vadd.s32 v26, v35;
	v33 =	vld [tilespmem:s25+$0x190];
	_ =	sdelay $0x4  }
0x668: {  	[tilespmem:v34+s16+$0x0] =	vst.idx.msk $0xffff, v33  }
0x669: {  	v34 =	vadd.s32 v27, v35;
	v33 =	vld [tilespmem:s25+$0x1A0];
	_ =	sdelay $0x4  }
0x66a: {  	[tilespmem:v34+s16+$0x0] =	vst.idx.msk $0xffff, v33  }
0x66b: {  	v34 =	vadd.s32 v28, v35;
	v33 =	vld [tilespmem:s25+$0x1B0]  }
0x66c: {  	v35 =	vmov s26;
	s26 =	smov.u32 s28  }
0x66d: {  	v35 =	vshrl.u32 v35, $0x3  }
0x66e: {  	v35 =	vshll.u32 v35, v1  }
0x66f: {  	v35 =	vbroadcast v35, $0x0  }
0x670: {  	[tilespmem:v34+s16+$0x0] =	vst.idx.msk $0xffff, v33  }
0x671: {  	v34 =	vadd.s32 v29, v35;
	v33 =	vld [tilespmem:s25+$0x1C0];
	_ =	sdelay $0x4  }
0x672: {  	[tilespmem:v34+s16+$0x0] =	vst.idx.msk $0xffff, v33  }
0x673: {  	v34 =	vadd.s32 v30, v35;
	v33 =	vld [tilespmem:s25+$0x1D0];
	_ =	sdelay $0x4  }
0x674: {  	[tilespmem:v34+s16+$0x0] =	vst.idx.msk $0xffff, v33  }
0x675: {  	v34 =	vadd.s32 v31, v35;
	v33 =	vld [tilespmem:s25+$0x1E0];
	_ =	sdelay $0x1  }
.Ltmp4:
0x676: {  	(pc) =	sbr.rel @p0 .LBB2_11-.Ltmp4, $3  }
0x677: {  	_ =	sdelay $0x1  }
0x678: {  	[tilespmem:v34+s16+$0x0] =	vst.idx.msk $0xffff, v33  }
0x679: {  	s28 =	sadd.s32 $0x10, s28;
	s29 =	sadd.s32 $0xFFFFFFF1, s26;
	v34 =	vadd.s32 v32, v35;
	v33 =	vld [tilespmem:s25+$0x1F0]  }
0x67a: {  	v35 =	vmov s29  }
0x67b: {  	v35 =	vshrl.u32 v35, $0x3  }
0x67c: {  	v35 =	vshll.u32 v35, v1  }
0x67d: {  	v35 =	vbroadcast v35, $0x0  }
0x67e: {  	s25 =	sadd.s32 $0x400, s25;
	[tilespmem:v34+s16+$0x0] =	vst.idx.msk $0xffff, v33  }
0x67f: {  	v33 =	vld [tilespmem:s25+$0xFFFFFE00];
	v41 =	vadd.s32 v0, v35;
	_ =	sdelay $0x4  }
0x680: {  	[tilespmem:v41+s16+$0x0] =	vst.idx.msk $0xffff, v33  }
0x681: {  	v42 =	vadd.s32 v2, v35;
	v33 =	vld [tilespmem:s25+$0xFFFFFE10];
	_ =	sdelay $0x4  }
0x682: {  	[tilespmem:v42+s16+$0x0] =	vst.idx.msk $0xffff, v33  }
0x683: {  	v43 =	vadd.s32 v3, v35;
	v33 =	vld [tilespmem:s25+$0xFFFFFE20];
	_ =	sdelay $0x4  }
0x684: {  	[tilespmem:v43+s16+$0x0] =	vst.idx.msk $0xffff, v33  }
0x685: {  	s28 =	sadd.s32 $0xFFFFFFF2, s26;
	v44 =	vadd.s32 v4, v35;
	v33 =	vld [tilespmem:s25+$0xFFFFFE30]  }
0x686: {  	v45 =	vmov s28  }
0x687: {  	v35 =	vshrl.u32 v45, $0x3  }
0x688: {  	v35 =	vshll.u32 v35, v1  }
0x689: {  	v35 =	vbroadcast v35, $0x0  }
0x68a: {  	[tilespmem:v44+s16+$0x0] =	vst.idx.msk $0xffff, v33  }
0x68b: {  	v46 =	vadd.s32 v5, v35;
	v33 =	vld [tilespmem:s25+$0xFFFFFE40];
	_ =	sdelay $0x4  }
0x68c: {  	[tilespmem:v46+s16+$0x0] =	vst.idx.msk $0xffff, v33  }
0x68d: {  	v47 =	vadd.s32 v6, v35;
	v33 =	vld [tilespmem:s25+$0xFFFFFE50];
	_ =	sdelay $0x4  }
0x68e: {  	[tilespmem:v47+s16+$0x0] =	vst.idx.msk $0xffff, v33  }
0x68f: {  	v48 =	vadd.s32 v7, v35;
	v33 =	vld [tilespmem:s25+$0xFFFFFE60];
	_ =	sdelay $0x4  }
0x690: {  	[tilespmem:v48+s16+$0x0] =	vst.idx.msk $0xffff, v33  }
0x691: {  	s28 =	sadd.s32 $0xFFFFFFF3, s26;
	v49 =	vadd.s32 v8, v35;
	v33 =	vld [tilespmem:s25+$0xFFFFFE70]  }
0x692: {  	v50 =	vmov s28  }
0x693: {  	v35 =	vshrl.u32 v50, $0x3  }
0x694: {  	v35 =	vshll.u32 v35, v1  }
0x695: {  	v35 =	vbroadcast v35, $0x0  }
0x696: {  	[tilespmem:v49+s16+$0x0] =	vst.idx.msk $0xffff, v33  }
0x697: {  	v51 =	vadd.s32 v9, v35;
	v33 =	vld [tilespmem:s25+$0xFFFFFE80];
	_ =	sdelay $0x4  }
0x698: {  	[tilespmem:v51+s16+$0x0] =	vst.idx.msk $0xffff, v33  }
0x699: {  	v52 =	vadd.s32 v10, v35;
	v33 =	vld [tilespmem:s25+$0xFFFFFE90];
	_ =	sdelay $0x4  }
0x69a: {  	[tilespmem:v52+s16+$0x0] =	vst.idx.msk $0xffff, v33  }
0x69b: {  	v53 =	vadd.s32 v11, v35;
	v33 =	vld [tilespmem:s25+$0xFFFFFEA0];
	_ =	sdelay $0x4  }
0x69c: {  	[tilespmem:v53+s16+$0x0] =	vst.idx.msk $0xffff, v33  }
0x69d: {  	s28 =	sadd.s32 $0xFFFFFFF4, s26;
	v54 =	vadd.s32 v12, v35;
	v33 =	vld [tilespmem:s25+$0xFFFFFEB0]  }
0x69e: {  	v55 =	vmov s28  }
0x69f: {  	v35 =	vshrl.u32 v55, $0x3  }
0x6a0: {  	v35 =	vshll.u32 v35, v1  }
0x6a1: {  	v35 =	vbroadcast v35, $0x0  }
0x6a2: {  	[tilespmem:v54+s16+$0x0] =	vst.idx.msk $0xffff, v33  }
0x6a3: {  	v56 =	vadd.s32 v13, v35;
	v33 =	vld [tilespmem:s25+$0xFFFFFEC0];
	_ =	sdelay $0x4  }
0x6a4: {  	[tilespmem:v56+s16+$0x0] =	vst.idx.msk $0xffff, v33  }
0x6a5: {  	v57 =	vadd.s32 v14, v35;
	v33 =	vld [tilespmem:s25+$0xFFFFFED0];
	_ =	sdelay $0x4  }
0x6a6: {  	[tilespmem:v57+s16+$0x0] =	vst.idx.msk $0xffff, v33  }
0x6a7: {  	v58 =	vadd.s32 v15, v35;
	v33 =	vld [tilespmem:s25+$0xFFFFFEE0];
	_ =	sdelay $0x4  }
0x6a8: {  	[tilespmem:v58+s16+$0x0] =	vst.idx.msk $0xffff, v33  }
0x6a9: {  	s28 =	sadd.s32 $0xFFFFFFF5, s26;
	v59 =	vadd.s32 v16, v35;
	v33 =	vld [tilespmem:s25+$0xFFFFFEF0]  }
0x6aa: {  	v60 =	vmov s28  }
0x6ab: {  	v35 =	vshrl.u32 v60, $0x3  }
0x6ac: {  	v35 =	vshll.u32 v35, v1  }
0x6ad: {  	v35 =	vbroadcast v35, $0x0  }
0x6ae: {  	[tilespmem:v59+s16+$0x0] =	vst.idx.msk $0xffff, v33  }
0x6af: {  	v61 =	vadd.s32 v17, v35;
	v33 =	vld [tilespmem:s25+$0xFFFFFF00];
	_ =	sdelay $0x4  }
0x6b0: {  	[tilespmem:v61+s16+$0x0] =	vst.idx.msk $0xffff, v33  }
0x6b1: {  	v62 =	vadd.s32 v18, v35;
	v33 =	vld [tilespmem:s25+$0xFFFFFF10];
	_ =	sdelay $0x4  }
0x6b2: {  	[tilespmem:v62+s16+$0x0] =	vst.idx.msk $0xffff, v33  }
0x6b3: {  	v63 =	vadd.s32 v19, v35;
	v33 =	vld [tilespmem:s25+$0xFFFFFF20];
	_ =	sdelay $0x4  }
0x6b4: {  	[tilespmem:v63+s16+$0x0] =	vst.idx.msk $0xffff, v33  }
0x6b5: {  	s28 =	sadd.s32 $0xFFFFFFF6, s26;
	v36 =	vadd.s32 v20, v35;
	v33 =	vld [tilespmem:s25+$0xFFFFFF30]  }
0x6b6: {  	v37 =	vmov s28  }
0x6b7: {  	v35 =	vshrl.u32 v37, $0x3  }
0x6b8: {  	v35 =	vshll.u32 v35, v1  }
0x6b9: {  	v35 =	vbroadcast v35, $0x0  }
0x6ba: {  	[tilespmem:v36+s16+$0x0] =	vst.idx.msk $0xffff, v33  }
0x6bb: {  	v38 =	vadd.s32 v21, v35;
	v33 =	vld [tilespmem:s25+$0xFFFFFF40];
	_ =	sdelay $0x4  }
0x6bc: {  	[tilespmem:v38+s16+$0x0] =	vst.idx.msk $0xffff, v33  }
0x6bd: {  	v39 =	vadd.s32 v22, v35;
	v33 =	vld [tilespmem:s25+$0xFFFFFF50];
	_ =	sdelay $0x4  }
0x6be: {  	[tilespmem:v39+s16+$0x0] =	vst.idx.msk $0xffff, v33  }
0x6bf: {  	v40 =	vadd.s32 v23, v35;
	v33 =	vld [tilespmem:s25+$0xFFFFFF60];
	_ =	sdelay $0x4  }
0x6c0: {  	[tilespmem:v40+s16+$0x0] =	vst.idx.msk $0xffff, v33  }
0x6c1: {  	s28 =	sadd.s32 $0xFFFFFFF7, s26;
	v41 =	vadd.s32 v24, v35;
	v33 =	vld [tilespmem:s25+$0xFFFFFF70]  }
0x6c2: {  	v42 =	vmov s28  }
0x6c3: {  	v35 =	vshrl.u32 v42, $0x3  }
0x6c4: {  	v35 =	vshll.u32 v35, v1  }
0x6c5: {  	v35 =	vbroadcast v35, $0x0  }
0x6c6: {  	[tilespmem:v41+s16+$0x0] =	vst.idx.msk $0xffff, v33  }
0x6c7: {  	v43 =	vadd.s32 v25, v35;
	v33 =	vld [tilespmem:s25+$0xFFFFFF80];
	_ =	sdelay $0x4  }
0x6c8: {  	[tilespmem:v43+s16+$0x0] =	vst.idx.msk $0xffff, v33  }
0x6c9: {  	v44 =	vadd.s32 v26, v35;
	v33 =	vld [tilespmem:s25+$0xFFFFFF90];
	_ =	sdelay $0x4  }
0x6ca: {  	[tilespmem:v44+s16+$0x0] =	vst.idx.msk $0xffff, v33  }
0x6cb: {  	v45 =	vadd.s32 v27, v35;
	v33 =	vld [tilespmem:s25+$0xFFFFFFA0];
	_ =	sdelay $0x4  }
0x6cc: {  	[tilespmem:v45+s16+$0x0] =	vst.idx.msk $0xffff, v33  }
0x6cd: {  	s28 =	sadd.s32 $0xFFFFFFF8, s26;
	v46 =	vadd.s32 v28, v35;
	v33 =	vld [tilespmem:s25+$0xFFFFFFB0]  }
0x6ce: {  	v47 =	vmov s28  }
0x6cf: {  	v35 =	vshrl.u32 v47, $0x3  }
0x6d0: {  	v35 =	vshll.u32 v35, v1  }
0x6d1: {  	v35 =	vbroadcast v35, $0x0  }
0x6d2: {  	[tilespmem:v46+s16+$0x0] =	vst.idx.msk $0xffff, v33  }
0x6d3: {  	v48 =	vadd.s32 v29, v35;
	v33 =	vld [tilespmem:s25+$0xFFFFFFC0];
	_ =	sdelay $0x4  }
0x6d4: {  	[tilespmem:v48+s16+$0x0] =	vst.idx.msk $0xffff, v33  }
0x6d5: {  	v49 =	vadd.s32 v30, v35;
	v33 =	vld [tilespmem:s25+$0xFFFFFFD0];
	_ =	sdelay $0x4  }
0x6d6: {  	[tilespmem:v49+s16+$0x0] =	vst.idx.msk $0xffff, v33  }
0x6d7: {  	v50 =	vadd.s32 v31, v35;
	v33 =	vld [tilespmem:s25+$0xFFFFFFE0];
	_ =	sdelay $0x4  }
0x6d8: {  	[tilespmem:v50+s16+$0x0] =	vst.idx.msk $0xffff, v33  }
0x6d9: {  	s28 =	sadd.s32 $0xFFFFFFF9, s26;
	v51 =	vadd.s32 v32, v35;
	v33 =	vld [tilespmem:s25+$0xFFFFFFF0]  }
0x6da: {  	v52 =	vmov s28  }
0x6db: {  	v35 =	vshrl.u32 v52, $0x3  }
0x6dc: {  	v35 =	vshll.u32 v35, v1  }
0x6dd: {  	v35 =	vbroadcast v35, $0x0  }
0x6de: {  	[tilespmem:v51+s16+$0x0] =	vst.idx.msk $0xffff, v33  }
0x6df: {  	v53 =	vadd.s32 v0, v35;
	v33 =	vld [tilespmem:s25+$0x0];
	_ =	sdelay $0x4  }
0x6e0: {  	[tilespmem:v53+s16+$0x0] =	vst.idx.msk $0xffff, v33  }
0x6e1: {  	v54 =	vadd.s32 v2, v35;
	v33 =	vld [tilespmem:s25+$0x10];
	_ =	sdelay $0x4  }
0x6e2: {  	[tilespmem:v54+s16+$0x0] =	vst.idx.msk $0xffff, v33  }
0x6e3: {  	v55 =	vadd.s32 v3, v35;
	v33 =	vld [tilespmem:s25+$0x20];
	_ =	sdelay $0x4  }
0x6e4: {  	[tilespmem:v55+s16+$0x0] =	vst.idx.msk $0xffff, v33  }
0x6e5: {  	s28 =	sadd.s32 $0xFFFFFFFA, s26;
	v56 =	vadd.s32 v4, v35;
	v33 =	vld [tilespmem:s25+$0x30]  }
0x6e6: {  	v57 =	vmov s28  }
0x6e7: {  	v35 =	vshrl.u32 v57, $0x3  }
0x6e8: {  	v35 =	vshll.u32 v35, v1  }
0x6e9: {  	v35 =	vbroadcast v35, $0x0  }
0x6ea: {  	[tilespmem:v56+s16+$0x0] =	vst.idx.msk $0xffff, v33  }
0x6eb: {  	v58 =	vadd.s32 v5, v35;
	v33 =	vld [tilespmem:s25+$0x40];
	_ =	sdelay $0x4  }
0x6ec: {  	[tilespmem:v58+s16+$0x0] =	vst.idx.msk $0xffff, v33  }
0x6ed: {  	v59 =	vadd.s32 v6, v35;
	v33 =	vld [tilespmem:s25+$0x50];
	_ =	sdelay $0x4  }
0x6ee: {  	[tilespmem:v59+s16+$0x0] =	vst.idx.msk $0xffff, v33  }
0x6ef: {  	v60 =	vadd.s32 v7, v35;
	v33 =	vld [tilespmem:s25+$0x60];
	_ =	sdelay $0x4  }
0x6f0: {  	[tilespmem:v60+s16+$0x0] =	vst.idx.msk $0xffff, v33  }
0x6f1: {  	s28 =	sadd.s32 $0xFFFFFFFB, s26;
	v61 =	vadd.s32 v8, v35;
	v33 =	vld [tilespmem:s25+$0x70]  }
0x6f2: {  	v62 =	vmov s28  }
0x6f3: {  	v35 =	vshrl.u32 v62, $0x3  }
0x6f4: {  	v35 =	vshll.u32 v35, v1  }
0x6f5: {  	v35 =	vbroadcast v35, $0x0  }
0x6f6: {  	[tilespmem:v61+s16+$0x0] =	vst.idx.msk $0xffff, v33  }
0x6f7: {  	v63 =	vadd.s32 v9, v35;
	v33 =	vld [tilespmem:s25+$0x80];
	_ =	sdelay $0x4  }
0x6f8: {  	[tilespmem:v63+s16+$0x0] =	vst.idx.msk $0xffff, v33  }
0x6f9: {  	v36 =	vadd.s32 v10, v35;
	v33 =	vld [tilespmem:s25+$0x90];
	_ =	sdelay $0x4  }
0x6fa: {  	[tilespmem:v36+s16+$0x0] =	vst.idx.msk $0xffff, v33  }
0x6fb: {  	v37 =	vadd.s32 v11, v35;
	v33 =	vld [tilespmem:s25+$0xA0];
	_ =	sdelay $0x4  }
0x6fc: {  	[tilespmem:v37+s16+$0x0] =	vst.idx.msk $0xffff, v33  }
0x6fd: {  	s28 =	sadd.s32 $0xFFFFFFFC, s26;
	v38 =	vadd.s32 v12, v35;
	v33 =	vld [tilespmem:s25+$0xB0]  }
0x6fe: {  	v39 =	vmov s28  }
0x6ff: {  	v35 =	vshrl.u32 v39, $0x3  }
0x700: {  	v35 =	vshll.u32 v35, v1  }
0x701: {  	v35 =	vbroadcast v35, $0x0  }
0x702: {  	[tilespmem:v38+s16+$0x0] =	vst.idx.msk $0xffff, v33  }
0x703: {  	v40 =	vadd.s32 v13, v35;
	v33 =	vld [tilespmem:s25+$0xC0];
	_ =	sdelay $0x4  }
0x704: {  	[tilespmem:v40+s16+$0x0] =	vst.idx.msk $0xffff, v33  }
0x705: {  	v41 =	vadd.s32 v14, v35;
	v33 =	vld [tilespmem:s25+$0xD0];
	_ =	sdelay $0x4  }
0x706: {  	[tilespmem:v41+s16+$0x0] =	vst.idx.msk $0xffff, v33  }
0x707: {  	v42 =	vadd.s32 v15, v35;
	v33 =	vld [tilespmem:s25+$0xE0];
	_ =	sdelay $0x4  }
0x708: {  	[tilespmem:v42+s16+$0x0] =	vst.idx.msk $0xffff, v33  }
0x709: {  	s28 =	sadd.s32 $0xFFFFFFFD, s26;
	v43 =	vadd.s32 v16, v35;
	v33 =	vld [tilespmem:s25+$0xF0]  }
0x70a: {  	v44 =	vmov s28  }
0x70b: {  	v35 =	vshrl.u32 v44, $0x3  }
0x70c: {  	v35 =	vshll.u32 v35, v1  }
0x70d: {  	v35 =	vbroadcast v35, $0x0  }
0x70e: {  	[tilespmem:v43+s16+$0x0] =	vst.idx.msk $0xffff, v33  }
0x70f: {  	v45 =	vadd.s32 v17, v35;
	v33 =	vld [tilespmem:s25+$0x100];
	_ =	sdelay $0x4  }
0x710: {  	[tilespmem:v45+s16+$0x0] =	vst.idx.msk $0xffff, v33  }
0x711: {  	v46 =	vadd.s32 v18, v35;
	v33 =	vld [tilespmem:s25+$0x110];
	_ =	sdelay $0x4  }
0x712: {  	[tilespmem:v46+s16+$0x0] =	vst.idx.msk $0xffff, v33  }
0x713: {  	v47 =	vadd.s32 v19, v35;
	v33 =	vld [tilespmem:s25+$0x120];
	_ =	sdelay $0x4  }
0x714: {  	[tilespmem:v47+s16+$0x0] =	vst.idx.msk $0xffff, v33  }
0x715: {  	s28 =	sadd.s32 $0xFFFFFFFE, s26;
	v48 =	vadd.s32 v20, v35;
	v33 =	vld [tilespmem:s25+$0x130]  }
0x716: {  	v49 =	vmov s28  }
0x717: {  	v35 =	vshrl.u32 v49, $0x3  }
0x718: {  	v35 =	vshll.u32 v35, v1  }
0x719: {  	v35 =	vbroadcast v35, $0x0  }
0x71a: {  	[tilespmem:v48+s16+$0x0] =	vst.idx.msk $0xffff, v33  }
0x71b: {  	v50 =	vadd.s32 v21, v35;
	v33 =	vld [tilespmem:s25+$0x140];
	_ =	sdelay $0x4  }
0x71c: {  	[tilespmem:v50+s16+$0x0] =	vst.idx.msk $0xffff, v33  }
0x71d: {  	v51 =	vadd.s32 v22, v35;
	v33 =	vld [tilespmem:s25+$0x150];
	_ =	sdelay $0x4  }
0x71e: {  	[tilespmem:v51+s16+$0x0] =	vst.idx.msk $0xffff, v33  }
0x71f: {  	v52 =	vadd.s32 v23, v35;
	v33 =	vld [tilespmem:s25+$0x160];
	_ =	sdelay $0x4  }
0x720: {  	[tilespmem:v52+s16+$0x0] =	vst.idx.msk $0xffff, v33  }
0x721: {  	s28 =	sadd.s32 $0xFFFFFFFF, s26;
	v53 =	vadd.s32 v24, v35;
	v33 =	vld [tilespmem:s25+$0x170]  }
0x722: {  	v54 =	vmov s28  }
0x723: {  	v35 =	vshrl.u32 v54, $0x3  }
0x724: {  	v35 =	vshll.u32 v35, v1  }
0x725: {  	v35 =	vbroadcast v35, $0x0  }
0x726: {  	[tilespmem:v53+s16+$0x0] =	vst.idx.msk $0xffff, v33  }
0x727: {  	v55 =	vadd.s32 v25, v35;
	v33 =	vld [tilespmem:s25+$0x180];
	_ =	sdelay $0x4  }
0x728: {  	[tilespmem:v55+s16+$0x0] =	vst.idx.msk $0xffff, v33  }
0x729: {  	v56 =	vadd.s32 v26, v35;
	v33 =	vld [tilespmem:s25+$0x190];
	_ =	sdelay $0x4  }
0x72a: {  	[tilespmem:v56+s16+$0x0] =	vst.idx.msk $0xffff, v33  }
0x72b: {  	v57 =	vadd.s32 v27, v35;
	v33 =	vld [tilespmem:s25+$0x1A0];
	_ =	sdelay $0x4  }
0x72c: {  	[tilespmem:v57+s16+$0x0] =	vst.idx.msk $0xffff, v33  }
0x72d: {  	v58 =	vadd.s32 v28, v35;
	v33 =	vld [tilespmem:s25+$0x1B0]  }
0x72e: {  	v59 =	vmov s26  }
0x72f: {  	v35 =	vshrl.u32 v59, $0x3  }
0x730: {  	v35 =	vshll.u32 v35, v1  }
0x731: {  	v35 =	vbroadcast v35, $0x0  }
0x732: {  	[tilespmem:v58+s16+$0x0] =	vst.idx.msk $0xffff, v33  }
0x733: {  	v60 =	vadd.s32 v29, v35;
	v33 =	vld [tilespmem:s25+$0x1C0];
	_ =	sdelay $0x4  }
0x734: {  	[tilespmem:v60+s16+$0x0] =	vst.idx.msk $0xffff, v33  }
0x735: {  	v61 =	vadd.s32 v30, v35;
	v33 =	vld [tilespmem:s25+$0x1D0];
	_ =	sdelay $0x4  }
0x736: {  	[tilespmem:v61+s16+$0x0] =	vst.idx.msk $0xffff, v33  }
0x737: {  	v62 =	vadd.s32 v31, v35;
	v33 =	vld [tilespmem:s25+$0x1E0];
	_ =	sdelay $0x4  }
0x738: {  	[tilespmem:v62+s16+$0x0] =	vst.idx.msk $0xffff, v33  }
0x739: {  	v63 =	vadd.s32 v32, v35;
	v33 =	vld [tilespmem:s25+$0x1F0];
	_ =	sdelay $0x1  }
0x73a: {  	s26 =	sshll.u32 s23, $0x13  }
0x73b: {  	s25 =	sor.u32 s6, s26  }
0x73c: {  	s25 =	sshrl.u32 s25, $0x3  }
0x73d: {  	s31 =	simm.s32 $0xA400;
	s26 =	sadd.s32 s2, s25;
	[tilespmem:v63+s16+$0x0] =	vst.idx.msk $0xffff, v33  }
0x73e: {  	[hbm4b:s26+s3] =	stream.linear.scatter [tilespmem:s31], [sflag:$0x3], $0x80, $0x38;
	[tilespmem:$0xE800] =	vst v63  }
0x73f: {  	s28 =	sadd.s32 $0x10, s26;
	s31 =	simm.s32 $0xA488  }
0x740: {  	[hbm4b:s28+s3] =	stream.linear.scatter [tilespmem:s31], [sflag:$0x3], $0x80, $0x38;
	[tilespmem:$0xE800] =	vst v63  }
0x741: {  	s31 =	simm.s32 $0xA510;
	s28 =	sadd.s32 $0x20, s26  }
0x742: {  	[hbm4b:s28+s3] =	stream.linear.scatter [tilespmem:s31], [sflag:$0x3], $0x80, $0x38;
	[tilespmem:$0xE800] =	vst v63  }
0x743: {  	s31 =	simm.s32 $0xA598;
	s28 =	sadd.s32 $0x30, s26  }
0x744: {  	[hbm4b:s28+s3] =	stream.linear.scatter [tilespmem:s31], [sflag:$0x3], $0x80, $0x38;
	[tilespmem:$0xE800] =	vst v63  }
0x745: {  	s31 =	simm.s32 $0xA620;
	s28 =	sadd.s32 $0x40, s26  }
0x746: {  	[hbm4b:s28+s3] =	stream.linear.scatter [tilespmem:s31], [sflag:$0x3], $0x80, $0x38;
	[tilespmem:$0xE800] =	vst v63  }
0x747: {  	s29 =	simm.s32 $0xA7B8;
	s31 =	simm.s32 $0xA6A8;
	s28 =	sadd.s32 $0x50, s26  }
0x748: {  	[hbm4b:s28+s3] =	stream.linear.scatter [tilespmem:s31], [sflag:$0x3], $0x80, $0x38;
	[tilespmem:$0xE800] =	vst v63  }
0x749: {  	s25 =	simm.s32 $0x440;
	s31 =	simm.s32 $0xA730;
	s28 =	sadd.s32 $0x60, s26  }
0x74a: {  	[hbm4b:s28+s3] =	stream.linear.scatter [tilespmem:s31], [sflag:$0x3], $0x80, $0x38;
	[tilespmem:$0xE800] =	vst v63  }
0x74b: {  	s30 =	sadd.s32 $0x70, s26;
	s26 =	sadd.s32 $0x1000, s26;
	s28 =	simm.s32 $0x2200  }
.LBB2_13:
0x74c: {  	[hbm4b:s30+s3] =	stream.linear.scatter [tilespmem:s29], [sflag:$0x3], $0x80, $0x38;
	[tilespmem:$0xE800] =	vst v63  }
0x74d: {  	s29 =	smov.u32 s25;
	s25 =	smov.u32 s28  }
0x74e: {  	s31 =	sadd.s32 $0x1100, s28;
	s25 =	sshra.s32 s25, $0x2;
	s30 =	sadd.s32 $0xA400, s29  }
0x74f: {  	[hbm4b:s26+s3] =	stream.linear.scatter [tilespmem:s30], [sflag:$0x3], $0x80, $0x38;
	[tilespmem:$0xE800] =	vst v63  }
0x750: {  	p0 =	sne.s32 s28, $0x7700;
	s28 =	sadd.s32 $0xA488, s29;
	s30 =	sadd.s32 $0x10, s26  }
0x751: {  	[hbm4b:s30+s3] =	stream.linear.scatter [tilespmem:s28], [sflag:$0x3], $0x80, $0x38;
	[tilespmem:$0xE800] =	vst v63  }
0x752: {  	s28 =	sadd.s32 $0xA510, s29;
	s30 =	sadd.s32 $0x20, s26  }
0x753: {  	[hbm4b:s30+s3] =	stream.linear.scatter [tilespmem:s28], [sflag:$0x3], $0x80, $0x38;
	[tilespmem:$0xE800] =	vst v63  }
0x754: {  	s28 =	sadd.s32 $0xA598, s29;
	s30 =	sadd.s32 $0x30, s26  }
0x755: {  	[hbm4b:s30+s3] =	stream.linear.scatter [tilespmem:s28], [sflag:$0x3], $0x80, $0x38;
	[tilespmem:$0xE800] =	vst v63  }
0x756: {  	s28 =	sadd.s32 $0xA620, s29;
	s30 =	sadd.s32 $0x40, s26  }
0x757: {  	[hbm4b:s30+s3] =	stream.linear.scatter [tilespmem:s28], [sflag:$0x3], $0x80, $0x38;
	[tilespmem:$0xE800] =	vst v63  }
.Ltmp5:
0x758: {  	s28 =	sadd.s32 $0xA6A8, s29;
	s30 =	sadd.s32 $0x50, s26;
	(pc) =	sbr.rel @p0 .LBB2_13-.Ltmp5, $4  }
0x759: {  	[hbm4b:s30+s3] =	stream.linear.scatter [tilespmem:s28], [sflag:$0x3], $0x80, $0x38;
	[tilespmem:$0xE800] =	vst v63  }
0x75a: {  	s28 =	sadd.s32 $0xA730, s29;
	s30 =	sadd.s32 $0x60, s26;
	s29 =	sadd.s32 $0xA7B8, s29  }
0x75b: {  	[hbm4b:s30+s3] =	stream.linear.scatter [tilespmem:s28], [sflag:$0x3], $0x80, $0x38;
	[tilespmem:$0xE800] =	vst v63  }
0x75c: {  	s30 =	sadd.s32 $0x70, s26;
	s26 =	sadd.s32 $0x1000, s26;
	s28 =	smov.u32 s31  }
0x75d: {  	[hbm4b:s30+s3] =	stream.linear.scatter [tilespmem:s29], [sflag:$0x3], $0x80, $0x38;
	[tilespmem:$0xE800] =	vst v63  }
0x75e: {  	s28 =	sadd.s32 $0xA400, s25  }
0x75f: {  	[hbm4b:s26+s3] =	stream.linear.scatter [tilespmem:s28], [sflag:$0x3], $0x80, $0x38;
	[tilespmem:$0xE800] =	vst v63  }
0x760: {  	s29 =	sadd.s32 $0x10, s26;
	s28 =	sadd.s32 $0xA488, s25  }
0x761: {  	[hbm4b:s29+s3] =	stream.linear.scatter [tilespmem:s28], [sflag:$0x3], $0x80, $0x38;
	[tilespmem:$0xE800] =	vst v63  }
0x762: {  	s28 =	sadd.s32 $0xA510, s25;
	s29 =	sadd.s32 $0x20, s26  }
0x763: {  	[hbm4b:s29+s3] =	stream.linear.scatter [tilespmem:s28], [sflag:$0x3], $0x80, $0x38;
	[tilespmem:$0xE800] =	vst v63  }
0x764: {  	s28 =	sadd.s32 $0xA598, s25;
	s29 =	sadd.s32 $0x30, s26  }
0x765: {  	[hbm4b:s29+s3] =	stream.linear.scatter [tilespmem:s28], [sflag:$0x3], $0x80, $0x38;
	[tilespmem:$0xE800] =	vst v63  }
0x766: {  	s28 =	sadd.s32 $0xA620, s25;
	s29 =	sadd.s32 $0x40, s26  }
0x767: {  	[hbm4b:s29+s3] =	stream.linear.scatter [tilespmem:s28], [sflag:$0x3], $0x80, $0x38;
	[tilespmem:$0xE800] =	vst v63  }
0x768: {  	s28 =	sadd.s32 $0xA6A8, s25;
	s29 =	sadd.s32 $0x50, s26  }
0x769: {  	[hbm4b:s29+s3] =	stream.linear.scatter [tilespmem:s28], [sflag:$0x3], $0x80, $0x38;
	[tilespmem:$0xE800] =	vst v63  }
0x76a: {  	p0 =	seq.s32 s23, $0x63;
	s28 =	sadd.s32 $0xA730, s25;
	s29 =	sadd.s32 $0x60, s26  }
0x76b: {  	[hbm4b:s29+s3] =	stream.linear.scatter [tilespmem:s28], [sflag:$0x3], $0x80, $0x38;
	[tilespmem:$0xE800] =	vst v63  }
0x76c: {  	s30 =	sadd.s32 $0xA7B8, s25;
	s31 =	sadd.s32 $0x70, s26;
	s25 =	sshll.u32 @!p0 s23, $0x8  }
0x76d: {  	[hbm4b:s31+s3] =	stream.linear.scatter [tilespmem:s30], [sflag:$0x3], $0x80, $0x38;
	[tilespmem:$0xE800] =	vst v63  }
0x76e: {  	s25 =	sand.u32 @!p0 $0x3FFFFF00, s25;
	_ =	swait.ge [sflag:s17], $0x2000  }
0x76f: {  	s25 =	sadd.s32 @!p0 $0x100, s25;
	s30 =	simm.s32 $0x0;
	[sflag:s17] =	ssyncset.done $0x0  }
0x770: {  	s28 =	simm.s32 @!p0 $0x80;
	s29 =	simm.s32 @!p0 $0x6400;
	v33 =	vmov s30;
	[sflag:s17] =	ssyncadd.s32 $0xFFFFE000  }
0x771: {  	v33 =	vshrl.u32 v33, $0x3;
	[tilespmem:s29], [sflag:$0x1] =	stream.indirect.gather @!p0 [hbm4b:s4+s28], $0x40, s25, s28, $0xb8;
	[tilespmem:$0xE800] =	vst v63  }
0x772: {  	v33 =	vshll.u32 v33, v1;
	_ =	swait.ge [sflag:s21], $0x2000  }
0x773: {  	v33 =	vbroadcast v33, $0x0;
	[sflag:s21] =	ssyncset.done $0x0  }
0x774: {  	s25 =	simm.s32 $0x8600;
	[sflag:s21] =	ssyncadd.s32 $0xFFFFE000  }
0x775: {  	v35 =	vadd.s32 v0, v33;
	v34 =	vld [tilespmem:s25+$0xFFFFFE00];
	_ =	sdelay $0x4  }
0x776: {  	[tilespmem:v35+s19+$0x0] =	vst.idx.msk $0xffff, v34  }
0x777: {  	v44 =	vadd.s32 v2, v33;
	v34 =	vld [tilespmem:s25+$0xFFFFFE10];
	_ =	sdelay $0x4  }
0x778: {  	[tilespmem:v44+s19+$0x0] =	vst.idx.msk $0xffff, v34  }
0x779: {  	v45 =	vadd.s32 v3, v33;
	v34 =	vld [tilespmem:s25+$0xFFFFFE20];
	_ =	sdelay $0x4  }
0x77a: {  	[tilespmem:v45+s19+$0x0] =	vst.idx.msk $0xffff, v34  }
0x77b: {  	s31 =	simm.s32 $0x1;
	v33 =	vadd.s32 v4, v33;
	v34 =	vld [tilespmem:s25+$0xFFFFFE30]  }
0x77c: {  	v46 =	vmov s31  }
0x77d: {  	v35 =	vshrl.u32 v46, $0x3  }
0x77e: {  	v35 =	vshll.u32 v35, v1  }
0x77f: {  	v35 =	vbroadcast v35, $0x0  }
0x780: {  	[tilespmem:v33+s19+$0x0] =	vst.idx.msk $0xffff, v34  }
0x781: {  	v47 =	vadd.s32 v5, v35;
	v33 =	vld [tilespmem:s25+$0xFFFFFE40];
	_ =	sdelay $0x4  }
0x782: {  	[tilespmem:v47+s19+$0x0] =	vst.idx.msk $0xffff, v33  }
0x783: {  	v48 =	vadd.s32 v6, v35;
	v33 =	vld [tilespmem:s25+$0xFFFFFE50];
	_ =	sdelay $0x4  }
0x784: {  	[tilespmem:v48+s19+$0x0] =	vst.idx.msk $0xffff, v33  }
0x785: {  	v49 =	vadd.s32 v7, v35;
	v33 =	vld [tilespmem:s25+$0xFFFFFE60];
	_ =	sdelay $0x4  }
0x786: {  	[tilespmem:v49+s19+$0x0] =	vst.idx.msk $0xffff, v33  }
0x787: {  	s30 =	simm.s32 $0x2;
	v50 =	vadd.s32 v8, v35;
	v33 =	vld [tilespmem:s25+$0xFFFFFE70]  }
0x788: {  	v51 =	vmov s30  }
0x789: {  	v35 =	vshrl.u32 v51, $0x3  }
0x78a: {  	v35 =	vshll.u32 v35, v1  }
0x78b: {  	v35 =	vbroadcast v35, $0x0  }
0x78c: {  	[tilespmem:v50+s19+$0x0] =	vst.idx.msk $0xffff, v33  }
0x78d: {  	v52 =	vadd.s32 v9, v35;
	v33 =	vld [tilespmem:s25+$0xFFFFFE80];
	_ =	sdelay $0x4  }
0x78e: {  	[tilespmem:v52+s19+$0x0] =	vst.idx.msk $0xffff, v33  }
0x78f: {  	v53 =	vadd.s32 v10, v35;
	v33 =	vld [tilespmem:s25+$0xFFFFFE90];
	_ =	sdelay $0x4  }
0x790: {  	[tilespmem:v53+s19+$0x0] =	vst.idx.msk $0xffff, v33  }
0x791: {  	v54 =	vadd.s32 v11, v35;
	v33 =	vld [tilespmem:s25+$0xFFFFFEA0];
	_ =	sdelay $0x4  }
0x792: {  	[tilespmem:v54+s19+$0x0] =	vst.idx.msk $0xffff, v33  }
0x793: {  	s31 =	simm.s32 $0x3;
	v55 =	vadd.s32 v12, v35;
	v33 =	vld [tilespmem:s25+$0xFFFFFEB0]  }
0x794: {  	v56 =	vmov s31  }
0x795: {  	v35 =	vshrl.u32 v56, $0x3  }
0x796: {  	v35 =	vshll.u32 v35, v1  }
0x797: {  	v35 =	vbroadcast v35, $0x0  }
0x798: {  	[tilespmem:v55+s19+$0x0] =	vst.idx.msk $0xffff, v33  }
0x799: {  	v57 =	vadd.s32 v13, v35;
	v33 =	vld [tilespmem:s25+$0xFFFFFEC0];
	_ =	sdelay $0x4  }
0x79a: {  	[tilespmem:v57+s19+$0x0] =	vst.idx.msk $0xffff, v33  }
0x79b: {  	v58 =	vadd.s32 v14, v35;
	v33 =	vld [tilespmem:s25+$0xFFFFFED0];
	_ =	sdelay $0x4  }
0x79c: {  	[tilespmem:v58+s19+$0x0] =	vst.idx.msk $0xffff, v33  }
0x79d: {  	v59 =	vadd.s32 v15, v35;
	v33 =	vld [tilespmem:s25+$0xFFFFFEE0];
	_ =	sdelay $0x4  }
0x79e: {  	[tilespmem:v59+s19+$0x0] =	vst.idx.msk $0xffff, v33  }
0x79f: {  	s30 =	simm.s32 $0x4;
	v60 =	vadd.s32 v16, v35;
	v33 =	vld [tilespmem:s25+$0xFFFFFEF0]  }
0x7a0: {  	v61 =	vmov s30  }
0x7a1: {  	v35 =	vshrl.u32 v61, $0x3  }
0x7a2: {  	v35 =	vshll.u32 v35, v1  }
0x7a3: {  	v35 =	vbroadcast v35, $0x0  }
0x7a4: {  	[tilespmem:v60+s19+$0x0] =	vst.idx.msk $0xffff, v33  }
0x7a5: {  	v62 =	vadd.s32 v17, v35;
	v33 =	vld [tilespmem:s25+$0xFFFFFF00];
	_ =	sdelay $0x4  }
0x7a6: {  	[tilespmem:v62+s19+$0x0] =	vst.idx.msk $0xffff, v33  }
0x7a7: {  	v63 =	vadd.s32 v18, v35;
	v33 =	vld [tilespmem:s25+$0xFFFFFF10];
	_ =	sdelay $0x4  }
0x7a8: {  	[tilespmem:v63+s19+$0x0] =	vst.idx.msk $0xffff, v33  }
0x7a9: {  	v36 =	vadd.s32 v19, v35;
	v33 =	vld [tilespmem:s25+$0xFFFFFF20];
	_ =	sdelay $0x4  }
0x7aa: {  	[tilespmem:v36+s19+$0x0] =	vst.idx.msk $0xffff, v33  }
0x7ab: {  	s31 =	simm.s32 $0x5;
	v37 =	vadd.s32 v20, v35;
	v33 =	vld [tilespmem:s25+$0xFFFFFF30]  }
0x7ac: {  	v38 =	vmov s31  }
0x7ad: {  	v35 =	vshrl.u32 v38, $0x3  }
0x7ae: {  	v35 =	vshll.u32 v35, v1  }
0x7af: {  	v35 =	vbroadcast v35, $0x0  }
0x7b0: {  	[tilespmem:v37+s19+$0x0] =	vst.idx.msk $0xffff, v33  }
0x7b1: {  	v39 =	vadd.s32 v21, v35;
	v33 =	vld [tilespmem:s25+$0xFFFFFF40];
	_ =	sdelay $0x4  }
0x7b2: {  	[tilespmem:v39+s19+$0x0] =	vst.idx.msk $0xffff, v33  }
0x7b3: {  	v40 =	vadd.s32 v22, v35;
	v33 =	vld [tilespmem:s25+$0xFFFFFF50];
	_ =	sdelay $0x4  }
0x7b4: {  	[tilespmem:v40+s19+$0x0] =	vst.idx.msk $0xffff, v33  }
0x7b5: {  	v41 =	vadd.s32 v23, v35;
	v33 =	vld [tilespmem:s25+$0xFFFFFF60];
	_ =	sdelay $0x4  }
0x7b6: {  	[tilespmem:v41+s19+$0x0] =	vst.idx.msk $0xffff, v33  }
0x7b7: {  	s30 =	simm.s32 $0x6;
	v42 =	vadd.s32 v24, v35;
	v33 =	vld [tilespmem:s25+$0xFFFFFF70]  }
0x7b8: {  	v43 =	vmov s30  }
0x7b9: {  	v35 =	vshrl.u32 v43, $0x3  }
0x7ba: {  	v35 =	vshll.u32 v35, v1  }
0x7bb: {  	v35 =	vbroadcast v35, $0x0  }
0x7bc: {  	[tilespmem:v42+s19+$0x0] =	vst.idx.msk $0xffff, v33  }
0x7bd: {  	v44 =	vadd.s32 v25, v35;
	v33 =	vld [tilespmem:s25+$0xFFFFFF80];
	_ =	sdelay $0x4  }
0x7be: {  	[tilespmem:v44+s19+$0x0] =	vst.idx.msk $0xffff, v33  }
0x7bf: {  	v45 =	vadd.s32 v26, v35;
	v33 =	vld [tilespmem:s25+$0xFFFFFF90];
	_ =	sdelay $0x4  }
0x7c0: {  	[tilespmem:v45+s19+$0x0] =	vst.idx.msk $0xffff, v33  }
0x7c1: {  	v46 =	vadd.s32 v27, v35;
	v33 =	vld [tilespmem:s25+$0xFFFFFFA0];
	_ =	sdelay $0x4  }
0x7c2: {  	[tilespmem:v46+s19+$0x0] =	vst.idx.msk $0xffff, v33  }
0x7c3: {  	s31 =	simm.s32 $0x7;
	v47 =	vadd.s32 v28, v35;
	v33 =	vld [tilespmem:s25+$0xFFFFFFB0]  }
0x7c4: {  	v48 =	vmov s31  }
0x7c5: {  	v35 =	vshrl.u32 v48, $0x3  }
0x7c6: {  	v35 =	vshll.u32 v35, v1  }
0x7c7: {  	v35 =	vbroadcast v35, $0x0  }
0x7c8: {  	[tilespmem:v47+s19+$0x0] =	vst.idx.msk $0xffff, v33  }
0x7c9: {  	v49 =	vadd.s32 v29, v35;
	v33 =	vld [tilespmem:s25+$0xFFFFFFC0];
	_ =	sdelay $0x4  }
0x7ca: {  	[tilespmem:v49+s19+$0x0] =	vst.idx.msk $0xffff, v33  }
0x7cb: {  	v50 =	vadd.s32 v30, v35;
	v33 =	vld [tilespmem:s25+$0xFFFFFFD0];
	_ =	sdelay $0x4  }
0x7cc: {  	[tilespmem:v50+s19+$0x0] =	vst.idx.msk $0xffff, v33  }
0x7cd: {  	v51 =	vadd.s32 v31, v35;
	v33 =	vld [tilespmem:s25+$0xFFFFFFE0];
	_ =	sdelay $0x4  }
0x7ce: {  	[tilespmem:v51+s19+$0x0] =	vst.idx.msk $0xffff, v33  }
0x7cf: {  	s30 =	simm.s32 $0x8;
	v52 =	vadd.s32 v32, v35;
	v33 =	vld [tilespmem:s25+$0xFFFFFFF0]  }
0x7d0: {  	v53 =	vmov s30  }
0x7d1: {  	v35 =	vshrl.u32 v53, $0x3  }
0x7d2: {  	v35 =	vshll.u32 v35, v1  }
0x7d3: {  	v35 =	vbroadcast v35, $0x0  }
0x7d4: {  	[tilespmem:v52+s19+$0x0] =	vst.idx.msk $0xffff, v33  }
0x7d5: {  	v54 =	vadd.s32 v0, v35;
	v33 =	vld [tilespmem:s25+$0x0];
	_ =	sdelay $0x4  }
0x7d6: {  	[tilespmem:v54+s19+$0x0] =	vst.idx.msk $0xffff, v33  }
0x7d7: {  	v55 =	vadd.s32 v2, v35;
	v33 =	vld [tilespmem:s25+$0x10];
	_ =	sdelay $0x4  }
0x7d8: {  	[tilespmem:v55+s19+$0x0] =	vst.idx.msk $0xffff, v33  }
0x7d9: {  	v56 =	vadd.s32 v3, v35;
	v33 =	vld [tilespmem:s25+$0x20];
	_ =	sdelay $0x4  }
0x7da: {  	[tilespmem:v56+s19+$0x0] =	vst.idx.msk $0xffff, v33  }
0x7db: {  	s31 =	simm.s32 $0x9;
	v57 =	vadd.s32 v4, v35;
	v33 =	vld [tilespmem:s25+$0x30]  }
0x7dc: {  	v58 =	vmov s31  }
0x7dd: {  	v35 =	vshrl.u32 v58, $0x3  }
0x7de: {  	v35 =	vshll.u32 v35, v1  }
0x7df: {  	v35 =	vbroadcast v35, $0x0  }
0x7e0: {  	[tilespmem:v57+s19+$0x0] =	vst.idx.msk $0xffff, v33  }
0x7e1: {  	v59 =	vadd.s32 v5, v35;
	v33 =	vld [tilespmem:s25+$0x40];
	_ =	sdelay $0x4  }
0x7e2: {  	[tilespmem:v59+s19+$0x0] =	vst.idx.msk $0xffff, v33  }
0x7e3: {  	v60 =	vadd.s32 v6, v35;
	v33 =	vld [tilespmem:s25+$0x50];
	_ =	sdelay $0x4  }
0x7e4: {  	[tilespmem:v60+s19+$0x0] =	vst.idx.msk $0xffff, v33  }
0x7e5: {  	v61 =	vadd.s32 v7, v35;
	v33 =	vld [tilespmem:s25+$0x60];
	_ =	sdelay $0x4  }
0x7e6: {  	[tilespmem:v61+s19+$0x0] =	vst.idx.msk $0xffff, v33  }
0x7e7: {  	s30 =	simm.s32 $0xA;
	v62 =	vadd.s32 v8, v35;
	v33 =	vld [tilespmem:s25+$0x70]  }
0x7e8: {  	v63 =	vmov s30  }
0x7e9: {  	v35 =	vshrl.u32 v63, $0x3  }
0x7ea: {  	v35 =	vshll.u32 v35, v1  }
0x7eb: {  	v35 =	vbroadcast v35, $0x0  }
0x7ec: {  	[tilespmem:v62+s19+$0x0] =	vst.idx.msk $0xffff, v33  }
0x7ed: {  	v36 =	vadd.s32 v9, v35;
	v33 =	vld [tilespmem:s25+$0x80];
	_ =	sdelay $0x4  }
0x7ee: {  	[tilespmem:v36+s19+$0x0] =	vst.idx.msk $0xffff, v33  }
0x7ef: {  	v37 =	vadd.s32 v10, v35;
	v33 =	vld [tilespmem:s25+$0x90];
	_ =	sdelay $0x4  }
0x7f0: {  	[tilespmem:v37+s19+$0x0] =	vst.idx.msk $0xffff, v33  }
0x7f1: {  	v38 =	vadd.s32 v11, v35;
	v33 =	vld [tilespmem:s25+$0xA0];
	_ =	sdelay $0x4  }
0x7f2: {  	[tilespmem:v38+s19+$0x0] =	vst.idx.msk $0xffff, v33  }
0x7f3: {  	s31 =	simm.s32 $0xB;
	v39 =	vadd.s32 v12, v35;
	v33 =	vld [tilespmem:s25+$0xB0]  }
0x7f4: {  	v40 =	vmov s31  }
0x7f5: {  	v35 =	vshrl.u32 v40, $0x3  }
0x7f6: {  	v35 =	vshll.u32 v35, v1  }
0x7f7: {  	v35 =	vbroadcast v35, $0x0  }
0x7f8: {  	[tilespmem:v39+s19+$0x0] =	vst.idx.msk $0xffff, v33  }
0x7f9: {  	v41 =	vadd.s32 v13, v35;
	v33 =	vld [tilespmem:s25+$0xC0];
	_ =	sdelay $0x4  }
0x7fa: {  	[tilespmem:v41+s19+$0x0] =	vst.idx.msk $0xffff, v33  }
0x7fb: {  	v42 =	vadd.s32 v14, v35;
	v33 =	vld [tilespmem:s25+$0xD0];
	_ =	sdelay $0x4  }
0x7fc: {  	[tilespmem:v42+s19+$0x0] =	vst.idx.msk $0xffff, v33  }
0x7fd: {  	v43 =	vadd.s32 v15, v35;
	v33 =	vld [tilespmem:s25+$0xE0];
	_ =	sdelay $0x4  }
0x7fe: {  	[tilespmem:v43+s19+$0x0] =	vst.idx.msk $0xffff, v33  }
0x7ff: {  	s30 =	simm.s32 $0xC;
	v44 =	vadd.s32 v16, v35;
	v33 =	vld [tilespmem:s25+$0xF0]  }
0x800: {  	v45 =	vmov s30  }
0x801: {  	v35 =	vshrl.u32 v45, $0x3  }
0x802: {  	v35 =	vshll.u32 v35, v1  }
0x803: {  	v35 =	vbroadcast v35, $0x0  }
0x804: {  	[tilespmem:v44+s19+$0x0] =	vst.idx.msk $0xffff, v33  }
0x805: {  	v46 =	vadd.s32 v17, v35;
	v33 =	vld [tilespmem:s25+$0x100];
	_ =	sdelay $0x4  }
0x806: {  	[tilespmem:v46+s19+$0x0] =	vst.idx.msk $0xffff, v33  }
0x807: {  	v47 =	vadd.s32 v18, v35;
	v33 =	vld [tilespmem:s25+$0x110];
	_ =	sdelay $0x4  }
0x808: {  	[tilespmem:v47+s19+$0x0] =	vst.idx.msk $0xffff, v33  }
0x809: {  	v48 =	vadd.s32 v19, v35;
	v33 =	vld [tilespmem:s25+$0x120];
	_ =	sdelay $0x4  }
0x80a: {  	[tilespmem:v48+s19+$0x0] =	vst.idx.msk $0xffff, v33  }
0x80b: {  	s31 =	simm.s32 $0xD;
	v49 =	vadd.s32 v20, v35;
	v33 =	vld [tilespmem:s25+$0x130]  }
0x80c: {  	v50 =	vmov s31  }
0x80d: {  	v35 =	vshrl.u32 v50, $0x3  }
0x80e: {  	v35 =	vshll.u32 v35, v1  }
0x80f: {  	v35 =	vbroadcast v35, $0x0  }
0x810: {  	[tilespmem:v49+s19+$0x0] =	vst.idx.msk $0xffff, v33  }
0x811: {  	v51 =	vadd.s32 v21, v35;
	v33 =	vld [tilespmem:s25+$0x140];
	_ =	sdelay $0x4  }
0x812: {  	[tilespmem:v51+s19+$0x0] =	vst.idx.msk $0xffff, v33  }
0x813: {  	v52 =	vadd.s32 v22, v35;
	v33 =	vld [tilespmem:s25+$0x150];
	_ =	sdelay $0x4  }
0x814: {  	[tilespmem:v52+s19+$0x0] =	vst.idx.msk $0xffff, v33  }
0x815: {  	v53 =	vadd.s32 v23, v35;
	v33 =	vld [tilespmem:s25+$0x160];
	_ =	sdelay $0x4  }
0x816: {  	[tilespmem:v53+s19+$0x0] =	vst.idx.msk $0xffff, v33  }
0x817: {  	s30 =	simm.s32 $0xE;
	v54 =	vadd.s32 v24, v35;
	v33 =	vld [tilespmem:s25+$0x170]  }
0x818: {  	v55 =	vmov s30  }
0x819: {  	v35 =	vshrl.u32 v55, $0x3  }
0x81a: {  	v35 =	vshll.u32 v35, v1  }
0x81b: {  	v35 =	vbroadcast v35, $0x0  }
0x81c: {  	[tilespmem:v54+s19+$0x0] =	vst.idx.msk $0xffff, v33  }
0x81d: {  	v56 =	vadd.s32 v25, v35;
	v33 =	vld [tilespmem:s25+$0x180];
	_ =	sdelay $0x4  }
0x81e: {  	[tilespmem:v56+s19+$0x0] =	vst.idx.msk $0xffff, v33  }
0x81f: {  	v57 =	vadd.s32 v26, v35;
	v33 =	vld [tilespmem:s25+$0x190];
	_ =	sdelay $0x4  }
0x820: {  	[tilespmem:v57+s19+$0x0] =	vst.idx.msk $0xffff, v33  }
0x821: {  	v58 =	vadd.s32 v27, v35;
	v33 =	vld [tilespmem:s25+$0x1A0];
	_ =	sdelay $0x4  }
0x822: {  	[tilespmem:v58+s19+$0x0] =	vst.idx.msk $0xffff, v33  }
0x823: {  	s31 =	simm.s32 $0xF;
	v59 =	vadd.s32 v28, v35;
	v33 =	vld [tilespmem:s25+$0x1B0]  }
0x824: {  	v60 =	vmov s31  }
0x825: {  	v35 =	vshrl.u32 v60, $0x3  }
0x826: {  	v35 =	vshll.u32 v35, v1  }
0x827: {  	v35 =	vbroadcast v35, $0x0  }
0x828: {  	[tilespmem:v59+s19+$0x0] =	vst.idx.msk $0xffff, v33  }
0x829: {  	v61 =	vadd.s32 v29, v35;
	v33 =	vld [tilespmem:s25+$0x1C0];
	_ =	sdelay $0x4  }
0x82a: {  	[tilespmem:v61+s19+$0x0] =	vst.idx.msk $0xffff, v33  }
0x82b: {  	v62 =	vadd.s32 v30, v35;
	v33 =	vld [tilespmem:s25+$0x1D0];
	_ =	sdelay $0x4  }
0x82c: {  	[tilespmem:v62+s19+$0x0] =	vst.idx.msk $0xffff, v33  }
0x82d: {  	v63 =	vadd.s32 v31, v35;
	v33 =	vld [tilespmem:s25+$0x1E0];
	_ =	sdelay $0x4  }
0x82e: {  	[tilespmem:v63+s19+$0x0] =	vst.idx.msk $0xffff, v33  }
0x82f: {  	s26 =	simm.s32 $0x1F;
	s29 =	simm.s32 $0x10;
	s28 =	simm.s32 $0x2F;
	v34 =	vadd.s32 v32, v35;
	v33 =	vld [tilespmem:s25+$0x1F0]  }
.LBB2_15:
0x830: {  	p0 =	sne.s32 s28, $0x7F;
	v35 =	vmov s29  }
0x831: {  	v35 =	vshrl.u32 v35, $0x3  }
0x832: {  	v35 =	vshll.u32 v35, v1  }
0x833: {  	v35 =	vbroadcast v35, $0x0  }
0x834: {  	s25 =	sadd.s32 $0x400, s25;
	[tilespmem:v34+s19+$0x0] =	vst.idx.msk $0xffff, v33  }
0x835: {  	v33 =	vld [tilespmem:s25+$0xFFFFFE00];
	v34 =	vadd.s32 v0, v35;
	_ =	sdelay $0x4  }
0x836: {  	[tilespmem:v34+s19+$0x0] =	vst.idx.msk $0xffff, v33  }
0x837: {  	v34 =	vadd.s32 v2, v35;
	v33 =	vld [tilespmem:s25+$0xFFFFFE10];
	_ =	sdelay $0x4  }
0x838: {  	[tilespmem:v34+s19+$0x0] =	vst.idx.msk $0xffff, v33  }
0x839: {  	v34 =	vadd.s32 v3, v35;
	v33 =	vld [tilespmem:s25+$0xFFFFFE20];
	_ =	sdelay $0x4  }
0x83a: {  	[tilespmem:v34+s19+$0x0] =	vst.idx.msk $0xffff, v33  }
0x83b: {  	s29 =	sadd.s32 $0xFFFFFFF2, s26;
	v34 =	vadd.s32 v4, v35;
	v33 =	vld [tilespmem:s25+$0xFFFFFE30]  }
0x83c: {  	v35 =	vmov s29  }
0x83d: {  	v35 =	vshrl.u32 v35, $0x3  }
0x83e: {  	v35 =	vshll.u32 v35, v1  }
0x83f: {  	v35 =	vbroadcast v35, $0x0  }
0x840: {  	[tilespmem:v34+s19+$0x0] =	vst.idx.msk $0xffff, v33  }
0x841: {  	v34 =	vadd.s32 v5, v35;
	v33 =	vld [tilespmem:s25+$0xFFFFFE40];
	_ =	sdelay $0x4  }
0x842: {  	[tilespmem:v34+s19+$0x0] =	vst.idx.msk $0xffff, v33  }
0x843: {  	v34 =	vadd.s32 v6, v35;
	v33 =	vld [tilespmem:s25+$0xFFFFFE50];
	_ =	sdelay $0x4  }
0x844: {  	[tilespmem:v34+s19+$0x0] =	vst.idx.msk $0xffff, v33  }
0x845: {  	v34 =	vadd.s32 v7, v35;
	v33 =	vld [tilespmem:s25+$0xFFFFFE60];
	_ =	sdelay $0x4  }
0x846: {  	[tilespmem:v34+s19+$0x0] =	vst.idx.msk $0xffff, v33  }
0x847: {  	s29 =	sadd.s32 $0xFFFFFFF3, s26;
	v34 =	vadd.s32 v8, v35;
	v33 =	vld [tilespmem:s25+$0xFFFFFE70]  }
0x848: {  	v35 =	vmov s29  }
0x849: {  	v35 =	vshrl.u32 v35, $0x3  }
0x84a: {  	v35 =	vshll.u32 v35, v1  }
0x84b: {  	v35 =	vbroadcast v35, $0x0  }
0x84c: {  	[tilespmem:v34+s19+$0x0] =	vst.idx.msk $0xffff, v33  }
0x84d: {  	v34 =	vadd.s32 v9, v35;
	v33 =	vld [tilespmem:s25+$0xFFFFFE80];
	_ =	sdelay $0x4  }
0x84e: {  	[tilespmem:v34+s19+$0x0] =	vst.idx.msk $0xffff, v33  }
0x84f: {  	v34 =	vadd.s32 v10, v35;
	v33 =	vld [tilespmem:s25+$0xFFFFFE90];
	_ =	sdelay $0x4  }
0x850: {  	[tilespmem:v34+s19+$0x0] =	vst.idx.msk $0xffff, v33  }
0x851: {  	v34 =	vadd.s32 v11, v35;
	v33 =	vld [tilespmem:s25+$0xFFFFFEA0];
	_ =	sdelay $0x4  }
0x852: {  	[tilespmem:v34+s19+$0x0] =	vst.idx.msk $0xffff, v33  }
0x853: {  	s29 =	sadd.s32 $0xFFFFFFF4, s26;
	v34 =	vadd.s32 v12, v35;
	v33 =	vld [tilespmem:s25+$0xFFFFFEB0]  }
0x854: {  	v35 =	vmov s29  }
0x855: {  	v35 =	vshrl.u32 v35, $0x3  }
0x856: {  	v35 =	vshll.u32 v35, v1  }
0x857: {  	v35 =	vbroadcast v35, $0x0  }
0x858: {  	[tilespmem:v34+s19+$0x0] =	vst.idx.msk $0xffff, v33  }
0x859: {  	v34 =	vadd.s32 v13, v35;
	v33 =	vld [tilespmem:s25+$0xFFFFFEC0];
	_ =	sdelay $0x4  }
0x85a: {  	[tilespmem:v34+s19+$0x0] =	vst.idx.msk $0xffff, v33  }
0x85b: {  	v34 =	vadd.s32 v14, v35;
	v33 =	vld [tilespmem:s25+$0xFFFFFED0];
	_ =	sdelay $0x4  }
0x85c: {  	[tilespmem:v34+s19+$0x0] =	vst.idx.msk $0xffff, v33  }
0x85d: {  	v34 =	vadd.s32 v15, v35;
	v33 =	vld [tilespmem:s25+$0xFFFFFEE0];
	_ =	sdelay $0x4  }
0x85e: {  	[tilespmem:v34+s19+$0x0] =	vst.idx.msk $0xffff, v33  }
0x85f: {  	s29 =	sadd.s32 $0xFFFFFFF5, s26;
	v34 =	vadd.s32 v16, v35;
	v33 =	vld [tilespmem:s25+$0xFFFFFEF0]  }
0x860: {  	v35 =	vmov s29  }
0x861: {  	v35 =	vshrl.u32 v35, $0x3  }
0x862: {  	v35 =	vshll.u32 v35, v1  }
0x863: {  	v35 =	vbroadcast v35, $0x0  }
0x864: {  	[tilespmem:v34+s19+$0x0] =	vst.idx.msk $0xffff, v33  }
0x865: {  	v34 =	vadd.s32 v17, v35;
	v33 =	vld [tilespmem:s25+$0xFFFFFF00];
	_ =	sdelay $0x4  }
0x866: {  	[tilespmem:v34+s19+$0x0] =	vst.idx.msk $0xffff, v33  }
0x867: {  	v34 =	vadd.s32 v18, v35;
	v33 =	vld [tilespmem:s25+$0xFFFFFF10];
	_ =	sdelay $0x4  }
0x868: {  	[tilespmem:v34+s19+$0x0] =	vst.idx.msk $0xffff, v33  }
0x869: {  	v34 =	vadd.s32 v19, v35;
	v33 =	vld [tilespmem:s25+$0xFFFFFF20];
	_ =	sdelay $0x4  }
0x86a: {  	[tilespmem:v34+s19+$0x0] =	vst.idx.msk $0xffff, v33  }
0x86b: {  	s29 =	sadd.s32 $0xFFFFFFF6, s26;
	v34 =	vadd.s32 v20, v35;
	v33 =	vld [tilespmem:s25+$0xFFFFFF30]  }
0x86c: {  	v35 =	vmov s29  }
0x86d: {  	v35 =	vshrl.u32 v35, $0x3  }
0x86e: {  	v35 =	vshll.u32 v35, v1  }
0x86f: {  	v35 =	vbroadcast v35, $0x0  }
0x870: {  	[tilespmem:v34+s19+$0x0] =	vst.idx.msk $0xffff, v33  }
0x871: {  	v34 =	vadd.s32 v21, v35;
	v33 =	vld [tilespmem:s25+$0xFFFFFF40];
	_ =	sdelay $0x4  }
0x872: {  	[tilespmem:v34+s19+$0x0] =	vst.idx.msk $0xffff, v33  }
0x873: {  	v34 =	vadd.s32 v22, v35;
	v33 =	vld [tilespmem:s25+$0xFFFFFF50];
	_ =	sdelay $0x4  }
0x874: {  	[tilespmem:v34+s19+$0x0] =	vst.idx.msk $0xffff, v33  }
0x875: {  	v34 =	vadd.s32 v23, v35;
	v33 =	vld [tilespmem:s25+$0xFFFFFF60];
	_ =	sdelay $0x4  }
0x876: {  	[tilespmem:v34+s19+$0x0] =	vst.idx.msk $0xffff, v33  }
0x877: {  	s29 =	sadd.s32 $0xFFFFFFF7, s26;
	v34 =	vadd.s32 v24, v35;
	v33 =	vld [tilespmem:s25+$0xFFFFFF70]  }
0x878: {  	v35 =	vmov s29  }
0x879: {  	v35 =	vshrl.u32 v35, $0x3  }
0x87a: {  	v35 =	vshll.u32 v35, v1  }
0x87b: {  	v35 =	vbroadcast v35, $0x0  }
0x87c: {  	[tilespmem:v34+s19+$0x0] =	vst.idx.msk $0xffff, v33  }
0x87d: {  	v34 =	vadd.s32 v25, v35;
	v33 =	vld [tilespmem:s25+$0xFFFFFF80];
	_ =	sdelay $0x4  }
0x87e: {  	[tilespmem:v34+s19+$0x0] =	vst.idx.msk $0xffff, v33  }
0x87f: {  	v34 =	vadd.s32 v26, v35;
	v33 =	vld [tilespmem:s25+$0xFFFFFF90];
	_ =	sdelay $0x4  }
0x880: {  	[tilespmem:v34+s19+$0x0] =	vst.idx.msk $0xffff, v33  }
0x881: {  	v34 =	vadd.s32 v27, v35;
	v33 =	vld [tilespmem:s25+$0xFFFFFFA0];
	_ =	sdelay $0x4  }
0x882: {  	[tilespmem:v34+s19+$0x0] =	vst.idx.msk $0xffff, v33  }
0x883: {  	s29 =	sadd.s32 $0xFFFFFFF8, s26;
	v34 =	vadd.s32 v28, v35;
	v33 =	vld [tilespmem:s25+$0xFFFFFFB0]  }
0x884: {  	v35 =	vmov s29  }
0x885: {  	v35 =	vshrl.u32 v35, $0x3  }
0x886: {  	v35 =	vshll.u32 v35, v1  }
0x887: {  	v35 =	vbroadcast v35, $0x0  }
0x888: {  	[tilespmem:v34+s19+$0x0] =	vst.idx.msk $0xffff, v33  }
0x889: {  	v34 =	vadd.s32 v29, v35;
	v33 =	vld [tilespmem:s25+$0xFFFFFFC0];
	_ =	sdelay $0x4  }
0x88a: {  	[tilespmem:v34+s19+$0x0] =	vst.idx.msk $0xffff, v33  }
0x88b: {  	v34 =	vadd.s32 v30, v35;
	v33 =	vld [tilespmem:s25+$0xFFFFFFD0];
	_ =	sdelay $0x4  }
0x88c: {  	[tilespmem:v34+s19+$0x0] =	vst.idx.msk $0xffff, v33  }
0x88d: {  	v34 =	vadd.s32 v31, v35;
	v33 =	vld [tilespmem:s25+$0xFFFFFFE0];
	_ =	sdelay $0x4  }
0x88e: {  	[tilespmem:v34+s19+$0x0] =	vst.idx.msk $0xffff, v33  }
0x88f: {  	s29 =	sadd.s32 $0xFFFFFFF9, s26;
	v34 =	vadd.s32 v32, v35;
	v33 =	vld [tilespmem:s25+$0xFFFFFFF0]  }
0x890: {  	v35 =	vmov s29  }
0x891: {  	v35 =	vshrl.u32 v35, $0x3  }
0x892: {  	v35 =	vshll.u32 v35, v1  }
0x893: {  	v35 =	vbroadcast v35, $0x0  }
0x894: {  	[tilespmem:v34+s19+$0x0] =	vst.idx.msk $0xffff, v33  }
0x895: {  	v34 =	vadd.s32 v0, v35;
	v33 =	vld [tilespmem:s25+$0x0];
	_ =	sdelay $0x4  }
0x896: {  	[tilespmem:v34+s19+$0x0] =	vst.idx.msk $0xffff, v33  }
0x897: {  	v34 =	vadd.s32 v2, v35;
	v33 =	vld [tilespmem:s25+$0x10];
	_ =	sdelay $0x4  }
0x898: {  	[tilespmem:v34+s19+$0x0] =	vst.idx.msk $0xffff, v33  }
0x899: {  	v34 =	vadd.s32 v3, v35;
	v33 =	vld [tilespmem:s25+$0x20];
	_ =	sdelay $0x4  }
0x89a: {  	[tilespmem:v34+s19+$0x0] =	vst.idx.msk $0xffff, v33  }
0x89b: {  	s29 =	sadd.s32 $0xFFFFFFFA, s26;
	v34 =	vadd.s32 v4, v35;
	v33 =	vld [tilespmem:s25+$0x30]  }
0x89c: {  	v35 =	vmov s29  }
0x89d: {  	v35 =	vshrl.u32 v35, $0x3  }
0x89e: {  	v35 =	vshll.u32 v35, v1  }
0x89f: {  	v35 =	vbroadcast v35, $0x0  }
0x8a0: {  	[tilespmem:v34+s19+$0x0] =	vst.idx.msk $0xffff, v33  }
0x8a1: {  	v34 =	vadd.s32 v5, v35;
	v33 =	vld [tilespmem:s25+$0x40];
	_ =	sdelay $0x4  }
0x8a2: {  	[tilespmem:v34+s19+$0x0] =	vst.idx.msk $0xffff, v33  }
0x8a3: {  	v34 =	vadd.s32 v6, v35;
	v33 =	vld [tilespmem:s25+$0x50];
	_ =	sdelay $0x4  }
0x8a4: {  	[tilespmem:v34+s19+$0x0] =	vst.idx.msk $0xffff, v33  }
0x8a5: {  	v34 =	vadd.s32 v7, v35;
	v33 =	vld [tilespmem:s25+$0x60];
	_ =	sdelay $0x4  }
0x8a6: {  	[tilespmem:v34+s19+$0x0] =	vst.idx.msk $0xffff, v33  }
0x8a7: {  	s29 =	sadd.s32 $0xFFFFFFFB, s26;
	v34 =	vadd.s32 v8, v35;
	v33 =	vld [tilespmem:s25+$0x70]  }
0x8a8: {  	v35 =	vmov s29  }
0x8a9: {  	v35 =	vshrl.u32 v35, $0x3  }
0x8aa: {  	v35 =	vshll.u32 v35, v1  }
0x8ab: {  	v35 =	vbroadcast v35, $0x0  }
0x8ac: {  	[tilespmem:v34+s19+$0x0] =	vst.idx.msk $0xffff, v33  }
0x8ad: {  	v34 =	vadd.s32 v9, v35;
	v33 =	vld [tilespmem:s25+$0x80];
	_ =	sdelay $0x4  }
0x8ae: {  	[tilespmem:v34+s19+$0x0] =	vst.idx.msk $0xffff, v33  }
0x8af: {  	v34 =	vadd.s32 v10, v35;
	v33 =	vld [tilespmem:s25+$0x90];
	_ =	sdelay $0x4  }
0x8b0: {  	[tilespmem:v34+s19+$0x0] =	vst.idx.msk $0xffff, v33  }
0x8b1: {  	v34 =	vadd.s32 v11, v35;
	v33 =	vld [tilespmem:s25+$0xA0];
	_ =	sdelay $0x4  }
0x8b2: {  	[tilespmem:v34+s19+$0x0] =	vst.idx.msk $0xffff, v33  }
0x8b3: {  	s29 =	sadd.s32 $0xFFFFFFFC, s26;
	v34 =	vadd.s32 v12, v35;
	v33 =	vld [tilespmem:s25+$0xB0]  }
0x8b4: {  	v35 =	vmov s29  }
0x8b5: {  	v35 =	vshrl.u32 v35, $0x3  }
0x8b6: {  	v35 =	vshll.u32 v35, v1  }
0x8b7: {  	v35 =	vbroadcast v35, $0x0  }
0x8b8: {  	[tilespmem:v34+s19+$0x0] =	vst.idx.msk $0xffff, v33  }
0x8b9: {  	v34 =	vadd.s32 v13, v35;
	v33 =	vld [tilespmem:s25+$0xC0];
	_ =	sdelay $0x4  }
0x8ba: {  	[tilespmem:v34+s19+$0x0] =	vst.idx.msk $0xffff, v33  }
0x8bb: {  	v34 =	vadd.s32 v14, v35;
	v33 =	vld [tilespmem:s25+$0xD0];
	_ =	sdelay $0x4  }
0x8bc: {  	[tilespmem:v34+s19+$0x0] =	vst.idx.msk $0xffff, v33  }
0x8bd: {  	v34 =	vadd.s32 v15, v35;
	v33 =	vld [tilespmem:s25+$0xE0];
	_ =	sdelay $0x4  }
0x8be: {  	[tilespmem:v34+s19+$0x0] =	vst.idx.msk $0xffff, v33  }
0x8bf: {  	s29 =	sadd.s32 $0xFFFFFFFD, s26;
	v34 =	vadd.s32 v16, v35;
	v33 =	vld [tilespmem:s25+$0xF0]  }
0x8c0: {  	v35 =	vmov s29  }
0x8c1: {  	v35 =	vshrl.u32 v35, $0x3  }
0x8c2: {  	v35 =	vshll.u32 v35, v1  }
0x8c3: {  	v35 =	vbroadcast v35, $0x0  }
0x8c4: {  	[tilespmem:v34+s19+$0x0] =	vst.idx.msk $0xffff, v33  }
0x8c5: {  	v34 =	vadd.s32 v17, v35;
	v33 =	vld [tilespmem:s25+$0x100];
	_ =	sdelay $0x4  }
0x8c6: {  	[tilespmem:v34+s19+$0x0] =	vst.idx.msk $0xffff, v33  }
0x8c7: {  	v34 =	vadd.s32 v18, v35;
	v33 =	vld [tilespmem:s25+$0x110];
	_ =	sdelay $0x4  }
0x8c8: {  	[tilespmem:v34+s19+$0x0] =	vst.idx.msk $0xffff, v33  }
0x8c9: {  	v34 =	vadd.s32 v19, v35;
	v33 =	vld [tilespmem:s25+$0x120];
	_ =	sdelay $0x4  }
0x8ca: {  	[tilespmem:v34+s19+$0x0] =	vst.idx.msk $0xffff, v33  }
0x8cb: {  	s29 =	sadd.s32 $0xFFFFFFFE, s26;
	v34 =	vadd.s32 v20, v35;
	v33 =	vld [tilespmem:s25+$0x130]  }
0x8cc: {  	v35 =	vmov s29  }
0x8cd: {  	v35 =	vshrl.u32 v35, $0x3  }
0x8ce: {  	v35 =	vshll.u32 v35, v1  }
0x8cf: {  	v35 =	vbroadcast v35, $0x0  }
0x8d0: {  	[tilespmem:v34+s19+$0x0] =	vst.idx.msk $0xffff, v33  }
0x8d1: {  	v34 =	vadd.s32 v21, v35;
	v33 =	vld [tilespmem:s25+$0x140];
	_ =	sdelay $0x4  }
0x8d2: {  	[tilespmem:v34+s19+$0x0] =	vst.idx.msk $0xffff, v33  }
0x8d3: {  	v34 =	vadd.s32 v22, v35;
	v33 =	vld [tilespmem:s25+$0x150];
	_ =	sdelay $0x4  }
0x8d4: {  	[tilespmem:v34+s19+$0x0] =	vst.idx.msk $0xffff, v33  }
0x8d5: {  	v34 =	vadd.s32 v23, v35;
	v33 =	vld [tilespmem:s25+$0x160];
	_ =	sdelay $0x4  }
0x8d6: {  	[tilespmem:v34+s19+$0x0] =	vst.idx.msk $0xffff, v33  }
0x8d7: {  	s29 =	sadd.s32 $0xFFFFFFFF, s26;
	v34 =	vadd.s32 v24, v35;
	v33 =	vld [tilespmem:s25+$0x170]  }
0x8d8: {  	v35 =	vmov s29  }
0x8d9: {  	v35 =	vshrl.u32 v35, $0x3  }
0x8da: {  	v35 =	vshll.u32 v35, v1  }
0x8db: {  	v35 =	vbroadcast v35, $0x0  }
0x8dc: {  	[tilespmem:v34+s19+$0x0] =	vst.idx.msk $0xffff, v33  }
0x8dd: {  	v34 =	vadd.s32 v25, v35;
	v33 =	vld [tilespmem:s25+$0x180];
	_ =	sdelay $0x4  }
0x8de: {  	[tilespmem:v34+s19+$0x0] =	vst.idx.msk $0xffff, v33  }
0x8df: {  	v34 =	vadd.s32 v26, v35;
	v33 =	vld [tilespmem:s25+$0x190];
	_ =	sdelay $0x4  }
0x8e0: {  	[tilespmem:v34+s19+$0x0] =	vst.idx.msk $0xffff, v33  }
0x8e1: {  	v34 =	vadd.s32 v27, v35;
	v33 =	vld [tilespmem:s25+$0x1A0];
	_ =	sdelay $0x4  }
0x8e2: {  	[tilespmem:v34+s19+$0x0] =	vst.idx.msk $0xffff, v33  }
0x8e3: {  	v34 =	vadd.s32 v28, v35;
	v33 =	vld [tilespmem:s25+$0x1B0]  }
0x8e4: {  	v35 =	vmov s26;
	s26 =	smov.u32 s28  }
0x8e5: {  	v35 =	vshrl.u32 v35, $0x3  }
0x8e6: {  	v35 =	vshll.u32 v35, v1  }
0x8e7: {  	v35 =	vbroadcast v35, $0x0  }
0x8e8: {  	[tilespmem:v34+s19+$0x0] =	vst.idx.msk $0xffff, v33  }
0x8e9: {  	v34 =	vadd.s32 v29, v35;
	v33 =	vld [tilespmem:s25+$0x1C0];
	_ =	sdelay $0x4  }
0x8ea: {  	[tilespmem:v34+s19+$0x0] =	vst.idx.msk $0xffff, v33  }
0x8eb: {  	v34 =	vadd.s32 v30, v35;
	v33 =	vld [tilespmem:s25+$0x1D0];
	_ =	sdelay $0x4  }
0x8ec: {  	[tilespmem:v34+s19+$0x0] =	vst.idx.msk $0xffff, v33  }
0x8ed: {  	v34 =	vadd.s32 v31, v35;
	v33 =	vld [tilespmem:s25+$0x1E0];
	_ =	sdelay $0x1  }
.Ltmp6:
0x8ee: {  	(pc) =	sbr.rel @p0 .LBB2_15-.Ltmp6, $3  }
0x8ef: {  	_ =	sdelay $0x1  }
0x8f0: {  	[tilespmem:v34+s19+$0x0] =	vst.idx.msk $0xffff, v33  }
0x8f1: {  	s28 =	sadd.s32 $0x10, s28;
	s29 =	sadd.s32 $0xFFFFFFF1, s26;
	v34 =	vadd.s32 v32, v35;
	v33 =	vld [tilespmem:s25+$0x1F0]  }
0x8f2: {  	v35 =	vmov s29  }
0x8f3: {  	v35 =	vshrl.u32 v35, $0x3  }
0x8f4: {  	v35 =	vshll.u32 v35, v1  }
0x8f5: {  	v35 =	vbroadcast v35, $0x0  }
0x8f6: {  	s25 =	sadd.s32 $0x400, s25;
	[tilespmem:v34+s19+$0x0] =	vst.idx.msk $0xffff, v33  }
0x8f7: {  	v33 =	vld [tilespmem:s25+$0xFFFFFE00];
	v41 =	vadd.s32 v0, v35;
	_ =	sdelay $0x4  }
0x8f8: {  	[tilespmem:v41+s19+$0x0] =	vst.idx.msk $0xffff, v33  }
0x8f9: {  	v42 =	vadd.s32 v2, v35;
	v33 =	vld [tilespmem:s25+$0xFFFFFE10];
	_ =	sdelay $0x4  }
0x8fa: {  	[tilespmem:v42+s19+$0x0] =	vst.idx.msk $0xffff, v33  }
0x8fb: {  	v43 =	vadd.s32 v3, v35;
	v33 =	vld [tilespmem:s25+$0xFFFFFE20];
	_ =	sdelay $0x4  }
0x8fc: {  	[tilespmem:v43+s19+$0x0] =	vst.idx.msk $0xffff, v33  }
0x8fd: {  	s28 =	sadd.s32 $0xFFFFFFF2, s26;
	v44 =	vadd.s32 v4, v35;
	v33 =	vld [tilespmem:s25+$0xFFFFFE30]  }
0x8fe: {  	v45 =	vmov s28  }
0x8ff: {  	v35 =	vshrl.u32 v45, $0x3  }
0x900: {  	v35 =	vshll.u32 v35, v1  }
0x901: {  	v35 =	vbroadcast v35, $0x0  }
0x902: {  	[tilespmem:v44+s19+$0x0] =	vst.idx.msk $0xffff, v33  }
0x903: {  	v46 =	vadd.s32 v5, v35;
	v33 =	vld [tilespmem:s25+$0xFFFFFE40];
	_ =	sdelay $0x4  }
0x904: {  	[tilespmem:v46+s19+$0x0] =	vst.idx.msk $0xffff, v33  }
0x905: {  	v47 =	vadd.s32 v6, v35;
	v33 =	vld [tilespmem:s25+$0xFFFFFE50];
	_ =	sdelay $0x4  }
0x906: {  	[tilespmem:v47+s19+$0x0] =	vst.idx.msk $0xffff, v33  }
0x907: {  	v48 =	vadd.s32 v7, v35;
	v33 =	vld [tilespmem:s25+$0xFFFFFE60];
	_ =	sdelay $0x4  }
0x908: {  	[tilespmem:v48+s19+$0x0] =	vst.idx.msk $0xffff, v33  }
0x909: {  	s28 =	sadd.s32 $0xFFFFFFF3, s26;
	v49 =	vadd.s32 v8, v35;
	v33 =	vld [tilespmem:s25+$0xFFFFFE70]  }
0x90a: {  	v50 =	vmov s28  }
0x90b: {  	v35 =	vshrl.u32 v50, $0x3  }
0x90c: {  	v35 =	vshll.u32 v35, v1  }
0x90d: {  	v35 =	vbroadcast v35, $0x0  }
0x90e: {  	[tilespmem:v49+s19+$0x0] =	vst.idx.msk $0xffff, v33  }
0x90f: {  	v51 =	vadd.s32 v9, v35;
	v33 =	vld [tilespmem:s25+$0xFFFFFE80];
	_ =	sdelay $0x4  }
0x910: {  	[tilespmem:v51+s19+$0x0] =	vst.idx.msk $0xffff, v33  }
0x911: {  	v52 =	vadd.s32 v10, v35;
	v33 =	vld [tilespmem:s25+$0xFFFFFE90];
	_ =	sdelay $0x4  }
0x912: {  	[tilespmem:v52+s19+$0x0] =	vst.idx.msk $0xffff, v33  }
0x913: {  	v53 =	vadd.s32 v11, v35;
	v33 =	vld [tilespmem:s25+$0xFFFFFEA0];
	_ =	sdelay $0x4  }
0x914: {  	[tilespmem:v53+s19+$0x0] =	vst.idx.msk $0xffff, v33  }
0x915: {  	s28 =	sadd.s32 $0xFFFFFFF4, s26;
	v54 =	vadd.s32 v12, v35;
	v33 =	vld [tilespmem:s25+$0xFFFFFEB0]  }
0x916: {  	v55 =	vmov s28  }
0x917: {  	v35 =	vshrl.u32 v55, $0x3  }
0x918: {  	v35 =	vshll.u32 v35, v1  }
0x919: {  	v35 =	vbroadcast v35, $0x0  }
0x91a: {  	[tilespmem:v54+s19+$0x0] =	vst.idx.msk $0xffff, v33  }
0x91b: {  	v56 =	vadd.s32 v13, v35;
	v33 =	vld [tilespmem:s25+$0xFFFFFEC0];
	_ =	sdelay $0x4  }
0x91c: {  	[tilespmem:v56+s19+$0x0] =	vst.idx.msk $0xffff, v33  }
0x91d: {  	v57 =	vadd.s32 v14, v35;
	v33 =	vld [tilespmem:s25+$0xFFFFFED0];
	_ =	sdelay $0x4  }
0x91e: {  	[tilespmem:v57+s19+$0x0] =	vst.idx.msk $0xffff, v33  }
0x91f: {  	v58 =	vadd.s32 v15, v35;
	v33 =	vld [tilespmem:s25+$0xFFFFFEE0];
	_ =	sdelay $0x4  }
0x920: {  	[tilespmem:v58+s19+$0x0] =	vst.idx.msk $0xffff, v33  }
0x921: {  	s28 =	sadd.s32 $0xFFFFFFF5, s26;
	v59 =	vadd.s32 v16, v35;
	v33 =	vld [tilespmem:s25+$0xFFFFFEF0]  }
0x922: {  	v60 =	vmov s28  }
0x923: {  	v35 =	vshrl.u32 v60, $0x3  }
0x924: {  	v35 =	vshll.u32 v35, v1  }
0x925: {  	v35 =	vbroadcast v35, $0x0  }
0x926: {  	[tilespmem:v59+s19+$0x0] =	vst.idx.msk $0xffff, v33  }
0x927: {  	v61 =	vadd.s32 v17, v35;
	v33 =	vld [tilespmem:s25+$0xFFFFFF00];
	_ =	sdelay $0x4  }
0x928: {  	[tilespmem:v61+s19+$0x0] =	vst.idx.msk $0xffff, v33  }
0x929: {  	v62 =	vadd.s32 v18, v35;
	v33 =	vld [tilespmem:s25+$0xFFFFFF10];
	_ =	sdelay $0x4  }
0x92a: {  	[tilespmem:v62+s19+$0x0] =	vst.idx.msk $0xffff, v33  }
0x92b: {  	v63 =	vadd.s32 v19, v35;
	v33 =	vld [tilespmem:s25+$0xFFFFFF20];
	_ =	sdelay $0x4  }
0x92c: {  	[tilespmem:v63+s19+$0x0] =	vst.idx.msk $0xffff, v33  }
0x92d: {  	s28 =	sadd.s32 $0xFFFFFFF6, s26;
	v36 =	vadd.s32 v20, v35;
	v33 =	vld [tilespmem:s25+$0xFFFFFF30]  }
0x92e: {  	v37 =	vmov s28  }
0x92f: {  	v35 =	vshrl.u32 v37, $0x3  }
0x930: {  	v35 =	vshll.u32 v35, v1  }
0x931: {  	v35 =	vbroadcast v35, $0x0  }
0x932: {  	[tilespmem:v36+s19+$0x0] =	vst.idx.msk $0xffff, v33  }
0x933: {  	v38 =	vadd.s32 v21, v35;
	v33 =	vld [tilespmem:s25+$0xFFFFFF40];
	_ =	sdelay $0x4  }
0x934: {  	[tilespmem:v38+s19+$0x0] =	vst.idx.msk $0xffff, v33  }
0x935: {  	v39 =	vadd.s32 v22, v35;
	v33 =	vld [tilespmem:s25+$0xFFFFFF50];
	_ =	sdelay $0x4  }
0x936: {  	[tilespmem:v39+s19+$0x0] =	vst.idx.msk $0xffff, v33  }
0x937: {  	v40 =	vadd.s32 v23, v35;
	v33 =	vld [tilespmem:s25+$0xFFFFFF60];
	_ =	sdelay $0x4  }
0x938: {  	[tilespmem:v40+s19+$0x0] =	vst.idx.msk $0xffff, v33  }
0x939: {  	s28 =	sadd.s32 $0xFFFFFFF7, s26;
	v41 =	vadd.s32 v24, v35;
	v33 =	vld [tilespmem:s25+$0xFFFFFF70]  }
0x93a: {  	v42 =	vmov s28  }
0x93b: {  	v35 =	vshrl.u32 v42, $0x3  }
0x93c: {  	v35 =	vshll.u32 v35, v1  }
0x93d: {  	v35 =	vbroadcast v35, $0x0  }
0x93e: {  	[tilespmem:v41+s19+$0x0] =	vst.idx.msk $0xffff, v33  }
0x93f: {  	v43 =	vadd.s32 v25, v35;
	v33 =	vld [tilespmem:s25+$0xFFFFFF80];
	_ =	sdelay $0x4  }
0x940: {  	[tilespmem:v43+s19+$0x0] =	vst.idx.msk $0xffff, v33  }
0x941: {  	v44 =	vadd.s32 v26, v35;
	v33 =	vld [tilespmem:s25+$0xFFFFFF90];
	_ =	sdelay $0x4  }
0x942: {  	[tilespmem:v44+s19+$0x0] =	vst.idx.msk $0xffff, v33  }
0x943: {  	v45 =	vadd.s32 v27, v35;
	v33 =	vld [tilespmem:s25+$0xFFFFFFA0];
	_ =	sdelay $0x4  }
0x944: {  	[tilespmem:v45+s19+$0x0] =	vst.idx.msk $0xffff, v33  }
0x945: {  	s28 =	sadd.s32 $0xFFFFFFF8, s26;
	v46 =	vadd.s32 v28, v35;
	v33 =	vld [tilespmem:s25+$0xFFFFFFB0]  }
0x946: {  	v47 =	vmov s28  }
0x947: {  	v35 =	vshrl.u32 v47, $0x3  }
0x948: {  	v35 =	vshll.u32 v35, v1  }
0x949: {  	v35 =	vbroadcast v35, $0x0  }
0x94a: {  	[tilespmem:v46+s19+$0x0] =	vst.idx.msk $0xffff, v33  }
0x94b: {  	v48 =	vadd.s32 v29, v35;
	v33 =	vld [tilespmem:s25+$0xFFFFFFC0];
	_ =	sdelay $0x4  }
0x94c: {  	[tilespmem:v48+s19+$0x0] =	vst.idx.msk $0xffff, v33  }
0x94d: {  	v49 =	vadd.s32 v30, v35;
	v33 =	vld [tilespmem:s25+$0xFFFFFFD0];
	_ =	sdelay $0x4  }
0x94e: {  	[tilespmem:v49+s19+$0x0] =	vst.idx.msk $0xffff, v33  }
0x94f: {  	v50 =	vadd.s32 v31, v35;
	v33 =	vld [tilespmem:s25+$0xFFFFFFE0];
	_ =	sdelay $0x4  }
0x950: {  	[tilespmem:v50+s19+$0x0] =	vst.idx.msk $0xffff, v33  }
0x951: {  	s28 =	sadd.s32 $0xFFFFFFF9, s26;
	v51 =	vadd.s32 v32, v35;
	v33 =	vld [tilespmem:s25+$0xFFFFFFF0]  }
0x952: {  	v52 =	vmov s28  }
0x953: {  	v35 =	vshrl.u32 v52, $0x3  }
0x954: {  	v35 =	vshll.u32 v35, v1  }
0x955: {  	v35 =	vbroadcast v35, $0x0  }
0x956: {  	[tilespmem:v51+s19+$0x0] =	vst.idx.msk $0xffff, v33  }
0x957: {  	v53 =	vadd.s32 v0, v35;
	v33 =	vld [tilespmem:s25+$0x0];
	_ =	sdelay $0x4  }
0x958: {  	[tilespmem:v53+s19+$0x0] =	vst.idx.msk $0xffff, v33  }
0x959: {  	v54 =	vadd.s32 v2, v35;
	v33 =	vld [tilespmem:s25+$0x10];
	_ =	sdelay $0x4  }
0x95a: {  	[tilespmem:v54+s19+$0x0] =	vst.idx.msk $0xffff, v33  }
0x95b: {  	v55 =	vadd.s32 v3, v35;
	v33 =	vld [tilespmem:s25+$0x20];
	_ =	sdelay $0x4  }
0x95c: {  	[tilespmem:v55+s19+$0x0] =	vst.idx.msk $0xffff, v33  }
0x95d: {  	s28 =	sadd.s32 $0xFFFFFFFA, s26;
	v56 =	vadd.s32 v4, v35;
	v33 =	vld [tilespmem:s25+$0x30]  }
0x95e: {  	v57 =	vmov s28  }
0x95f: {  	v35 =	vshrl.u32 v57, $0x3  }
0x960: {  	v35 =	vshll.u32 v35, v1  }
0x961: {  	v35 =	vbroadcast v35, $0x0  }
0x962: {  	[tilespmem:v56+s19+$0x0] =	vst.idx.msk $0xffff, v33  }
0x963: {  	v58 =	vadd.s32 v5, v35;
	v33 =	vld [tilespmem:s25+$0x40];
	_ =	sdelay $0x4  }
0x964: {  	[tilespmem:v58+s19+$0x0] =	vst.idx.msk $0xffff, v33  }
0x965: {  	v59 =	vadd.s32 v6, v35;
	v33 =	vld [tilespmem:s25+$0x50];
	_ =	sdelay $0x4  }
0x966: {  	[tilespmem:v59+s19+$0x0] =	vst.idx.msk $0xffff, v33  }
0x967: {  	v60 =	vadd.s32 v7, v35;
	v33 =	vld [tilespmem:s25+$0x60];
	_ =	sdelay $0x4  }
0x968: {  	[tilespmem:v60+s19+$0x0] =	vst.idx.msk $0xffff, v33  }
0x969: {  	s28 =	sadd.s32 $0xFFFFFFFB, s26;
	v61 =	vadd.s32 v8, v35;
	v33 =	vld [tilespmem:s25+$0x70]  }
0x96a: {  	v62 =	vmov s28  }
0x96b: {  	v35 =	vshrl.u32 v62, $0x3  }
0x96c: {  	v35 =	vshll.u32 v35, v1  }
0x96d: {  	v35 =	vbroadcast v35, $0x0  }
0x96e: {  	[tilespmem:v61+s19+$0x0] =	vst.idx.msk $0xffff, v33  }
0x96f: {  	v63 =	vadd.s32 v9, v35;
	v33 =	vld [tilespmem:s25+$0x80];
	_ =	sdelay $0x4  }
0x970: {  	[tilespmem:v63+s19+$0x0] =	vst.idx.msk $0xffff, v33  }
0x971: {  	v36 =	vadd.s32 v10, v35;
	v33 =	vld [tilespmem:s25+$0x90];
	_ =	sdelay $0x4  }
0x972: {  	[tilespmem:v36+s19+$0x0] =	vst.idx.msk $0xffff, v33  }
0x973: {  	v37 =	vadd.s32 v11, v35;
	v33 =	vld [tilespmem:s25+$0xA0];
	_ =	sdelay $0x4  }
0x974: {  	[tilespmem:v37+s19+$0x0] =	vst.idx.msk $0xffff, v33  }
0x975: {  	s28 =	sadd.s32 $0xFFFFFFFC, s26;
	v38 =	vadd.s32 v12, v35;
	v33 =	vld [tilespmem:s25+$0xB0]  }
0x976: {  	v39 =	vmov s28  }
0x977: {  	v35 =	vshrl.u32 v39, $0x3  }
0x978: {  	v35 =	vshll.u32 v35, v1  }
0x979: {  	v35 =	vbroadcast v35, $0x0  }
0x97a: {  	[tilespmem:v38+s19+$0x0] =	vst.idx.msk $0xffff, v33  }
0x97b: {  	v40 =	vadd.s32 v13, v35;
	v33 =	vld [tilespmem:s25+$0xC0];
	_ =	sdelay $0x4  }
0x97c: {  	[tilespmem:v40+s19+$0x0] =	vst.idx.msk $0xffff, v33  }
0x97d: {  	v41 =	vadd.s32 v14, v35;
	v33 =	vld [tilespmem:s25+$0xD0];
	_ =	sdelay $0x4  }
0x97e: {  	[tilespmem:v41+s19+$0x0] =	vst.idx.msk $0xffff, v33  }
0x97f: {  	v42 =	vadd.s32 v15, v35;
	v33 =	vld [tilespmem:s25+$0xE0];
	_ =	sdelay $0x4  }
0x980: {  	[tilespmem:v42+s19+$0x0] =	vst.idx.msk $0xffff, v33  }
0x981: {  	s28 =	sadd.s32 $0xFFFFFFFD, s26;
	v43 =	vadd.s32 v16, v35;
	v33 =	vld [tilespmem:s25+$0xF0]  }
0x982: {  	v44 =	vmov s28  }
0x983: {  	v35 =	vshrl.u32 v44, $0x3  }
0x984: {  	v35 =	vshll.u32 v35, v1  }
0x985: {  	v35 =	vbroadcast v35, $0x0  }
0x986: {  	[tilespmem:v43+s19+$0x0] =	vst.idx.msk $0xffff, v33  }
0x987: {  	v45 =	vadd.s32 v17, v35;
	v33 =	vld [tilespmem:s25+$0x100];
	_ =	sdelay $0x4  }
0x988: {  	[tilespmem:v45+s19+$0x0] =	vst.idx.msk $0xffff, v33  }
0x989: {  	v46 =	vadd.s32 v18, v35;
	v33 =	vld [tilespmem:s25+$0x110];
	_ =	sdelay $0x4  }
0x98a: {  	[tilespmem:v46+s19+$0x0] =	vst.idx.msk $0xffff, v33  }
0x98b: {  	v47 =	vadd.s32 v19, v35;
	v33 =	vld [tilespmem:s25+$0x120];
	_ =	sdelay $0x4  }
0x98c: {  	[tilespmem:v47+s19+$0x0] =	vst.idx.msk $0xffff, v33  }
0x98d: {  	s28 =	sadd.s32 $0xFFFFFFFE, s26;
	v48 =	vadd.s32 v20, v35;
	v33 =	vld [tilespmem:s25+$0x130]  }
0x98e: {  	v49 =	vmov s28  }
0x98f: {  	v35 =	vshrl.u32 v49, $0x3  }
0x990: {  	v35 =	vshll.u32 v35, v1  }
0x991: {  	v35 =	vbroadcast v35, $0x0  }
0x992: {  	[tilespmem:v48+s19+$0x0] =	vst.idx.msk $0xffff, v33  }
0x993: {  	v50 =	vadd.s32 v21, v35;
	v33 =	vld [tilespmem:s25+$0x140];
	_ =	sdelay $0x4  }
0x994: {  	[tilespmem:v50+s19+$0x0] =	vst.idx.msk $0xffff, v33  }
0x995: {  	v51 =	vadd.s32 v22, v35;
	v33 =	vld [tilespmem:s25+$0x150];
	_ =	sdelay $0x4  }
0x996: {  	[tilespmem:v51+s19+$0x0] =	vst.idx.msk $0xffff, v33  }
0x997: {  	v52 =	vadd.s32 v23, v35;
	v33 =	vld [tilespmem:s25+$0x160];
	_ =	sdelay $0x4  }
0x998: {  	[tilespmem:v52+s19+$0x0] =	vst.idx.msk $0xffff, v33  }
0x999: {  	s28 =	sadd.s32 $0xFFFFFFFF, s26;
	v53 =	vadd.s32 v24, v35;
	v33 =	vld [tilespmem:s25+$0x170]  }
0x99a: {  	v54 =	vmov s28  }
0x99b: {  	v35 =	vshrl.u32 v54, $0x3  }
0x99c: {  	v35 =	vshll.u32 v35, v1  }
0x99d: {  	v35 =	vbroadcast v35, $0x0  }
0x99e: {  	[tilespmem:v53+s19+$0x0] =	vst.idx.msk $0xffff, v33  }
0x99f: {  	v55 =	vadd.s32 v25, v35;
	v33 =	vld [tilespmem:s25+$0x180];
	_ =	sdelay $0x4  }
0x9a0: {  	[tilespmem:v55+s19+$0x0] =	vst.idx.msk $0xffff, v33  }
0x9a1: {  	v56 =	vadd.s32 v26, v35;
	v33 =	vld [tilespmem:s25+$0x190];
	_ =	sdelay $0x4  }
0x9a2: {  	[tilespmem:v56+s19+$0x0] =	vst.idx.msk $0xffff, v33  }
0x9a3: {  	v57 =	vadd.s32 v27, v35;
	v33 =	vld [tilespmem:s25+$0x1A0];
	_ =	sdelay $0x4  }
0x9a4: {  	[tilespmem:v57+s19+$0x0] =	vst.idx.msk $0xffff, v33  }
0x9a5: {  	v58 =	vadd.s32 v28, v35;
	v33 =	vld [tilespmem:s25+$0x1B0]  }
0x9a6: {  	v59 =	vmov s26  }
0x9a7: {  	v35 =	vshrl.u32 v59, $0x3  }
0x9a8: {  	v35 =	vshll.u32 v35, v1  }
0x9a9: {  	v35 =	vbroadcast v35, $0x0  }
0x9aa: {  	[tilespmem:v58+s19+$0x0] =	vst.idx.msk $0xffff, v33  }
0x9ab: {  	v60 =	vadd.s32 v29, v35;
	v33 =	vld [tilespmem:s25+$0x1C0];
	_ =	sdelay $0x4  }
0x9ac: {  	[tilespmem:v60+s19+$0x0] =	vst.idx.msk $0xffff, v33  }
0x9ad: {  	v61 =	vadd.s32 v30, v35;
	v33 =	vld [tilespmem:s25+$0x1D0];
	_ =	sdelay $0x4  }
0x9ae: {  	[tilespmem:v61+s19+$0x0] =	vst.idx.msk $0xffff, v33  }
0x9af: {  	v62 =	vadd.s32 v31, v35;
	v33 =	vld [tilespmem:s25+$0x1E0];
	_ =	sdelay $0x4  }
0x9b0: {  	[tilespmem:v62+s19+$0x0] =	vst.idx.msk $0xffff, v33  }
0x9b1: {  	v63 =	vadd.s32 v32, v35;
	v33 =	vld [tilespmem:s25+$0x1F0];
	_ =	sdelay $0x1  }
0x9b2: {  	s24 =	sshll.u32 s24, $0x12  }
0x9b3: {  	s24 =	sor.u32 s6, s24  }
0x9b4: {  	s24 =	sshrl.u32 s24, $0x3  }
0x9b5: {  	s26 =	simm.s32 $0xC600;
	s25 =	sadd.s32 s2, s24;
	[tilespmem:v63+s19+$0x0] =	vst.idx.msk $0xffff, v33  }
0x9b6: {  	[hbm4b:s25+s3] =	stream.linear.scatter [tilespmem:s26], [sflag:$0x4], $0x80, $0x38;
	[tilespmem:$0xE800] =	vst v63  }
0x9b7: {  	s30 =	simm.s32 $0xC688;
	s31 =	sadd.s32 $0x10, s25  }
0x9b8: {  	[hbm4b:s31+s3] =	stream.linear.scatter [tilespmem:s30], [sflag:$0x4], $0x80, $0x38;
	[tilespmem:$0xE800] =	vst v63  }
0x9b9: {  	s28 =	simm.s32 $0xC9B8;
	s30 =	simm.s32 $0xC710;
	s31 =	sadd.s32 $0x20, s25  }
0x9ba: {  	[hbm4b:s31+s3] =	stream.linear.scatter [tilespmem:s30], [sflag:$0x4], $0x80, $0x38;
	[tilespmem:$0xE800] =	vst v63  }
0x9bb: {  	s24 =	simm.s32 $0x440;
	s30 =	simm.s32 $0xC798;
	s31 =	sadd.s32 $0x30, s25  }
0x9bc: {  	[hbm4b:s31+s3] =	stream.linear.scatter [tilespmem:s30], [sflag:$0x4], $0x80, $0x38;
	[tilespmem:$0xE800] =	vst v63  }
0x9bd: {  	s29 =	sadd.s32 $0x70, s25;
	s30 =	simm.s32 $0xC820;
	s31 =	sadd.s32 $0x40, s25  }
0x9be: {  	[hbm4b:s31+s3] =	stream.linear.scatter [tilespmem:s30], [sflag:$0x4], $0x80, $0x38;
	[tilespmem:$0xE800] =	vst v63  }
0x9bf: {  	s26 =	simm.s32 $0x2200;
	s30 =	simm.s32 $0xC8A8;
	s31 =	sadd.s32 $0x50, s25  }
0x9c0: {  	[hbm4b:s31+s3] =	stream.linear.scatter [tilespmem:s30], [sflag:$0x4], $0x80, $0x38;
	[tilespmem:$0xE800] =	vst v63  }
0x9c1: {  	s30 =	simm.s32 $0xC930;
	s31 =	sadd.s32 $0x60, s25;
	s25 =	sadd.s32 $0x1000, s25  }
0x9c2: {  	[hbm4b:s31+s3] =	stream.linear.scatter [tilespmem:s30], [sflag:$0x4], $0x80, $0x38;
	[tilespmem:$0xE800] =	vst v63  }
.LBB2_17:
0x9c3: {  	[hbm4b:s29+s3] =	stream.linear.scatter [tilespmem:s28], [sflag:$0x4], $0x80, $0x38;
	[tilespmem:$0xE800] =	vst v63  }
0x9c4: {  	s28 =	smov.u32 s24;
	s24 =	smov.u32 s26  }
0x9c5: {  	s30 =	sadd.s32 $0x1100, s26;
	s24 =	sshra.s32 s24, $0x2;
	s29 =	sadd.s32 $0xC600, s28  }
0x9c6: {  	[hbm4b:s25+s3] =	stream.linear.scatter [tilespmem:s29], [sflag:$0x4], $0x80, $0x38;
	[tilespmem:$0xE800] =	vst v63  }
0x9c7: {  	p0 =	sne.s32 s26, $0x7700;
	s26 =	sadd.s32 $0xC688, s28;
	s29 =	sadd.s32 $0x10, s25  }
0x9c8: {  	[hbm4b:s29+s3] =	stream.linear.scatter [tilespmem:s26], [sflag:$0x4], $0x80, $0x38;
	[tilespmem:$0xE800] =	vst v63  }
0x9c9: {  	s26 =	sadd.s32 $0xC710, s28;
	s29 =	sadd.s32 $0x20, s25  }
0x9ca: {  	[hbm4b:s29+s3] =	stream.linear.scatter [tilespmem:s26], [sflag:$0x4], $0x80, $0x38;
	[tilespmem:$0xE800] =	vst v63  }
0x9cb: {  	s26 =	sadd.s32 $0xC798, s28;
	s29 =	sadd.s32 $0x30, s25  }
0x9cc: {  	[hbm4b:s29+s3] =	stream.linear.scatter [tilespmem:s26], [sflag:$0x4], $0x80, $0x38;
	[tilespmem:$0xE800] =	vst v63  }
0x9cd: {  	s26 =	sadd.s32 $0xC820, s28;
	s29 =	sadd.s32 $0x40, s25  }
0x9ce: {  	[hbm4b:s29+s3] =	stream.linear.scatter [tilespmem:s26], [sflag:$0x4], $0x80, $0x38;
	[tilespmem:$0xE800] =	vst v63  }
.Ltmp7:
0x9cf: {  	s26 =	sadd.s32 $0xC8A8, s28;
	s29 =	sadd.s32 $0x50, s25;
	(pc) =	sbr.rel @p0 .LBB2_17-.Ltmp7, $4  }
0x9d0: {  	[hbm4b:s29+s3] =	stream.linear.scatter [tilespmem:s26], [sflag:$0x4], $0x80, $0x38;
	[tilespmem:$0xE800] =	vst v63  }
0x9d1: {  	s26 =	sadd.s32 $0xC930, s28;
	s29 =	sadd.s32 $0x60, s25;
	s28 =	sadd.s32 $0xC9B8, s28  }
0x9d2: {  	[hbm4b:s29+s3] =	stream.linear.scatter [tilespmem:s26], [sflag:$0x4], $0x80, $0x38;
	[tilespmem:$0xE800] =	vst v63  }
0x9d3: {  	s29 =	sadd.s32 $0x70, s25;
	s25 =	sadd.s32 $0x1000, s25;
	s26 =	smov.u32 s30  }
0x9d4: {  	[hbm4b:s29+s3] =	stream.linear.scatter [tilespmem:s28], [sflag:$0x4], $0x80, $0x38;
	[tilespmem:$0xE800] =	vst v63  }
0x9d5: {  	s26 =	sadd.s32 $0xC600, s24  }
0x9d6: {  	[hbm4b:s25+s3] =	stream.linear.scatter [tilespmem:s26], [sflag:$0x4], $0x80, $0x38;
	[tilespmem:$0xE800] =	vst v63  }
0x9d7: {  	s30 =	sadd.s32 $0xC688, s24;
	s31 =	sadd.s32 $0x10, s25  }
0x9d8: {  	[hbm4b:s31+s3] =	stream.linear.scatter [tilespmem:s30], [sflag:$0x4], $0x80, $0x38;
	[tilespmem:$0xE800] =	vst v63  }
0x9d9: {  	s29 =	sadd.s32 $0xC710, s24;
	s30 =	sadd.s32 $0x20, s25  }
0x9da: {  	[hbm4b:s30+s3] =	stream.linear.scatter [tilespmem:s29], [sflag:$0x4], $0x80, $0x38;
	[tilespmem:$0xE800] =	vst v63  }
0x9db: {  	s31 =	sadd.s32 $0xC798, s24;
	s29 =	sadd.s32 $0x30, s25  }
0x9dc: {  	[hbm4b:s29+s3] =	stream.linear.scatter [tilespmem:s31], [sflag:$0x4], $0x80, $0x38;
	[tilespmem:$0xE800] =	vst v63  }
0x9dd: {  	s23 =	sadd.s32 $0x1, s23;
	s30 =	sadd.s32 $0xC820, s24;
	s31 =	sadd.s32 $0x40, s25  }
0x9de: {  	[hbm4b:s31+s3] =	stream.linear.scatter [tilespmem:s30], [sflag:$0x4], $0x80, $0x38;
	[tilespmem:$0xE800] =	vst v63  }
0x9df: {  	p0 =	sne.s32 s23, $0x64;
	s29 =	sadd.s32 $0xC8A8, s24;
	s30 =	sadd.s32 $0x50, s25  }
0x9e0: {  	[hbm4b:s30+s3] =	stream.linear.scatter [tilespmem:s29], [sflag:$0x4], $0x80, $0x38;
	[tilespmem:$0xE800] =	vst v63  }
.Ltmp8:
0x9e1: {  	_ = 	snop;
	(pc) =	sbr.rel @p0 .LBB2_10-.Ltmp8, $4  }
0x9e2: {  	s31 =	sadd.s32 $0xC930, s24;
	s29 =	sadd.s32 $0x60, s25  }
0x9e3: {  	[hbm4b:s29+s3] =	stream.linear.scatter [tilespmem:s31], [sflag:$0x4], $0x80, $0x38;
	[tilespmem:$0xE800] =	vst v63  }
0x9e4: {  	s30 =	sadd.s32 $0xC9B8, s24;
	s31 =	sadd.s32 $0x70, s25  }
0x9e5: {  	[hbm4b:s31+s3] =	stream.linear.scatter [tilespmem:s30], [sflag:$0x4], $0x80, $0x38;
	[tilespmem:$0xE800] =	vst v63  }
0x9e6: {  	s22 =	sadd.s32 $0x1, s22  }
0x9e7: {  	_ =	swait.ge [sflag:s20], $0x2000;
	p0 =	sne.s32 s22, s9  }
.Ltmp9:
0x9e8: {  	[sflag:s20] =	ssyncset.done $0x0;
	(pc) =	sbr.rel @p0 .LBB2_1-.Ltmp9, $4  }
0x9e9: {  	[sflag:s20] =	ssyncadd.s32 $0xFFFFE000  }
0x9ea: {  	_ =	swait.ge [sflag:s21], $0x2000  }
0x9eb: {  	[sflag:s21] =	ssyncset.done $0x0  }
0x9ec: {  	[sflag:s21] =	ssyncadd.s32 $0xFFFFE000  }
0x9ed: {  	_ =	sfence.sel $0x180000  }
0x9ee: {  	[bflag:$0x0] =	sbarrier.arrive $0xFFFF  }
0x9ef: {  	p0 =	sne.s32 s0, $0x0;
	_ =	strace $0x90000047  }
0x9f0: {  	s0 =	sadd.s32 @!p0 $0x100000, s1;
	[bflag:$0x2] =	sbarrier.arrive $0xFFFF  }
0x9f1: {  	[sflag:s0] =	ssyncadd.tile.s32 @!p0 $0x1;
	_ =	shalt  }
.Lfunc_end2:
_tile_overlayer_lowered:
.L_overlay_start_2:
0x9f2: {  	(tag) =	ssettag $0x2  }
0x9f3: {  	s0 =	rddreg [dreg:$0x0];
	s2 =	stileid.u32  }
0x9f4: {  	s1 =	rddreg [dreg:$0x1];
	p0 =	sne.s32 s2, $0x0  }
0x9f5: {  	s3 =	rddreg [dreg:$0x2];
	[bflag:$0x3] =	sbarrier.arrive $0xFFFF;
	s2 =	simm.s32 @!p0 $0x1C05  }
0x9f6: {  	[timem:s3], [sflag:s2] =	dma.local @!p0 [hbm:s0], s1  }
0x9f7: {  	s0 =	simm.s32 @!p0 $0x5  }
0x9f8: {  	_ =	swait.ge @!p0 [sflag:s0], s1  }
0x9f9: {  	s1 =	ssub.s32 @!p0 $0x0, s1;
	[sflag:s0] =	ssyncset.done @!p0 $0x0  }
0x9fa: {  	[sflag:s0] =	ssyncadd.s32 @!p0 s1  }
0x9fb: {  	[bflag:$0x3] =	sbarrier.arrive $0xFFFF  }
0x9fc: {  	_ =	shalt  }

</sc_bundles>
